<compile_context>
chip_gen: v7x
topology: tpu7x:2x2x1
jax: 0.10.2.dev20260603
libtpu: 0.0.44.dev20260713+nightly
codegen_flags: <defaults>
</compile_context>

<pallas_src>
import functools

import jax
import jax.numpy as jnp
from jax import lax
from jax.experimental import pallas as pl
from jax.experimental.pallas import tpu as pltpu
from jax.experimental.pallas import tpu_sc as plsc

N = 10000
E = 320000
D_IN = 128
D_HID = 256
D_OUT = 128

NC = 2
NS = 16
DQ = 64
CHK = 128
EP = 327680
NPAD = EP - E
NDEAD = 200
NROW = EP // CHK
RPT = NROW // NS
RPT_A = NROW // (NC * NS)
ZR = 200
NSLOT = 4

_mesh = plsc.VectorSubcoreMesh(core_axis_name="c", subcore_axis_name="s")


@functools.partial(
    pl.kernel,
    out_type=jax.ShapeDtypeStruct((NC * 10240,), jnp.float32),
    mesh=_mesh,
    compiler_params=pltpu.CompilerParams(use_tc_tiling_on_sc=False),
    scratch_types=[
        pltpu.VMEM((RPT_A, CHK), jnp.int32),
        pltpu.VMEM((CHK,), jnp.float32),
        pltpu.VMEM((640,), jnp.float32),
        pltpu.VMEM_SHARED((10240,), jnp.float32),
    ],
)
def _deg_kernel(dst_hbm, out_hbm, idx_v, ones_v, zero_v, hist_sh):
    c = lax.axis_index("c")
    s = lax.axis_index("s")
    w = c * NS + s

    pltpu.sync_copy(dst_hbm.at[pl.ds(w * RPT_A, RPT_A)], idx_v)

    def _fill(i, _):
        ones_v[pl.ds(i * 16, 16)] = jnp.ones((16,), jnp.float32)
        return 0
    lax.fori_loop(0, CHK // 16, _fill, 0)

    def _zfill(i, _):
        zero_v[pl.ds(i * 16, 16)] = jnp.zeros((16,), jnp.float32)
        return 0
    lax.fori_loop(0, 640 // 16, _zfill, 0)
    pltpu.sync_copy(zero_v, hist_sh.at[pl.ds(s * 640, 640)])
    plsc.subcore_barrier()

    def _scat(j, _):
        pltpu.sync_copy(ones_v, hist_sh.at[idx_v.at[j]], add=True)
        return 0
    lax.fori_loop(0, RPT_A, _scat, 0)
    plsc.subcore_barrier()

    pltpu.sync_copy(hist_sh.at[pl.ds(s * 640, 640)], zero_v)
    pltpu.sync_copy(zero_v, out_hbm.at[pl.ds(c * 10240 + s * 640, 640)])


def _make_agg_kernel(passes, scale_output):
    nsl = NC * passes
    out_t = (jax.ShapeDtypeStruct((N, NC * DQ), jnp.float32) if scale_output
             else jax.ShapeDtypeStruct((nsl * N, DQ), jnp.float32))

    scratch = [
        pltpu.VMEM((RPT, CHK), jnp.int32),
        pltpu.VMEM((RPT, CHK), jnp.int32),
        pltpu.VMEM((NSLOT, CHK, DQ), jnp.float32),
        pltpu.VMEM((ZR, DQ), jnp.float32),
        pltpu.VMEM((1016,), jnp.float32),
        pltpu.VMEM_SHARED((N + NDEAD, DQ), jnp.float32),
        pltpu.SemaphoreType.DMA,
    ]

    @functools.partial(
        pl.kernel,
        out_type=out_t,
        mesh=_mesh,
        compiler_params=pltpu.CompilerParams(use_tc_tiling_on_sc=False),
        scratch_types=scratch,
    )
    def _agg(tbl_hbm, src_hbm, dst_hbm, dinv_hbm, out_hbm,
             sidx_v, didx_v, gbuf, zbuf, dinv_v, acc_sh, sem):
        c = lax.axis_index("c")
        s = lax.axis_index("s")

        pltpu.sync_copy(dst_hbm.at[pl.ds(s * RPT, RPT)], didx_v)
        pltpu.sync_copy(src_hbm.at[pl.ds(s * RPT, RPT)], sidx_v)

        for p in range(passes):
            q = c * passes + p
            qoff = q * N if p == 0 else N

            def _off(r, _):
                for k in range(CHK // 16):
                    v = sidx_v[r, pl.ds(k * 16, 16)]
                    sidx_v[r, pl.ds(k * 16, 16)] = v + qoff
                return 0
            lax.fori_loop(0, RPT, _off, 0)

            @pl.when(s < 10)
            def _zero():
                def _zfill(t, _):
                    r = t // (DQ // 16)
                    qq = t % (DQ // 16)
                    zbuf[r, pl.ds(qq * 16, 16)] = jnp.zeros((16,), jnp.float32)
                    return 0
                lax.fori_loop(0, ZR * (DQ // 16), _zfill, 0)
                for k in range(1000 // ZR):
                    pltpu.sync_copy(zbuf,
                                    acc_sh.at[pl.ds(s * 1000 + k * ZR, ZR)])

            @pl.when(s == 10)
            def _zero_dead():
                def _zfill(t, _):
                    r = t // (DQ // 16)
                    qq = t % (DQ // 16)
                    zbuf[r, pl.ds(qq * 16, 16)] = jnp.zeros((16,), jnp.float32)
                    return 0
                lax.fori_loop(0, ZR * (DQ // 16), _zfill, 0)
                pltpu.sync_copy(zbuf, acc_sh.at[pl.ds(N, NDEAD)])
            plsc.subcore_barrier()

            for b in range(NSLOT - 1):
                pltpu.async_copy(tbl_hbm.at[sidx_v.at[b]], gbuf.at[b], sem)

            def _edgeN(jj, _):
                for b in range(NSLOT):
                    j = jj * NSLOT + b
                    pltpu.make_async_copy(tbl_hbm.at[sidx_v.at[j]],
                                          gbuf.at[b], sem).wait()
                    jn = jnp.minimum(j + NSLOT - 1, RPT - 1)

                    @pl.when(j + NSLOT - 1 < RPT)
                    def _fire():
                        pltpu.async_copy(tbl_hbm.at[sidx_v.at[jn]],
                                         gbuf.at[(b + NSLOT - 1) % NSLOT], sem)
                    pltpu.sync_copy(gbuf.at[b], acc_sh.at[didx_v.at[j]],
                                    add=True)
                return 0
            lax.fori_loop(0, RPT // NSLOT, _edgeN, 0)
            plsc.subcore_barrier()

            if not scale_output:
                @pl.when(s < 10)
                def _drain():
                    def _blk(k, _):
                        base = s * 1000 + k * ZR
                        pltpu.sync_copy(acc_sh.at[pl.ds(base, ZR)], zbuf)
                        pltpu.sync_copy(zbuf,
                                        out_hbm.at[pl.ds(q * N + base, ZR)])
                        return 0
                    lax.fori_loop(0, 1000 // ZR, _blk, 0)
            else:
                @pl.when(s < 10)
                def _drain():
                    pltpu.sync_copy(dinv_hbm.at[pl.ds(s * 1000, 1000)],
                                    dinv_v.at[pl.ds(0, 1000)])

                    def _blk(k, _):
                        base = s * 1000 + k * ZR
                        pltpu.sync_copy(acc_sh.at[pl.ds(base, ZR)], zbuf)

                        def _row16(g, _):
                            r0 = g * 16
                            dvv = dinv_v[pl.ds(k * ZR + r0, 16)]
                            for rr in range(16):
                                dv = dvv[rr]
                                for qq in range(DQ // 16):
                                    v = zbuf[r0 + rr, pl.ds(qq * 16, 16)]
                                    zbuf[r0 + rr, pl.ds(qq * 16, 16)] = v * dv
                            return 0
                        lax.fori_loop(0, ZR // 16, _row16, 0)
                        r0 = (ZR // 16) * 16
                        dvv = dinv_v[pl.ds(k * ZR + r0, 16)]
                        for rr in range(ZR % 16):
                            dv = dvv[rr]
                            for qq in range(DQ // 16):
                                v = zbuf[r0 + rr, pl.ds(qq * 16, 16)]
                                zbuf[r0 + rr, pl.ds(qq * 16, 16)] = v * dv
                        pltpu.sync_copy(
                            zbuf,
                            out_hbm.at[pl.ds(base, ZR), pl.ds(c * DQ, DQ)])
                        return 0
                    lax.fori_loop(0, 1000 // ZR, _blk, 0)
            if p + 1 < passes:
                plsc.subcore_barrier()

    return _agg


_agg1 = _make_agg_kernel(passes=D_HID // DQ // NC, scale_output=False)
_agg2 = _make_agg_kernel(passes=D_OUT // DQ // NC, scale_output=True)


RB = 1000
NQ1 = D_HID // DQ


def _mm1_body(hist_ref, x_ref, w_ref, b_ref, out_ref, dinv_ref):
    deg = jnp.maximum(hist_ref[0, 0, :] + hist_ref[0, 1, :], 1.0)
    dinv = lax.rsqrt(deg)
    dinv_ref[0, 0] = dinv
    h = jnp.dot(x_ref[...], w_ref[0], preferred_element_type=jnp.float32)
    out_ref[...] = (h + b_ref[0, 0][None, :]) * dinv[:, None]


def _mm1(hist3, x, W1r, b1r):
    grid = (N // RB, NQ1)
    return pl.pallas_call(
        _mm1_body,
        grid=grid,
        in_specs=[
            pl.BlockSpec((1, NC, RB), lambda i, j: (i, 0, 0)),
            pl.BlockSpec((RB, D_IN), lambda i, j: (i, 0)),
            pl.BlockSpec((1, D_IN, DQ), lambda i, j: (j, 0, 0)),
            pl.BlockSpec((1, 1, DQ), lambda i, j: (j, 0, 0)),
        ],
        out_specs=[
            pl.BlockSpec((RB, DQ), lambda i, j: (j * (N // RB) + i, 0)),
            pl.BlockSpec((1, 1, RB), lambda i, j: (i, 0, 0)),
        ],
        out_shape=[
            jax.ShapeDtypeStruct((NQ1 * N, DQ), jnp.float32),
            jax.ShapeDtypeStruct((N // RB, 1, RB), jnp.float32),
        ],
    )(hist3, x, W1r, b1r)


def _mm2_body(a0, a1, a2, a3, dinv_ref, w_ref, b_ref, out_ref):
    dinv = dinv_ref[0, 0]
    h = b_ref[0, 0][None, :] * jnp.ones((RB, 1), jnp.float32)
    for q, a in enumerate((a0, a1, a2, a3)):
        t = jnp.maximum(a[...] * dinv[:, None], 0.0)
        h = h + jnp.dot(t, w_ref[q, 0], preferred_element_type=jnp.float32)
    out_ref[...] = h * dinv[:, None]


def _mm2(raw1, dinv3, W2r, b2r):
    grid = (N // RB, NC)
    nb = N // RB
    return pl.pallas_call(
        _mm2_body,
        grid=grid,
        in_specs=[
            pl.BlockSpec((RB, DQ), lambda i, j: (0 * nb + i, 0)),
            pl.BlockSpec((RB, DQ), lambda i, j: (1 * nb + i, 0)),
            pl.BlockSpec((RB, DQ), lambda i, j: (2 * nb + i, 0)),
            pl.BlockSpec((RB, DQ), lambda i, j: (3 * nb + i, 0)),
            pl.BlockSpec((1, 1, RB), lambda i, j: (i, 0, 0)),
            pl.BlockSpec((NQ1, 1, DQ, DQ), lambda i, j: (0, j, 0, 0)),
            pl.BlockSpec((1, 1, DQ), lambda i, j: (j, 0, 0)),
        ],
        out_specs=pl.BlockSpec((RB, DQ), lambda i, j: (j * nb + i, 0)),
        out_shape=jax.ShapeDtypeStruct((NC * N, DQ), jnp.float32),
    )(raw1, raw1, raw1, raw1, dinv3, W2r, b2r)


def kernel(x, edge_index, W1, b1, W2, b2):
    src = edge_index[0].astype(jnp.int32)
    dst = edge_index[1].astype(jnp.int32)
    pad_src = (jnp.arange(NPAD, dtype=jnp.int32) * 97) % N
    pad_dst = N + (jnp.arange(NPAD, dtype=jnp.int32) % NDEAD)
    srcp = jnp.concatenate([src, pad_src]).reshape(NROW, CHK)
    dstp = jnp.concatenate([dst, pad_dst]).reshape(NROW, CHK)
    W1r = W1.reshape(D_IN, NQ1, DQ).transpose(1, 0, 2)
    b1r = b1.reshape(NQ1, 1, DQ)
    W2r = W2.reshape(NQ1, DQ, NC, DQ).transpose(0, 2, 1, 3)
    b2r = b2.reshape(NC, 1, DQ)

    hist = _deg_kernel(dstp).reshape(NC, 10240)[:, :N]
    hist3 = hist.reshape(NC, N // RB, RB).transpose(1, 0, 2)
    h1s, dinv3 = _mm1(hist3, x, W1r, b1r)
    dinv = dinv3.reshape(N)
    raw1 = _agg1(h1s, srcp, dstp, dinv)
    h2s = _mm2(raw1, dinv3, W2r, b2r)
    return _agg2(h2s, srcp, dstp, dinv)

# --- scband reference (transcript-rebuilt; emitter-appended) ---
"""Pipeline reference for scband-encoder-85839216378282 (READ-ONLY COPY).

The authoritative reference and input builder live on the scoring server;
editing this copy changes nothing except your own understanding.
"""

import jax, jax.numpy as jnp
import numpy as np

N = 10000
E = 320000
D_IN = 128
D_HID = 256
D_OUT = 128


def setup_inputs(seed: int = 0) -> dict:
    key = jax.random.key(seed)
    ks = jax.random.split(key, 6)
    x = jax.random.normal(ks[0], (N, D_IN), dtype=jnp.float32)
    edge_index = jax.random.randint(ks[1], (2, E), 0, N, dtype=jnp.int32)
    W1 = jax.random.normal(ks[2], (D_IN, D_HID), dtype=jnp.float32) * (1.0 / np.sqrt(D_IN))
    b1 = jnp.zeros((D_HID,), dtype=jnp.float32)
    W2 = jax.random.normal(ks[3], (D_HID, D_OUT), dtype=jnp.float32) * (1.0 / np.sqrt(D_HID))
    b2 = jnp.zeros((D_OUT,), dtype=jnp.float32)
    return {"x": x, "edge_index": edge_index, "W1": W1, "b1": b1, "W2": W2, "b2": b2}


def _gcn_layer(h, src, dst, W, b, n):
    # GraphConvolution: linear transform then symmetric-normalized neighbor aggregation
    h = h @ W + b
    ones = jnp.ones((src.shape[0],), dtype=h.dtype)
    deg = jax.ops.segment_sum(ones, dst, num_segments=n)
    deg = jnp.maximum(deg, 1.0)
    norm = jax.lax.rsqrt(deg[src] * deg[dst])
    msg = h[src] * norm[:, None]
    out = jax.ops.segment_sum(msg, dst, num_segments=n)
    return out


def reference(x, edge_index, W1, b1, W2, b2):
    src = edge_index[0]
    dst = edge_index[1]
    n = x.shape[0]
    # layer 1 with relu activation
    h = jax.nn.relu(_gcn_layer(x, src, dst, W1, b1, n))
    # final layer with identity activation (node-level input, no readout/sigmoid)
    h = _gcn_layer(h, src, dst, W2, b2, n)
    return h

if __name__ == "__main__":
    import jax
    _d = setup_inputs()
    print(jax.jit(kernel)(*tuple(_d.values())))

</pallas_src>

<mosaic_0001>
#map = affine_map<(d0, d1) -> (0, 0)>
#map1 = affine_map<(d0, d1) -> (0)>
module attributes {stable_mosaic.version = 14 : i64} {
  func.func @_agg(%arg0: i32, %arg1: i32, %arg2: memref<20000x64xf32, #tpu.memory_space<hbm>>, %arg3: memref<2560x128xi32, #tpu.memory_space<hbm>>, %arg4: memref<2560x128xi32, #tpu.memory_space<hbm>>, %arg5: memref<10000xf32, #tpu.memory_space<hbm>>, %arg6: memref<10000x128xf32, #tpu.memory_space<hbm>>, %arg7: memref<160x128xi32, #tpu.memory_space<vmem>>, %arg8: memref<160x128xi32, #tpu.memory_space<vmem>>, %arg9: memref<4x128x64xf32, #tpu.memory_space<vmem>>, %arg10: memref<200x64xf32, #tpu.memory_space<vmem>>, %arg11: memref<1016xf32, #tpu.memory_space<vmem>>, %arg12: memref<10200x64xf32, #tpu.memory_space<vmem_shared>>, %arg13: memref<!tpu.dma_semaphore, #tpu.memory_space<semaphore_mem>>) attributes {dimension_semantics = [#tpu.dimension_semantics<core_parallel>, #tpu.dimension_semantics<subcore_parallel>], iteration_bounds = array<i64: 2, 16>, scalar_prefetch = 0 : i64, scratch_operands = 7 : i64, tpu.core_type = #tpu.core_type<sc_vector_subcore>, window_params = [{transform_indices = #map}, {transform_indices = #map}, {transform_indices = #map}, {transform_indices = #map1}, {transform_indices = #map}]} {
    %mul3A = arith.constant 160 : i32
    %mul3A_0 = arith.muli %arg1, %mul3A : i32
    "tpu.region"() ({
      %run_scoped3A = tpu.sem_alloc : memref<!tpu.dma_semaphore, #tpu.memory_space<semaphore_mem>>
      %dma_start3A_68 = arith.constant 0 : i32
      %dma_start3A_69 = tpu.memref_slice %arg4[%mul3A_0, %dma_start3A_68] : memref<2560x128xi32, #tpu.memory_space<hbm>> -> memref<160x128xi32, #tpu.memory_space<hbm>>
      %dma_start3A_70 = arith.constant 0 : i32
      %dma_start3A_71 = tpu.memref_slice %arg4[%mul3A_0, %dma_start3A_70] : memref<2560x128xi32, #tpu.memory_space<hbm>> -> memref<160x128xi32, #tpu.memory_space<hbm>>
      tpu.enqueue_dma source(%dma_start3A_71 : memref<160x128xi32, #tpu.memory_space<hbm>>) target(%arg8 : memref<160x128xi32, #tpu.memory_space<vmem>>) target_semaphore(%run_scoped3A : memref<!tpu.dma_semaphore, #tpu.memory_space<semaphore_mem>>)
      %dma_wait3A = arith.constant 0 : i32
      %dma_wait3A_72 = tpu.memref_slice %arg4[%mul3A_0, %dma_wait3A] : memref<2560x128xi32, #tpu.memory_space<hbm>> -> memref<160x128xi32, #tpu.memory_space<hbm>>
      %dma_wait3A_73 = arith.constant 0 : i32
      %dma_wait3A_74 = tpu.memref_slice %arg4[%mul3A_0, %dma_wait3A_73] : memref<2560x128xi32, #tpu.memory_space<hbm>> -> memref<160x128xi32, #tpu.memory_space<hbm>>
      tpu.wait_dma2 semaphore(%run_scoped3A : memref<!tpu.dma_semaphore, #tpu.memory_space<semaphore_mem>>) src(%dma_wait3A_74 : memref<160x128xi32, #tpu.memory_space<hbm>>) dst(%arg8 : memref<160x128xi32, #tpu.memory_space<vmem>>)
      tpu.yield
    }) : () -> ()
    %mul3A_1 = arith.constant 160 : i32
    %mul3A_2 = arith.muli %arg1, %mul3A_1 : i32
    "tpu.region"() ({
      %run_scoped3A = tpu.sem_alloc : memref<!tpu.dma_semaphore, #tpu.memory_space<semaphore_mem>>
      %dma_start3A_68 = arith.constant 0 : i32
      %dma_start3A_69 = tpu.memref_slice %arg3[%mul3A_2, %dma_start3A_68] : memref<2560x128xi32, #tpu.memory_space<hbm>> -> memref<160x128xi32, #tpu.memory_space<hbm>>
      %dma_start3A_70 = arith.constant 0 : i32
      %dma_start3A_71 = tpu.memref_slice %arg3[%mul3A_2, %dma_start3A_70] : memref<2560x128xi32, #tpu.memory_space<hbm>> -> memref<160x128xi32, #tpu.memory_space<hbm>>
      tpu.enqueue_dma source(%dma_start3A_71 : memref<160x128xi32, #tpu.memory_space<hbm>>) target(%arg7 : memref<160x128xi32, #tpu.memory_space<vmem>>) target_semaphore(%run_scoped3A : memref<!tpu.dma_semaphore, #tpu.memory_space<semaphore_mem>>)
      %dma_wait3A = arith.constant 0 : i32
      %dma_wait3A_72 = tpu.memref_slice %arg3[%mul3A_2, %dma_wait3A] : memref<2560x128xi32, #tpu.memory_space<hbm>> -> memref<160x128xi32, #tpu.memory_space<hbm>>
      %dma_wait3A_73 = arith.constant 0 : i32
      %dma_wait3A_74 = tpu.memref_slice %arg3[%mul3A_2, %dma_wait3A_73] : memref<2560x128xi32, #tpu.memory_space<hbm>> -> memref<160x128xi32, #tpu.memory_space<hbm>>
      tpu.wait_dma2 semaphore(%run_scoped3A : memref<!tpu.dma_semaphore, #tpu.memory_space<semaphore_mem>>) src(%dma_wait3A_74 : memref<160x128xi32, #tpu.memory_space<hbm>>) dst(%arg7 : memref<160x128xi32, #tpu.memory_space<vmem>>)
      tpu.yield
    }) : () -> ()
    %mul3A_3 = arith.constant 1 : i32
    %mul3A_4 = arith.muli %arg0, %mul3A_3 : i32
    %add3A = arith.constant 0 : i32
    %add3A_5 = arith.addi %mul3A_4, %add3A : i32
    %mul3A_6 = arith.constant 10000 : i32
    %mul3A_7 = arith.muli %add3A_5, %mul3A_6 : i32
    %scan3A = arith.constant 0 : i32
    %scan3A_8 = arith.constant 0 : i32
    %scan3A_9 = arith.constant 160 : i32
    %scan3A_10 = arith.addi %scan3A_8, %scan3A_9 : i32
    %scan3A_11 = arith.constant 1 : i32
    %scan3A_12 = scf.for %scan3A_68 = %scan3A_8 to %scan3A_10 step %scan3A_11 iter_args(%scan3A_69 = %scan3A) -> (i32)  : i32 {
      %get3A = arith.index_cast %scan3A_68 : i32 to index
      %get3A_70 = arith.constant 0 : index
      %get3A_71 = tpu.vector_load %arg7[%get3A, %get3A_70] {strides = array<i32>} : memref<160x128xi32, #tpu.memory_space<vmem>>, vector<1x16xi32>,
      %get3A_72 = vector.shape_cast %get3A_71 : vector<1x16xi32> to vector<16xi32>
      %add3A_73 = vector.broadcast %mul3A_7 : i32 to vector<16xi32>
      %add3A_74 = arith.addi %get3A_72, %add3A_73 : vector<16xi32>
      %swap3A = arith.index_cast %scan3A_68 : i32 to index
      %swap3A_75 = arith.constant 0 : index
      %swap3A_76 = tpu.vector_load %arg7[%swap3A, %swap3A_75] {strides = array<i32>} : memref<160x128xi32, #tpu.memory_space<vmem>>, vector<1x16xi32>,
      %swap3A_77 = vector.shape_cast %swap3A_76 : vector<1x16xi32> to vector<16xi32>
      %swap3A_78 = vector.shape_cast %add3A_74 : vector<16xi32> to vector<1x16xi32>
      tpu.vector_store %arg7[%swap3A, %swap3A_75], %swap3A_78 {strides = array<i32>} : memref<160x128xi32, #tpu.memory_space<vmem>>, vector<1x16xi32>,
      %get3A_79 = arith.index_cast %scan3A_68 : i32 to index
      %get3A_80 = arith.constant 16 : index
      %get3A_81 = tpu.vector_load %arg7[%get3A_79, %get3A_80] {strides = array<i32>} : memref<160x128xi32, #tpu.memory_space<vmem>>, vector<1x16xi32>,
      %get3A_82 = vector.shape_cast %get3A_81 : vector<1x16xi32> to vector<16xi32>
      %add3A_83 = vector.broadcast %mul3A_7 : i32 to vector<16xi32>
      %add3A_84 = arith.addi %get3A_82, %add3A_83 : vector<16xi32>
      %swap3A_85 = arith.index_cast %scan3A_68 : i32 to index
      %swap3A_86 = arith.constant 16 : index
      %swap3A_87 = tpu.vector_load %arg7[%swap3A_85, %swap3A_86] {strides = array<i32>} : memref<160x128xi32, #tpu.memory_space<vmem>>, vector<1x16xi32>,
      %swap3A_88 = vector.shape_cast %swap3A_87 : vector<1x16xi32> to vector<16xi32>
      %swap3A_89 = vector.shape_cast %add3A_84 : vector<16xi32> to vector<1x16xi32>
      tpu.vector_store %arg7[%swap3A_85, %swap3A_86], %swap3A_89 {strides = array<i32>} : memref<160x128xi32, #tpu.memory_space<vmem>>, vector<1x16xi32>,
      %get3A_90 = arith.index_cast %scan3A_68 : i32 to index
      %get3A_91 = arith.constant 32 : index
      %get3A_92 = tpu.vector_load %arg7[%get3A_90, %get3A_91] {strides = array<i32>} : memref<160x128xi32, #tpu.memory_space<vmem>>, vector<1x16xi32>,
      %get3A_93 = vector.shape_cast %get3A_92 : vector<1x16xi32> to vector<16xi32>
      %add3A_94 = vector.broadcast %mul3A_7 : i32 to vector<16xi32>
      %add3A_95 = arith.addi %get3A_93, %add3A_94 : vector<16xi32>
      %swap3A_96 = arith.index_cast %scan3A_68 : i32 to index
      %swap3A_97 = arith.constant 32 : index
      %swap3A_98 = tpu.vector_load %arg7[%swap3A_96, %swap3A_97] {strides = array<i32>} : memref<160x128xi32, #tpu.memory_space<vmem>>, vector<1x16xi32>,
      %swap3A_99 = vector.shape_cast %swap3A_98 : vector<1x16xi32> to vector<16xi32>
      %swap3A_100 = vector.shape_cast %add3A_95 : vector<16xi32> to vector<1x16xi32>
      tpu.vector_store %arg7[%swap3A_96, %swap3A_97], %swap3A_100 {strides = array<i32>} : memref<160x128xi32, #tpu.memory_space<vmem>>, vector<1x16xi32>,
      %get3A_101 = arith.index_cast %scan3A_68 : i32 to index
      %get3A_102 = arith.constant 48 : index
      %get3A_103 = tpu.vector_load %arg7[%get3A_101, %get3A_102] {strides = array<i32>} : memref<160x128xi32, #tpu.memory_space<vmem>>, vector<1x16xi32>,
      %get3A_104 = vector.shape_cast %get3A_103 : vector<1x16xi32> to vector<16xi32>
      %add3A_105 = vector.broadcast %mul3A_7 : i32 to vector<16xi32>
      %add3A_106 = arith.addi %get3A_104, %add3A_105 : vector<16xi32>
      %swap3A_107 = arith.index_cast %scan3A_68 : i32 to index
      %swap3A_108 = arith.constant 48 : index
      %swap3A_109 = tpu.vector_load %arg7[%swap3A_107, %swap3A_108] {strides = array<i32>} : memref<160x128xi32, #tpu.memory_space<vmem>>, vector<1x16xi32>,
      %swap3A_110 = vector.shape_cast %swap3A_109 : vector<1x16xi32> to vector<16xi32>
      %swap3A_111 = vector.shape_cast %add3A_106 : vector<16xi32> to vector<1x16xi32>
      tpu.vector_store %arg7[%swap3A_107, %swap3A_108], %swap3A_111 {strides = array<i32>} : memref<160x128xi32, #tpu.memory_space<vmem>>, vector<1x16xi32>,
      %get3A_112 = arith.index_cast %scan3A_68 : i32 to index
      %get3A_113 = arith.constant 64 : index
      %get3A_114 = tpu.vector_load %arg7[%get3A_112, %get3A_113] {strides = array<i32>} : memref<160x128xi32, #tpu.memory_space<vmem>>, vector<1x16xi32>,
      %get3A_115 = vector.shape_cast %get3A_114 : vector<1x16xi32> to vector<16xi32>
      %add3A_116 = vector.broadcast %mul3A_7 : i32 to vector<16xi32>
      %add3A_117 = arith.addi %get3A_115, %add3A_116 : vector<16xi32>
      %swap3A_118 = arith.index_cast %scan3A_68 : i32 to index
      %swap3A_119 = arith.constant 64 : index
      %swap3A_120 = tpu.vector_load %arg7[%swap3A_118, %swap3A_119] {strides = array<i32>} : memref<160x128xi32, #tpu.memory_space<vmem>>, vector<1x16xi32>,
      %swap3A_121 = vector.shape_cast %swap3A_120 : vector<1x16xi32> to vector<16xi32>
      %swap3A_122 = vector.shape_cast %add3A_117 : vector<16xi32> to vector<1x16xi32>
      tpu.vector_store %arg7[%swap3A_118, %swap3A_119], %swap3A_122 {strides = array<i32>} : memref<160x128xi32, #tpu.memory_space<vmem>>, vector<1x16xi32>,
      %get3A_123 = arith.index_cast %scan3A_68 : i32 to index
      %get3A_124 = arith.constant 80 : index
      %get3A_125 = tpu.vector_load %arg7[%get3A_123, %get3A_124] {strides = array<i32>} : memref<160x128xi32, #tpu.memory_space<vmem>>, vector<1x16xi32>,
      %get3A_126 = vector.shape_cast %get3A_125 : vector<1x16xi32> to vector<16xi32>
      %add3A_127 = vector.broadcast %mul3A_7 : i32 to vector<16xi32>
      %add3A_128 = arith.addi %get3A_126, %add3A_127 : vector<16xi32>
      %swap3A_129 = arith.index_cast %scan3A_68 : i32 to index
      %swap3A_130 = arith.constant 80 : index
      %swap3A_131 = tpu.vector_load %arg7[%swap3A_129, %swap3A_130] {strides = array<i32>} : memref<160x128xi32, #tpu.memory_space<vmem>>, vector<1x16xi32>,
      %swap3A_132 = vector.shape_cast %swap3A_131 : vector<1x16xi32> to vector<16xi32>
      %swap3A_133 = vector.shape_cast %add3A_128 : vector<16xi32> to vector<1x16xi32>
      tpu.vector_store %arg7[%swap3A_129, %swap3A_130], %swap3A_133 {strides = array<i32>} : memref<160x128xi32, #tpu.memory_space<vmem>>, vector<1x16xi32>,
      %get3A_134 = arith.index_cast %scan3A_68 : i32 to index
      %get3A_135 = arith.constant 96 : index
      %get3A_136 = tpu.vector_load %arg7[%get3A_134, %get3A_135] {strides = array<i32>} : memref<160x128xi32, #tpu.memory_space<vmem>>, vector<1x16xi32>,
      %get3A_137 = vector.shape_cast %get3A_136 : vector<1x16xi32> to vector<16xi32>
      %add3A_138 = vector.broadcast %mul3A_7 : i32 to vector<16xi32>
      %add3A_139 = arith.addi %get3A_137, %add3A_138 : vector<16xi32>
      %swap3A_140 = arith.index_cast %scan3A_68 : i32 to index
      %swap3A_141 = arith.constant 96 : index
      %swap3A_142 = tpu.vector_load %arg7[%swap3A_140, %swap3A_141] {strides = array<i32>} : memref<160x128xi32, #tpu.memory_space<vmem>>, vector<1x16xi32>,
      %swap3A_143 = vector.shape_cast %swap3A_142 : vector<1x16xi32> to vector<16xi32>
      %swap3A_144 = vector.shape_cast %add3A_139 : vector<16xi32> to vector<1x16xi32>
      tpu.vector_store %arg7[%swap3A_140, %swap3A_141], %swap3A_144 {strides = array<i32>} : memref<160x128xi32, #tpu.memory_space<vmem>>, vector<1x16xi32>,
      %get3A_145 = arith.index_cast %scan3A_68 : i32 to index
      %get3A_146 = arith.constant 112 : index
      %get3A_147 = tpu.vector_load %arg7[%get3A_145, %get3A_146] {strides = array<i32>} : memref<160x128xi32, #tpu.memory_space<vmem>>, vector<1x16xi32>,
      %get3A_148 = vector.shape_cast %get3A_147 : vector<1x16xi32> to vector<16xi32>
      %add3A_149 = vector.broadcast %mul3A_7 : i32 to vector<16xi32>
      %add3A_150 = arith.addi %get3A_148, %add3A_149 : vector<16xi32>
      %swap3A_151 = arith.index_cast %scan3A_68 : i32 to index
      %swap3A_152 = arith.constant 112 : index
      %swap3A_153 = tpu.vector_load %arg7[%swap3A_151, %swap3A_152] {strides = array<i32>} : memref<160x128xi32, #tpu.memory_space<vmem>>, vector<1x16xi32>,
      %swap3A_154 = vector.shape_cast %swap3A_153 : vector<1x16xi32> to vector<16xi32>
      %swap3A_155 = vector.shape_cast %add3A_150 : vector<16xi32> to vector<1x16xi32>
      tpu.vector_store %arg7[%swap3A_151, %swap3A_152], %swap3A_155 {strides = array<i32>} : memref<160x128xi32, #tpu.memory_space<vmem>>, vector<1x16xi32>,
      %scan3A_156 = arith.constant 0 : i32
      scf.yield %scan3A_156 : i32
    }
    %scan3A_13 = arith.constant 160 : i32
    %lt3A = arith.constant 10 : i32
    %lt3A_14 = arith.cmpi slt, %arg1, %lt3A : i32
    %convert_element_type3A = arith.extui %lt3A_14 : i1 to i32
    %cond3A = arith.constant 0 : i32
    %cond3A_15 = arith.cmpi ne, %convert_element_type3A, %cond3A : i32
    scf.if %cond3A_15 {
      %scan3A_68 = arith.constant 0 : i32
      %scan3A_69 = arith.constant 0 : i32
      %scan3A_70 = arith.constant 800 : i32
      %scan3A_71 = arith.addi %scan3A_69, %scan3A_70 : i32
      %scan3A_72 = arith.constant 1 : i32
      %scan3A_73 = scf.for %scan3A_95 = %scan3A_69 to %scan3A_71 step %scan3A_72 iter_args(%scan3A_96 = %scan3A_68) -> (i32)  : i32 {
        %jit3A = arith.constant 4 : i32
        %div3A = arith.divsi %scan3A_95, %jit3A : i32
        %sign3A = arith.constant 0 : i32
        %sign3A_97 = arith.cmpi sgt, %scan3A_95, %sign3A : i32
        %sign3A_98 = arith.extui %sign3A_97 : i1 to i32
        %sign3A_99 = arith.constant 0 : i32
        %sign3A_100 = arith.cmpi slt, %scan3A_95, %sign3A_99 : i32
        %sign3A_101 = arith.extui %sign3A_100 : i1 to i32
        %sign3A_102 = arith.subi %sign3A_98, %sign3A_101 : i32
        %sign3A_103 = arith.constant 0 : i32
        %sign3A_104 = arith.cmpi sgt, %jit3A, %sign3A_103 : i32
        %sign3A_105 = arith.extui %sign3A_104 : i1 to i32
        %sign3A_106 = arith.constant 0 : i32
        %sign3A_107 = arith.cmpi slt, %jit3A, %sign3A_106 : i32
        %sign3A_108 = arith.extui %sign3A_107 : i1 to i32
        %sign3A_109 = arith.subi %sign3A_105, %sign3A_108 : i32
        %ne3A = arith.cmpi ne, %sign3A_102, %sign3A_109 : i32
        %rem3A = arith.remsi %scan3A_95, %jit3A : i32
        %ne3A_110 = arith.constant 0 : i32
        %ne3A_111 = arith.cmpi ne, %rem3A, %ne3A_110 : i32
        %and3A = arith.andi %ne3A, %ne3A_111 : i1
        %sub3A = arith.constant 1 : i32
        %sub3A_112 = arith.subi %div3A, %sub3A : i32
        %select_n3A = arith.select %and3A, %sub3A_112, %div3A : i32
        %jit3A_113 = arith.constant 4 : i32
        %eq3A_114 = arith.constant 0 : i32
        %eq3A_115 = arith.cmpi eq, %jit3A_113, %eq3A_114 : i32
        %jit3A_116 = arith.constant 1 : i32
        %select_n3A_117 = arith.select %eq3A_115, %jit3A_116, %jit3A_113 : i32
        %rem3A_118 = arith.remsi %scan3A_95, %select_n3A_117 : i32
        %ne3A_119 = arith.constant 0 : i32
        %ne3A_120 = arith.cmpi ne, %rem3A_118, %ne3A_119 : i32
        %lt3A_121 = arith.constant 0 : i32
        %lt3A_122 = arith.cmpi slt, %rem3A_118, %lt3A_121 : i32
        %lt3A_123 = arith.constant 0 : i32
        %lt3A_124 = arith.cmpi slt, %select_n3A_117, %lt3A_123 : i32
        %ne3A_125 = arith.xori %lt3A_122, %lt3A_124 : i1
        %and3A_126 = arith.andi %ne3A_125, %ne3A_120 : i1
        %add3A_127 = arith.addi %rem3A_118, %select_n3A_117 : i32
        %select_n3A_128 = arith.select %and3A_126, %add3A_127, %rem3A_118 : i32
        %broadcast_in_dim3A = arith.constant 0.000000e+00 : f32
        %broadcast_in_dim3A_129 = vector.broadcast %broadcast_in_dim3A : f32 to vector<16xf32>
        %mul3A_130 = arith.constant 16 : i32
        %mul3A_131 = arith.muli %select_n3A_128, %mul3A_130 : i32
        %swap3A = arith.index_cast %select_n3A : i32 to index
        %swap3A_132 = arith.index_cast %mul3A_131 : i32 to index
        %swap3A_133 = tpu.vector_load %arg10[%swap3A, %swap3A_132] {strides = array<i32>} : memref<200x64xf32, #tpu.memory_space<vmem>>, vector<1x16xf32>,
        %swap3A_134 = vector.shape_cast %swap3A_133 : vector<1x16xf32> to vector<16xf32>
        %swap3A_135 = vector.shape_cast %broadcast_in_dim3A_129 : vector<16xf32> to vector<1x16xf32>
        tpu.vector_store %arg10[%swap3A, %swap3A_132], %swap3A_135 {strides = array<i32>} : memref<200x64xf32, #tpu.memory_space<vmem>>, vector<1x16xf32>,
        %scan3A_136 = arith.constant 0 : i32
        scf.yield %scan3A_136 : i32
      }
      %scan3A_74 = arith.constant 800 : i32
      %mul3A_75 = arith.constant 1000 : i32
      %mul3A_76 = arith.muli %arg1, %mul3A_75 : i32
      %add3A_77 = arith.constant 0 : i32
      %add3A_78 = arith.addi %mul3A_76, %add3A_77 : i32
      "tpu.region"() ({
        %run_scoped3A = tpu.sem_alloc : memref<!tpu.dma_semaphore, #tpu.memory_space<semaphore_mem>>
        %dma_start3A_95 = arith.constant 0 : i32
        %dma_start3A_96 = tpu.memref_slice %arg12[%add3A_78, %dma_start3A_95] : memref<10200x64xf32, #tpu.memory_space<vmem_shared>> -> memref<200x64xf32, #tpu.memory_space<vmem_shared>>
        %dma_start3A_97 = arith.constant 0 : i32
        %dma_start3A_98 = tpu.memref_slice %arg12[%add3A_78, %dma_start3A_97] : memref<10200x64xf32, #tpu.memory_space<vmem_shared>> -> memref<200x64xf32, #tpu.memory_space<vmem_shared>>
        tpu.enqueue_dma source(%arg10 : memref<200x64xf32, #tpu.memory_space<vmem>>) target(%dma_start3A_98 : memref<200x64xf32, #tpu.memory_space<vmem_shared>>) target_semaphore(%run_scoped3A : memref<!tpu.dma_semaphore, #tpu.memory_space<semaphore_mem>>)
        %dma_wait3A = arith.constant 0 : i32
        %dma_wait3A_99 = tpu.memref_slice %arg12[%add3A_78, %dma_wait3A] : memref<10200x64xf32, #tpu.memory_space<vmem_shared>> -> memref<200x64xf32, #tpu.memory_space<vmem_shared>>
        %dma_wait3A_100 = arith.constant 0 : i32
        %dma_wait3A_101 = tpu.memref_slice %arg12[%add3A_78, %dma_wait3A_100] : memref<10200x64xf32, #tpu.memory_space<vmem_shared>> -> memref<200x64xf32, #tpu.memory_space<vmem_shared>>
        tpu.wait_dma2 semaphore(%run_scoped3A : memref<!tpu.dma_semaphore, #tpu.memory_space<semaphore_mem>>) src(%arg10 : memref<200x64xf32, #tpu.memory_space<vmem>>) dst(%dma_wait3A_101 : memref<200x64xf32, #tpu.memory_space<vmem_shared>>)
        tpu.yield
      }) : () -> ()
      %mul3A_79 = arith.constant 1000 : i32
      %mul3A_80 = arith.muli %arg1, %mul3A_79 : i32
      %add3A_81 = arith.constant 200 : i32
      %add3A_82 = arith.addi %mul3A_80, %add3A_81 : i32
      "tpu.region"() ({
        %run_scoped3A = tpu.sem_alloc : memref<!tpu.dma_semaphore, #tpu.memory_space<semaphore_mem>>
        %dma_start3A_95 = arith.constant 0 : i32
        %dma_start3A_96 = tpu.memref_slice %arg12[%add3A_82, %dma_start3A_95] : memref<10200x64xf32, #tpu.memory_space<vmem_shared>> -> memref<200x64xf32, #tpu.memory_space<vmem_shared>>
        %dma_start3A_97 = arith.constant 0 : i32
        %dma_start3A_98 = tpu.memref_slice %arg12[%add3A_82, %dma_start3A_97] : memref<10200x64xf32, #tpu.memory_space<vmem_shared>> -> memref<200x64xf32, #tpu.memory_space<vmem_shared>>
        tpu.enqueue_dma source(%arg10 : memref<200x64xf32, #tpu.memory_space<vmem>>) target(%dma_start3A_98 : memref<200x64xf32, #tpu.memory_space<vmem_shared>>) target_semaphore(%run_scoped3A : memref<!tpu.dma_semaphore, #tpu.memory_space<semaphore_mem>>)
        %dma_wait3A = arith.constant 0 : i32
        %dma_wait3A_99 = tpu.memref_slice %arg12[%add3A_82, %dma_wait3A] : memref<10200x64xf32, #tpu.memory_space<vmem_shared>> -> memref<200x64xf32, #tpu.memory_space<vmem_shared>>
        %dma_wait3A_100 = arith.constant 0 : i32
        %dma_wait3A_101 = tpu.memref_slice %arg12[%add3A_82, %dma_wait3A_100] : memref<10200x64xf32, #tpu.memory_space<vmem_shared>> -> memref<200x64xf32, #tpu.memory_space<vmem_shared>>
        tpu.wait_dma2 semaphore(%run_scoped3A : memref<!tpu.dma_semaphore, #tpu.memory_space<semaphore_mem>>) src(%arg10 : memref<200x64xf32, #tpu.memory_space<vmem>>) dst(%dma_wait3A_101 : memref<200x64xf32, #tpu.memory_space<vmem_shared>>)
        tpu.yield
      }) : () -> ()
      %mul3A_83 = arith.constant 1000 : i32
      %mul3A_84 = arith.muli %arg1, %mul3A_83 : i32
      %add3A_85 = arith.constant 400 : i32
      %add3A_86 = arith.addi %mul3A_84, %add3A_85 : i32
      "tpu.region"() ({
        %run_scoped3A = tpu.sem_alloc : memref<!tpu.dma_semaphore, #tpu.memory_space<semaphore_mem>>
        %dma_start3A_95 = arith.constant 0 : i32
        %dma_start3A_96 = tpu.memref_slice %arg12[%add3A_86, %dma_start3A_95] : memref<10200x64xf32, #tpu.memory_space<vmem_shared>> -> memref<200x64xf32, #tpu.memory_space<vmem_shared>>
        %dma_start3A_97 = arith.constant 0 : i32
        %dma_start3A_98 = tpu.memref_slice %arg12[%add3A_86, %dma_start3A_97] : memref<10200x64xf32, #tpu.memory_space<vmem_shared>> -> memref<200x64xf32, #tpu.memory_space<vmem_shared>>
        tpu.enqueue_dma source(%arg10 : memref<200x64xf32, #tpu.memory_space<vmem>>) target(%dma_start3A_98 : memref<200x64xf32, #tpu.memory_space<vmem_shared>>) target_semaphore(%run_scoped3A : memref<!tpu.dma_semaphore, #tpu.memory_space<semaphore_mem>>)
        %dma_wait3A = arith.constant 0 : i32
        %dma_wait3A_99 = tpu.memref_slice %arg12[%add3A_86, %dma_wait3A] : memref<10200x64xf32, #tpu.memory_space<vmem_shared>> -> memref<200x64xf32, #tpu.memory_space<vmem_shared>>
        %dma_wait3A_100 = arith.constant 0 : i32
        %dma_wait3A_101 = tpu.memref_slice %arg12[%add3A_86, %dma_wait3A_100] : memref<10200x64xf32, #tpu.memory_space<vmem_shared>> -> memref<200x64xf32, #tpu.memory_space<vmem_shared>>
        tpu.wait_dma2 semaphore(%run_scoped3A : memref<!tpu.dma_semaphore, #tpu.memory_space<semaphore_mem>>) src(%arg10 : memref<200x64xf32, #tpu.memory_space<vmem>>) dst(%dma_wait3A_101 : memref<200x64xf32, #tpu.memory_space<vmem_shared>>)
        tpu.yield
      }) : () -> ()
      %mul3A_87 = arith.constant 1000 : i32
      %mul3A_88 = arith.muli %arg1, %mul3A_87 : i32
      %add3A_89 = arith.constant 600 : i32
      %add3A_90 = arith.addi %mul3A_88, %add3A_89 : i32
      "tpu.region"() ({
        %run_scoped3A = tpu.sem_alloc : memref<!tpu.dma_semaphore, #tpu.memory_space<semaphore_mem>>
        %dma_start3A_95 = arith.constant 0 : i32
        %dma_start3A_96 = tpu.memref_slice %arg12[%add3A_90, %dma_start3A_95] : memref<10200x64xf32, #tpu.memory_space<vmem_shared>> -> memref<200x64xf32, #tpu.memory_space<vmem_shared>>
        %dma_start3A_97 = arith.constant 0 : i32
        %dma_start3A_98 = tpu.memref_slice %arg12[%add3A_90, %dma_start3A_97] : memref<10200x64xf32, #tpu.memory_space<vmem_shared>> -> memref<200x64xf32, #tpu.memory_space<vmem_shared>>
        tpu.enqueue_dma source(%arg10 : memref<200x64xf32, #tpu.memory_space<vmem>>) target(%dma_start3A_98 : memref<200x64xf32, #tpu.memory_space<vmem_shared>>) target_semaphore(%run_scoped3A : memref<!tpu.dma_semaphore, #tpu.memory_space<semaphore_mem>>)
        %dma_wait3A = arith.constant 0 : i32
        %dma_wait3A_99 = tpu.memref_slice %arg12[%add3A_90, %dma_wait3A] : memref<10200x64xf32, #tpu.memory_space<vmem_shared>> -> memref<200x64xf32, #tpu.memory_space<vmem_shared>>
        %dma_wait3A_100 = arith.constant 0 : i32
        %dma_wait3A_101 = tpu.memref_slice %arg12[%add3A_90, %dma_wait3A_100] : memref<10200x64xf32, #tpu.memory_space<vmem_shared>> -> memref<200x64xf32, #tpu.memory_space<vmem_shared>>
        tpu.wait_dma2 semaphore(%run_scoped3A : memref<!tpu.dma_semaphore, #tpu.memory_space<semaphore_mem>>) src(%arg10 : memref<200x64xf32, #tpu.memory_space<vmem>>) dst(%dma_wait3A_101 : memref<200x64xf32, #tpu.memory_space<vmem_shared>>)
        tpu.yield
      }) : () -> ()
      %mul3A_91 = arith.constant 1000 : i32
      %mul3A_92 = arith.muli %arg1, %mul3A_91 : i32
      %add3A_93 = arith.constant 800 : i32
      %add3A_94 = arith.addi %mul3A_92, %add3A_93 : i32
      "tpu.region"() ({
        %run_scoped3A = tpu.sem_alloc : memref<!tpu.dma_semaphore, #tpu.memory_space<semaphore_mem>>
        %dma_start3A_95 = arith.constant 0 : i32
        %dma_start3A_96 = tpu.memref_slice %arg12[%add3A_94, %dma_start3A_95] : memref<10200x64xf32, #tpu.memory_space<vmem_shared>> -> memref<200x64xf32, #tpu.memory_space<vmem_shared>>
        %dma_start3A_97 = arith.constant 0 : i32
        %dma_start3A_98 = tpu.memref_slice %arg12[%add3A_94, %dma_start3A_97] : memref<10200x64xf32, #tpu.memory_space<vmem_shared>> -> memref<200x64xf32, #tpu.memory_space<vmem_shared>>
        tpu.enqueue_dma source(%arg10 : memref<200x64xf32, #tpu.memory_space<vmem>>) target(%dma_start3A_98 : memref<200x64xf32, #tpu.memory_space<vmem_shared>>) target_semaphore(%run_scoped3A : memref<!tpu.dma_semaphore, #tpu.memory_space<semaphore_mem>>)
        %dma_wait3A = arith.constant 0 : i32
        %dma_wait3A_99 = tpu.memref_slice %arg12[%add3A_94, %dma_wait3A] : memref<10200x64xf32, #tpu.memory_space<vmem_shared>> -> memref<200x64xf32, #tpu.memory_space<vmem_shared>>
        %dma_wait3A_100 = arith.constant 0 : i32
        %dma_wait3A_101 = tpu.memref_slice %arg12[%add3A_94, %dma_wait3A_100] : memref<10200x64xf32, #tpu.memory_space<vmem_shared>> -> memref<200x64xf32, #tpu.memory_space<vmem_shared>>
        tpu.wait_dma2 semaphore(%run_scoped3A : memref<!tpu.dma_semaphore, #tpu.memory_space<semaphore_mem>>) src(%arg10 : memref<200x64xf32, #tpu.memory_space<vmem>>) dst(%dma_wait3A_101 : memref<200x64xf32, #tpu.memory_space<vmem_shared>>)
        tpu.yield
      }) : () -> ()
    } else {
    }
    %eq3A = arith.constant 10 : i32
    %eq3A_16 = arith.cmpi eq, %arg1, %eq3A : i32
    %convert_element_type3A_17 = arith.extui %eq3A_16 : i1 to i32
    %cond3A_18 = arith.constant 0 : i32
    %cond3A_19 = arith.cmpi ne, %convert_element_type3A_17, %cond3A_18 : i32
    scf.if %cond3A_19 {
      %scan3A_68 = arith.constant 0 : i32
      %scan3A_69 = arith.constant 0 : i32
      %scan3A_70 = arith.constant 800 : i32
      %scan3A_71 = arith.addi %scan3A_69, %scan3A_70 : i32
      %scan3A_72 = arith.constant 1 : i32
      %scan3A_73 = scf.for %scan3A_75 = %scan3A_69 to %scan3A_71 step %scan3A_72 iter_args(%scan3A_76 = %scan3A_68) -> (i32)  : i32 {
        %jit3A = arith.constant 4 : i32
        %div3A = arith.divsi %scan3A_75, %jit3A : i32
        %sign3A = arith.constant 0 : i32
        %sign3A_77 = arith.cmpi sgt, %scan3A_75, %sign3A : i32
        %sign3A_78 = arith.extui %sign3A_77 : i1 to i32
        %sign3A_79 = arith.constant 0 : i32
        %sign3A_80 = arith.cmpi slt, %scan3A_75, %sign3A_79 : i32
        %sign3A_81 = arith.extui %sign3A_80 : i1 to i32
        %sign3A_82 = arith.subi %sign3A_78, %sign3A_81 : i32
        %sign3A_83 = arith.constant 0 : i32
        %sign3A_84 = arith.cmpi sgt, %jit3A, %sign3A_83 : i32
        %sign3A_85 = arith.extui %sign3A_84 : i1 to i32
        %sign3A_86 = arith.constant 0 : i32
        %sign3A_87 = arith.cmpi slt, %jit3A, %sign3A_86 : i32
        %sign3A_88 = arith.extui %sign3A_87 : i1 to i32
        %sign3A_89 = arith.subi %sign3A_85, %sign3A_88 : i32
        %ne3A = arith.cmpi ne, %sign3A_82, %sign3A_89 : i32
        %rem3A = arith.remsi %scan3A_75, %jit3A : i32
        %ne3A_90 = arith.constant 0 : i32
        %ne3A_91 = arith.cmpi ne, %rem3A, %ne3A_90 : i32
        %and3A = arith.andi %ne3A, %ne3A_91 : i1
        %sub3A = arith.constant 1 : i32
        %sub3A_92 = arith.subi %div3A, %sub3A : i32
        %select_n3A = arith.select %and3A, %sub3A_92, %div3A : i32
        %jit3A_93 = arith.constant 4 : i32
        %eq3A_94 = arith.constant 0 : i32
        %eq3A_95 = arith.cmpi eq, %jit3A_93, %eq3A_94 : i32
        %jit3A_96 = arith.constant 1 : i32
        %select_n3A_97 = arith.select %eq3A_95, %jit3A_96, %jit3A_93 : i32
        %rem3A_98 = arith.remsi %scan3A_75, %select_n3A_97 : i32
        %ne3A_99 = arith.constant 0 : i32
        %ne3A_100 = arith.cmpi ne, %rem3A_98, %ne3A_99 : i32
        %lt3A_101 = arith.constant 0 : i32
        %lt3A_102 = arith.cmpi slt, %rem3A_98, %lt3A_101 : i32
        %lt3A_103 = arith.constant 0 : i32
        %lt3A_104 = arith.cmpi slt, %select_n3A_97, %lt3A_103 : i32
        %ne3A_105 = arith.xori %lt3A_102, %lt3A_104 : i1
        %and3A_106 = arith.andi %ne3A_105, %ne3A_100 : i1
        %add3A_107 = arith.addi %rem3A_98, %select_n3A_97 : i32
        %select_n3A_108 = arith.select %and3A_106, %add3A_107, %rem3A_98 : i32
        %broadcast_in_dim3A = arith.constant 0.000000e+00 : f32
        %broadcast_in_dim3A_109 = vector.broadcast %broadcast_in_dim3A : f32 to vector<16xf32>
        %mul3A_110 = arith.constant 16 : i32
        %mul3A_111 = arith.muli %select_n3A_108, %mul3A_110 : i32
        %swap3A = arith.index_cast %select_n3A : i32 to index
        %swap3A_112 = arith.index_cast %mul3A_111 : i32 to index
        %swap3A_113 = tpu.vector_load %arg10[%swap3A, %swap3A_112] {strides = array<i32>} : memref<200x64xf32, #tpu.memory_space<vmem>>, vector<1x16xf32>,
        %swap3A_114 = vector.shape_cast %swap3A_113 : vector<1x16xf32> to vector<16xf32>
        %swap3A_115 = vector.shape_cast %broadcast_in_dim3A_109 : vector<16xf32> to vector<1x16xf32>
        tpu.vector_store %arg10[%swap3A, %swap3A_112], %swap3A_115 {strides = array<i32>} : memref<200x64xf32, #tpu.memory_space<vmem>>, vector<1x16xf32>,
        %scan3A_116 = arith.constant 0 : i32
        scf.yield %scan3A_116 : i32
      }
      %scan3A_74 = arith.constant 800 : i32
      "tpu.region"() ({
        %run_scoped3A = tpu.sem_alloc : memref<!tpu.dma_semaphore, #tpu.memory_space<semaphore_mem>>
        %dma_start3A_75 = arith.constant 10000 : i32
        %dma_start3A_76 = arith.constant 0 : i32
        %dma_start3A_77 = tpu.memref_slice %arg12[%dma_start3A_75, %dma_start3A_76] : memref<10200x64xf32, #tpu.memory_space<vmem_shared>> -> memref<200x64xf32, #tpu.memory_space<vmem_shared>>
        %dma_start3A_78 = arith.constant 10000 : i32
        %dma_start3A_79 = arith.constant 0 : i32
        %dma_start3A_80 = tpu.memref_slice %arg12[%dma_start3A_78, %dma_start3A_79] : memref<10200x64xf32, #tpu.memory_space<vmem_shared>> -> memref<200x64xf32, #tpu.memory_space<vmem_shared>>
        tpu.enqueue_dma source(%arg10 : memref<200x64xf32, #tpu.memory_space<vmem>>) target(%dma_start3A_80 : memref<200x64xf32, #tpu.memory_space<vmem_shared>>) target_semaphore(%run_scoped3A : memref<!tpu.dma_semaphore, #tpu.memory_space<semaphore_mem>>)
        %dma_wait3A = arith.constant 10000 : i32
        %dma_wait3A_81 = arith.constant 0 : i32
        %dma_wait3A_82 = tpu.memref_slice %arg12[%dma_wait3A, %dma_wait3A_81] : memref<10200x64xf32, #tpu.memory_space<vmem_shared>> -> memref<200x64xf32, #tpu.memory_space<vmem_shared>>
        %dma_wait3A_83 = arith.constant 10000 : i32
        %dma_wait3A_84 = arith.constant 0 : i32
        %dma_wait3A_85 = tpu.memref_slice %arg12[%dma_wait3A_83, %dma_wait3A_84] : memref<10200x64xf32, #tpu.memory_space<vmem_shared>> -> memref<200x64xf32, #tpu.memory_space<vmem_shared>>
        tpu.wait_dma2 semaphore(%run_scoped3A : memref<!tpu.dma_semaphore, #tpu.memory_space<semaphore_mem>>) src(%arg10 : memref<200x64xf32, #tpu.memory_space<vmem>>) dst(%dma_wait3A_85 : memref<200x64xf32, #tpu.memory_space<vmem_shared>>)
        tpu.yield
      }) : () -> ()
    } else {
    }
    %barrier3A = arith.constant 0 : index
    tpu.barrier barrier_id(%barrier3A)
    %dma_start3A = arith.constant 0 : i32
    %dma_start3A_20 = arith.constant 0 : i32
    %dma_start3A_21 = arith.constant 0 : i32
    %dma_start3A_22 = arith.constant 0 : i32
    %dma_start3A_23 = tpu.memref_slice %arg9[%dma_start3A_20, %dma_start3A_21, %dma_start3A_22] : memref<4x128x64xf32, #tpu.memory_space<vmem>> -> memref<1x128x64xf32, #tpu.memory_space<vmem>>
    %dma_start3A_24 = tpu.memref_squeeze %dma_start3A_23 : memref<1x128x64xf32, #tpu.memory_space<vmem>> -> memref<128x64xf32, #tpu.memory_space<vmem>>
    %dma_start3A_25 = arith.constant 0 : i32
    %dma_start3A_26 = tpu.memref_slice %arg7[%dma_start3A, %dma_start3A_25] : memref<160x128xi32, #tpu.memory_space<vmem>> -> memref<1x128xi32, #tpu.memory_space<vmem>>
    %dma_start3A_27 = tpu.memref_squeeze %dma_start3A_26 : memref<1x128xi32, #tpu.memory_space<vmem>> -> memref<128xi32, #tpu.memory_space<vmem>>
    %dma_start3A_28 = arith.constant 0 : i32
    %dma_start3A_29 = arith.constant 0 : i32
    %dma_start3A_30 = tpu.memref_slice %arg2[%dma_start3A_28, %dma_start3A_29] : memref<20000x64xf32, #tpu.memory_space<hbm>> -> memref<20000x64xf32, #tpu.memory_space<hbm>>
    tpu.enqueue_indirect_dma source(%dma_start3A_30 : memref<20000x64xf32, #tpu.memory_space<hbm>>) target(%dma_start3A_24 : memref<128x64xf32, #tpu.memory_space<vmem>>) offsets(%dma_start3A_27 : memref<128xi32, #tpu.memory_space<vmem>>) semaphore(%arg13 : memref<!tpu.dma_semaphore, #tpu.memory_space<semaphore_mem>>)
    %dma_start3A_31 = arith.constant 1 : i32
    %dma_start3A_32 = arith.constant 1 : i32
    %dma_start3A_33 = arith.constant 0 : i32
    %dma_start3A_34 = arith.constant 0 : i32
    %dma_start3A_35 = tpu.memref_slice %arg9[%dma_start3A_32, %dma_start3A_33, %dma_start3A_34] : memref<4x128x64xf32, #tpu.memory_space<vmem>> -> memref<1x128x64xf32, #tpu.memory_space<vmem>>
    %dma_start3A_36 = tpu.memref_squeeze %dma_start3A_35 : memref<1x128x64xf32, #tpu.memory_space<vmem>> -> memref<128x64xf32, #tpu.memory_space<vmem>>
    %dma_start3A_37 = arith.constant 0 : i32
    %dma_start3A_38 = tpu.memref_slice %arg7[%dma_start3A_31, %dma_start3A_37] : memref<160x128xi32, #tpu.memory_space<vmem>> -> memref<1x128xi32, #tpu.memory_space<vmem>>
    %dma_start3A_39 = tpu.memref_squeeze %dma_start3A_38 : memref<1x128xi32, #tpu.memory_space<vmem>> -> memref<128xi32, #tpu.memory_space<vmem>>
    %dma_start3A_40 = arith.constant 0 : i32
    %dma_start3A_41 = arith.constant 0 : i32
    %dma_start3A_42 = tpu.memref_slice %arg2[%dma_start3A_40, %dma_start3A_41] : memref<20000x64xf32, #tpu.memory_space<hbm>> -> memref<20000x64xf32, #tpu.memory_space<hbm>>
    tpu.enqueue_indirect_dma source(%dma_start3A_42 : memref<20000x64xf32, #tpu.memory_space<hbm>>) target(%dma_start3A_36 : memref<128x64xf32, #tpu.memory_space<vmem>>) offsets(%dma_start3A_39 : memref<128xi32, #tpu.memory_space<vmem>>) semaphore(%arg13 : memref<!tpu.dma_semaphore, #tpu.memory_space<semaphore_mem>>)
    %dma_start3A_43 = arith.constant 2 : i32
    %dma_start3A_44 = arith.constant 2 : i32
    %dma_start3A_45 = arith.constant 0 : i32
    %dma_start3A_46 = arith.constant 0 : i32
    %dma_start3A_47 = tpu.memref_slice %arg9[%dma_start3A_44, %dma_start3A_45, %dma_start3A_46] : memref<4x128x64xf32, #tpu.memory_space<vmem>> -> memref<1x128x64xf32, #tpu.memory_space<vmem>>
    %dma_start3A_48 = tpu.memref_squeeze %dma_start3A_47 : memref<1x128x64xf32, #tpu.memory_space<vmem>> -> memref<128x64xf32, #tpu.memory_space<vmem>>
    %dma_start3A_49 = arith.constant 0 : i32
    %dma_start3A_50 = tpu.memref_slice %arg7[%dma_start3A_43, %dma_start3A_49] : memref<160x128xi32, #tpu.memory_space<vmem>> -> memref<1x128xi32, #tpu.memory_space<vmem>>
    %dma_start3A_51 = tpu.memref_squeeze %dma_start3A_50 : memref<1x128xi32, #tpu.memory_space<vmem>> -> memref<128xi32, #tpu.memory_space<vmem>>
    %dma_start3A_52 = arith.constant 0 : i32
    %dma_start3A_53 = arith.constant 0 : i32
    %dma_start3A_54 = tpu.memref_slice %arg2[%dma_start3A_52, %dma_start3A_53] : memref<20000x64xf32, #tpu.memory_space<hbm>> -> memref<20000x64xf32, #tpu.memory_space<hbm>>
    tpu.enqueue_indirect_dma source(%dma_start3A_54 : memref<20000x64xf32, #tpu.memory_space<hbm>>) target(%dma_start3A_48 : memref<128x64xf32, #tpu.memory_space<vmem>>) offsets(%dma_start3A_51 : memref<128xi32, #tpu.memory_space<vmem>>) semaphore(%arg13 : memref<!tpu.dma_semaphore, #tpu.memory_space<semaphore_mem>>)
    %scan3A_55 = arith.constant 0 : i32
    %scan3A_56 = arith.constant 0 : i32
    %scan3A_57 = arith.constant 40 : i32
    %scan3A_58 = arith.addi %scan3A_56, %scan3A_57 : i32
    %scan3A_59 = arith.constant 1 : i32
    %scan3A_60 = scf.for %scan3A_68 = %scan3A_56 to %scan3A_58 step %scan3A_59 iter_args(%scan3A_69 = %scan3A_55) -> (i32)  : i32 {
      %mul3A_70 = arith.constant 4 : i32
      %mul3A_71 = arith.muli %scan3A_68, %mul3A_70 : i32
      %add3A_72 = arith.constant 0 : i32
      %add3A_73 = arith.addi %mul3A_71, %add3A_72 : i32
      %dma_wait3A = arith.constant 0 : i32
      %dma_wait3A_74 = arith.constant 0 : i32
      %dma_wait3A_75 = arith.constant 0 : i32
      %dma_wait3A_76 = tpu.memref_slice %arg9[%dma_wait3A, %dma_wait3A_74, %dma_wait3A_75] : memref<4x128x64xf32, #tpu.memory_space<vmem>> -> memref<1x128x64xf32, #tpu.memory_space<vmem>>
      %dma_wait3A_77 = tpu.memref_squeeze %dma_wait3A_76 : memref<1x128x64xf32, #tpu.memory_space<vmem>> -> memref<128x64xf32, #tpu.memory_space<vmem>>
      %dma_wait3A_78 = arith.constant 0 : i32
      %dma_wait3A_79 = tpu.memref_slice %arg7[%add3A_73, %dma_wait3A_78] : memref<160x128xi32, #tpu.memory_space<vmem>> -> memref<1x128xi32, #tpu.memory_space<vmem>>
      %dma_wait3A_80 = tpu.memref_squeeze %dma_wait3A_79 : memref<1x128xi32, #tpu.memory_space<vmem>> -> memref<128xi32, #tpu.memory_space<vmem>>
      %dma_wait3A_81 = arith.constant 0 : i32
      %dma_wait3A_82 = arith.constant 0 : i32
      %dma_wait3A_83 = tpu.memref_slice %arg2[%dma_wait3A_81, %dma_wait3A_82] : memref<20000x64xf32, #tpu.memory_space<hbm>> -> memref<20000x64xf32, #tpu.memory_space<hbm>>
      tpu.wait_indirect_dma semaphore(%arg13 : memref<!tpu.dma_semaphore, #tpu.memory_space<semaphore_mem>>) src(%dma_wait3A_83 : memref<20000x64xf32, #tpu.memory_space<hbm>>) dst(%dma_wait3A_77 : memref<128x64xf32, #tpu.memory_space<vmem>>)
      %add3A_84 = arith.constant 4 : i32
      %add3A_85 = arith.addi %add3A_73, %add3A_84 : i32
      %sub3A = arith.constant 1 : i32
      %sub3A_86 = arith.subi %add3A_85, %sub3A : i32
      %min3A = arith.constant 159 : i32
      %min3A_87 = arith.minsi %sub3A_86, %min3A : i32
      %add3A_88 = arith.constant 4 : i32
      %add3A_89 = arith.addi %add3A_73, %add3A_88 : i32
      %sub3A_90 = arith.constant 1 : i32
      %sub3A_91 = arith.subi %add3A_89, %sub3A_90 : i32
      %lt3A_92 = arith.constant 160 : i32
      %lt3A_93 = arith.cmpi slt, %sub3A_91, %lt3A_92 : i32
      %convert_element_type3A_94 = arith.extui %lt3A_93 : i1 to i32
      %cond3A_95 = arith.constant 0 : i32
      %cond3A_96 = arith.cmpi ne, %convert_element_type3A_94, %cond3A_95 : i32
      scf.if %cond3A_96 {
        %dma_start3A_191 = arith.constant 3 : i32
        %dma_start3A_192 = arith.constant 0 : i32
        %dma_start3A_193 = arith.constant 0 : i32
        %dma_start3A_194 = tpu.memref_slice %arg9[%dma_start3A_191, %dma_start3A_192, %dma_start3A_193] : memref<4x128x64xf32, #tpu.memory_space<vmem>> -> memref<1x128x64xf32, #tpu.memory_space<vmem>>
        %dma_start3A_195 = tpu.memref_squeeze %dma_start3A_194 : memref<1x128x64xf32, #tpu.memory_space<vmem>> -> memref<128x64xf32, #tpu.memory_space<vmem>>
        %dma_start3A_196 = arith.constant 0 : i32
        %dma_start3A_197 = tpu.memref_slice %arg7[%min3A_87, %dma_start3A_196] : memref<160x128xi32, #tpu.memory_space<vmem>> -> memref<1x128xi32, #tpu.memory_space<vmem>>
        %dma_start3A_198 = tpu.memref_squeeze %dma_start3A_197 : memref<1x128xi32, #tpu.memory_space<vmem>> -> memref<128xi32, #tpu.memory_space<vmem>>
        %dma_start3A_199 = arith.constant 0 : i32
        %dma_start3A_200 = arith.constant 0 : i32
        %dma_start3A_201 = tpu.memref_slice %arg2[%dma_start3A_199, %dma_start3A_200] : memref<20000x64xf32, #tpu.memory_space<hbm>> -> memref<20000x64xf32, #tpu.memory_space<hbm>>
        tpu.enqueue_indirect_dma source(%dma_start3A_201 : memref<20000x64xf32, #tpu.memory_space<hbm>>) target(%dma_start3A_195 : memref<128x64xf32, #tpu.memory_space<vmem>>) offsets(%dma_start3A_198 : memref<128xi32, #tpu.memory_space<vmem>>) semaphore(%arg13 : memref<!tpu.dma_semaphore, #tpu.memory_space<semaphore_mem>>)
      } else {
      }
      %run_scoped3A = arith.constant 0 : i32
      "tpu.region"() ({
        %run_scoped3A_191 = tpu.sem_alloc : memref<!tpu.dma_semaphore, #tpu.memory_space<semaphore_mem>>
        %dma_start3A_192 = arith.constant 0 : i32
        %dma_start3A_193 = arith.constant 0 : i32
        %dma_start3A_194 = tpu.memref_slice %arg9[%run_scoped3A, %dma_start3A_192, %dma_start3A_193] : memref<4x128x64xf32, #tpu.memory_space<vmem>> -> memref<1x128x64xf32, #tpu.memory_space<vmem>>
        %dma_start3A_195 = tpu.memref_squeeze %dma_start3A_194 : memref<1x128x64xf32, #tpu.memory_space<vmem>> -> memref<128x64xf32, #tpu.memory_space<vmem>>
        %dma_start3A_196 = arith.constant 0 : i32
        %dma_start3A_197 = tpu.memref_slice %arg8[%add3A_73, %dma_start3A_196] : memref<160x128xi32, #tpu.memory_space<vmem>> -> memref<1x128xi32, #tpu.memory_space<vmem>>
        %dma_start3A_198 = tpu.memref_squeeze %dma_start3A_197 : memref<1x128xi32, #tpu.memory_space<vmem>> -> memref<128xi32, #tpu.memory_space<vmem>>
        %dma_start3A_199 = arith.constant 0 : i32
        %dma_start3A_200 = arith.constant 0 : i32
        %dma_start3A_201 = tpu.memref_slice %arg12[%dma_start3A_199, %dma_start3A_200] : memref<10200x64xf32, #tpu.memory_space<vmem_shared>> -> memref<10200x64xf32, #tpu.memory_space<vmem_shared>>
        tpu.enqueue_indirect_dma source(%dma_start3A_195 : memref<128x64xf32, #tpu.memory_space<vmem>>) target(%dma_start3A_201 : memref<10200x64xf32, #tpu.memory_space<vmem_shared>>) offsets(%dma_start3A_198 : memref<128xi32, #tpu.memory_space<vmem>>) semaphore(%run_scoped3A_191 : memref<!tpu.dma_semaphore, #tpu.memory_space<semaphore_mem>>) {add = true}
        %dma_wait3A_202 = arith.constant 0 : i32
        %dma_wait3A_203 = arith.constant 0 : i32
        %dma_wait3A_204 = tpu.memref_slice %arg9[%run_scoped3A, %dma_wait3A_202, %dma_wait3A_203] : memref<4x128x64xf32, #tpu.memory_space<vmem>> -> memref<1x128x64xf32, #tpu.memory_space<vmem>>
        %dma_wait3A_205 = tpu.memref_squeeze %dma_wait3A_204 : memref<1x128x64xf32, #tpu.memory_space<vmem>> -> memref<128x64xf32, #tpu.memory_space<vmem>>
        %dma_wait3A_206 = arith.constant 0 : i32
        %dma_wait3A_207 = tpu.memref_slice %arg8[%add3A_73, %dma_wait3A_206] : memref<160x128xi32, #tpu.memory_space<vmem>> -> memref<1x128xi32, #tpu.memory_space<vmem>>
        %dma_wait3A_208 = tpu.memref_squeeze %dma_wait3A_207 : memref<1x128xi32, #tpu.memory_space<vmem>> -> memref<128xi32, #tpu.memory_space<vmem>>
        %dma_wait3A_209 = arith.constant 0 : i32
        %dma_wait3A_210 = arith.constant 0 : i32
        %dma_wait3A_211 = tpu.memref_slice %arg12[%dma_wait3A_209, %dma_wait3A_210] : memref<10200x64xf32, #tpu.memory_space<vmem_shared>> -> memref<10200x64xf32, #tpu.memory_space<vmem_shared>>
        tpu.wait_indirect_dma semaphore(%run_scoped3A_191 : memref<!tpu.dma_semaphore, #tpu.memory_space<semaphore_mem>>) src(%dma_wait3A_205 : memref<128x64xf32, #tpu.memory_space<vmem>>) dst(%dma_wait3A_211 : memref<10200x64xf32, #tpu.memory_space<vmem_shared>>)
        tpu.yield
      }) : () -> ()
      %mul3A_97 = arith.constant 4 : i32
      %mul3A_98 = arith.muli %scan3A_68, %mul3A_97 : i32
      %add3A_99 = arith.constant 1 : i32
      %add3A_100 = arith.addi %mul3A_98, %add3A_99 : i32
      %dma_wait3A_101 = arith.constant 1 : i32
      %dma_wait3A_102 = arith.constant 0 : i32
      %dma_wait3A_103 = arith.constant 0 : i32
      %dma_wait3A_104 = tpu.memref_slice %arg9[%dma_wait3A_101, %dma_wait3A_102, %dma_wait3A_103] : memref<4x128x64xf32, #tpu.memory_space<vmem>> -> memref<1x128x64xf32, #tpu.memory_space<vmem>>
      %dma_wait3A_105 = tpu.memref_squeeze %dma_wait3A_104 : memref<1x128x64xf32, #tpu.memory_space<vmem>> -> memref<128x64xf32, #tpu.memory_space<vmem>>
      %dma_wait3A_106 = arith.constant 0 : i32
      %dma_wait3A_107 = tpu.memref_slice %arg7[%add3A_100, %dma_wait3A_106] : memref<160x128xi32, #tpu.memory_space<vmem>> -> memref<1x128xi32, #tpu.memory_space<vmem>>
      %dma_wait3A_108 = tpu.memref_squeeze %dma_wait3A_107 : memref<1x128xi32, #tpu.memory_space<vmem>> -> memref<128xi32, #tpu.memory_space<vmem>>
      %dma_wait3A_109 = arith.constant 0 : i32
      %dma_wait3A_110 = arith.constant 0 : i32
      %dma_wait3A_111 = tpu.memref_slice %arg2[%dma_wait3A_109, %dma_wait3A_110] : memref<20000x64xf32, #tpu.memory_space<hbm>> -> memref<20000x64xf32, #tpu.memory_space<hbm>>
      tpu.wait_indirect_dma semaphore(%arg13 : memref<!tpu.dma_semaphore, #tpu.memory_space<semaphore_mem>>) src(%dma_wait3A_111 : memref<20000x64xf32, #tpu.memory_space<hbm>>) dst(%dma_wait3A_105 : memref<128x64xf32, #tpu.memory_space<vmem>>)
      %add3A_112 = arith.constant 4 : i32
      %add3A_113 = arith.addi %add3A_100, %add3A_112 : i32
      %sub3A_114 = arith.constant 1 : i32
      %sub3A_115 = arith.subi %add3A_113, %sub3A_114 : i32
      %min3A_116 = arith.constant 159 : i32
      %min3A_117 = arith.minsi %sub3A_115, %min3A_116 : i32
      %add3A_118 = arith.constant 4 : i32
      %add3A_119 = arith.addi %add3A_100, %add3A_118 : i32
      %sub3A_120 = arith.constant 1 : i32
      %sub3A_121 = arith.subi %add3A_119, %sub3A_120 : i32
      %lt3A_122 = arith.constant 160 : i32
      %lt3A_123 = arith.cmpi slt, %sub3A_121, %lt3A_122 : i32
      %convert_element_type3A_124 = arith.extui %lt3A_123 : i1 to i32
      %cond3A_125 = arith.constant 0 : i32
      %cond3A_126 = arith.cmpi ne, %convert_element_type3A_124, %cond3A_125 : i32
      scf.if %cond3A_126 {
        %dma_start3A_191 = arith.constant 0 : i32
        %dma_start3A_192 = arith.constant 0 : i32
        %dma_start3A_193 = arith.constant 0 : i32
        %dma_start3A_194 = tpu.memref_slice %arg9[%dma_start3A_191, %dma_start3A_192, %dma_start3A_193] : memref<4x128x64xf32, #tpu.memory_space<vmem>> -> memref<1x128x64xf32, #tpu.memory_space<vmem>>
        %dma_start3A_195 = tpu.memref_squeeze %dma_start3A_194 : memref<1x128x64xf32, #tpu.memory_space<vmem>> -> memref<128x64xf32, #tpu.memory_space<vmem>>
        %dma_start3A_196 = arith.constant 0 : i32
        %dma_start3A_197 = tpu.memref_slice %arg7[%min3A_117, %dma_start3A_196] : memref<160x128xi32, #tpu.memory_space<vmem>> -> memref<1x128xi32, #tpu.memory_space<vmem>>
        %dma_start3A_198 = tpu.memref_squeeze %dma_start3A_197 : memref<1x128xi32, #tpu.memory_space<vmem>> -> memref<128xi32, #tpu.memory_space<vmem>>
        %dma_start3A_199 = arith.constant 0 : i32
        %dma_start3A_200 = arith.constant 0 : i32
        %dma_start3A_201 = tpu.memref_slice %arg2[%dma_start3A_199, %dma_start3A_200] : memref<20000x64xf32, #tpu.memory_space<hbm>> -> memref<20000x64xf32, #tpu.memory_space<hbm>>
        tpu.enqueue_indirect_dma source(%dma_start3A_201 : memref<20000x64xf32, #tpu.memory_space<hbm>>) target(%dma_start3A_195 : memref<128x64xf32, #tpu.memory_space<vmem>>) offsets(%dma_start3A_198 : memref<128xi32, #tpu.memory_space<vmem>>) semaphore(%arg13 : memref<!tpu.dma_semaphore, #tpu.memory_space<semaphore_mem>>)
      } else {
      }
      %run_scoped3A_127 = arith.constant 1 : i32
      "tpu.region"() ({
        %run_scoped3A_191 = tpu.sem_alloc : memref<!tpu.dma_semaphore, #tpu.memory_space<semaphore_mem>>
        %dma_start3A_192 = arith.constant 0 : i32
        %dma_start3A_193 = arith.constant 0 : i32
        %dma_start3A_194 = tpu.memref_slice %arg9[%run_scoped3A_127, %dma_start3A_192, %dma_start3A_193] : memref<4x128x64xf32, #tpu.memory_space<vmem>> -> memref<1x128x64xf32, #tpu.memory_space<vmem>>
        %dma_start3A_195 = tpu.memref_squeeze %dma_start3A_194 : memref<1x128x64xf32, #tpu.memory_space<vmem>> -> memref<128x64xf32, #tpu.memory_space<vmem>>
        %dma_start3A_196 = arith.constant 0 : i32
        %dma_start3A_197 = tpu.memref_slice %arg8[%add3A_100, %dma_start3A_196] : memref<160x128xi32, #tpu.memory_space<vmem>> -> memref<1x128xi32, #tpu.memory_space<vmem>>
        %dma_start3A_198 = tpu.memref_squeeze %dma_start3A_197 : memref<1x128xi32, #tpu.memory_space<vmem>> -> memref<128xi32, #tpu.memory_space<vmem>>
        %dma_start3A_199 = arith.constant 0 : i32
        %dma_start3A_200 = arith.constant 0 : i32
        %dma_start3A_201 = tpu.memref_slice %arg12[%dma_start3A_199, %dma_start3A_200] : memref<10200x64xf32, #tpu.memory_space<vmem_shared>> -> memref<10200x64xf32, #tpu.memory_space<vmem_shared>>
        tpu.enqueue_indirect_dma source(%dma_start3A_195 : memref<128x64xf32, #tpu.memory_space<vmem>>) target(%dma_start3A_201 : memref<10200x64xf32, #tpu.memory_space<vmem_shared>>) offsets(%dma_start3A_198 : memref<128xi32, #tpu.memory_space<vmem>>) semaphore(%run_scoped3A_191 : memref<!tpu.dma_semaphore, #tpu.memory_space<semaphore_mem>>) {add = true}
        %dma_wait3A_202 = arith.constant 0 : i32
        %dma_wait3A_203 = arith.constant 0 : i32
        %dma_wait3A_204 = tpu.memref_slice %arg9[%run_scoped3A_127, %dma_wait3A_202, %dma_wait3A_203] : memref<4x128x64xf32, #tpu.memory_space<vmem>> -> memref<1x128x64xf32, #tpu.memory_space<vmem>>
        %dma_wait3A_205 = tpu.memref_squeeze %dma_wait3A_204 : memref<1x128x64xf32, #tpu.memory_space<vmem>> -> memref<128x64xf32, #tpu.memory_space<vmem>>
        %dma_wait3A_206 = arith.constant 0 : i32
        %dma_wait3A_207 = tpu.memref_slice %arg8[%add3A_100, %dma_wait3A_206] : memref<160x128xi32, #tpu.memory_space<vmem>> -> memref<1x128xi32, #tpu.memory_space<vmem>>
        %dma_wait3A_208 = tpu.memref_squeeze %dma_wait3A_207 : memref<1x128xi32, #tpu.memory_space<vmem>> -> memref<128xi32, #tpu.memory_space<vmem>>
        %dma_wait3A_209 = arith.constant 0 : i32
        %dma_wait3A_210 = arith.constant 0 : i32
        %dma_wait3A_211 = tpu.memref_slice %arg12[%dma_wait3A_209, %dma_wait3A_210] : memref<10200x64xf32, #tpu.memory_space<vmem_shared>> -> memref<10200x64xf32, #tpu.memory_space<vmem_shared>>
        tpu.wait_indirect_dma semaphore(%run_scoped3A_191 : memref<!tpu.dma_semaphore, #tpu.memory_space<semaphore_mem>>) src(%dma_wait3A_205 : memref<128x64xf32, #tpu.memory_space<vmem>>) dst(%dma_wait3A_211 : memref<10200x64xf32, #tpu.memory_space<vmem_shared>>)
        tpu.yield
      }) : () -> ()
      %mul3A_128 = arith.constant 4 : i32
      %mul3A_129 = arith.muli %scan3A_68, %mul3A_128 : i32
      %add3A_130 = arith.constant 2 : i32
      %add3A_131 = arith.addi %mul3A_129, %add3A_130 : i32
      %dma_wait3A_132 = arith.constant 2 : i32
      %dma_wait3A_133 = arith.constant 0 : i32
      %dma_wait3A_134 = arith.constant 0 : i32
      %dma_wait3A_135 = tpu.memref_slice %arg9[%dma_wait3A_132, %dma_wait3A_133, %dma_wait3A_134] : memref<4x128x64xf32, #tpu.memory_space<vmem>> -> memref<1x128x64xf32, #tpu.memory_space<vmem>>
      %dma_wait3A_136 = tpu.memref_squeeze %dma_wait3A_135 : memref<1x128x64xf32, #tpu.memory_space<vmem>> -> memref<128x64xf32, #tpu.memory_space<vmem>>
      %dma_wait3A_137 = arith.constant 0 : i32
      %dma_wait3A_138 = tpu.memref_slice %arg7[%add3A_131, %dma_wait3A_137] : memref<160x128xi32, #tpu.memory_space<vmem>> -> memref<1x128xi32, #tpu.memory_space<vmem>>
      %dma_wait3A_139 = tpu.memref_squeeze %dma_wait3A_138 : memref<1x128xi32, #tpu.memory_space<vmem>> -> memref<128xi32, #tpu.memory_space<vmem>>
      %dma_wait3A_140 = arith.constant 0 : i32
      %dma_wait3A_141 = arith.constant 0 : i32
      %dma_wait3A_142 = tpu.memref_slice %arg2[%dma_wait3A_140, %dma_wait3A_141] : memref<20000x64xf32, #tpu.memory_space<hbm>> -> memref<20000x64xf32, #tpu.memory_space<hbm>>
      tpu.wait_indirect_dma semaphore(%arg13 : memref<!tpu.dma_semaphore, #tpu.memory_space<semaphore_mem>>) src(%dma_wait3A_142 : memref<20000x64xf32, #tpu.memory_space<hbm>>) dst(%dma_wait3A_136 : memref<128x64xf32, #tpu.memory_space<vmem>>)
      %add3A_143 = arith.constant 4 : i32
      %add3A_144 = arith.addi %add3A_131, %add3A_143 : i32
      %sub3A_145 = arith.constant 1 : i32
      %sub3A_146 = arith.subi %add3A_144, %sub3A_145 : i32
      %min3A_147 = arith.constant 159 : i32
      %min3A_148 = arith.minsi %sub3A_146, %min3A_147 : i32
      %add3A_149 = arith.constant 4 : i32
      %add3A_150 = arith.addi %add3A_131, %add3A_149 : i32
      %sub3A_151 = arith.constant 1 : i32
      %sub3A_152 = arith.subi %add3A_150, %sub3A_151 : i32
      %lt3A_153 = arith.constant 160 : i32
      %lt3A_154 = arith.cmpi slt, %sub3A_152, %lt3A_153 : i32
      %convert_element_type3A_155 = arith.extui %lt3A_154 : i1 to i32
      %cond3A_156 = arith.constant 0 : i32
      %cond3A_157 = arith.cmpi ne, %convert_element_type3A_155, %cond3A_156 : i32
      scf.if %cond3A_157 {
        %dma_start3A_191 = arith.constant 1 : i32
        %dma_start3A_192 = arith.constant 0 : i32
        %dma_start3A_193 = arith.constant 0 : i32
        %dma_start3A_194 = tpu.memref_slice %arg9[%dma_start3A_191, %dma_start3A_192, %dma_start3A_193] : memref<4x128x64xf32, #tpu.memory_space<vmem>> -> memref<1x128x64xf32, #tpu.memory_space<vmem>>
        %dma_start3A_195 = tpu.memref_squeeze %dma_start3A_194 : memref<1x128x64xf32, #tpu.memory_space<vmem>> -> memref<128x64xf32, #tpu.memory_space<vmem>>
        %dma_start3A_196 = arith.constant 0 : i32
        %dma_start3A_197 = tpu.memref_slice %arg7[%min3A_148, %dma_start3A_196] : memref<160x128xi32, #tpu.memory_space<vmem>> -> memref<1x128xi32, #tpu.memory_space<vmem>>
        %dma_start3A_198 = tpu.memref_squeeze %dma_start3A_197 : memref<1x128xi32, #tpu.memory_space<vmem>> -> memref<128xi32, #tpu.memory_space<vmem>>
        %dma_start3A_199 = arith.constant 0 : i32
        %dma_start3A_200 = arith.constant 0 : i32
        %dma_start3A_201 = tpu.memref_slice %arg2[%dma_start3A_199, %dma_start3A_200] : memref<20000x64xf32, #tpu.memory_space<hbm>> -> memref<20000x64xf32, #tpu.memory_space<hbm>>
        tpu.enqueue_indirect_dma source(%dma_start3A_201 : memref<20000x64xf32, #tpu.memory_space<hbm>>) target(%dma_start3A_195 : memref<128x64xf32, #tpu.memory_space<vmem>>) offsets(%dma_start3A_198 : memref<128xi32, #tpu.memory_space<vmem>>) semaphore(%arg13 : memref<!tpu.dma_semaphore, #tpu.memory_space<semaphore_mem>>)
      } else {
      }
      %run_scoped3A_158 = arith.constant 2 : i32
      "tpu.region"() ({
        %run_scoped3A_191 = tpu.sem_alloc : memref<!tpu.dma_semaphore, #tpu.memory_space<semaphore_mem>>
        %dma_start3A_192 = arith.constant 0 : i32
        %dma_start3A_193 = arith.constant 0 : i32
        %dma_start3A_194 = tpu.memref_slice %arg9[%run_scoped3A_158, %dma_start3A_192, %dma_start3A_193] : memref<4x128x64xf32, #tpu.memory_space<vmem>> -> memref<1x128x64xf32, #tpu.memory_space<vmem>>
        %dma_start3A_195 = tpu.memref_squeeze %dma_start3A_194 : memref<1x128x64xf32, #tpu.memory_space<vmem>> -> memref<128x64xf32, #tpu.memory_space<vmem>>
        %dma_start3A_196 = arith.constant 0 : i32
        %dma_start3A_197 = tpu.memref_slice %arg8[%add3A_131, %dma_start3A_196] : memref<160x128xi32, #tpu.memory_space<vmem>> -> memref<1x128xi32, #tpu.memory_space<vmem>>
        %dma_start3A_198 = tpu.memref_squeeze %dma_start3A_197 : memref<1x128xi32, #tpu.memory_space<vmem>> -> memref<128xi32, #tpu.memory_space<vmem>>
        %dma_start3A_199 = arith.constant 0 : i32
        %dma_start3A_200 = arith.constant 0 : i32
        %dma_start3A_201 = tpu.memref_slice %arg12[%dma_start3A_199, %dma_start3A_200] : memref<10200x64xf32, #tpu.memory_space<vmem_shared>> -> memref<10200x64xf32, #tpu.memory_space<vmem_shared>>
        tpu.enqueue_indirect_dma source(%dma_start3A_195 : memref<128x64xf32, #tpu.memory_space<vmem>>) target(%dma_start3A_201 : memref<10200x64xf32, #tpu.memory_space<vmem_shared>>) offsets(%dma_start3A_198 : memref<128xi32, #tpu.memory_space<vmem>>) semaphore(%run_scoped3A_191 : memref<!tpu.dma_semaphore, #tpu.memory_space<semaphore_mem>>) {add = true}
        %dma_wait3A_202 = arith.constant 0 : i32
        %dma_wait3A_203 = arith.constant 0 : i32
        %dma_wait3A_204 = tpu.memref_slice %arg9[%run_scoped3A_158, %dma_wait3A_202, %dma_wait3A_203] : memref<4x128x64xf32, #tpu.memory_space<vmem>> -> memref<1x128x64xf32, #tpu.memory_space<vmem>>
        %dma_wait3A_205 = tpu.memref_squeeze %dma_wait3A_204 : memref<1x128x64xf32, #tpu.memory_space<vmem>> -> memref<128x64xf32, #tpu.memory_space<vmem>>
        %dma_wait3A_206 = arith.constant 0 : i32
        %dma_wait3A_207 = tpu.memref_slice %arg8[%add3A_131, %dma_wait3A_206] : memref<160x128xi32, #tpu.memory_space<vmem>> -> memref<1x128xi32, #tpu.memory_space<vmem>>
        %dma_wait3A_208 = tpu.memref_squeeze %dma_wait3A_207 : memref<1x128xi32, #tpu.memory_space<vmem>> -> memref<128xi32, #tpu.memory_space<vmem>>
        %dma_wait3A_209 = arith.constant 0 : i32
        %dma_wait3A_210 = arith.constant 0 : i32
        %dma_wait3A_211 = tpu.memref_slice %arg12[%dma_wait3A_209, %dma_wait3A_210] : memref<10200x64xf32, #tpu.memory_space<vmem_shared>> -> memref<10200x64xf32, #tpu.memory_space<vmem_shared>>
        tpu.wait_indirect_dma semaphore(%run_scoped3A_191 : memref<!tpu.dma_semaphore, #tpu.memory_space<semaphore_mem>>) src(%dma_wait3A_205 : memref<128x64xf32, #tpu.memory_space<vmem>>) dst(%dma_wait3A_211 : memref<10200x64xf32, #tpu.memory_space<vmem_shared>>)
        tpu.yield
      }) : () -> ()
      %mul3A_159 = arith.constant 4 : i32
      %mul3A_160 = arith.muli %scan3A_68, %mul3A_159 : i32
      %add3A_161 = arith.constant 3 : i32
      %add3A_162 = arith.addi %mul3A_160, %add3A_161 : i32
      %dma_wait3A_163 = arith.constant 3 : i32
      %dma_wait3A_164 = arith.constant 0 : i32
      %dma_wait3A_165 = arith.constant 0 : i32
      %dma_wait3A_166 = tpu.memref_slice %arg9[%dma_wait3A_163, %dma_wait3A_164, %dma_wait3A_165] : memref<4x128x64xf32, #tpu.memory_space<vmem>> -> memref<1x128x64xf32, #tpu.memory_space<vmem>>
      %dma_wait3A_167 = tpu.memref_squeeze %dma_wait3A_166 : memref<1x128x64xf32, #tpu.memory_space<vmem>> -> memref<128x64xf32, #tpu.memory_space<vmem>>
      %dma_wait3A_168 = arith.constant 0 : i32
      %dma_wait3A_169 = tpu.memref_slice %arg7[%add3A_162, %dma_wait3A_168] : memref<160x128xi32, #tpu.memory_space<vmem>> -> memref<1x128xi32, #tpu.memory_space<vmem>>
      %dma_wait3A_170 = tpu.memref_squeeze %dma_wait3A_169 : memref<1x128xi32, #tpu.memory_space<vmem>> -> memref<128xi32, #tpu.memory_space<vmem>>
      %dma_wait3A_171 = arith.constant 0 : i32
      %dma_wait3A_172 = arith.constant 0 : i32
      %dma_wait3A_173 = tpu.memref_slice %arg2[%dma_wait3A_171, %dma_wait3A_172] : memref<20000x64xf32, #tpu.memory_space<hbm>> -> memref<20000x64xf32, #tpu.memory_space<hbm>>
      tpu.wait_indirect_dma semaphore(%arg13 : memref<!tpu.dma_semaphore, #tpu.memory_space<semaphore_mem>>) src(%dma_wait3A_173 : memref<20000x64xf32, #tpu.memory_space<hbm>>) dst(%dma_wait3A_167 : memref<128x64xf32, #tpu.memory_space<vmem>>)
      %add3A_174 = arith.constant 4 : i32
      %add3A_175 = arith.addi %add3A_162, %add3A_174 : i32
      %sub3A_176 = arith.constant 1 : i32
      %sub3A_177 = arith.subi %add3A_175, %sub3A_176 : i32
      %min3A_178 = arith.constant 159 : i32
      %min3A_179 = arith.minsi %sub3A_177, %min3A_178 : i32
      %add3A_180 = arith.constant 4 : i32
      %add3A_181 = arith.addi %add3A_162, %add3A_180 : i32
      %sub3A_182 = arith.constant 1 : i32
      %sub3A_183 = arith.subi %add3A_181, %sub3A_182 : i32
      %lt3A_184 = arith.constant 160 : i32
      %lt3A_185 = arith.cmpi slt, %sub3A_183, %lt3A_184 : i32
      %convert_element_type3A_186 = arith.extui %lt3A_185 : i1 to i32
      %cond3A_187 = arith.constant 0 : i32
      %cond3A_188 = arith.cmpi ne, %convert_element_type3A_186, %cond3A_187 : i32
      scf.if %cond3A_188 {
        %dma_start3A_191 = arith.constant 2 : i32
        %dma_start3A_192 = arith.constant 0 : i32
        %dma_start3A_193 = arith.constant 0 : i32
        %dma_start3A_194 = tpu.memref_slice %arg9[%dma_start3A_191, %dma_start3A_192, %dma_start3A_193] : memref<4x128x64xf32, #tpu.memory_space<vmem>> -> memref<1x128x64xf32, #tpu.memory_space<vmem>>
        %dma_start3A_195 = tpu.memref_squeeze %dma_start3A_194 : memref<1x128x64xf32, #tpu.memory_space<vmem>> -> memref<128x64xf32, #tpu.memory_space<vmem>>
        %dma_start3A_196 = arith.constant 0 : i32
        %dma_start3A_197 = tpu.memref_slice %arg7[%min3A_179, %dma_start3A_196] : memref<160x128xi32, #tpu.memory_space<vmem>> -> memref<1x128xi32, #tpu.memory_space<vmem>>
        %dma_start3A_198 = tpu.memref_squeeze %dma_start3A_197 : memref<1x128xi32, #tpu.memory_space<vmem>> -> memref<128xi32, #tpu.memory_space<vmem>>
        %dma_start3A_199 = arith.constant 0 : i32
        %dma_start3A_200 = arith.constant 0 : i32
        %dma_start3A_201 = tpu.memref_slice %arg2[%dma_start3A_199, %dma_start3A_200] : memref<20000x64xf32, #tpu.memory_space<hbm>> -> memref<20000x64xf32, #tpu.memory_space<hbm>>
        tpu.enqueue_indirect_dma source(%dma_start3A_201 : memref<20000x64xf32, #tpu.memory_space<hbm>>) target(%dma_start3A_195 : memref<128x64xf32, #tpu.memory_space<vmem>>) offsets(%dma_start3A_198 : memref<128xi32, #tpu.memory_space<vmem>>) semaphore(%arg13 : memref<!tpu.dma_semaphore, #tpu.memory_space<semaphore_mem>>)
      } else {
      }
      %run_scoped3A_189 = arith.constant 3 : i32
      "tpu.region"() ({
        %run_scoped3A_191 = tpu.sem_alloc : memref<!tpu.dma_semaphore, #tpu.memory_space<semaphore_mem>>
        %dma_start3A_192 = arith.constant 0 : i32
        %dma_start3A_193 = arith.constant 0 : i32
        %dma_start3A_194 = tpu.memref_slice %arg9[%run_scoped3A_189, %dma_start3A_192, %dma_start3A_193] : memref<4x128x64xf32, #tpu.memory_space<vmem>> -> memref<1x128x64xf32, #tpu.memory_space<vmem>>
        %dma_start3A_195 = tpu.memref_squeeze %dma_start3A_194 : memref<1x128x64xf32, #tpu.memory_space<vmem>> -> memref<128x64xf32, #tpu.memory_space<vmem>>
        %dma_start3A_196 = arith.constant 0 : i32
        %dma_start3A_197 = tpu.memref_slice %arg8[%add3A_162, %dma_start3A_196] : memref<160x128xi32, #tpu.memory_space<vmem>> -> memref<1x128xi32, #tpu.memory_space<vmem>>
        %dma_start3A_198 = tpu.memref_squeeze %dma_start3A_197 : memref<1x128xi32, #tpu.memory_space<vmem>> -> memref<128xi32, #tpu.memory_space<vmem>>
        %dma_start3A_199 = arith.constant 0 : i32
        %dma_start3A_200 = arith.constant 0 : i32
        %dma_start3A_201 = tpu.memref_slice %arg12[%dma_start3A_199, %dma_start3A_200] : memref<10200x64xf32, #tpu.memory_space<vmem_shared>> -> memref<10200x64xf32, #tpu.memory_space<vmem_shared>>
        tpu.enqueue_indirect_dma source(%dma_start3A_195 : memref<128x64xf32, #tpu.memory_space<vmem>>) target(%dma_start3A_201 : memref<10200x64xf32, #tpu.memory_space<vmem_shared>>) offsets(%dma_start3A_198 : memref<128xi32, #tpu.memory_space<vmem>>) semaphore(%run_scoped3A_191 : memref<!tpu.dma_semaphore, #tpu.memory_space<semaphore_mem>>) {add = true}
        %dma_wait3A_202 = arith.constant 0 : i32
        %dma_wait3A_203 = arith.constant 0 : i32
        %dma_wait3A_204 = tpu.memref_slice %arg9[%run_scoped3A_189, %dma_wait3A_202, %dma_wait3A_203] : memref<4x128x64xf32, #tpu.memory_space<vmem>> -> memref<1x128x64xf32, #tpu.memory_space<vmem>>
        %dma_wait3A_205 = tpu.memref_squeeze %dma_wait3A_204 : memref<1x128x64xf32, #tpu.memory_space<vmem>> -> memref<128x64xf32, #tpu.memory_space<vmem>>
        %dma_wait3A_206 = arith.constant 0 : i32
        %dma_wait3A_207 = tpu.memref_slice %arg8[%add3A_162, %dma_wait3A_206] : memref<160x128xi32, #tpu.memory_space<vmem>> -> memref<1x128xi32, #tpu.memory_space<vmem>>
        %dma_wait3A_208 = tpu.memref_squeeze %dma_wait3A_207 : memref<1x128xi32, #tpu.memory_space<vmem>> -> memref<128xi32, #tpu.memory_space<vmem>>
        %dma_wait3A_209 = arith.constant 0 : i32
        %dma_wait3A_210 = arith.constant 0 : i32
        %dma_wait3A_211 = tpu.memref_slice %arg12[%dma_wait3A_209, %dma_wait3A_210] : memref<10200x64xf32, #tpu.memory_space<vmem_shared>> -> memref<10200x64xf32, #tpu.memory_space<vmem_shared>>
        tpu.wait_indirect_dma semaphore(%run_scoped3A_191 : memref<!tpu.dma_semaphore, #tpu.memory_space<semaphore_mem>>) src(%dma_wait3A_205 : memref<128x64xf32, #tpu.memory_space<vmem>>) dst(%dma_wait3A_211 : memref<10200x64xf32, #tpu.memory_space<vmem_shared>>)
        tpu.yield
      }) : () -> ()
      %scan3A_190 = arith.constant 0 : i32
      scf.yield %scan3A_190 : i32
    }
    %scan3A_61 = arith.constant 40 : i32
    %barrier3A_62 = arith.constant 0 : index
    tpu.barrier barrier_id(%barrier3A_62)
    %lt3A_63 = arith.constant 10 : i32
    %lt3A_64 = arith.cmpi slt, %arg1, %lt3A_63 : i32
    %convert_element_type3A_65 = arith.extui %lt3A_64 : i1 to i32
    %cond3A_66 = arith.constant 0 : i32
    %cond3A_67 = arith.cmpi ne, %convert_element_type3A_65, %cond3A_66 : i32
    scf.if %cond3A_67 {
      %mul3A_68 = arith.constant 1000 : i32
      %mul3A_69 = arith.muli %arg1, %mul3A_68 : i32
      "tpu.region"() ({
        %run_scoped3A = tpu.sem_alloc : memref<!tpu.dma_semaphore, #tpu.memory_space<semaphore_mem>>
        %dma_start3A_77 = arith.constant 0 : i32
        %dma_start3A_78 = tpu.memref_slice %arg11[%dma_start3A_77] : memref<1016xf32, #tpu.memory_space<vmem>> -> memref<1000xf32, #tpu.memory_space<vmem>>
        %dma_start3A_79 = tpu.memref_slice %arg5[%mul3A_69] : memref<10000xf32, #tpu.memory_space<hbm>> -> memref<1000xf32, #tpu.memory_space<hbm>>
        %dma_start3A_80 = arith.constant 0 : i32
        %dma_start3A_81 = tpu.memref_slice %arg11[%dma_start3A_80] : memref<1016xf32, #tpu.memory_space<vmem>> -> memref<1000xf32, #tpu.memory_space<vmem>>
        %dma_start3A_82 = tpu.memref_slice %arg5[%mul3A_69] : memref<10000xf32, #tpu.memory_space<hbm>> -> memref<1000xf32, #tpu.memory_space<hbm>>
        tpu.enqueue_dma source(%dma_start3A_82 : memref<1000xf32, #tpu.memory_space<hbm>>) target(%dma_start3A_81 : memref<1000xf32, #tpu.memory_space<vmem>>) target_semaphore(%run_scoped3A : memref<!tpu.dma_semaphore, #tpu.memory_space<semaphore_mem>>)
        %dma_wait3A = arith.constant 0 : i32
        %dma_wait3A_83 = tpu.memref_slice %arg11[%dma_wait3A] : memref<1016xf32, #tpu.memory_space<vmem>> -> memref<1000xf32, #tpu.memory_space<vmem>>
        %dma_wait3A_84 = tpu.memref_slice %arg5[%mul3A_69] : memref<10000xf32, #tpu.memory_space<hbm>> -> memref<1000xf32, #tpu.memory_space<hbm>>
        %dma_wait3A_85 = arith.constant 0 : i32
        %dma_wait3A_86 = tpu.memref_slice %arg11[%dma_wait3A_85] : memref<1016xf32, #tpu.memory_space<vmem>> -> memref<1000xf32, #tpu.memory_space<vmem>>
        %dma_wait3A_87 = tpu.memref_slice %arg5[%mul3A_69] : memref<10000xf32, #tpu.memory_space<hbm>> -> memref<1000xf32, #tpu.memory_space<hbm>>
        tpu.wait_dma2 semaphore(%run_scoped3A : memref<!tpu.dma_semaphore, #tpu.memory_space<semaphore_mem>>) src(%dma_wait3A_87 : memref<1000xf32, #tpu.memory_space<hbm>>) dst(%dma_wait3A_86 : memref<1000xf32, #tpu.memory_space<vmem>>)
        tpu.yield
      }) : () -> ()
      %scan3A_70 = arith.constant 0 : i32
      %scan3A_71 = arith.constant 0 : i32
      %scan3A_72 = arith.constant 5 : i32
      %scan3A_73 = arith.addi %scan3A_71, %scan3A_72 : i32
      %scan3A_74 = arith.constant 1 : i32
      %scan3A_75 = scf.for %scan3A_77 = %scan3A_71 to %scan3A_73 step %scan3A_74 iter_args(%scan3A_78 = %scan3A_70) -> (i32)  : i32 {
        %mul3A_79 = arith.constant 1000 : i32
        %mul3A_80 = arith.muli %arg1, %mul3A_79 : i32
        %mul3A_81 = arith.constant 200 : i32
        %mul3A_82 = arith.muli %scan3A_77, %mul3A_81 : i32
        %add3A_83 = arith.addi %mul3A_80, %mul3A_82 : i32
        "tpu.region"() ({
          %run_scoped3A = tpu.sem_alloc : memref<!tpu.dma_semaphore, #tpu.memory_space<semaphore_mem>>
          %dma_start3A_529 = arith.constant 0 : i32
          %dma_start3A_530 = tpu.memref_slice %arg12[%add3A_83, %dma_start3A_529] : memref<10200x64xf32, #tpu.memory_space<vmem_shared>> -> memref<200x64xf32, #tpu.memory_space<vmem_shared>>
          %dma_start3A_531 = arith.constant 0 : i32
          %dma_start3A_532 = tpu.memref_slice %arg12[%add3A_83, %dma_start3A_531] : memref<10200x64xf32, #tpu.memory_space<vmem_shared>> -> memref<200x64xf32, #tpu.memory_space<vmem_shared>>
          tpu.enqueue_dma source(%dma_start3A_532 : memref<200x64xf32, #tpu.memory_space<vmem_shared>>) target(%arg10 : memref<200x64xf32, #tpu.memory_space<vmem>>) target_semaphore(%run_scoped3A : memref<!tpu.dma_semaphore, #tpu.memory_space<semaphore_mem>>)
          %dma_wait3A = arith.constant 0 : i32
          %dma_wait3A_533 = tpu.memref_slice %arg12[%add3A_83, %dma_wait3A] : memref<10200x64xf32, #tpu.memory_space<vmem_shared>> -> memref<200x64xf32, #tpu.memory_space<vmem_shared>>
          %dma_wait3A_534 = arith.constant 0 : i32
          %dma_wait3A_535 = tpu.memref_slice %arg12[%add3A_83, %dma_wait3A_534] : memref<10200x64xf32, #tpu.memory_space<vmem_shared>> -> memref<200x64xf32, #tpu.memory_space<vmem_shared>>
          tpu.wait_dma2 semaphore(%run_scoped3A : memref<!tpu.dma_semaphore, #tpu.memory_space<semaphore_mem>>) src(%dma_wait3A_535 : memref<200x64xf32, #tpu.memory_space<vmem_shared>>) dst(%arg10 : memref<200x64xf32, #tpu.memory_space<vmem>>)
          tpu.yield
        }) : () -> ()
        %scan3A_84 = arith.constant 0 : i32
        %scan3A_85 = arith.constant 0 : i32
        %scan3A_86 = arith.constant 12 : i32
        %scan3A_87 = arith.addi %scan3A_85, %scan3A_86 : i32
        %scan3A_88 = arith.constant 1 : i32
        %scan3A_89 = scf.for %scan3A_529 = %scan3A_85 to %scan3A_87 step %scan3A_88 iter_args(%scan3A_530 = %scan3A_84) -> (i32)  : i32 {
          %mul3A_531 = arith.constant 16 : i32
          %mul3A_532 = arith.muli %scan3A_529, %mul3A_531 : i32
          %mul3A_533 = arith.constant 200 : i32
          %mul3A_534 = arith.muli %scan3A_77, %mul3A_533 : i32
          %add3A_535 = arith.addi %mul3A_534, %mul3A_532 : i32
          %get3A_536 = arith.index_cast %add3A_535 : i32 to index
          %get3A_537 = tpu.vector_load %arg11[%get3A_536] {strides = array<i32>} : memref<1016xf32, #tpu.memory_space<vmem>>, vector<16xf32>,
          %get3A_538 = vector.shape_cast %get3A_537 : vector<16xf32> to vector<16xf32>
          %slice3A_539 = vector.extract_strided_slice %get3A_538 {offsets = [0], sizes = [1], strides = [1]} : vector<16xf32> to vector<1xf32>
          %squeeze3A_540 = vector.extract %slice3A_539[0] : f32 from vector<1xf32>
          %add3A_541 = arith.constant 0 : i32
          %add3A_542 = arith.addi %mul3A_532, %add3A_541 : i32
          %get3A_543 = arith.index_cast %add3A_542 : i32 to index
          %get3A_544 = arith.constant 0 : index
          %get3A_545 = tpu.vector_load %arg10[%get3A_543, %get3A_544] {strides = array<i32>} : memref<200x64xf32, #tpu.memory_space<vmem>>, vector<1x16xf32>,
          %get3A_546 = vector.shape_cast %get3A_545 : vector<1x16xf32> to vector<16xf32>
          %mul3A_547 = vector.broadcast %squeeze3A_540 : f32 to vector<16xf32>
          %mul3A_548 = arith.mulf %get3A_546, %mul3A_547 : vector<16xf32>
          %add3A_549 = arith.constant 0 : i32
          %add3A_550 = arith.addi %mul3A_532, %add3A_549 : i32
          %swap3A_551 = arith.index_cast %add3A_550 : i32 to index
          %swap3A_552 = arith.constant 0 : index
          %swap3A_553 = tpu.vector_load %arg10[%swap3A_551, %swap3A_552] {strides = array<i32>} : memref<200x64xf32, #tpu.memory_space<vmem>>, vector<1x16xf32>,
          %swap3A_554 = vector.shape_cast %swap3A_553 : vector<1x16xf32> to vector<16xf32>
          %swap3A_555 = vector.shape_cast %mul3A_548 : vector<16xf32> to vector<1x16xf32>
          tpu.vector_store %arg10[%swap3A_551, %swap3A_552], %swap3A_555 {strides = array<i32>} : memref<200x64xf32, #tpu.memory_space<vmem>>, vector<1x16xf32>,
          %add3A_556 = arith.constant 0 : i32
          %add3A_557 = arith.addi %mul3A_532, %add3A_556 : i32
          %get3A_558 = arith.index_cast %add3A_557 : i32 to index
          %get3A_559 = arith.constant 16 : index
          %get3A_560 = tpu.vector_load %arg10[%get3A_558, %get3A_559] {strides = array<i32>} : memref<200x64xf32, #tpu.memory_space<vmem>>, vector<1x16xf32>,
          %get3A_561 = vector.shape_cast %get3A_560 : vector<1x16xf32> to vector<16xf32>
          %mul3A_562 = vector.broadcast %squeeze3A_540 : f32 to vector<16xf32>
          %mul3A_563 = arith.mulf %get3A_561, %mul3A_562 : vector<16xf32>
          %add3A_564 = arith.constant 0 : i32
          %add3A_565 = arith.addi %mul3A_532, %add3A_564 : i32
          %swap3A_566 = arith.index_cast %add3A_565 : i32 to index
          %swap3A_567 = arith.constant 16 : index
          %swap3A_568 = tpu.vector_load %arg10[%swap3A_566, %swap3A_567] {strides = array<i32>} : memref<200x64xf32, #tpu.memory_space<vmem>>, vector<1x16xf32>,
          %swap3A_569 = vector.shape_cast %swap3A_568 : vector<1x16xf32> to vector<16xf32>
          %swap3A_570 = vector.shape_cast %mul3A_563 : vector<16xf32> to vector<1x16xf32>
          tpu.vector_store %arg10[%swap3A_566, %swap3A_567], %swap3A_570 {strides = array<i32>} : memref<200x64xf32, #tpu.memory_space<vmem>>, vector<1x16xf32>,
          %add3A_571 = arith.constant 0 : i32
          %add3A_572 = arith.addi %mul3A_532, %add3A_571 : i32
          %get3A_573 = arith.index_cast %add3A_572 : i32 to index
          %get3A_574 = arith.constant 32 : index
          %get3A_575 = tpu.vector_load %arg10[%get3A_573, %get3A_574] {strides = array<i32>} : memref<200x64xf32, #tpu.memory_space<vmem>>, vector<1x16xf32>,
          %get3A_576 = vector.shape_cast %get3A_575 : vector<1x16xf32> to vector<16xf32>
          %mul3A_577 = vector.broadcast %squeeze3A_540 : f32 to vector<16xf32>
          %mul3A_578 = arith.mulf %get3A_576, %mul3A_577 : vector<16xf32>
          %add3A_579 = arith.constant 0 : i32
          %add3A_580 = arith.addi %mul3A_532, %add3A_579 : i32
          %swap3A_581 = arith.index_cast %add3A_580 : i32 to index
          %swap3A_582 = arith.constant 32 : index
          %swap3A_583 = tpu.vector_load %arg10[%swap3A_581, %swap3A_582] {strides = array<i32>} : memref<200x64xf32, #tpu.memory_space<vmem>>, vector<1x16xf32>,
          %swap3A_584 = vector.shape_cast %swap3A_583 : vector<1x16xf32> to vector<16xf32>
          %swap3A_585 = vector.shape_cast %mul3A_578 : vector<16xf32> to vector<1x16xf32>
          tpu.vector_store %arg10[%swap3A_581, %swap3A_582], %swap3A_585 {strides = array<i32>} : memref<200x64xf32, #tpu.memory_space<vmem>>, vector<1x16xf32>,
          %add3A_586 = arith.constant 0 : i32
          %add3A_587 = arith.addi %mul3A_532, %add3A_586 : i32
          %get3A_588 = arith.index_cast %add3A_587 : i32 to index
          %get3A_589 = arith.constant 48 : index
          %get3A_590 = tpu.vector_load %arg10[%get3A_588, %get3A_589] {strides = array<i32>} : memref<200x64xf32, #tpu.memory_space<vmem>>, vector<1x16xf32>,
          %get3A_591 = vector.shape_cast %get3A_590 : vector<1x16xf32> to vector<16xf32>
          %mul3A_592 = vector.broadcast %squeeze3A_540 : f32 to vector<16xf32>
          %mul3A_593 = arith.mulf %get3A_591, %mul3A_592 : vector<16xf32>
          %add3A_594 = arith.constant 0 : i32
          %add3A_595 = arith.addi %mul3A_532, %add3A_594 : i32
          %swap3A_596 = arith.index_cast %add3A_595 : i32 to index
          %swap3A_597 = arith.constant 48 : index
          %swap3A_598 = tpu.vector_load %arg10[%swap3A_596, %swap3A_597] {strides = array<i32>} : memref<200x64xf32, #tpu.memory_space<vmem>>, vector<1x16xf32>,
          %swap3A_599 = vector.shape_cast %swap3A_598 : vector<1x16xf32> to vector<16xf32>
          %swap3A_600 = vector.shape_cast %mul3A_593 : vector<16xf32> to vector<1x16xf32>
          tpu.vector_store %arg10[%swap3A_596, %swap3A_597], %swap3A_600 {strides = array<i32>} : memref<200x64xf32, #tpu.memory_space<vmem>>, vector<1x16xf32>,
          %slice3A_601 = vector.extract_strided_slice %get3A_538 {offsets = [1], sizes = [1], strides = [1]} : vector<16xf32> to vector<1xf32>
          %squeeze3A_602 = vector.extract %slice3A_601[0] : f32 from vector<1xf32>
          %add3A_603 = arith.constant 1 : i32
          %add3A_604 = arith.addi %mul3A_532, %add3A_603 : i32
          %get3A_605 = arith.index_cast %add3A_604 : i32 to index
          %get3A_606 = arith.constant 0 : index
          %get3A_607 = tpu.vector_load %arg10[%get3A_605, %get3A_606] {strides = array<i32>} : memref<200x64xf32, #tpu.memory_space<vmem>>, vector<1x16xf32>,
          %get3A_608 = vector.shape_cast %get3A_607 : vector<1x16xf32> to vector<16xf32>
          %mul3A_609 = vector.broadcast %squeeze3A_602 : f32 to vector<16xf32>
          %mul3A_610 = arith.mulf %get3A_608, %mul3A_609 : vector<16xf32>
          %add3A_611 = arith.constant 1 : i32
          %add3A_612 = arith.addi %mul3A_532, %add3A_611 : i32
          %swap3A_613 = arith.index_cast %add3A_612 : i32 to index
          %swap3A_614 = arith.constant 0 : index
          %swap3A_615 = tpu.vector_load %arg10[%swap3A_613, %swap3A_614] {strides = array<i32>} : memref<200x64xf32, #tpu.memory_space<vmem>>, vector<1x16xf32>,
          %swap3A_616 = vector.shape_cast %swap3A_615 : vector<1x16xf32> to vector<16xf32>
          %swap3A_617 = vector.shape_cast %mul3A_610 : vector<16xf32> to vector<1x16xf32>
          tpu.vector_store %arg10[%swap3A_613, %swap3A_614], %swap3A_617 {strides = array<i32>} : memref<200x64xf32, #tpu.memory_space<vmem>>, vector<1x16xf32>,
          %add3A_618 = arith.constant 1 : i32
          %add3A_619 = arith.addi %mul3A_532, %add3A_618 : i32
          %get3A_620 = arith.index_cast %add3A_619 : i32 to index
          %get3A_621 = arith.constant 16 : index
          %get3A_622 = tpu.vector_load %arg10[%get3A_620, %get3A_621] {strides = array<i32>} : memref<200x64xf32, #tpu.memory_space<vmem>>, vector<1x16xf32>,
          %get3A_623 = vector.shape_cast %get3A_622 : vector<1x16xf32> to vector<16xf32>
          %mul3A_624 = vector.broadcast %squeeze3A_602 : f32 to vector<16xf32>
          %mul3A_625 = arith.mulf %get3A_623, %mul3A_624 : vector<16xf32>
          %add3A_626 = arith.constant 1 : i32
          %add3A_627 = arith.addi %mul3A_532, %add3A_626 : i32
          %swap3A_628 = arith.index_cast %add3A_627 : i32 to index
          %swap3A_629 = arith.constant 16 : index
          %swap3A_630 = tpu.vector_load %arg10[%swap3A_628, %swap3A_629] {strides = array<i32>} : memref<200x64xf32, #tpu.memory_space<vmem>>, vector<1x16xf32>,
          %swap3A_631 = vector.shape_cast %swap3A_630 : vector<1x16xf32> to vector<16xf32>
          %swap3A_632 = vector.shape_cast %mul3A_625 : vector<16xf32> to vector<1x16xf32>
          tpu.vector_store %arg10[%swap3A_628, %swap3A_629], %swap3A_632 {strides = array<i32>} : memref<200x64xf32, #tpu.memory_space<vmem>>, vector<1x16xf32>,
          %add3A_633 = arith.constant 1 : i32
          %add3A_634 = arith.addi %mul3A_532, %add3A_633 : i32
          %get3A_635 = arith.index_cast %add3A_634 : i32 to index
          %get3A_636 = arith.constant 32 : index
          %get3A_637 = tpu.vector_load %arg10[%get3A_635, %get3A_636] {strides = array<i32>} : memref<200x64xf32, #tpu.memory_space<vmem>>, vector<1x16xf32>,
          %get3A_638 = vector.shape_cast %get3A_637 : vector<1x16xf32> to vector<16xf32>
          %mul3A_639 = vector.broadcast %squeeze3A_602 : f32 to vector<16xf32>
          %mul3A_640 = arith.mulf %get3A_638, %mul3A_639 : vector<16xf32>
          %add3A_641 = arith.constant 1 : i32
          %add3A_642 = arith.addi %mul3A_532, %add3A_641 : i32
          %swap3A_643 = arith.index_cast %add3A_642 : i32 to index
          %swap3A_644 = arith.constant 32 : index
          %swap3A_645 = tpu.vector_load %arg10[%swap3A_643, %swap3A_644] {strides = array<i32>} : memref<200x64xf32, #tpu.memory_space<vmem>>, vector<1x16xf32>,
          %swap3A_646 = vector.shape_cast %swap3A_645 : vector<1x16xf32> to vector<16xf32>
          %swap3A_647 = vector.shape_cast %mul3A_640 : vector<16xf32> to vector<1x16xf32>
          tpu.vector_store %arg10[%swap3A_643, %swap3A_644], %swap3A_647 {strides = array<i32>} : memref<200x64xf32, #tpu.memory_space<vmem>>, vector<1x16xf32>,
          %add3A_648 = arith.constant 1 : i32
          %add3A_649 = arith.addi %mul3A_532, %add3A_648 : i32
          %get3A_650 = arith.index_cast %add3A_649 : i32 to index
          %get3A_651 = arith.constant 48 : index
          %get3A_652 = tpu.vector_load %arg10[%get3A_650, %get3A_651] {strides = array<i32>} : memref<200x64xf32, #tpu.memory_space<vmem>>, vector<1x16xf32>,
          %get3A_653 = vector.shape_cast %get3A_652 : vector<1x16xf32> to vector<16xf32>
          %mul3A_654 = vector.broadcast %squeeze3A_602 : f32 to vector<16xf32>
          %mul3A_655 = arith.mulf %get3A_653, %mul3A_654 : vector<16xf32>
          %add3A_656 = arith.constant 1 : i32
          %add3A_657 = arith.addi %mul3A_532, %add3A_656 : i32
          %swap3A_658 = arith.index_cast %add3A_657 : i32 to index
          %swap3A_659 = arith.constant 48 : index
          %swap3A_660 = tpu.vector_load %arg10[%swap3A_658, %swap3A_659] {strides = array<i32>} : memref<200x64xf32, #tpu.memory_space<vmem>>, vector<1x16xf32>,
          %swap3A_661 = vector.shape_cast %swap3A_660 : vector<1x16xf32> to vector<16xf32>
          %swap3A_662 = vector.shape_cast %mul3A_655 : vector<16xf32> to vector<1x16xf32>
          tpu.vector_store %arg10[%swap3A_658, %swap3A_659], %swap3A_662 {strides = array<i32>} : memref<200x64xf32, #tpu.memory_space<vmem>>, vector<1x16xf32>,
          %slice3A_663 = vector.extract_strided_slice %get3A_538 {offsets = [2], sizes = [1], strides = [1]} : vector<16xf32> to vector<1xf32>
          %squeeze3A_664 = vector.extract %slice3A_663[0] : f32 from vector<1xf32>
          %add3A_665 = arith.constant 2 : i32
          %add3A_666 = arith.addi %mul3A_532, %add3A_665 : i32
          %get3A_667 = arith.index_cast %add3A_666 : i32 to index
          %get3A_668 = arith.constant 0 : index
          %get3A_669 = tpu.vector_load %arg10[%get3A_667, %get3A_668] {strides = array<i32>} : memref<200x64xf32, #tpu.memory_space<vmem>>, vector<1x16xf32>,
          %get3A_670 = vector.shape_cast %get3A_669 : vector<1x16xf32> to vector<16xf32>
          %mul3A_671 = vector.broadcast %squeeze3A_664 : f32 to vector<16xf32>
          %mul3A_672 = arith.mulf %get3A_670, %mul3A_671 : vector<16xf32>
          %add3A_673 = arith.constant 2 : i32
          %add3A_674 = arith.addi %mul3A_532, %add3A_673 : i32
          %swap3A_675 = arith.index_cast %add3A_674 : i32 to index
          %swap3A_676 = arith.constant 0 : index
          %swap3A_677 = tpu.vector_load %arg10[%swap3A_675, %swap3A_676] {strides = array<i32>} : memref<200x64xf32, #tpu.memory_space<vmem>>, vector<1x16xf32>,
          %swap3A_678 = vector.shape_cast %swap3A_677 : vector<1x16xf32> to vector<16xf32>
          %swap3A_679 = vector.shape_cast %mul3A_672 : vector<16xf32> to vector<1x16xf32>
          tpu.vector_store %arg10[%swap3A_675, %swap3A_676], %swap3A_679 {strides = array<i32>} : memref<200x64xf32, #tpu.memory_space<vmem>>, vector<1x16xf32>,
          %add3A_680 = arith.constant 2 : i32
          %add3A_681 = arith.addi %mul3A_532, %add3A_680 : i32
          %get3A_682 = arith.index_cast %add3A_681 : i32 to index
          %get3A_683 = arith.constant 16 : index
          %get3A_684 = tpu.vector_load %arg10[%get3A_682, %get3A_683] {strides = array<i32>} : memref<200x64xf32, #tpu.memory_space<vmem>>, vector<1x16xf32>,
          %get3A_685 = vector.shape_cast %get3A_684 : vector<1x16xf32> to vector<16xf32>
          %mul3A_686 = vector.broadcast %squeeze3A_664 : f32 to vector<16xf32>
          %mul3A_687 = arith.mulf %get3A_685, %mul3A_686 : vector<16xf32>
          %add3A_688 = arith.constant 2 : i32
          %add3A_689 = arith.addi %mul3A_532, %add3A_688 : i32
          %swap3A_690 = arith.index_cast %add3A_689 : i32 to index
          %swap3A_691 = arith.constant 16 : index
          %swap3A_692 = tpu.vector_load %arg10[%swap3A_690, %swap3A_691] {strides = array<i32>} : memref<200x64xf32, #tpu.memory_space<vmem>>, vector<1x16xf32>,
          %swap3A_693 = vector.shape_cast %swap3A_692 : vector<1x16xf32> to vector<16xf32>
          %swap3A_694 = vector.shape_cast %mul3A_687 : vector<16xf32> to vector<1x16xf32>
          tpu.vector_store %arg10[%swap3A_690, %swap3A_691], %swap3A_694 {strides = array<i32>} : memref<200x64xf32, #tpu.memory_space<vmem>>, vector<1x16xf32>,
          %add3A_695 = arith.constant 2 : i32
          %add3A_696 = arith.addi %mul3A_532, %add3A_695 : i32
          %get3A_697 = arith.index_cast %add3A_696 : i32 to index
          %get3A_698 = arith.constant 32 : index
          %get3A_699 = tpu.vector_load %arg10[%get3A_697, %get3A_698] {strides = array<i32>} : memref<200x64xf32, #tpu.memory_space<vmem>>, vector<1x16xf32>,
          %get3A_700 = vector.shape_cast %get3A_699 : vector<1x16xf32> to vector<16xf32>
          %mul3A_701 = vector.broadcast %squeeze3A_664 : f32 to vector<16xf32>
          %mul3A_702 = arith.mulf %get3A_700, %mul3A_701 : vector<16xf32>
          %add3A_703 = arith.constant 2 : i32
          %add3A_704 = arith.addi %mul3A_532, %add3A_703 : i32
          %swap3A_705 = arith.index_cast %add3A_704 : i32 to index
          %swap3A_706 = arith.constant 32 : index
          %swap3A_707 = tpu.vector_load %arg10[%swap3A_705, %swap3A_706] {strides = array<i32>} : memref<200x64xf32, #tpu.memory_space<vmem>>, vector<1x16xf32>,
          %swap3A_708 = vector.shape_cast %swap3A_707 : vector<1x16xf32> to vector<16xf32>
          %swap3A_709 = vector.shape_cast %mul3A_702 : vector<16xf32> to vector<1x16xf32>
          tpu.vector_store %arg10[%swap3A_705, %swap3A_706], %swap3A_709 {strides = array<i32>} : memref<200x64xf32, #tpu.memory_space<vmem>>, vector<1x16xf32>,
          %add3A_710 = arith.constant 2 : i32
          %add3A_711 = arith.addi %mul3A_532, %add3A_710 : i32
          %get3A_712 = arith.index_cast %add3A_711 : i32 to index
          %get3A_713 = arith.constant 48 : index
          %get3A_714 = tpu.vector_load %arg10[%get3A_712, %get3A_713] {strides = array<i32>} : memref<200x64xf32, #tpu.memory_space<vmem>>, vector<1x16xf32>,
          %get3A_715 = vector.shape_cast %get3A_714 : vector<1x16xf32> to vector<16xf32>
          %mul3A_716 = vector.broadcast %squeeze3A_664 : f32 to vector<16xf32>
          %mul3A_717 = arith.mulf %get3A_715, %mul3A_716 : vector<16xf32>
          %add3A_718 = arith.constant 2 : i32
          %add3A_719 = arith.addi %mul3A_532, %add3A_718 : i32
          %swap3A_720 = arith.index_cast %add3A_719 : i32 to index
          %swap3A_721 = arith.constant 48 : index
          %swap3A_722 = tpu.vector_load %arg10[%swap3A_720, %swap3A_721] {strides = array<i32>} : memref<200x64xf32, #tpu.memory_space<vmem>>, vector<1x16xf32>,
          %swap3A_723 = vector.shape_cast %swap3A_722 : vector<1x16xf32> to vector<16xf32>
          %swap3A_724 = vector.shape_cast %mul3A_717 : vector<16xf32> to vector<1x16xf32>
          tpu.vector_store %arg10[%swap3A_720, %swap3A_721], %swap3A_724 {strides = array<i32>} : memref<200x64xf32, #tpu.memory_space<vmem>>, vector<1x16xf32>,
          %slice3A_725 = vector.extract_strided_slice %get3A_538 {offsets = [3], sizes = [1], strides = [1]} : vector<16xf32> to vector<1xf32>
          %squeeze3A_726 = vector.extract %slice3A_725[0] : f32 from vector<1xf32>
          %add3A_727 = arith.constant 3 : i32
          %add3A_728 = arith.addi %mul3A_532, %add3A_727 : i32
          %get3A_729 = arith.index_cast %add3A_728 : i32 to index
          %get3A_730 = arith.constant 0 : index
          %get3A_731 = tpu.vector_load %arg10[%get3A_729, %get3A_730] {strides = array<i32>} : memref<200x64xf32, #tpu.memory_space<vmem>>, vector<1x16xf32>,
          %get3A_732 = vector.shape_cast %get3A_731 : vector<1x16xf32> to vector<16xf32>
          %mul3A_733 = vector.broadcast %squeeze3A_726 : f32 to vector<16xf32>
          %mul3A_734 = arith.mulf %get3A_732, %mul3A_733 : vector<16xf32>
          %add3A_735 = arith.constant 3 : i32
          %add3A_736 = arith.addi %mul3A_532, %add3A_735 : i32
          %swap3A_737 = arith.index_cast %add3A_736 : i32 to index
          %swap3A_738 = arith.constant 0 : index
          %swap3A_739 = tpu.vector_load %arg10[%swap3A_737, %swap3A_738] {strides = array<i32>} : memref<200x64xf32, #tpu.memory_space<vmem>>, vector<1x16xf32>,
          %swap3A_740 = vector.shape_cast %swap3A_739 : vector<1x16xf32> to vector<16xf32>
          %swap3A_741 = vector.shape_cast %mul3A_734 : vector<16xf32> to vector<1x16xf32>
          tpu.vector_store %arg10[%swap3A_737, %swap3A_738], %swap3A_741 {strides = array<i32>} : memref<200x64xf32, #tpu.memory_space<vmem>>, vector<1x16xf32>,
          %add3A_742 = arith.constant 3 : i32
          %add3A_743 = arith.addi %mul3A_532, %add3A_742 : i32
          %get3A_744 = arith.index_cast %add3A_743 : i32 to index
          %get3A_745 = arith.constant 16 : index
          %get3A_746 = tpu.vector_load %arg10[%get3A_744, %get3A_745] {strides = array<i32>} : memref<200x64xf32, #tpu.memory_space<vmem>>, vector<1x16xf32>,
          %get3A_747 = vector.shape_cast %get3A_746 : vector<1x16xf32> to vector<16xf32>
          %mul3A_748 = vector.broadcast %squeeze3A_726 : f32 to vector<16xf32>
          %mul3A_749 = arith.mulf %get3A_747, %mul3A_748 : vector<16xf32>
          %add3A_750 = arith.constant 3 : i32
          %add3A_751 = arith.addi %mul3A_532, %add3A_750 : i32
          %swap3A_752 = arith.index_cast %add3A_751 : i32 to index
          %swap3A_753 = arith.constant 16 : index
          %swap3A_754 = tpu.vector_load %arg10[%swap3A_752, %swap3A_753] {strides = array<i32>} : memref<200x64xf32, #tpu.memory_space<vmem>>, vector<1x16xf32>,
          %swap3A_755 = vector.shape_cast %swap3A_754 : vector<1x16xf32> to vector<16xf32>
          %swap3A_756 = vector.shape_cast %mul3A_749 : vector<16xf32> to vector<1x16xf32>
          tpu.vector_store %arg10[%swap3A_752, %swap3A_753], %swap3A_756 {strides = array<i32>} : memref<200x64xf32, #tpu.memory_space<vmem>>, vector<1x16xf32>,
          %add3A_757 = arith.constant 3 : i32
          %add3A_758 = arith.addi %mul3A_532, %add3A_757 : i32
          %get3A_759 = arith.index_cast %add3A_758 : i32 to index
          %get3A_760 = arith.constant 32 : index
          %get3A_761 = tpu.vector_load %arg10[%get3A_759, %get3A_760] {strides = array<i32>} : memref<200x64xf32, #tpu.memory_space<vmem>>, vector<1x16xf32>,
          %get3A_762 = vector.shape_cast %get3A_761 : vector<1x16xf32> to vector<16xf32>
          %mul3A_763 = vector.broadcast %squeeze3A_726 : f32 to vector<16xf32>
          %mul3A_764 = arith.mulf %get3A_762, %mul3A_763 : vector<16xf32>
          %add3A_765 = arith.constant 3 : i32
          %add3A_766 = arith.addi %mul3A_532, %add3A_765 : i32
          %swap3A_767 = arith.index_cast %add3A_766 : i32 to index
          %swap3A_768 = arith.constant 32 : index
          %swap3A_769 = tpu.vector_load %arg10[%swap3A_767, %swap3A_768] {strides = array<i32>} : memref<200x64xf32, #tpu.memory_space<vmem>>, vector<1x16xf32>,
          %swap3A_770 = vector.shape_cast %swap3A_769 : vector<1x16xf32> to vector<16xf32>
          %swap3A_771 = vector.shape_cast %mul3A_764 : vector<16xf32> to vector<1x16xf32>
          tpu.vector_store %arg10[%swap3A_767, %swap3A_768], %swap3A_771 {strides = array<i32>} : memref<200x64xf32, #tpu.memory_space<vmem>>, vector<1x16xf32>,
          %add3A_772 = arith.constant 3 : i32
          %add3A_773 = arith.addi %mul3A_532, %add3A_772 : i32
          %get3A_774 = arith.index_cast %add3A_773 : i32 to index
          %get3A_775 = arith.constant 48 : index
          %get3A_776 = tpu.vector_load %arg10[%get3A_774, %get3A_775] {strides = array<i32>} : memref<200x64xf32, #tpu.memory_space<vmem>>, vector<1x16xf32>,
          %get3A_777 = vector.shape_cast %get3A_776 : vector<1x16xf32> to vector<16xf32>
          %mul3A_778 = vector.broadcast %squeeze3A_726 : f32 to vector<16xf32>
          %mul3A_779 = arith.mulf %get3A_777, %mul3A_778 : vector<16xf32>
          %add3A_780 = arith.constant 3 : i32
          %add3A_781 = arith.addi %mul3A_532, %add3A_780 : i32
          %swap3A_782 = arith.index_cast %add3A_781 : i32 to index
          %swap3A_783 = arith.constant 48 : index
          %swap3A_784 = tpu.vector_load %arg10[%swap3A_782, %swap3A_783] {strides = array<i32>} : memref<200x64xf32, #tpu.memory_space<vmem>>, vector<1x16xf32>,
          %swap3A_785 = vector.shape_cast %swap3A_784 : vector<1x16xf32> to vector<16xf32>
          %swap3A_786 = vector.shape_cast %mul3A_779 : vector<16xf32> to vector<1x16xf32>
          tpu.vector_store %arg10[%swap3A_782, %swap3A_783], %swap3A_786 {strides = array<i32>} : memref<200x64xf32, #tpu.memory_space<vmem>>, vector<1x16xf32>,
          %slice3A_787 = vector.extract_strided_slice %get3A_538 {offsets = [4], sizes = [1], strides = [1]} : vector<16xf32> to vector<1xf32>
          %squeeze3A_788 = vector.extract %slice3A_787[0] : f32 from vector<1xf32>
          %add3A_789 = arith.constant 4 : i32
          %add3A_790 = arith.addi %mul3A_532, %add3A_789 : i32
          %get3A_791 = arith.index_cast %add3A_790 : i32 to index
          %get3A_792 = arith.constant 0 : index
          %get3A_793 = tpu.vector_load %arg10[%get3A_791, %get3A_792] {strides = array<i32>} : memref<200x64xf32, #tpu.memory_space<vmem>>, vector<1x16xf32>,
          %get3A_794 = vector.shape_cast %get3A_793 : vector<1x16xf32> to vector<16xf32>
          %mul3A_795 = vector.broadcast %squeeze3A_788 : f32 to vector<16xf32>
          %mul3A_796 = arith.mulf %get3A_794, %mul3A_795 : vector<16xf32>
          %add3A_797 = arith.constant 4 : i32
          %add3A_798 = arith.addi %mul3A_532, %add3A_797 : i32
          %swap3A_799 = arith.index_cast %add3A_798 : i32 to index
          %swap3A_800 = arith.constant 0 : index
          %swap3A_801 = tpu.vector_load %arg10[%swap3A_799, %swap3A_800] {strides = array<i32>} : memref<200x64xf32, #tpu.memory_space<vmem>>, vector<1x16xf32>,
          %swap3A_802 = vector.shape_cast %swap3A_801 : vector<1x16xf32> to vector<16xf32>
          %swap3A_803 = vector.shape_cast %mul3A_796 : vector<16xf32> to vector<1x16xf32>
          tpu.vector_store %arg10[%swap3A_799, %swap3A_800], %swap3A_803 {strides = array<i32>} : memref<200x64xf32, #tpu.memory_space<vmem>>, vector<1x16xf32>,
          %add3A_804 = arith.constant 4 : i32
          %add3A_805 = arith.addi %mul3A_532, %add3A_804 : i32
          %get3A_806 = arith.index_cast %add3A_805 : i32 to index
          %get3A_807 = arith.constant 16 : index
          %get3A_808 = tpu.vector_load %arg10[%get3A_806, %get3A_807] {strides = array<i32>} : memref<200x64xf32, #tpu.memory_space<vmem>>, vector<1x16xf32>,
          %get3A_809 = vector.shape_cast %get3A_808 : vector<1x16xf32> to vector<16xf32>
          %mul3A_810 = vector.broadcast %squeeze3A_788 : f32 to vector<16xf32>
          %mul3A_811 = arith.mulf %get3A_809, %mul3A_810 : vector<16xf32>
          %add3A_812 = arith.constant 4 : i32
          %add3A_813 = arith.addi %mul3A_532, %add3A_812 : i32
          %swap3A_814 = arith.index_cast %add3A_813 : i32 to index
          %swap3A_815 = arith.constant 16 : index
          %swap3A_816 = tpu.vector_load %arg10[%swap3A_814, %swap3A_815] {strides = array<i32>} : memref<200x64xf32, #tpu.memory_space<vmem>>, vector<1x16xf32>,
          %swap3A_817 = vector.shape_cast %swap3A_816 : vector<1x16xf32> to vector<16xf32>
          %swap3A_818 = vector.shape_cast %mul3A_811 : vector<16xf32> to vector<1x16xf32>
          tpu.vector_store %arg10[%swap3A_814, %swap3A_815], %swap3A_818 {strides = array<i32>} : memref<200x64xf32, #tpu.memory_space<vmem>>, vector<1x16xf32>,
          %add3A_819 = arith.constant 4 : i32
          %add3A_820 = arith.addi %mul3A_532, %add3A_819 : i32
          %get3A_821 = arith.index_cast %add3A_820 : i32 to index
          %get3A_822 = arith.constant 32 : index
          %get3A_823 = tpu.vector_load %arg10[%get3A_821, %get3A_822] {strides = array<i32>} : memref<200x64xf32, #tpu.memory_space<vmem>>, vector<1x16xf32>,
          %get3A_824 = vector.shape_cast %get3A_823 : vector<1x16xf32> to vector<16xf32>
          %mul3A_825 = vector.broadcast %squeeze3A_788 : f32 to vector<16xf32>
          %mul3A_826 = arith.mulf %get3A_824, %mul3A_825 : vector<16xf32>
          %add3A_827 = arith.constant 4 : i32
          %add3A_828 = arith.addi %mul3A_532, %add3A_827 : i32
          %swap3A_829 = arith.index_cast %add3A_828 : i32 to index
          %swap3A_830 = arith.constant 32 : index
          %swap3A_831 = tpu.vector_load %arg10[%swap3A_829, %swap3A_830] {strides = array<i32>} : memref<200x64xf32, #tpu.memory_space<vmem>>, vector<1x16xf32>,
          %swap3A_832 = vector.shape_cast %swap3A_831 : vector<1x16xf32> to vector<16xf32>
          %swap3A_833 = vector.shape_cast %mul3A_826 : vector<16xf32> to vector<1x16xf32>
          tpu.vector_store %arg10[%swap3A_829, %swap3A_830], %swap3A_833 {strides = array<i32>} : memref<200x64xf32, #tpu.memory_space<vmem>>, vector<1x16xf32>,
          %add3A_834 = arith.constant 4 : i32
          %add3A_835 = arith.addi %mul3A_532, %add3A_834 : i32
          %get3A_836 = arith.index_cast %add3A_835 : i32 to index
          %get3A_837 = arith.constant 48 : index
          %get3A_838 = tpu.vector_load %arg10[%get3A_836, %get3A_837] {strides = array<i32>} : memref<200x64xf32, #tpu.memory_space<vmem>>, vector<1x16xf32>,
          %get3A_839 = vector.shape_cast %get3A_838 : vector<1x16xf32> to vector<16xf32>
          %mul3A_840 = vector.broadcast %squeeze3A_788 : f32 to vector<16xf32>
          %mul3A_841 = arith.mulf %get3A_839, %mul3A_840 : vector<16xf32>
          %add3A_842 = arith.constant 4 : i32
          %add3A_843 = arith.addi %mul3A_532, %add3A_842 : i32
          %swap3A_844 = arith.index_cast %add3A_843 : i32 to index
          %swap3A_845 = arith.constant 48 : index
          %swap3A_846 = tpu.vector_load %arg10[%swap3A_844, %swap3A_845] {strides = array<i32>} : memref<200x64xf32, #tpu.memory_space<vmem>>, vector<1x16xf32>,
          %swap3A_847 = vector.shape_cast %swap3A_846 : vector<1x16xf32> to vector<16xf32>
          %swap3A_848 = vector.shape_cast %mul3A_841 : vector<16xf32> to vector<1x16xf32>
          tpu.vector_store %arg10[%swap3A_844, %swap3A_845], %swap3A_848 {strides = array<i32>} : memref<200x64xf32, #tpu.memory_space<vmem>>, vector<1x16xf32>,
          %slice3A_849 = vector.extract_strided_slice %get3A_538 {offsets = [5], sizes = [1], strides = [1]} : vector<16xf32> to vector<1xf32>
          %squeeze3A_850 = vector.extract %slice3A_849[0] : f32 from vector<1xf32>
          %add3A_851 = arith.constant 5 : i32
          %add3A_852 = arith.addi %mul3A_532, %add3A_851 : i32
          %get3A_853 = arith.index_cast %add3A_852 : i32 to index
          %get3A_854 = arith.constant 0 : index
          %get3A_855 = tpu.vector_load %arg10[%get3A_853, %get3A_854] {strides = array<i32>} : memref<200x64xf32, #tpu.memory_space<vmem>>, vector<1x16xf32>,
          %get3A_856 = vector.shape_cast %get3A_855 : vector<1x16xf32> to vector<16xf32>
          %mul3A_857 = vector.broadcast %squeeze3A_850 : f32 to vector<16xf32>
          %mul3A_858 = arith.mulf %get3A_856, %mul3A_857 : vector<16xf32>
          %add3A_859 = arith.constant 5 : i32
          %add3A_860 = arith.addi %mul3A_532, %add3A_859 : i32
          %swap3A_861 = arith.index_cast %add3A_860 : i32 to index
          %swap3A_862 = arith.constant 0 : index
          %swap3A_863 = tpu.vector_load %arg10[%swap3A_861, %swap3A_862] {strides = array<i32>} : memref<200x64xf32, #tpu.memory_space<vmem>>, vector<1x16xf32>,
          %swap3A_864 = vector.shape_cast %swap3A_863 : vector<1x16xf32> to vector<16xf32>
          %swap3A_865 = vector.shape_cast %mul3A_858 : vector<16xf32> to vector<1x16xf32>
          tpu.vector_store %arg10[%swap3A_861, %swap3A_862], %swap3A_865 {strides = array<i32>} : memref<200x64xf32, #tpu.memory_space<vmem>>, vector<1x16xf32>,
          %add3A_866 = arith.constant 5 : i32
          %add3A_867 = arith.addi %mul3A_532, %add3A_866 : i32
          %get3A_868 = arith.index_cast %add3A_867 : i32 to index
          %get3A_869 = arith.constant 16 : index
          %get3A_870 = tpu.vector_load %arg10[%get3A_868, %get3A_869] {strides = array<i32>} : memref<200x64xf32, #tpu.memory_space<vmem>>, vector<1x16xf32>,
          %get3A_871 = vector.shape_cast %get3A_870 : vector<1x16xf32> to vector<16xf32>
          %mul3A_872 = vector.broadcast %squeeze3A_850 : f32 to vector<16xf32>
          %mul3A_873 = arith.mulf %get3A_871, %mul3A_872 : vector<16xf32>
          %add3A_874 = arith.constant 5 : i32
          %add3A_875 = arith.addi %mul3A_532, %add3A_874 : i32
          %swap3A_876 = arith.index_cast %add3A_875 : i32 to index
          %swap3A_877 = arith.constant 16 : index
          %swap3A_878 = tpu.vector_load %arg10[%swap3A_876, %swap3A_877] {strides = array<i32>} : memref<200x64xf32, #tpu.memory_space<vmem>>, vector<1x16xf32>,
          %swap3A_879 = vector.shape_cast %swap3A_878 : vector<1x16xf32> to vector<16xf32>
          %swap3A_880 = vector.shape_cast %mul3A_873 : vector<16xf32> to vector<1x16xf32>
          tpu.vector_store %arg10[%swap3A_876, %swap3A_877], %swap3A_880 {strides = array<i32>} : memref<200x64xf32, #tpu.memory_space<vmem>>, vector<1x16xf32>,
          %add3A_881 = arith.constant 5 : i32
          %add3A_882 = arith.addi %mul3A_532, %add3A_881 : i32
          %get3A_883 = arith.index_cast %add3A_882 : i32 to index
          %get3A_884 = arith.constant 32 : index
          %get3A_885 = tpu.vector_load %arg10[%get3A_883, %get3A_884] {strides = array<i32>} : memref<200x64xf32, #tpu.memory_space<vmem>>, vector<1x16xf32>,
          %get3A_886 = vector.shape_cast %get3A_885 : vector<1x16xf32> to vector<16xf32>
          %mul3A_887 = vector.broadcast %squeeze3A_850 : f32 to vector<16xf32>
          %mul3A_888 = arith.mulf %get3A_886, %mul3A_887 : vector<16xf32>
          %add3A_889 = arith.constant 5 : i32
          %add3A_890 = arith.addi %mul3A_532, %add3A_889 : i32
          %swap3A_891 = arith.index_cast %add3A_890 : i32 to index
          %swap3A_892 = arith.constant 32 : index
          %swap3A_893 = tpu.vector_load %arg10[%swap3A_891, %swap3A_892] {strides = array<i32>} : memref<200x64xf32, #tpu.memory_space<vmem>>, vector<1x16xf32>,
          %swap3A_894 = vector.shape_cast %swap3A_893 : vector<1x16xf32> to vector<16xf32>
          %swap3A_895 = vector.shape_cast %mul3A_888 : vector<16xf32> to vector<1x16xf32>
          tpu.vector_store %arg10[%swap3A_891, %swap3A_892], %swap3A_895 {strides = array<i32>} : memref<200x64xf32, #tpu.memory_space<vmem>>, vector<1x16xf32>,
          %add3A_896 = arith.constant 5 : i32
          %add3A_897 = arith.addi %mul3A_532, %add3A_896 : i32
          %get3A_898 = arith.index_cast %add3A_897 : i32 to index
          %get3A_899 = arith.constant 48 : index
          %get3A_900 = tpu.vector_load %arg10[%get3A_898, %get3A_899] {strides = array<i32>} : memref<200x64xf32, #tpu.memory_space<vmem>>, vector<1x16xf32>,
          %get3A_901 = vector.shape_cast %get3A_900 : vector<1x16xf32> to vector<16xf32>
          %mul3A_902 = vector.broadcast %squeeze3A_850 : f32 to vector<16xf32>
          %mul3A_903 = arith.mulf %get3A_901, %mul3A_902 : vector<16xf32>
          %add3A_904 = arith.constant 5 : i32
          %add3A_905 = arith.addi %mul3A_532, %add3A_904 : i32
          %swap3A_906 = arith.index_cast %add3A_905 : i32 to index
          %swap3A_907 = arith.constant 48 : index
          %swap3A_908 = tpu.vector_load %arg10[%swap3A_906, %swap3A_907] {strides = array<i32>} : memref<200x64xf32, #tpu.memory_space<vmem>>, vector<1x16xf32>,
          %swap3A_909 = vector.shape_cast %swap3A_908 : vector<1x16xf32> to vector<16xf32>
          %swap3A_910 = vector.shape_cast %mul3A_903 : vector<16xf32> to vector<1x16xf32>
          tpu.vector_store %arg10[%swap3A_906, %swap3A_907], %swap3A_910 {strides = array<i32>} : memref<200x64xf32, #tpu.memory_space<vmem>>, vector<1x16xf32>,
          %slice3A_911 = vector.extract_strided_slice %get3A_538 {offsets = [6], sizes = [1], strides = [1]} : vector<16xf32> to vector<1xf32>
          %squeeze3A_912 = vector.extract %slice3A_911[0] : f32 from vector<1xf32>
          %add3A_913 = arith.constant 6 : i32
          %add3A_914 = arith.addi %mul3A_532, %add3A_913 : i32
          %get3A_915 = arith.index_cast %add3A_914 : i32 to index
          %get3A_916 = arith.constant 0 : index
          %get3A_917 = tpu.vector_load %arg10[%get3A_915, %get3A_916] {strides = array<i32>} : memref<200x64xf32, #tpu.memory_space<vmem>>, vector<1x16xf32>,
          %get3A_918 = vector.shape_cast %get3A_917 : vector<1x16xf32> to vector<16xf32>
          %mul3A_919 = vector.broadcast %squeeze3A_912 : f32 to vector<16xf32>
          %mul3A_920 = arith.mulf %get3A_918, %mul3A_919 : vector<16xf32>
          %add3A_921 = arith.constant 6 : i32
          %add3A_922 = arith.addi %mul3A_532, %add3A_921 : i32
          %swap3A_923 = arith.index_cast %add3A_922 : i32 to index
          %swap3A_924 = arith.constant 0 : index
          %swap3A_925 = tpu.vector_load %arg10[%swap3A_923, %swap3A_924] {strides = array<i32>} : memref<200x64xf32, #tpu.memory_space<vmem>>, vector<1x16xf32>,
          %swap3A_926 = vector.shape_cast %swap3A_925 : vector<1x16xf32> to vector<16xf32>
          %swap3A_927 = vector.shape_cast %mul3A_920 : vector<16xf32> to vector<1x16xf32>
          tpu.vector_store %arg10[%swap3A_923, %swap3A_924], %swap3A_927 {strides = array<i32>} : memref<200x64xf32, #tpu.memory_space<vmem>>, vector<1x16xf32>,
          %add3A_928 = arith.constant 6 : i32
          %add3A_929 = arith.addi %mul3A_532, %add3A_928 : i32
          %get3A_930 = arith.index_cast %add3A_929 : i32 to index
          %get3A_931 = arith.constant 16 : index
          %get3A_932 = tpu.vector_load %arg10[%get3A_930, %get3A_931] {strides = array<i32>} : memref<200x64xf32, #tpu.memory_space<vmem>>, vector<1x16xf32>,
          %get3A_933 = vector.shape_cast %get3A_932 : vector<1x16xf32> to vector<16xf32>
          %mul3A_934 = vector.broadcast %squeeze3A_912 : f32 to vector<16xf32>
          %mul3A_935 = arith.mulf %get3A_933, %mul3A_934 : vector<16xf32>
          %add3A_936 = arith.constant 6 : i32
          %add3A_937 = arith.addi %mul3A_532, %add3A_936 : i32
          %swap3A_938 = arith.index_cast %add3A_937 : i32 to index
          %swap3A_939 = arith.constant 16 : index
          %swap3A_940 = tpu.vector_load %arg10[%swap3A_938, %swap3A_939] {strides = array<i32>} : memref<200x64xf32, #tpu.memory_space<vmem>>, vector<1x16xf32>,
          %swap3A_941 = vector.shape_cast %swap3A_940 : vector<1x16xf32> to vector<16xf32>
          %swap3A_942 = vector.shape_cast %mul3A_935 : vector<16xf32> to vector<1x16xf32>
          tpu.vector_store %arg10[%swap3A_938, %swap3A_939], %swap3A_942 {strides = array<i32>} : memref<200x64xf32, #tpu.memory_space<vmem>>, vector<1x16xf32>,
          %add3A_943 = arith.constant 6 : i32
          %add3A_944 = arith.addi %mul3A_532, %add3A_943 : i32
          %get3A_945 = arith.index_cast %add3A_944 : i32 to index
          %get3A_946 = arith.constant 32 : index
          %get3A_947 = tpu.vector_load %arg10[%get3A_945, %get3A_946] {strides = array<i32>} : memref<200x64xf32, #tpu.memory_space<vmem>>, vector<1x16xf32>,
          %get3A_948 = vector.shape_cast %get3A_947 : vector<1x16xf32> to vector<16xf32>
          %mul3A_949 = vector.broadcast %squeeze3A_912 : f32 to vector<16xf32>
          %mul3A_950 = arith.mulf %get3A_948, %mul3A_949 : vector<16xf32>
          %add3A_951 = arith.constant 6 : i32
          %add3A_952 = arith.addi %mul3A_532, %add3A_951 : i32
          %swap3A_953 = arith.index_cast %add3A_952 : i32 to index
          %swap3A_954 = arith.constant 32 : index
          %swap3A_955 = tpu.vector_load %arg10[%swap3A_953, %swap3A_954] {strides = array<i32>} : memref<200x64xf32, #tpu.memory_space<vmem>>, vector<1x16xf32>,
          %swap3A_956 = vector.shape_cast %swap3A_955 : vector<1x16xf32> to vector<16xf32>
          %swap3A_957 = vector.shape_cast %mul3A_950 : vector<16xf32> to vector<1x16xf32>
          tpu.vector_store %arg10[%swap3A_953, %swap3A_954], %swap3A_957 {strides = array<i32>} : memref<200x64xf32, #tpu.memory_space<vmem>>, vector<1x16xf32>,
          %add3A_958 = arith.constant 6 : i32
          %add3A_959 = arith.addi %mul3A_532, %add3A_958 : i32
          %get3A_960 = arith.index_cast %add3A_959 : i32 to index
          %get3A_961 = arith.constant 48 : index
          %get3A_962 = tpu.vector_load %arg10[%get3A_960, %get3A_961] {strides = array<i32>} : memref<200x64xf32, #tpu.memory_space<vmem>>, vector<1x16xf32>,
          %get3A_963 = vector.shape_cast %get3A_962 : vector<1x16xf32> to vector<16xf32>
          %mul3A_964 = vector.broadcast %squeeze3A_912 : f32 to vector<16xf32>
          %mul3A_965 = arith.mulf %get3A_963, %mul3A_964 : vector<16xf32>
          %add3A_966 = arith.constant 6 : i32
          %add3A_967 = arith.addi %mul3A_532, %add3A_966 : i32
          %swap3A_968 = arith.index_cast %add3A_967 : i32 to index
          %swap3A_969 = arith.constant 48 : index
          %swap3A_970 = tpu.vector_load %arg10[%swap3A_968, %swap3A_969] {strides = array<i32>} : memref<200x64xf32, #tpu.memory_space<vmem>>, vector<1x16xf32>,
          %swap3A_971 = vector.shape_cast %swap3A_970 : vector<1x16xf32> to vector<16xf32>
          %swap3A_972 = vector.shape_cast %mul3A_965 : vector<16xf32> to vector<1x16xf32>
          tpu.vector_store %arg10[%swap3A_968, %swap3A_969], %swap3A_972 {strides = array<i32>} : memref<200x64xf32, #tpu.memory_space<vmem>>, vector<1x16xf32>,
          %slice3A_973 = vector.extract_strided_slice %get3A_538 {offsets = [7], sizes = [1], strides = [1]} : vector<16xf32> to vector<1xf32>
          %squeeze3A_974 = vector.extract %slice3A_973[0] : f32 from vector<1xf32>
          %add3A_975 = arith.constant 7 : i32
          %add3A_976 = arith.addi %mul3A_532, %add3A_975 : i32
          %get3A_977 = arith.index_cast %add3A_976 : i32 to index
          %get3A_978 = arith.constant 0 : index
          %get3A_979 = tpu.vector_load %arg10[%get3A_977, %get3A_978] {strides = array<i32>} : memref<200x64xf32, #tpu.memory_space<vmem>>, vector<1x16xf32>,
          %get3A_980 = vector.shape_cast %get3A_979 : vector<1x16xf32> to vector<16xf32>
          %mul3A_981 = vector.broadcast %squeeze3A_974 : f32 to vector<16xf32>
          %mul3A_982 = arith.mulf %get3A_980, %mul3A_981 : vector<16xf32>
          %add3A_983 = arith.constant 7 : i32
          %add3A_984 = arith.addi %mul3A_532, %add3A_983 : i32
          %swap3A_985 = arith.index_cast %add3A_984 : i32 to index
          %swap3A_986 = arith.constant 0 : index
          %swap3A_987 = tpu.vector_load %arg10[%swap3A_985, %swap3A_986] {strides = array<i32>} : memref<200x64xf32, #tpu.memory_space<vmem>>, vector<1x16xf32>,
          %swap3A_988 = vector.shape_cast %swap3A_987 : vector<1x16xf32> to vector<16xf32>
          %swap3A_989 = vector.shape_cast %mul3A_982 : vector<16xf32> to vector<1x16xf32>
          tpu.vector_store %arg10[%swap3A_985, %swap3A_986], %swap3A_989 {strides = array<i32>} : memref<200x64xf32, #tpu.memory_space<vmem>>, vector<1x16xf32>,
          %add3A_990 = arith.constant 7 : i32
          %add3A_991 = arith.addi %mul3A_532, %add3A_990 : i32
          %get3A_992 = arith.index_cast %add3A_991 : i32 to index
          %get3A_993 = arith.constant 16 : index
          %get3A_994 = tpu.vector_load %arg10[%get3A_992, %get3A_993] {strides = array<i32>} : memref<200x64xf32, #tpu.memory_space<vmem>>, vector<1x16xf32>,
          %get3A_995 = vector.shape_cast %get3A_994 : vector<1x16xf32> to vector<16xf32>
          %mul3A_996 = vector.broadcast %squeeze3A_974 : f32 to vector<16xf32>
          %mul3A_997 = arith.mulf %get3A_995, %mul3A_996 : vector<16xf32>
          %add3A_998 = arith.constant 7 : i32
          %add3A_999 = arith.addi %mul3A_532, %add3A_998 : i32
          %swap3A_1000 = arith.index_cast %add3A_999 : i32 to index
          %swap3A_1001 = arith.constant 16 : index
          %swap3A_1002 = tpu.vector_load %arg10[%swap3A_1000, %swap3A_1001] {strides = array<i32>} : memref<200x64xf32, #tpu.memory_space<vmem>>, vector<1x16xf32>,
          %swap3A_1003 = vector.shape_cast %swap3A_1002 : vector<1x16xf32> to vector<16xf32>
          %swap3A_1004 = vector.shape_cast %mul3A_997 : vector<16xf32> to vector<1x16xf32>
          tpu.vector_store %arg10[%swap3A_1000, %swap3A_1001], %swap3A_1004 {strides = array<i32>} : memref<200x64xf32, #tpu.memory_space<vmem>>, vector<1x16xf32>,
          %add3A_1005 = arith.constant 7 : i32
          %add3A_1006 = arith.addi %mul3A_532, %add3A_1005 : i32
          %get3A_1007 = arith.index_cast %add3A_1006 : i32 to index
          %get3A_1008 = arith.constant 32 : index
          %get3A_1009 = tpu.vector_load %arg10[%get3A_1007, %get3A_1008] {strides = array<i32>} : memref<200x64xf32, #tpu.memory_space<vmem>>, vector<1x16xf32>,
          %get3A_1010 = vector.shape_cast %get3A_1009 : vector<1x16xf32> to vector<16xf32>
          %mul3A_1011 = vector.broadcast %squeeze3A_974 : f32 to vector<16xf32>
          %mul3A_1012 = arith.mulf %get3A_1010, %mul3A_1011 : vector<16xf32>
          %add3A_1013 = arith.constant 7 : i32
          %add3A_1014 = arith.addi %mul3A_532, %add3A_1013 : i32
          %swap3A_1015 = arith.index_cast %add3A_1014 : i32 to index
          %swap3A_1016 = arith.constant 32 : index
          %swap3A_1017 = tpu.vector_load %arg10[%swap3A_1015, %swap3A_1016] {strides = array<i32>} : memref<200x64xf32, #tpu.memory_space<vmem>>, vector<1x16xf32>,
          %swap3A_1018 = vector.shape_cast %swap3A_1017 : vector<1x16xf32> to vector<16xf32>
          %swap3A_1019 = vector.shape_cast %mul3A_1012 : vector<16xf32> to vector<1x16xf32>
          tpu.vector_store %arg10[%swap3A_1015, %swap3A_1016], %swap3A_1019 {strides = array<i32>} : memref<200x64xf32, #tpu.memory_space<vmem>>, vector<1x16xf32>,
          %add3A_1020 = arith.constant 7 : i32
          %add3A_1021 = arith.addi %mul3A_532, %add3A_1020 : i32
          %get3A_1022 = arith.index_cast %add3A_1021 : i32 to index
          %get3A_1023 = arith.constant 48 : index
          %get3A_1024 = tpu.vector_load %arg10[%get3A_1022, %get3A_1023] {strides = array<i32>} : memref<200x64xf32, #tpu.memory_space<vmem>>, vector<1x16xf32>,
          %get3A_1025 = vector.shape_cast %get3A_1024 : vector<1x16xf32> to vector<16xf32>
          %mul3A_1026 = vector.broadcast %squeeze3A_974 : f32 to vector<16xf32>
          %mul3A_1027 = arith.mulf %get3A_1025, %mul3A_1026 : vector<16xf32>
          %add3A_1028 = arith.constant 7 : i32
          %add3A_1029 = arith.addi %mul3A_532, %add3A_1028 : i32
          %swap3A_1030 = arith.index_cast %add3A_1029 : i32 to index
          %swap3A_1031 = arith.constant 48 : index
          %swap3A_1032 = tpu.vector_load %arg10[%swap3A_1030, %swap3A_1031] {strides = array<i32>} : memref<200x64xf32, #tpu.memory_space<vmem>>, vector<1x16xf32>,
          %swap3A_1033 = vector.shape_cast %swap3A_1032 : vector<1x16xf32> to vector<16xf32>
          %swap3A_1034 = vector.shape_cast %mul3A_1027 : vector<16xf32> to vector<1x16xf32>
          tpu.vector_store %arg10[%swap3A_1030, %swap3A_1031], %swap3A_1034 {strides = array<i32>} : memref<200x64xf32, #tpu.memory_space<vmem>>, vector<1x16xf32>,
          %slice3A_1035 = vector.extract_strided_slice %get3A_538 {offsets = [8], sizes = [1], strides = [1]} : vector<16xf32> to vector<1xf32>
          %squeeze3A_1036 = vector.extract %slice3A_1035[0] : f32 from vector<1xf32>
          %add3A_1037 = arith.constant 8 : i32
          %add3A_1038 = arith.addi %mul3A_532, %add3A_1037 : i32
          %get3A_1039 = arith.index_cast %add3A_1038 : i32 to index
          %get3A_1040 = arith.constant 0 : index
          %get3A_1041 = tpu.vector_load %arg10[%get3A_1039, %get3A_1040] {strides = array<i32>} : memref<200x64xf32, #tpu.memory_space<vmem>>, vector<1x16xf32>,
          %get3A_1042 = vector.shape_cast %get3A_1041 : vector<1x16xf32> to vector<16xf32>
          %mul3A_1043 = vector.broadcast %squeeze3A_1036 : f32 to vector<16xf32>
          %mul3A_1044 = arith.mulf %get3A_1042, %mul3A_1043 : vector<16xf32>
          %add3A_1045 = arith.constant 8 : i32
          %add3A_1046 = arith.addi %mul3A_532, %add3A_1045 : i32
          %swap3A_1047 = arith.index_cast %add3A_1046 : i32 to index
          %swap3A_1048 = arith.constant 0 : index
          %swap3A_1049 = tpu.vector_load %arg10[%swap3A_1047, %swap3A_1048] {strides = array<i32>} : memref<200x64xf32, #tpu.memory_space<vmem>>, vector<1x16xf32>,
          %swap3A_1050 = vector.shape_cast %swap3A_1049 : vector<1x16xf32> to vector<16xf32>
          %swap3A_1051 = vector.shape_cast %mul3A_1044 : vector<16xf32> to vector<1x16xf32>
          tpu.vector_store %arg10[%swap3A_1047, %swap3A_1048], %swap3A_1051 {strides = array<i32>} : memref<200x64xf32, #tpu.memory_space<vmem>>, vector<1x16xf32>,
          %add3A_1052 = arith.constant 8 : i32
          %add3A_1053 = arith.addi %mul3A_532, %add3A_1052 : i32
          %get3A_1054 = arith.index_cast %add3A_1053 : i32 to index
          %get3A_1055 = arith.constant 16 : index
          %get3A_1056 = tpu.vector_load %arg10[%get3A_1054, %get3A_1055] {strides = array<i32>} : memref<200x64xf32, #tpu.memory_space<vmem>>, vector<1x16xf32>,
          %get3A_1057 = vector.shape_cast %get3A_1056 : vector<1x16xf32> to vector<16xf32>
          %mul3A_1058 = vector.broadcast %squeeze3A_1036 : f32 to vector<16xf32>
          %mul3A_1059 = arith.mulf %get3A_1057, %mul3A_1058 : vector<16xf32>
          %add3A_1060 = arith.constant 8 : i32
          %add3A_1061 = arith.addi %mul3A_532, %add3A_1060 : i32
          %swap3A_1062 = arith.index_cast %add3A_1061 : i32 to index
          %swap3A_1063 = arith.constant 16 : index
          %swap3A_1064 = tpu.vector_load %arg10[%swap3A_1062, %swap3A_1063] {strides = array<i32>} : memref<200x64xf32, #tpu.memory_space<vmem>>, vector<1x16xf32>,
          %swap3A_1065 = vector.shape_cast %swap3A_1064 : vector<1x16xf32> to vector<16xf32>
          %swap3A_1066 = vector.shape_cast %mul3A_1059 : vector<16xf32> to vector<1x16xf32>
          tpu.vector_store %arg10[%swap3A_1062, %swap3A_1063], %swap3A_1066 {strides = array<i32>} : memref<200x64xf32, #tpu.memory_space<vmem>>, vector<1x16xf32>,
          %add3A_1067 = arith.constant 8 : i32
          %add3A_1068 = arith.addi %mul3A_532, %add3A_1067 : i32
          %get3A_1069 = arith.index_cast %add3A_1068 : i32 to index
          %get3A_1070 = arith.constant 32 : index
          %get3A_1071 = tpu.vector_load %arg10[%get3A_1069, %get3A_1070] {strides = array<i32>} : memref<200x64xf32, #tpu.memory_space<vmem>>, vector<1x16xf32>,
          %get3A_1072 = vector.shape_cast %get3A_1071 : vector<1x16xf32> to vector<16xf32>
          %mul3A_1073 = vector.broadcast %squeeze3A_1036 : f32 to vector<16xf32>
          %mul3A_1074 = arith.mulf %get3A_1072, %mul3A_1073 : vector<16xf32>
          %add3A_1075 = arith.constant 8 : i32
          %add3A_1076 = arith.addi %mul3A_532, %add3A_1075 : i32
          %swap3A_1077 = arith.index_cast %add3A_1076 : i32 to index
          %swap3A_1078 = arith.constant 32 : index
          %swap3A_1079 = tpu.vector_load %arg10[%swap3A_1077, %swap3A_1078] {strides = array<i32>} : memref<200x64xf32, #tpu.memory_space<vmem>>, vector<1x16xf32>,
          %swap3A_1080 = vector.shape_cast %swap3A_1079 : vector<1x16xf32> to vector<16xf32>
          %swap3A_1081 = vector.shape_cast %mul3A_1074 : vector<16xf32> to vector<1x16xf32>
          tpu.vector_store %arg10[%swap3A_1077, %swap3A_1078], %swap3A_1081 {strides = array<i32>} : memref<200x64xf32, #tpu.memory_space<vmem>>, vector<1x16xf32>,
          %add3A_1082 = arith.constant 8 : i32
          %add3A_1083 = arith.addi %mul3A_532, %add3A_1082 : i32
          %get3A_1084 = arith.index_cast %add3A_1083 : i32 to index
          %get3A_1085 = arith.constant 48 : index
          %get3A_1086 = tpu.vector_load %arg10[%get3A_1084, %get3A_1085] {strides = array<i32>} : memref<200x64xf32, #tpu.memory_space<vmem>>, vector<1x16xf32>,
          %get3A_1087 = vector.shape_cast %get3A_1086 : vector<1x16xf32> to vector<16xf32>
          %mul3A_1088 = vector.broadcast %squeeze3A_1036 : f32 to vector<16xf32>
          %mul3A_1089 = arith.mulf %get3A_1087, %mul3A_1088 : vector<16xf32>
          %add3A_1090 = arith.constant 8 : i32
          %add3A_1091 = arith.addi %mul3A_532, %add3A_1090 : i32
          %swap3A_1092 = arith.index_cast %add3A_1091 : i32 to index
          %swap3A_1093 = arith.constant 48 : index
          %swap3A_1094 = tpu.vector_load %arg10[%swap3A_1092, %swap3A_1093] {strides = array<i32>} : memref<200x64xf32, #tpu.memory_space<vmem>>, vector<1x16xf32>,
          %swap3A_1095 = vector.shape_cast %swap3A_1094 : vector<1x16xf32> to vector<16xf32>
          %swap3A_1096 = vector.shape_cast %mul3A_1089 : vector<16xf32> to vector<1x16xf32>
          tpu.vector_store %arg10[%swap3A_1092, %swap3A_1093], %swap3A_1096 {strides = array<i32>} : memref<200x64xf32, #tpu.memory_space<vmem>>, vector<1x16xf32>,
          %slice3A_1097 = vector.extract_strided_slice %get3A_538 {offsets = [9], sizes = [1], strides = [1]} : vector<16xf32> to vector<1xf32>
          %squeeze3A_1098 = vector.extract %slice3A_1097[0] : f32 from vector<1xf32>
          %add3A_1099 = arith.constant 9 : i32
          %add3A_1100 = arith.addi %mul3A_532, %add3A_1099 : i32
          %get3A_1101 = arith.index_cast %add3A_1100 : i32 to index
          %get3A_1102 = arith.constant 0 : index
          %get3A_1103 = tpu.vector_load %arg10[%get3A_1101, %get3A_1102] {strides = array<i32>} : memref<200x64xf32, #tpu.memory_space<vmem>>, vector<1x16xf32>,
          %get3A_1104 = vector.shape_cast %get3A_1103 : vector<1x16xf32> to vector<16xf32>
          %mul3A_1105 = vector.broadcast %squeeze3A_1098 : f32 to vector<16xf32>
          %mul3A_1106 = arith.mulf %get3A_1104, %mul3A_1105 : vector<16xf32>
          %add3A_1107 = arith.constant 9 : i32
          %add3A_1108 = arith.addi %mul3A_532, %add3A_1107 : i32
          %swap3A_1109 = arith.index_cast %add3A_1108 : i32 to index
          %swap3A_1110 = arith.constant 0 : index
          %swap3A_1111 = tpu.vector_load %arg10[%swap3A_1109, %swap3A_1110] {strides = array<i32>} : memref<200x64xf32, #tpu.memory_space<vmem>>, vector<1x16xf32>,
          %swap3A_1112 = vector.shape_cast %swap3A_1111 : vector<1x16xf32> to vector<16xf32>
          %swap3A_1113 = vector.shape_cast %mul3A_1106 : vector<16xf32> to vector<1x16xf32>
          tpu.vector_store %arg10[%swap3A_1109, %swap3A_1110], %swap3A_1113 {strides = array<i32>} : memref<200x64xf32, #tpu.memory_space<vmem>>, vector<1x16xf32>,
          %add3A_1114 = arith.constant 9 : i32
          %add3A_1115 = arith.addi %mul3A_532, %add3A_1114 : i32
          %get3A_1116 = arith.index_cast %add3A_1115 : i32 to index
          %get3A_1117 = arith.constant 16 : index
          %get3A_1118 = tpu.vector_load %arg10[%get3A_1116, %get3A_1117] {strides = array<i32>} : memref<200x64xf32, #tpu.memory_space<vmem>>, vector<1x16xf32>,
          %get3A_1119 = vector.shape_cast %get3A_1118 : vector<1x16xf32> to vector<16xf32>
          %mul3A_1120 = vector.broadcast %squeeze3A_1098 : f32 to vector<16xf32>
          %mul3A_1121 = arith.mulf %get3A_1119, %mul3A_1120 : vector<16xf32>
          %add3A_1122 = arith.constant 9 : i32
          %add3A_1123 = arith.addi %mul3A_532, %add3A_1122 : i32
          %swap3A_1124 = arith.index_cast %add3A_1123 : i32 to index
          %swap3A_1125 = arith.constant 16 : index
          %swap3A_1126 = tpu.vector_load %arg10[%swap3A_1124, %swap3A_1125] {strides = array<i32>} : memref<200x64xf32, #tpu.memory_space<vmem>>, vector<1x16xf32>,
          %swap3A_1127 = vector.shape_cast %swap3A_1126 : vector<1x16xf32> to vector<16xf32>
          %swap3A_1128 = vector.shape_cast %mul3A_1121 : vector<16xf32> to vector<1x16xf32>
          tpu.vector_store %arg10[%swap3A_1124, %swap3A_1125], %swap3A_1128 {strides = array<i32>} : memref<200x64xf32, #tpu.memory_space<vmem>>, vector<1x16xf32>,
          %add3A_1129 = arith.constant 9 : i32
          %add3A_1130 = arith.addi %mul3A_532, %add3A_1129 : i32
          %get3A_1131 = arith.index_cast %add3A_1130 : i32 to index
          %get3A_1132 = arith.constant 32 : index
          %get3A_1133 = tpu.vector_load %arg10[%get3A_1131, %get3A_1132] {strides = array<i32>} : memref<200x64xf32, #tpu.memory_space<vmem>>, vector<1x16xf32>,
          %get3A_1134 = vector.shape_cast %get3A_1133 : vector<1x16xf32> to vector<16xf32>
          %mul3A_1135 = vector.broadcast %squeeze3A_1098 : f32 to vector<16xf32>
          %mul3A_1136 = arith.mulf %get3A_1134, %mul3A_1135 : vector<16xf32>
          %add3A_1137 = arith.constant 9 : i32
          %add3A_1138 = arith.addi %mul3A_532, %add3A_1137 : i32
          %swap3A_1139 = arith.index_cast %add3A_1138 : i32 to index
          %swap3A_1140 = arith.constant 32 : index
          %swap3A_1141 = tpu.vector_load %arg10[%swap3A_1139, %swap3A_1140] {strides = array<i32>} : memref<200x64xf32, #tpu.memory_space<vmem>>, vector<1x16xf32>,
          %swap3A_1142 = vector.shape_cast %swap3A_1141 : vector<1x16xf32> to vector<16xf32>
          %swap3A_1143 = vector.shape_cast %mul3A_1136 : vector<16xf32> to vector<1x16xf32>
          tpu.vector_store %arg10[%swap3A_1139, %swap3A_1140], %swap3A_1143 {strides = array<i32>} : memref<200x64xf32, #tpu.memory_space<vmem>>, vector<1x16xf32>,
          %add3A_1144 = arith.constant 9 : i32
          %add3A_1145 = arith.addi %mul3A_532, %add3A_1144 : i32
          %get3A_1146 = arith.index_cast %add3A_1145 : i32 to index
          %get3A_1147 = arith.constant 48 : index
          %get3A_1148 = tpu.vector_load %arg10[%get3A_1146, %get3A_1147] {strides = array<i32>} : memref<200x64xf32, #tpu.memory_space<vmem>>, vector<1x16xf32>,
          %get3A_1149 = vector.shape_cast %get3A_1148 : vector<1x16xf32> to vector<16xf32>
          %mul3A_1150 = vector.broadcast %squeeze3A_1098 : f32 to vector<16xf32>
          %mul3A_1151 = arith.mulf %get3A_1149, %mul3A_1150 : vector<16xf32>
          %add3A_1152 = arith.constant 9 : i32
          %add3A_1153 = arith.addi %mul3A_532, %add3A_1152 : i32
          %swap3A_1154 = arith.index_cast %add3A_1153 : i32 to index
          %swap3A_1155 = arith.constant 48 : index
          %swap3A_1156 = tpu.vector_load %arg10[%swap3A_1154, %swap3A_1155] {strides = array<i32>} : memref<200x64xf32, #tpu.memory_space<vmem>>, vector<1x16xf32>,
          %swap3A_1157 = vector.shape_cast %swap3A_1156 : vector<1x16xf32> to vector<16xf32>
          %swap3A_1158 = vector.shape_cast %mul3A_1151 : vector<16xf32> to vector<1x16xf32>
          tpu.vector_store %arg10[%swap3A_1154, %swap3A_1155], %swap3A_1158 {strides = array<i32>} : memref<200x64xf32, #tpu.memory_space<vmem>>, vector<1x16xf32>,
          %slice3A_1159 = vector.extract_strided_slice %get3A_538 {offsets = [10], sizes = [1], strides = [1]} : vector<16xf32> to vector<1xf32>
          %squeeze3A_1160 = vector.extract %slice3A_1159[0] : f32 from vector<1xf32>
          %add3A_1161 = arith.constant 10 : i32
          %add3A_1162 = arith.addi %mul3A_532, %add3A_1161 : i32
          %get3A_1163 = arith.index_cast %add3A_1162 : i32 to index
          %get3A_1164 = arith.constant 0 : index
          %get3A_1165 = tpu.vector_load %arg10[%get3A_1163, %get3A_1164] {strides = array<i32>} : memref<200x64xf32, #tpu.memory_space<vmem>>, vector<1x16xf32>,
          %get3A_1166 = vector.shape_cast %get3A_1165 : vector<1x16xf32> to vector<16xf32>
          %mul3A_1167 = vector.broadcast %squeeze3A_1160 : f32 to vector<16xf32>
          %mul3A_1168 = arith.mulf %get3A_1166, %mul3A_1167 : vector<16xf32>
          %add3A_1169 = arith.constant 10 : i32
          %add3A_1170 = arith.addi %mul3A_532, %add3A_1169 : i32
          %swap3A_1171 = arith.index_cast %add3A_1170 : i32 to index
          %swap3A_1172 = arith.constant 0 : index
          %swap3A_1173 = tpu.vector_load %arg10[%swap3A_1171, %swap3A_1172] {strides = array<i32>} : memref<200x64xf32, #tpu.memory_space<vmem>>, vector<1x16xf32>,
          %swap3A_1174 = vector.shape_cast %swap3A_1173 : vector<1x16xf32> to vector<16xf32>
          %swap3A_1175 = vector.shape_cast %mul3A_1168 : vector<16xf32> to vector<1x16xf32>
          tpu.vector_store %arg10[%swap3A_1171, %swap3A_1172], %swap3A_1175 {strides = array<i32>} : memref<200x64xf32, #tpu.memory_space<vmem>>, vector<1x16xf32>,
          %add3A_1176 = arith.constant 10 : i32
          %add3A_1177 = arith.addi %mul3A_532, %add3A_1176 : i32
          %get3A_1178 = arith.index_cast %add3A_1177 : i32 to index
          %get3A_1179 = arith.constant 16 : index
          %get3A_1180 = tpu.vector_load %arg10[%get3A_1178, %get3A_1179] {strides = array<i32>} : memref<200x64xf32, #tpu.memory_space<vmem>>, vector<1x16xf32>,
          %get3A_1181 = vector.shape_cast %get3A_1180 : vector<1x16xf32> to vector<16xf32>
          %mul3A_1182 = vector.broadcast %squeeze3A_1160 : f32 to vector<16xf32>
          %mul3A_1183 = arith.mulf %get3A_1181, %mul3A_1182 : vector<16xf32>
          %add3A_1184 = arith.constant 10 : i32
          %add3A_1185 = arith.addi %mul3A_532, %add3A_1184 : i32
          %swap3A_1186 = arith.index_cast %add3A_1185 : i32 to index
          %swap3A_1187 = arith.constant 16 : index
          %swap3A_1188 = tpu.vector_load %arg10[%swap3A_1186, %swap3A_1187] {strides = array<i32>} : memref<200x64xf32, #tpu.memory_space<vmem>>, vector<1x16xf32>,
          %swap3A_1189 = vector.shape_cast %swap3A_1188 : vector<1x16xf32> to vector<16xf32>
          %swap3A_1190 = vector.shape_cast %mul3A_1183 : vector<16xf32> to vector<1x16xf32>
          tpu.vector_store %arg10[%swap3A_1186, %swap3A_1187], %swap3A_1190 {strides = array<i32>} : memref<200x64xf32, #tpu.memory_space<vmem>>, vector<1x16xf32>,
          %add3A_1191 = arith.constant 10 : i32
          %add3A_1192 = arith.addi %mul3A_532, %add3A_1191 : i32
          %get3A_1193 = arith.index_cast %add3A_1192 : i32 to index
          %get3A_1194 = arith.constant 32 : index
          %get3A_1195 = tpu.vector_load %arg10[%get3A_1193, %get3A_1194] {strides = array<i32>} : memref<200x64xf32, #tpu.memory_space<vmem>>, vector<1x16xf32>,
          %get3A_1196 = vector.shape_cast %get3A_1195 : vector<1x16xf32> to vector<16xf32>
          %mul3A_1197 = vector.broadcast %squeeze3A_1160 : f32 to vector<16xf32>
          %mul3A_1198 = arith.mulf %get3A_1196, %mul3A_1197 : vector<16xf32>
          %add3A_1199 = arith.constant 10 : i32
          %add3A_1200 = arith.addi %mul3A_532, %add3A_1199 : i32
          %swap3A_1201 = arith.index_cast %add3A_1200 : i32 to index
          %swap3A_1202 = arith.constant 32 : index
          %swap3A_1203 = tpu.vector_load %arg10[%swap3A_1201, %swap3A_1202] {strides = array<i32>} : memref<200x64xf32, #tpu.memory_space<vmem>>, vector<1x16xf32>,
          %swap3A_1204 = vector.shape_cast %swap3A_1203 : vector<1x16xf32> to vector<16xf32>
          %swap3A_1205 = vector.shape_cast %mul3A_1198 : vector<16xf32> to vector<1x16xf32>
          tpu.vector_store %arg10[%swap3A_1201, %swap3A_1202], %swap3A_1205 {strides = array<i32>} : memref<200x64xf32, #tpu.memory_space<vmem>>, vector<1x16xf32>,
          %add3A_1206 = arith.constant 10 : i32
          %add3A_1207 = arith.addi %mul3A_532, %add3A_1206 : i32
          %get3A_1208 = arith.index_cast %add3A_1207 : i32 to index
          %get3A_1209 = arith.constant 48 : index
          %get3A_1210 = tpu.vector_load %arg10[%get3A_1208, %get3A_1209] {strides = array<i32>} : memref<200x64xf32, #tpu.memory_space<vmem>>, vector<1x16xf32>,
          %get3A_1211 = vector.shape_cast %get3A_1210 : vector<1x16xf32> to vector<16xf32>
          %mul3A_1212 = vector.broadcast %squeeze3A_1160 : f32 to vector<16xf32>
          %mul3A_1213 = arith.mulf %get3A_1211, %mul3A_1212 : vector<16xf32>
          %add3A_1214 = arith.constant 10 : i32
          %add3A_1215 = arith.addi %mul3A_532, %add3A_1214 : i32
          %swap3A_1216 = arith.index_cast %add3A_1215 : i32 to index
          %swap3A_1217 = arith.constant 48 : index
          %swap3A_1218 = tpu.vector_load %arg10[%swap3A_1216, %swap3A_1217] {strides = array<i32>} : memref<200x64xf32, #tpu.memory_space<vmem>>, vector<1x16xf32>,
          %swap3A_1219 = vector.shape_cast %swap3A_1218 : vector<1x16xf32> to vector<16xf32>
          %swap3A_1220 = vector.shape_cast %mul3A_1213 : vector<16xf32> to vector<1x16xf32>
          tpu.vector_store %arg10[%swap3A_1216, %swap3A_1217], %swap3A_1220 {strides = array<i32>} : memref<200x64xf32, #tpu.memory_space<vmem>>, vector<1x16xf32>,
          %slice3A_1221 = vector.extract_strided_slice %get3A_538 {offsets = [11], sizes = [1], strides = [1]} : vector<16xf32> to vector<1xf32>
          %squeeze3A_1222 = vector.extract %slice3A_1221[0] : f32 from vector<1xf32>
          %add3A_1223 = arith.constant 11 : i32
          %add3A_1224 = arith.addi %mul3A_532, %add3A_1223 : i32
          %get3A_1225 = arith.index_cast %add3A_1224 : i32 to index
          %get3A_1226 = arith.constant 0 : index
          %get3A_1227 = tpu.vector_load %arg10[%get3A_1225, %get3A_1226] {strides = array<i32>} : memref<200x64xf32, #tpu.memory_space<vmem>>, vector<1x16xf32>,
          %get3A_1228 = vector.shape_cast %get3A_1227 : vector<1x16xf32> to vector<16xf32>
          %mul3A_1229 = vector.broadcast %squeeze3A_1222 : f32 to vector<16xf32>
          %mul3A_1230 = arith.mulf %get3A_1228, %mul3A_1229 : vector<16xf32>
          %add3A_1231 = arith.constant 11 : i32
          %add3A_1232 = arith.addi %mul3A_532, %add3A_1231 : i32
          %swap3A_1233 = arith.index_cast %add3A_1232 : i32 to index
          %swap3A_1234 = arith.constant 0 : index
          %swap3A_1235 = tpu.vector_load %arg10[%swap3A_1233, %swap3A_1234] {strides = array<i32>} : memref<200x64xf32, #tpu.memory_space<vmem>>, vector<1x16xf32>,
          %swap3A_1236 = vector.shape_cast %swap3A_1235 : vector<1x16xf32> to vector<16xf32>
          %swap3A_1237 = vector.shape_cast %mul3A_1230 : vector<16xf32> to vector<1x16xf32>
          tpu.vector_store %arg10[%swap3A_1233, %swap3A_1234], %swap3A_1237 {strides = array<i32>} : memref<200x64xf32, #tpu.memory_space<vmem>>, vector<1x16xf32>,
          %add3A_1238 = arith.constant 11 : i32
          %add3A_1239 = arith.addi %mul3A_532, %add3A_1238 : i32
          %get3A_1240 = arith.index_cast %add3A_1239 : i32 to index
          %get3A_1241 = arith.constant 16 : index
          %get3A_1242 = tpu.vector_load %arg10[%get3A_1240, %get3A_1241] {strides = array<i32>} : memref<200x64xf32, #tpu.memory_space<vmem>>, vector<1x16xf32>,
          %get3A_1243 = vector.shape_cast %get3A_1242 : vector<1x16xf32> to vector<16xf32>
          %mul3A_1244 = vector.broadcast %squeeze3A_1222 : f32 to vector<16xf32>
          %mul3A_1245 = arith.mulf %get3A_1243, %mul3A_1244 : vector<16xf32>
          %add3A_1246 = arith.constant 11 : i32
          %add3A_1247 = arith.addi %mul3A_532, %add3A_1246 : i32
          %swap3A_1248 = arith.index_cast %add3A_1247 : i32 to index
          %swap3A_1249 = arith.constant 16 : index
          %swap3A_1250 = tpu.vector_load %arg10[%swap3A_1248, %swap3A_1249] {strides = array<i32>} : memref<200x64xf32, #tpu.memory_space<vmem>>, vector<1x16xf32>,
          %swap3A_1251 = vector.shape_cast %swap3A_1250 : vector<1x16xf32> to vector<16xf32>
          %swap3A_1252 = vector.shape_cast %mul3A_1245 : vector<16xf32> to vector<1x16xf32>
          tpu.vector_store %arg10[%swap3A_1248, %swap3A_1249], %swap3A_1252 {strides = array<i32>} : memref<200x64xf32, #tpu.memory_space<vmem>>, vector<1x16xf32>,
          %add3A_1253 = arith.constant 11 : i32
          %add3A_1254 = arith.addi %mul3A_532, %add3A_1253 : i32
          %get3A_1255 = arith.index_cast %add3A_1254 : i32 to index
          %get3A_1256 = arith.constant 32 : index
          %get3A_1257 = tpu.vector_load %arg10[%get3A_1255, %get3A_1256] {strides = array<i32>} : memref<200x64xf32, #tpu.memory_space<vmem>>, vector<1x16xf32>,
          %get3A_1258 = vector.shape_cast %get3A_1257 : vector<1x16xf32> to vector<16xf32>
          %mul3A_1259 = vector.broadcast %squeeze3A_1222 : f32 to vector<16xf32>
          %mul3A_1260 = arith.mulf %get3A_1258, %mul3A_1259 : vector<16xf32>
          %add3A_1261 = arith.constant 11 : i32
          %add3A_1262 = arith.addi %mul3A_532, %add3A_1261 : i32
          %swap3A_1263 = arith.index_cast %add3A_1262 : i32 to index
          %swap3A_1264 = arith.constant 32 : index
          %swap3A_1265 = tpu.vector_load %arg10[%swap3A_1263, %swap3A_1264] {strides = array<i32>} : memref<200x64xf32, #tpu.memory_space<vmem>>, vector<1x16xf32>,
          %swap3A_1266 = vector.shape_cast %swap3A_1265 : vector<1x16xf32> to vector<16xf32>
          %swap3A_1267 = vector.shape_cast %mul3A_1260 : vector<16xf32> to vector<1x16xf32>
          tpu.vector_store %arg10[%swap3A_1263, %swap3A_1264], %swap3A_1267 {strides = array<i32>} : memref<200x64xf32, #tpu.memory_space<vmem>>, vector<1x16xf32>,
          %add3A_1268 = arith.constant 11 : i32
          %add3A_1269 = arith.addi %mul3A_532, %add3A_1268 : i32
          %get3A_1270 = arith.index_cast %add3A_1269 : i32 to index
          %get3A_1271 = arith.constant 48 : index
          %get3A_1272 = tpu.vector_load %arg10[%get3A_1270, %get3A_1271] {strides = array<i32>} : memref<200x64xf32, #tpu.memory_space<vmem>>, vector<1x16xf32>,
          %get3A_1273 = vector.shape_cast %get3A_1272 : vector<1x16xf32> to vector<16xf32>
          %mul3A_1274 = vector.broadcast %squeeze3A_1222 : f32 to vector<16xf32>
          %mul3A_1275 = arith.mulf %get3A_1273, %mul3A_1274 : vector<16xf32>
          %add3A_1276 = arith.constant 11 : i32
          %add3A_1277 = arith.addi %mul3A_532, %add3A_1276 : i32
          %swap3A_1278 = arith.index_cast %add3A_1277 : i32 to index
          %swap3A_1279 = arith.constant 48 : index
          %swap3A_1280 = tpu.vector_load %arg10[%swap3A_1278, %swap3A_1279] {strides = array<i32>} : memref<200x64xf32, #tpu.memory_space<vmem>>, vector<1x16xf32>,
          %swap3A_1281 = vector.shape_cast %swap3A_1280 : vector<1x16xf32> to vector<16xf32>
          %swap3A_1282 = vector.shape_cast %mul3A_1275 : vector<16xf32> to vector<1x16xf32>
          tpu.vector_store %arg10[%swap3A_1278, %swap3A_1279], %swap3A_1282 {strides = array<i32>} : memref<200x64xf32, #tpu.memory_space<vmem>>, vector<1x16xf32>,
          %slice3A_1283 = vector.extract_strided_slice %get3A_538 {offsets = [12], sizes = [1], strides = [1]} : vector<16xf32> to vector<1xf32>
          %squeeze3A_1284 = vector.extract %slice3A_1283[0] : f32 from vector<1xf32>
          %add3A_1285 = arith.constant 12 : i32
          %add3A_1286 = arith.addi %mul3A_532, %add3A_1285 : i32
          %get3A_1287 = arith.index_cast %add3A_1286 : i32 to index
          %get3A_1288 = arith.constant 0 : index
          %get3A_1289 = tpu.vector_load %arg10[%get3A_1287, %get3A_1288] {strides = array<i32>} : memref<200x64xf32, #tpu.memory_space<vmem>>, vector<1x16xf32>,
          %get3A_1290 = vector.shape_cast %get3A_1289 : vector<1x16xf32> to vector<16xf32>
          %mul3A_1291 = vector.broadcast %squeeze3A_1284 : f32 to vector<16xf32>
          %mul3A_1292 = arith.mulf %get3A_1290, %mul3A_1291 : vector<16xf32>
          %add3A_1293 = arith.constant 12 : i32
          %add3A_1294 = arith.addi %mul3A_532, %add3A_1293 : i32
          %swap3A_1295 = arith.index_cast %add3A_1294 : i32 to index
          %swap3A_1296 = arith.constant 0 : index
          %swap3A_1297 = tpu.vector_load %arg10[%swap3A_1295, %swap3A_1296] {strides = array<i32>} : memref<200x64xf32, #tpu.memory_space<vmem>>, vector<1x16xf32>,
          %swap3A_1298 = vector.shape_cast %swap3A_1297 : vector<1x16xf32> to vector<16xf32>
          %swap3A_1299 = vector.shape_cast %mul3A_1292 : vector<16xf32> to vector<1x16xf32>
          tpu.vector_store %arg10[%swap3A_1295, %swap3A_1296], %swap3A_1299 {strides = array<i32>} : memref<200x64xf32, #tpu.memory_space<vmem>>, vector<1x16xf32>,
          %add3A_1300 = arith.constant 12 : i32
          %add3A_1301 = arith.addi %mul3A_532, %add3A_1300 : i32
          %get3A_1302 = arith.index_cast %add3A_1301 : i32 to index
          %get3A_1303 = arith.constant 16 : index
          %get3A_1304 = tpu.vector_load %arg10[%get3A_1302, %get3A_1303] {strides = array<i32>} : memref<200x64xf32, #tpu.memory_space<vmem>>, vector<1x16xf32>,
          %get3A_1305 = vector.shape_cast %get3A_1304 : vector<1x16xf32> to vector<16xf32>
          %mul3A_1306 = vector.broadcast %squeeze3A_1284 : f32 to vector<16xf32>
          %mul3A_1307 = arith.mulf %get3A_1305, %mul3A_1306 : vector<16xf32>
          %add3A_1308 = arith.constant 12 : i32
          %add3A_1309 = arith.addi %mul3A_532, %add3A_1308 : i32
          %swap3A_1310 = arith.index_cast %add3A_1309 : i32 to index
          %swap3A_1311 = arith.constant 16 : index
          %swap3A_1312 = tpu.vector_load %arg10[%swap3A_1310, %swap3A_1311] {strides = array<i32>} : memref<200x64xf32, #tpu.memory_space<vmem>>, vector<1x16xf32>,
          %swap3A_1313 = vector.shape_cast %swap3A_1312 : vector<1x16xf32> to vector<16xf32>
          %swap3A_1314 = vector.shape_cast %mul3A_1307 : vector<16xf32> to vector<1x16xf32>
          tpu.vector_store %arg10[%swap3A_1310, %swap3A_1311], %swap3A_1314 {strides = array<i32>} : memref<200x64xf32, #tpu.memory_space<vmem>>, vector<1x16xf32>,
          %add3A_1315 = arith.constant 12 : i32
          %add3A_1316 = arith.addi %mul3A_532, %add3A_1315 : i32
          %get3A_1317 = arith.index_cast %add3A_1316 : i32 to index
          %get3A_1318 = arith.constant 32 : index
          %get3A_1319 = tpu.vector_load %arg10[%get3A_1317, %get3A_1318] {strides = array<i32>} : memref<200x64xf32, #tpu.memory_space<vmem>>, vector<1x16xf32>,
          %get3A_1320 = vector.shape_cast %get3A_1319 : vector<1x16xf32> to vector<16xf32>
          %mul3A_1321 = vector.broadcast %squeeze3A_1284 : f32 to vector<16xf32>
          %mul3A_1322 = arith.mulf %get3A_1320, %mul3A_1321 : vector<16xf32>
          %add3A_1323 = arith.constant 12 : i32
          %add3A_1324 = arith.addi %mul3A_532, %add3A_1323 : i32
          %swap3A_1325 = arith.index_cast %add3A_1324 : i32 to index
          %swap3A_1326 = arith.constant 32 : index
          %swap3A_1327 = tpu.vector_load %arg10[%swap3A_1325, %swap3A_1326] {strides = array<i32>} : memref<200x64xf32, #tpu.memory_space<vmem>>, vector<1x16xf32>,
          %swap3A_1328 = vector.shape_cast %swap3A_1327 : vector<1x16xf32> to vector<16xf32>
          %swap3A_1329 = vector.shape_cast %mul3A_1322 : vector<16xf32> to vector<1x16xf32>
          tpu.vector_store %arg10[%swap3A_1325, %swap3A_1326], %swap3A_1329 {strides = array<i32>} : memref<200x64xf32, #tpu.memory_space<vmem>>, vector<1x16xf32>,
          %add3A_1330 = arith.constant 12 : i32
          %add3A_1331 = arith.addi %mul3A_532, %add3A_1330 : i32
          %get3A_1332 = arith.index_cast %add3A_1331 : i32 to index
          %get3A_1333 = arith.constant 48 : index
          %get3A_1334 = tpu.vector_load %arg10[%get3A_1332, %get3A_1333] {strides = array<i32>} : memref<200x64xf32, #tpu.memory_space<vmem>>, vector<1x16xf32>,
          %get3A_1335 = vector.shape_cast %get3A_1334 : vector<1x16xf32> to vector<16xf32>
          %mul3A_1336 = vector.broadcast %squeeze3A_1284 : f32 to vector<16xf32>
          %mul3A_1337 = arith.mulf %get3A_1335, %mul3A_1336 : vector<16xf32>
          %add3A_1338 = arith.constant 12 : i32
          %add3A_1339 = arith.addi %mul3A_532, %add3A_1338 : i32
          %swap3A_1340 = arith.index_cast %add3A_1339 : i32 to index
          %swap3A_1341 = arith.constant 48 : index
          %swap3A_1342 = tpu.vector_load %arg10[%swap3A_1340, %swap3A_1341] {strides = array<i32>} : memref<200x64xf32, #tpu.memory_space<vmem>>, vector<1x16xf32>,
          %swap3A_1343 = vector.shape_cast %swap3A_1342 : vector<1x16xf32> to vector<16xf32>
          %swap3A_1344 = vector.shape_cast %mul3A_1337 : vector<16xf32> to vector<1x16xf32>
          tpu.vector_store %arg10[%swap3A_1340, %swap3A_1341], %swap3A_1344 {strides = array<i32>} : memref<200x64xf32, #tpu.memory_space<vmem>>, vector<1x16xf32>,
          %slice3A_1345 = vector.extract_strided_slice %get3A_538 {offsets = [13], sizes = [1], strides = [1]} : vector<16xf32> to vector<1xf32>
          %squeeze3A_1346 = vector.extract %slice3A_1345[0] : f32 from vector<1xf32>
          %add3A_1347 = arith.constant 13 : i32
          %add3A_1348 = arith.addi %mul3A_532, %add3A_1347 : i32
          %get3A_1349 = arith.index_cast %add3A_1348 : i32 to index
          %get3A_1350 = arith.constant 0 : index
          %get3A_1351 = tpu.vector_load %arg10[%get3A_1349, %get3A_1350] {strides = array<i32>} : memref<200x64xf32, #tpu.memory_space<vmem>>, vector<1x16xf32>,
          %get3A_1352 = vector.shape_cast %get3A_1351 : vector<1x16xf32> to vector<16xf32>
          %mul3A_1353 = vector.broadcast %squeeze3A_1346 : f32 to vector<16xf32>
          %mul3A_1354 = arith.mulf %get3A_1352, %mul3A_1353 : vector<16xf32>
          %add3A_1355 = arith.constant 13 : i32
          %add3A_1356 = arith.addi %mul3A_532, %add3A_1355 : i32
          %swap3A_1357 = arith.index_cast %add3A_1356 : i32 to index
          %swap3A_1358 = arith.constant 0 : index
          %swap3A_1359 = tpu.vector_load %arg10[%swap3A_1357, %swap3A_1358] {strides = array<i32>} : memref<200x64xf32, #tpu.memory_space<vmem>>, vector<1x16xf32>,
          %swap3A_1360 = vector.shape_cast %swap3A_1359 : vector<1x16xf32> to vector<16xf32>
          %swap3A_1361 = vector.shape_cast %mul3A_1354 : vector<16xf32> to vector<1x16xf32>
          tpu.vector_store %arg10[%swap3A_1357, %swap3A_1358], %swap3A_1361 {strides = array<i32>} : memref<200x64xf32, #tpu.memory_space<vmem>>, vector<1x16xf32>,
          %add3A_1362 = arith.constant 13 : i32
          %add3A_1363 = arith.addi %mul3A_532, %add3A_1362 : i32
          %get3A_1364 = arith.index_cast %add3A_1363 : i32 to index
          %get3A_1365 = arith.constant 16 : index
          %get3A_1366 = tpu.vector_load %arg10[%get3A_1364, %get3A_1365] {strides = array<i32>} : memref<200x64xf32, #tpu.memory_space<vmem>>, vector<1x16xf32>,
          %get3A_1367 = vector.shape_cast %get3A_1366 : vector<1x16xf32> to vector<16xf32>
          %mul3A_1368 = vector.broadcast %squeeze3A_1346 : f32 to vector<16xf32>
          %mul3A_1369 = arith.mulf %get3A_1367, %mul3A_1368 : vector<16xf32>
          %add3A_1370 = arith.constant 13 : i32
          %add3A_1371 = arith.addi %mul3A_532, %add3A_1370 : i32
          %swap3A_1372 = arith.index_cast %add3A_1371 : i32 to index
          %swap3A_1373 = arith.constant 16 : index
          %swap3A_1374 = tpu.vector_load %arg10[%swap3A_1372, %swap3A_1373] {strides = array<i32>} : memref<200x64xf32, #tpu.memory_space<vmem>>, vector<1x16xf32>,
          %swap3A_1375 = vector.shape_cast %swap3A_1374 : vector<1x16xf32> to vector<16xf32>
          %swap3A_1376 = vector.shape_cast %mul3A_1369 : vector<16xf32> to vector<1x16xf32>
          tpu.vector_store %arg10[%swap3A_1372, %swap3A_1373], %swap3A_1376 {strides = array<i32>} : memref<200x64xf32, #tpu.memory_space<vmem>>, vector<1x16xf32>,
          %add3A_1377 = arith.constant 13 : i32
          %add3A_1378 = arith.addi %mul3A_532, %add3A_1377 : i32
          %get3A_1379 = arith.index_cast %add3A_1378 : i32 to index
          %get3A_1380 = arith.constant 32 : index
          %get3A_1381 = tpu.vector_load %arg10[%get3A_1379, %get3A_1380] {strides = array<i32>} : memref<200x64xf32, #tpu.memory_space<vmem>>, vector<1x16xf32>,
          %get3A_1382 = vector.shape_cast %get3A_1381 : vector<1x16xf32> to vector<16xf32>
          %mul3A_1383 = vector.broadcast %squeeze3A_1346 : f32 to vector<16xf32>
          %mul3A_1384 = arith.mulf %get3A_1382, %mul3A_1383 : vector<16xf32>
          %add3A_1385 = arith.constant 13 : i32
          %add3A_1386 = arith.addi %mul3A_532, %add3A_1385 : i32
          %swap3A_1387 = arith.index_cast %add3A_1386 : i32 to index
          %swap3A_1388 = arith.constant 32 : index
          %swap3A_1389 = tpu.vector_load %arg10[%swap3A_1387, %swap3A_1388] {strides = array<i32>} : memref<200x64xf32, #tpu.memory_space<vmem>>, vector<1x16xf32>,
          %swap3A_1390 = vector.shape_cast %swap3A_1389 : vector<1x16xf32> to vector<16xf32>
          %swap3A_1391 = vector.shape_cast %mul3A_1384 : vector<16xf32> to vector<1x16xf32>
          tpu.vector_store %arg10[%swap3A_1387, %swap3A_1388], %swap3A_1391 {strides = array<i32>} : memref<200x64xf32, #tpu.memory_space<vmem>>, vector<1x16xf32>,
          %add3A_1392 = arith.constant 13 : i32
          %add3A_1393 = arith.addi %mul3A_532, %add3A_1392 : i32
          %get3A_1394 = arith.index_cast %add3A_1393 : i32 to index
          %get3A_1395 = arith.constant 48 : index
          %get3A_1396 = tpu.vector_load %arg10[%get3A_1394, %get3A_1395] {strides = array<i32>} : memref<200x64xf32, #tpu.memory_space<vmem>>, vector<1x16xf32>,
          %get3A_1397 = vector.shape_cast %get3A_1396 : vector<1x16xf32> to vector<16xf32>
          %mul3A_1398 = vector.broadcast %squeeze3A_1346 : f32 to vector<16xf32>
          %mul3A_1399 = arith.mulf %get3A_1397, %mul3A_1398 : vector<16xf32>
          %add3A_1400 = arith.constant 13 : i32
          %add3A_1401 = arith.addi %mul3A_532, %add3A_1400 : i32
          %swap3A_1402 = arith.index_cast %add3A_1401 : i32 to index
          %swap3A_1403 = arith.constant 48 : index
          %swap3A_1404 = tpu.vector_load %arg10[%swap3A_1402, %swap3A_1403] {strides = array<i32>} : memref<200x64xf32, #tpu.memory_space<vmem>>, vector<1x16xf32>,
          %swap3A_1405 = vector.shape_cast %swap3A_1404 : vector<1x16xf32> to vector<16xf32>
          %swap3A_1406 = vector.shape_cast %mul3A_1399 : vector<16xf32> to vector<1x16xf32>
          tpu.vector_store %arg10[%swap3A_1402, %swap3A_1403], %swap3A_1406 {strides = array<i32>} : memref<200x64xf32, #tpu.memory_space<vmem>>, vector<1x16xf32>,
          %slice3A_1407 = vector.extract_strided_slice %get3A_538 {offsets = [14], sizes = [1], strides = [1]} : vector<16xf32> to vector<1xf32>
          %squeeze3A_1408 = vector.extract %slice3A_1407[0] : f32 from vector<1xf32>
          %add3A_1409 = arith.constant 14 : i32
          %add3A_1410 = arith.addi %mul3A_532, %add3A_1409 : i32
          %get3A_1411 = arith.index_cast %add3A_1410 : i32 to index
          %get3A_1412 = arith.constant 0 : index
          %get3A_1413 = tpu.vector_load %arg10[%get3A_1411, %get3A_1412] {strides = array<i32>} : memref<200x64xf32, #tpu.memory_space<vmem>>, vector<1x16xf32>,
          %get3A_1414 = vector.shape_cast %get3A_1413 : vector<1x16xf32> to vector<16xf32>
          %mul3A_1415 = vector.broadcast %squeeze3A_1408 : f32 to vector<16xf32>
          %mul3A_1416 = arith.mulf %get3A_1414, %mul3A_1415 : vector<16xf32>
          %add3A_1417 = arith.constant 14 : i32
          %add3A_1418 = arith.addi %mul3A_532, %add3A_1417 : i32
          %swap3A_1419 = arith.index_cast %add3A_1418 : i32 to index
          %swap3A_1420 = arith.constant 0 : index
          %swap3A_1421 = tpu.vector_load %arg10[%swap3A_1419, %swap3A_1420] {strides = array<i32>} : memref<200x64xf32, #tpu.memory_space<vmem>>, vector<1x16xf32>,
          %swap3A_1422 = vector.shape_cast %swap3A_1421 : vector<1x16xf32> to vector<16xf32>
          %swap3A_1423 = vector.shape_cast %mul3A_1416 : vector<16xf32> to vector<1x16xf32>
          tpu.vector_store %arg10[%swap3A_1419, %swap3A_1420], %swap3A_1423 {strides = array<i32>} : memref<200x64xf32, #tpu.memory_space<vmem>>, vector<1x16xf32>,
          %add3A_1424 = arith.constant 14 : i32
          %add3A_1425 = arith.addi %mul3A_532, %add3A_1424 : i32
          %get3A_1426 = arith.index_cast %add3A_1425 : i32 to index
          %get3A_1427 = arith.constant 16 : index
          %get3A_1428 = tpu.vector_load %arg10[%get3A_1426, %get3A_1427] {strides = array<i32>} : memref<200x64xf32, #tpu.memory_space<vmem>>, vector<1x16xf32>,
          %get3A_1429 = vector.shape_cast %get3A_1428 : vector<1x16xf32> to vector<16xf32>
          %mul3A_1430 = vector.broadcast %squeeze3A_1408 : f32 to vector<16xf32>
          %mul3A_1431 = arith.mulf %get3A_1429, %mul3A_1430 : vector<16xf32>
          %add3A_1432 = arith.constant 14 : i32
          %add3A_1433 = arith.addi %mul3A_532, %add3A_1432 : i32
          %swap3A_1434 = arith.index_cast %add3A_1433 : i32 to index
          %swap3A_1435 = arith.constant 16 : index
          %swap3A_1436 = tpu.vector_load %arg10[%swap3A_1434, %swap3A_1435] {strides = array<i32>} : memref<200x64xf32, #tpu.memory_space<vmem>>, vector<1x16xf32>,
          %swap3A_1437 = vector.shape_cast %swap3A_1436 : vector<1x16xf32> to vector<16xf32>
          %swap3A_1438 = vector.shape_cast %mul3A_1431 : vector<16xf32> to vector<1x16xf32>
          tpu.vector_store %arg10[%swap3A_1434, %swap3A_1435], %swap3A_1438 {strides = array<i32>} : memref<200x64xf32, #tpu.memory_space<vmem>>, vector<1x16xf32>,
          %add3A_1439 = arith.constant 14 : i32
          %add3A_1440 = arith.addi %mul3A_532, %add3A_1439 : i32
          %get3A_1441 = arith.index_cast %add3A_1440 : i32 to index
          %get3A_1442 = arith.constant 32 : index
          %get3A_1443 = tpu.vector_load %arg10[%get3A_1441, %get3A_1442] {strides = array<i32>} : memref<200x64xf32, #tpu.memory_space<vmem>>, vector<1x16xf32>,
          %get3A_1444 = vector.shape_cast %get3A_1443 : vector<1x16xf32> to vector<16xf32>
          %mul3A_1445 = vector.broadcast %squeeze3A_1408 : f32 to vector<16xf32>
          %mul3A_1446 = arith.mulf %get3A_1444, %mul3A_1445 : vector<16xf32>
          %add3A_1447 = arith.constant 14 : i32
          %add3A_1448 = arith.addi %mul3A_532, %add3A_1447 : i32
          %swap3A_1449 = arith.index_cast %add3A_1448 : i32 to index
          %swap3A_1450 = arith.constant 32 : index
          %swap3A_1451 = tpu.vector_load %arg10[%swap3A_1449, %swap3A_1450] {strides = array<i32>} : memref<200x64xf32, #tpu.memory_space<vmem>>, vector<1x16xf32>,
          %swap3A_1452 = vector.shape_cast %swap3A_1451 : vector<1x16xf32> to vector<16xf32>
          %swap3A_1453 = vector.shape_cast %mul3A_1446 : vector<16xf32> to vector<1x16xf32>
          tpu.vector_store %arg10[%swap3A_1449, %swap3A_1450], %swap3A_1453 {strides = array<i32>} : memref<200x64xf32, #tpu.memory_space<vmem>>, vector<1x16xf32>,
          %add3A_1454 = arith.constant 14 : i32
          %add3A_1455 = arith.addi %mul3A_532, %add3A_1454 : i32
          %get3A_1456 = arith.index_cast %add3A_1455 : i32 to index
          %get3A_1457 = arith.constant 48 : index
          %get3A_1458 = tpu.vector_load %arg10[%get3A_1456, %get3A_1457] {strides = array<i32>} : memref<200x64xf32, #tpu.memory_space<vmem>>, vector<1x16xf32>,
          %get3A_1459 = vector.shape_cast %get3A_1458 : vector<1x16xf32> to vector<16xf32>
          %mul3A_1460 = vector.broadcast %squeeze3A_1408 : f32 to vector<16xf32>
          %mul3A_1461 = arith.mulf %get3A_1459, %mul3A_1460 : vector<16xf32>
          %add3A_1462 = arith.constant 14 : i32
          %add3A_1463 = arith.addi %mul3A_532, %add3A_1462 : i32
          %swap3A_1464 = arith.index_cast %add3A_1463 : i32 to index
          %swap3A_1465 = arith.constant 48 : index
          %swap3A_1466 = tpu.vector_load %arg10[%swap3A_1464, %swap3A_1465] {strides = array<i32>} : memref<200x64xf32, #tpu.memory_space<vmem>>, vector<1x16xf32>,
          %swap3A_1467 = vector.shape_cast %swap3A_1466 : vector<1x16xf32> to vector<16xf32>
          %swap3A_1468 = vector.shape_cast %mul3A_1461 : vector<16xf32> to vector<1x16xf32>
          tpu.vector_store %arg10[%swap3A_1464, %swap3A_1465], %swap3A_1468 {strides = array<i32>} : memref<200x64xf32, #tpu.memory_space<vmem>>, vector<1x16xf32>,
          %slice3A_1469 = vector.extract_strided_slice %get3A_538 {offsets = [15], sizes = [1], strides = [1]} : vector<16xf32> to vector<1xf32>
          %squeeze3A_1470 = vector.extract %slice3A_1469[0] : f32 from vector<1xf32>
          %add3A_1471 = arith.constant 15 : i32
          %add3A_1472 = arith.addi %mul3A_532, %add3A_1471 : i32
          %get3A_1473 = arith.index_cast %add3A_1472 : i32 to index
          %get3A_1474 = arith.constant 0 : index
          %get3A_1475 = tpu.vector_load %arg10[%get3A_1473, %get3A_1474] {strides = array<i32>} : memref<200x64xf32, #tpu.memory_space<vmem>>, vector<1x16xf32>,
          %get3A_1476 = vector.shape_cast %get3A_1475 : vector<1x16xf32> to vector<16xf32>
          %mul3A_1477 = vector.broadcast %squeeze3A_1470 : f32 to vector<16xf32>
          %mul3A_1478 = arith.mulf %get3A_1476, %mul3A_1477 : vector<16xf32>
          %add3A_1479 = arith.constant 15 : i32
          %add3A_1480 = arith.addi %mul3A_532, %add3A_1479 : i32
          %swap3A_1481 = arith.index_cast %add3A_1480 : i32 to index
          %swap3A_1482 = arith.constant 0 : index
          %swap3A_1483 = tpu.vector_load %arg10[%swap3A_1481, %swap3A_1482] {strides = array<i32>} : memref<200x64xf32, #tpu.memory_space<vmem>>, vector<1x16xf32>,
          %swap3A_1484 = vector.shape_cast %swap3A_1483 : vector<1x16xf32> to vector<16xf32>
          %swap3A_1485 = vector.shape_cast %mul3A_1478 : vector<16xf32> to vector<1x16xf32>
          tpu.vector_store %arg10[%swap3A_1481, %swap3A_1482], %swap3A_1485 {strides = array<i32>} : memref<200x64xf32, #tpu.memory_space<vmem>>, vector<1x16xf32>,
          %add3A_1486 = arith.constant 15 : i32
          %add3A_1487 = arith.addi %mul3A_532, %add3A_1486 : i32
          %get3A_1488 = arith.index_cast %add3A_1487 : i32 to index
          %get3A_1489 = arith.constant 16 : index
          %get3A_1490 = tpu.vector_load %arg10[%get3A_1488, %get3A_1489] {strides = array<i32>} : memref<200x64xf32, #tpu.memory_space<vmem>>, vector<1x16xf32>,
          %get3A_1491 = vector.shape_cast %get3A_1490 : vector<1x16xf32> to vector<16xf32>
          %mul3A_1492 = vector.broadcast %squeeze3A_1470 : f32 to vector<16xf32>
          %mul3A_1493 = arith.mulf %get3A_1491, %mul3A_1492 : vector<16xf32>
          %add3A_1494 = arith.constant 15 : i32
          %add3A_1495 = arith.addi %mul3A_532, %add3A_1494 : i32
          %swap3A_1496 = arith.index_cast %add3A_1495 : i32 to index
          %swap3A_1497 = arith.constant 16 : index
          %swap3A_1498 = tpu.vector_load %arg10[%swap3A_1496, %swap3A_1497] {strides = array<i32>} : memref<200x64xf32, #tpu.memory_space<vmem>>, vector<1x16xf32>,
          %swap3A_1499 = vector.shape_cast %swap3A_1498 : vector<1x16xf32> to vector<16xf32>
          %swap3A_1500 = vector.shape_cast %mul3A_1493 : vector<16xf32> to vector<1x16xf32>
          tpu.vector_store %arg10[%swap3A_1496, %swap3A_1497], %swap3A_1500 {strides = array<i32>} : memref<200x64xf32, #tpu.memory_space<vmem>>, vector<1x16xf32>,
          %add3A_1501 = arith.constant 15 : i32
          %add3A_1502 = arith.addi %mul3A_532, %add3A_1501 : i32
          %get3A_1503 = arith.index_cast %add3A_1502 : i32 to index
          %get3A_1504 = arith.constant 32 : index
          %get3A_1505 = tpu.vector_load %arg10[%get3A_1503, %get3A_1504] {strides = array<i32>} : memref<200x64xf32, #tpu.memory_space<vmem>>, vector<1x16xf32>,
          %get3A_1506 = vector.shape_cast %get3A_1505 : vector<1x16xf32> to vector<16xf32>
          %mul3A_1507 = vector.broadcast %squeeze3A_1470 : f32 to vector<16xf32>
          %mul3A_1508 = arith.mulf %get3A_1506, %mul3A_1507 : vector<16xf32>
          %add3A_1509 = arith.constant 15 : i32
          %add3A_1510 = arith.addi %mul3A_532, %add3A_1509 : i32
          %swap3A_1511 = arith.index_cast %add3A_1510 : i32 to index
          %swap3A_1512 = arith.constant 32 : index
          %swap3A_1513 = tpu.vector_load %arg10[%swap3A_1511, %swap3A_1512] {strides = array<i32>} : memref<200x64xf32, #tpu.memory_space<vmem>>, vector<1x16xf32>,
          %swap3A_1514 = vector.shape_cast %swap3A_1513 : vector<1x16xf32> to vector<16xf32>
          %swap3A_1515 = vector.shape_cast %mul3A_1508 : vector<16xf32> to vector<1x16xf32>
          tpu.vector_store %arg10[%swap3A_1511, %swap3A_1512], %swap3A_1515 {strides = array<i32>} : memref<200x64xf32, #tpu.memory_space<vmem>>, vector<1x16xf32>,
          %add3A_1516 = arith.constant 15 : i32
          %add3A_1517 = arith.addi %mul3A_532, %add3A_1516 : i32
          %get3A_1518 = arith.index_cast %add3A_1517 : i32 to index
          %get3A_1519 = arith.constant 48 : index
          %get3A_1520 = tpu.vector_load %arg10[%get3A_1518, %get3A_1519] {strides = array<i32>} : memref<200x64xf32, #tpu.memory_space<vmem>>, vector<1x16xf32>,
          %get3A_1521 = vector.shape_cast %get3A_1520 : vector<1x16xf32> to vector<16xf32>
          %mul3A_1522 = vector.broadcast %squeeze3A_1470 : f32 to vector<16xf32>
          %mul3A_1523 = arith.mulf %get3A_1521, %mul3A_1522 : vector<16xf32>
          %add3A_1524 = arith.constant 15 : i32
          %add3A_1525 = arith.addi %mul3A_532, %add3A_1524 : i32
          %swap3A_1526 = arith.index_cast %add3A_1525 : i32 to index
          %swap3A_1527 = arith.constant 48 : index
          %swap3A_1528 = tpu.vector_load %arg10[%swap3A_1526, %swap3A_1527] {strides = array<i32>} : memref<200x64xf32, #tpu.memory_space<vmem>>, vector<1x16xf32>,
          %swap3A_1529 = vector.shape_cast %swap3A_1528 : vector<1x16xf32> to vector<16xf32>
          %swap3A_1530 = vector.shape_cast %mul3A_1523 : vector<16xf32> to vector<1x16xf32>
          tpu.vector_store %arg10[%swap3A_1526, %swap3A_1527], %swap3A_1530 {strides = array<i32>} : memref<200x64xf32, #tpu.memory_space<vmem>>, vector<1x16xf32>,
          %scan3A_1531 = arith.constant 0 : i32
          scf.yield %scan3A_1531 : i32
        }
        %scan3A_90 = arith.constant 12 : i32
        %mul3A_91 = arith.constant 200 : i32
        %mul3A_92 = arith.muli %scan3A_77, %mul3A_91 : i32
        %add3A_93 = arith.constant 192 : i32
        %add3A_94 = arith.addi %mul3A_92, %add3A_93 : i32
        %get3A = arith.index_cast %add3A_94 : i32 to index
        %get3A_95 = tpu.vector_load %arg11[%get3A] {strides = array<i32>} : memref<1016xf32, #tpu.memory_space<vmem>>, vector<16xf32>,
        %get3A_96 = vector.shape_cast %get3A_95 : vector<16xf32> to vector<16xf32>
        %slice3A = vector.extract_strided_slice %get3A_96 {offsets = [0], sizes = [1], strides = [1]} : vector<16xf32> to vector<1xf32>
        %squeeze3A = vector.extract %slice3A[0] : f32 from vector<1xf32>
        %get3A_97 = arith.constant 192 : i32
        %get3A_98 = arith.index_cast %get3A_97 : i32 to index
        %get3A_99 = arith.constant 0 : index
        %get3A_100 = tpu.vector_load %arg10[%get3A_98, %get3A_99] {strides = array<i32>} : memref<200x64xf32, #tpu.memory_space<vmem>>, vector<1x16xf32>,
        %get3A_101 = vector.shape_cast %get3A_100 : vector<1x16xf32> to vector<16xf32>
        %mul3A_102 = vector.broadcast %squeeze3A : f32 to vector<16xf32>
        %mul3A_103 = arith.mulf %get3A_101, %mul3A_102 : vector<16xf32>
        %swap3A = arith.constant 192 : i32
        %swap3A_104 = arith.index_cast %swap3A : i32 to index
        %swap3A_105 = arith.constant 0 : index
        %swap3A_106 = tpu.vector_load %arg10[%swap3A_104, %swap3A_105] {strides = array<i32>} : memref<200x64xf32, #tpu.memory_space<vmem>>, vector<1x16xf32>,
        %swap3A_107 = vector.shape_cast %swap3A_106 : vector<1x16xf32> to vector<16xf32>
        %swap3A_108 = vector.shape_cast %mul3A_103 : vector<16xf32> to vector<1x16xf32>
        tpu.vector_store %arg10[%swap3A_104, %swap3A_105], %swap3A_108 {strides = array<i32>} : memref<200x64xf32, #tpu.memory_space<vmem>>, vector<1x16xf32>,
        %get3A_109 = arith.constant 192 : i32
        %get3A_110 = arith.index_cast %get3A_109 : i32 to index
        %get3A_111 = arith.constant 16 : index
        %get3A_112 = tpu.vector_load %arg10[%get3A_110, %get3A_111] {strides = array<i32>} : memref<200x64xf32, #tpu.memory_space<vmem>>, vector<1x16xf32>,
        %get3A_113 = vector.shape_cast %get3A_112 : vector<1x16xf32> to vector<16xf32>
        %mul3A_114 = vector.broadcast %squeeze3A : f32 to vector<16xf32>
        %mul3A_115 = arith.mulf %get3A_113, %mul3A_114 : vector<16xf32>
        %swap3A_116 = arith.constant 192 : i32
        %swap3A_117 = arith.index_cast %swap3A_116 : i32 to index
        %swap3A_118 = arith.constant 16 : index
        %swap3A_119 = tpu.vector_load %arg10[%swap3A_117, %swap3A_118] {strides = array<i32>} : memref<200x64xf32, #tpu.memory_space<vmem>>, vector<1x16xf32>,
        %swap3A_120 = vector.shape_cast %swap3A_119 : vector<1x16xf32> to vector<16xf32>
        %swap3A_121 = vector.shape_cast %mul3A_115 : vector<16xf32> to vector<1x16xf32>
        tpu.vector_store %arg10[%swap3A_117, %swap3A_118], %swap3A_121 {strides = array<i32>} : memref<200x64xf32, #tpu.memory_space<vmem>>, vector<1x16xf32>,
        %get3A_122 = arith.constant 192 : i32
        %get3A_123 = arith.index_cast %get3A_122 : i32 to index
        %get3A_124 = arith.constant 32 : index
        %get3A_125 = tpu.vector_load %arg10[%get3A_123, %get3A_124] {strides = array<i32>} : memref<200x64xf32, #tpu.memory_space<vmem>>, vector<1x16xf32>,
        %get3A_126 = vector.shape_cast %get3A_125 : vector<1x16xf32> to vector<16xf32>
        %mul3A_127 = vector.broadcast %squeeze3A : f32 to vector<16xf32>
        %mul3A_128 = arith.mulf %get3A_126, %mul3A_127 : vector<16xf32>
        %swap3A_129 = arith.constant 192 : i32
        %swap3A_130 = arith.index_cast %swap3A_129 : i32 to index
        %swap3A_131 = arith.constant 32 : index
        %swap3A_132 = tpu.vector_load %arg10[%swap3A_130, %swap3A_131] {strides = array<i32>} : memref<200x64xf32, #tpu.memory_space<vmem>>, vector<1x16xf32>,
        %swap3A_133 = vector.shape_cast %swap3A_132 : vector<1x16xf32> to vector<16xf32>
        %swap3A_134 = vector.shape_cast %mul3A_128 : vector<16xf32> to vector<1x16xf32>
        tpu.vector_store %arg10[%swap3A_130, %swap3A_131], %swap3A_134 {strides = array<i32>} : memref<200x64xf32, #tpu.memory_space<vmem>>, vector<1x16xf32>,
        %get3A_135 = arith.constant 192 : i32
        %get3A_136 = arith.index_cast %get3A_135 : i32 to index
        %get3A_137 = arith.constant 48 : index
        %get3A_138 = tpu.vector_load %arg10[%get3A_136, %get3A_137] {strides = array<i32>} : memref<200x64xf32, #tpu.memory_space<vmem>>, vector<1x16xf32>,
        %get3A_139 = vector.shape_cast %get3A_138 : vector<1x16xf32> to vector<16xf32>
        %mul3A_140 = vector.broadcast %squeeze3A : f32 to vector<16xf32>
        %mul3A_141 = arith.mulf %get3A_139, %mul3A_140 : vector<16xf32>
        %swap3A_142 = arith.constant 192 : i32
        %swap3A_143 = arith.index_cast %swap3A_142 : i32 to index
        %swap3A_144 = arith.constant 48 : index
        %swap3A_145 = tpu.vector_load %arg10[%swap3A_143, %swap3A_144] {strides = array<i32>} : memref<200x64xf32, #tpu.memory_space<vmem>>, vector<1x16xf32>,
        %swap3A_146 = vector.shape_cast %swap3A_145 : vector<1x16xf32> to vector<16xf32>
        %swap3A_147 = vector.shape_cast %mul3A_141 : vector<16xf32> to vector<1x16xf32>
        tpu.vector_store %arg10[%swap3A_143, %swap3A_144], %swap3A_147 {strides = array<i32>} : memref<200x64xf32, #tpu.memory_space<vmem>>, vector<1x16xf32>,
        %slice3A_148 = vector.extract_strided_slice %get3A_96 {offsets = [1], sizes = [1], strides = [1]} : vector<16xf32> to vector<1xf32>
        %squeeze3A_149 = vector.extract %slice3A_148[0] : f32 from vector<1xf32>
        %get3A_150 = arith.constant 193 : i32
        %get3A_151 = arith.index_cast %get3A_150 : i32 to index
        %get3A_152 = arith.constant 0 : index
        %get3A_153 = tpu.vector_load %arg10[%get3A_151, %get3A_152] {strides = array<i32>} : memref<200x64xf32, #tpu.memory_space<vmem>>, vector<1x16xf32>,
        %get3A_154 = vector.shape_cast %get3A_153 : vector<1x16xf32> to vector<16xf32>
        %mul3A_155 = vector.broadcast %squeeze3A_149 : f32 to vector<16xf32>
        %mul3A_156 = arith.mulf %get3A_154, %mul3A_155 : vector<16xf32>
        %swap3A_157 = arith.constant 193 : i32
        %swap3A_158 = arith.index_cast %swap3A_157 : i32 to index
        %swap3A_159 = arith.constant 0 : index
        %swap3A_160 = tpu.vector_load %arg10[%swap3A_158, %swap3A_159] {strides = array<i32>} : memref<200x64xf32, #tpu.memory_space<vmem>>, vector<1x16xf32>,
        %swap3A_161 = vector.shape_cast %swap3A_160 : vector<1x16xf32> to vector<16xf32>
        %swap3A_162 = vector.shape_cast %mul3A_156 : vector<16xf32> to vector<1x16xf32>
        tpu.vector_store %arg10[%swap3A_158, %swap3A_159], %swap3A_162 {strides = array<i32>} : memref<200x64xf32, #tpu.memory_space<vmem>>, vector<1x16xf32>,
        %get3A_163 = arith.constant 193 : i32
        %get3A_164 = arith.index_cast %get3A_163 : i32 to index
        %get3A_165 = arith.constant 16 : index
        %get3A_166 = tpu.vector_load %arg10[%get3A_164, %get3A_165] {strides = array<i32>} : memref<200x64xf32, #tpu.memory_space<vmem>>, vector<1x16xf32>,
        %get3A_167 = vector.shape_cast %get3A_166 : vector<1x16xf32> to vector<16xf32>
        %mul3A_168 = vector.broadcast %squeeze3A_149 : f32 to vector<16xf32>
        %mul3A_169 = arith.mulf %get3A_167, %mul3A_168 : vector<16xf32>
        %swap3A_170 = arith.constant 193 : i32
        %swap3A_171 = arith.index_cast %swap3A_170 : i32 to index
        %swap3A_172 = arith.constant 16 : index
        %swap3A_173 = tpu.vector_load %arg10[%swap3A_171, %swap3A_172] {strides = array<i32>} : memref<200x64xf32, #tpu.memory_space<vmem>>, vector<1x16xf32>,
        %swap3A_174 = vector.shape_cast %swap3A_173 : vector<1x16xf32> to vector<16xf32>
        %swap3A_175 = vector.shape_cast %mul3A_169 : vector<16xf32> to vector<1x16xf32>
        tpu.vector_store %arg10[%swap3A_171, %swap3A_172], %swap3A_175 {strides = array<i32>} : memref<200x64xf32, #tpu.memory_space<vmem>>, vector<1x16xf32>,
        %get3A_176 = arith.constant 193 : i32
        %get3A_177 = arith.index_cast %get3A_176 : i32 to index
        %get3A_178 = arith.constant 32 : index
        %get3A_179 = tpu.vector_load %arg10[%get3A_177, %get3A_178] {strides = array<i32>} : memref<200x64xf32, #tpu.memory_space<vmem>>, vector<1x16xf32>,
        %get3A_180 = vector.shape_cast %get3A_179 : vector<1x16xf32> to vector<16xf32>
        %mul3A_181 = vector.broadcast %squeeze3A_149 : f32 to vector<16xf32>
        %mul3A_182 = arith.mulf %get3A_180, %mul3A_181 : vector<16xf32>
        %swap3A_183 = arith.constant 193 : i32
        %swap3A_184 = arith.index_cast %swap3A_183 : i32 to index
        %swap3A_185 = arith.constant 32 : index
        %swap3A_186 = tpu.vector_load %arg10[%swap3A_184, %swap3A_185] {strides = array<i32>} : memref<200x64xf32, #tpu.memory_space<vmem>>, vector<1x16xf32>,
        %swap3A_187 = vector.shape_cast %swap3A_186 : vector<1x16xf32> to vector<16xf32>
        %swap3A_188 = vector.shape_cast %mul3A_182 : vector<16xf32> to vector<1x16xf32>
        tpu.vector_store %arg10[%swap3A_184, %swap3A_185], %swap3A_188 {strides = array<i32>} : memref<200x64xf32, #tpu.memory_space<vmem>>, vector<1x16xf32>,
        %get3A_189 = arith.constant 193 : i32
        %get3A_190 = arith.index_cast %get3A_189 : i32 to index
        %get3A_191 = arith.constant 48 : index
        %get3A_192 = tpu.vector_load %arg10[%get3A_190, %get3A_191] {strides = array<i32>} : memref<200x64xf32, #tpu.memory_space<vmem>>, vector<1x16xf32>,
        %get3A_193 = vector.shape_cast %get3A_192 : vector<1x16xf32> to vector<16xf32>
        %mul3A_194 = vector.broadcast %squeeze3A_149 : f32 to vector<16xf32>
        %mul3A_195 = arith.mulf %get3A_193, %mul3A_194 : vector<16xf32>
        %swap3A_196 = arith.constant 193 : i32
        %swap3A_197 = arith.index_cast %swap3A_196 : i32 to index
        %swap3A_198 = arith.constant 48 : index
        %swap3A_199 = tpu.vector_load %arg10[%swap3A_197, %swap3A_198] {strides = array<i32>} : memref<200x64xf32, #tpu.memory_space<vmem>>, vector<1x16xf32>,
        %swap3A_200 = vector.shape_cast %swap3A_199 : vector<1x16xf32> to vector<16xf32>
        %swap3A_201 = vector.shape_cast %mul3A_195 : vector<16xf32> to vector<1x16xf32>
        tpu.vector_store %arg10[%swap3A_197, %swap3A_198], %swap3A_201 {strides = array<i32>} : memref<200x64xf32, #tpu.memory_space<vmem>>, vector<1x16xf32>,
        %slice3A_202 = vector.extract_strided_slice %get3A_96 {offsets = [2], sizes = [1], strides = [1]} : vector<16xf32> to vector<1xf32>
        %squeeze3A_203 = vector.extract %slice3A_202[0] : f32 from vector<1xf32>
        %get3A_204 = arith.constant 194 : i32
        %get3A_205 = arith.index_cast %get3A_204 : i32 to index
        %get3A_206 = arith.constant 0 : index
        %get3A_207 = tpu.vector_load %arg10[%get3A_205, %get3A_206] {strides = array<i32>} : memref<200x64xf32, #tpu.memory_space<vmem>>, vector<1x16xf32>,
        %get3A_208 = vector.shape_cast %get3A_207 : vector<1x16xf32> to vector<16xf32>
        %mul3A_209 = vector.broadcast %squeeze3A_203 : f32 to vector<16xf32>
        %mul3A_210 = arith.mulf %get3A_208, %mul3A_209 : vector<16xf32>
        %swap3A_211 = arith.constant 194 : i32
        %swap3A_212 = arith.index_cast %swap3A_211 : i32 to index
        %swap3A_213 = arith.constant 0 : index
        %swap3A_214 = tpu.vector_load %arg10[%swap3A_212, %swap3A_213] {strides = array<i32>} : memref<200x64xf32, #tpu.memory_space<vmem>>, vector<1x16xf32>,
        %swap3A_215 = vector.shape_cast %swap3A_214 : vector<1x16xf32> to vector<16xf32>
        %swap3A_216 = vector.shape_cast %mul3A_210 : vector<16xf32> to vector<1x16xf32>
        tpu.vector_store %arg10[%swap3A_212, %swap3A_213], %swap3A_216 {strides = array<i32>} : memref<200x64xf32, #tpu.memory_space<vmem>>, vector<1x16xf32>,
        %get3A_217 = arith.constant 194 : i32
        %get3A_218 = arith.index_cast %get3A_217 : i32 to index
        %get3A_219 = arith.constant 16 : index
        %get3A_220 = tpu.vector_load %arg10[%get3A_218, %get3A_219] {strides = array<i32>} : memref<200x64xf32, #tpu.memory_space<vmem>>, vector<1x16xf32>,
        %get3A_221 = vector.shape_cast %get3A_220 : vector<1x16xf32> to vector<16xf32>
        %mul3A_222 = vector.broadcast %squeeze3A_203 : f32 to vector<16xf32>
        %mul3A_223 = arith.mulf %get3A_221, %mul3A_222 : vector<16xf32>
        %swap3A_224 = arith.constant 194 : i32
        %swap3A_225 = arith.index_cast %swap3A_224 : i32 to index
        %swap3A_226 = arith.constant 16 : index
        %swap3A_227 = tpu.vector_load %arg10[%swap3A_225, %swap3A_226] {strides = array<i32>} : memref<200x64xf32, #tpu.memory_space<vmem>>, vector<1x16xf32>,
        %swap3A_228 = vector.shape_cast %swap3A_227 : vector<1x16xf32> to vector<16xf32>
        %swap3A_229 = vector.shape_cast %mul3A_223 : vector<16xf32> to vector<1x16xf32>
        tpu.vector_store %arg10[%swap3A_225, %swap3A_226], %swap3A_229 {strides = array<i32>} : memref<200x64xf32, #tpu.memory_space<vmem>>, vector<1x16xf32>,
        %get3A_230 = arith.constant 194 : i32
        %get3A_231 = arith.index_cast %get3A_230 : i32 to index
        %get3A_232 = arith.constant 32 : index
        %get3A_233 = tpu.vector_load %arg10[%get3A_231, %get3A_232] {strides = array<i32>} : memref<200x64xf32, #tpu.memory_space<vmem>>, vector<1x16xf32>,
        %get3A_234 = vector.shape_cast %get3A_233 : vector<1x16xf32> to vector<16xf32>
        %mul3A_235 = vector.broadcast %squeeze3A_203 : f32 to vector<16xf32>
        %mul3A_236 = arith.mulf %get3A_234, %mul3A_235 : vector<16xf32>
        %swap3A_237 = arith.constant 194 : i32
        %swap3A_238 = arith.index_cast %swap3A_237 : i32 to index
        %swap3A_239 = arith.constant 32 : index
        %swap3A_240 = tpu.vector_load %arg10[%swap3A_238, %swap3A_239] {strides = array<i32>} : memref<200x64xf32, #tpu.memory_space<vmem>>, vector<1x16xf32>,
        %swap3A_241 = vector.shape_cast %swap3A_240 : vector<1x16xf32> to vector<16xf32>
        %swap3A_242 = vector.shape_cast %mul3A_236 : vector<16xf32> to vector<1x16xf32>
        tpu.vector_store %arg10[%swap3A_238, %swap3A_239], %swap3A_242 {strides = array<i32>} : memref<200x64xf32, #tpu.memory_space<vmem>>, vector<1x16xf32>,
        %get3A_243 = arith.constant 194 : i32
        %get3A_244 = arith.index_cast %get3A_243 : i32 to index
        %get3A_245 = arith.constant 48 : index
        %get3A_246 = tpu.vector_load %arg10[%get3A_244, %get3A_245] {strides = array<i32>} : memref<200x64xf32, #tpu.memory_space<vmem>>, vector<1x16xf32>,
        %get3A_247 = vector.shape_cast %get3A_246 : vector<1x16xf32> to vector<16xf32>
        %mul3A_248 = vector.broadcast %squeeze3A_203 : f32 to vector<16xf32>
        %mul3A_249 = arith.mulf %get3A_247, %mul3A_248 : vector<16xf32>
        %swap3A_250 = arith.constant 194 : i32
        %swap3A_251 = arith.index_cast %swap3A_250 : i32 to index
        %swap3A_252 = arith.constant 48 : index
        %swap3A_253 = tpu.vector_load %arg10[%swap3A_251, %swap3A_252] {strides = array<i32>} : memref<200x64xf32, #tpu.memory_space<vmem>>, vector<1x16xf32>,
        %swap3A_254 = vector.shape_cast %swap3A_253 : vector<1x16xf32> to vector<16xf32>
        %swap3A_255 = vector.shape_cast %mul3A_249 : vector<16xf32> to vector<1x16xf32>
        tpu.vector_store %arg10[%swap3A_251, %swap3A_252], %swap3A_255 {strides = array<i32>} : memref<200x64xf32, #tpu.memory_space<vmem>>, vector<1x16xf32>,
        %slice3A_256 = vector.extract_strided_slice %get3A_96 {offsets = [3], sizes = [1], strides = [1]} : vector<16xf32> to vector<1xf32>
        %squeeze3A_257 = vector.extract %slice3A_256[0] : f32 from vector<1xf32>
        %get3A_258 = arith.constant 195 : i32
        %get3A_259 = arith.index_cast %get3A_258 : i32 to index
        %get3A_260 = arith.constant 0 : index
        %get3A_261 = tpu.vector_load %arg10[%get3A_259, %get3A_260] {strides = array<i32>} : memref<200x64xf32, #tpu.memory_space<vmem>>, vector<1x16xf32>,
        %get3A_262 = vector.shape_cast %get3A_261 : vector<1x16xf32> to vector<16xf32>
        %mul3A_263 = vector.broadcast %squeeze3A_257 : f32 to vector<16xf32>
        %mul3A_264 = arith.mulf %get3A_262, %mul3A_263 : vector<16xf32>
        %swap3A_265 = arith.constant 195 : i32
        %swap3A_266 = arith.index_cast %swap3A_265 : i32 to index
        %swap3A_267 = arith.constant 0 : index
        %swap3A_268 = tpu.vector_load %arg10[%swap3A_266, %swap3A_267] {strides = array<i32>} : memref<200x64xf32, #tpu.memory_space<vmem>>, vector<1x16xf32>,
        %swap3A_269 = vector.shape_cast %swap3A_268 : vector<1x16xf32> to vector<16xf32>
        %swap3A_270 = vector.shape_cast %mul3A_264 : vector<16xf32> to vector<1x16xf32>
        tpu.vector_store %arg10[%swap3A_266, %swap3A_267], %swap3A_270 {strides = array<i32>} : memref<200x64xf32, #tpu.memory_space<vmem>>, vector<1x16xf32>,
        %get3A_271 = arith.constant 195 : i32
        %get3A_272 = arith.index_cast %get3A_271 : i32 to index
        %get3A_273 = arith.constant 16 : index
        %get3A_274 = tpu.vector_load %arg10[%get3A_272, %get3A_273] {strides = array<i32>} : memref<200x64xf32, #tpu.memory_space<vmem>>, vector<1x16xf32>,
        %get3A_275 = vector.shape_cast %get3A_274 : vector<1x16xf32> to vector<16xf32>
        %mul3A_276 = vector.broadcast %squeeze3A_257 : f32 to vector<16xf32>
        %mul3A_277 = arith.mulf %get3A_275, %mul3A_276 : vector<16xf32>
        %swap3A_278 = arith.constant 195 : i32
        %swap3A_279 = arith.index_cast %swap3A_278 : i32 to index
        %swap3A_280 = arith.constant 16 : index
        %swap3A_281 = tpu.vector_load %arg10[%swap3A_279, %swap3A_280] {strides = array<i32>} : memref<200x64xf32, #tpu.memory_space<vmem>>, vector<1x16xf32>,
        %swap3A_282 = vector.shape_cast %swap3A_281 : vector<1x16xf32> to vector<16xf32>
        %swap3A_283 = vector.shape_cast %mul3A_277 : vector<16xf32> to vector<1x16xf32>
        tpu.vector_store %arg10[%swap3A_279, %swap3A_280], %swap3A_283 {strides = array<i32>} : memref<200x64xf32, #tpu.memory_space<vmem>>, vector<1x16xf32>,
        %get3A_284 = arith.constant 195 : i32
        %get3A_285 = arith.index_cast %get3A_284 : i32 to index
        %get3A_286 = arith.constant 32 : index
        %get3A_287 = tpu.vector_load %arg10[%get3A_285, %get3A_286] {strides = array<i32>} : memref<200x64xf32, #tpu.memory_space<vmem>>, vector<1x16xf32>,
        %get3A_288 = vector.shape_cast %get3A_287 : vector<1x16xf32> to vector<16xf32>
        %mul3A_289 = vector.broadcast %squeeze3A_257 : f32 to vector<16xf32>
        %mul3A_290 = arith.mulf %get3A_288, %mul3A_289 : vector<16xf32>
        %swap3A_291 = arith.constant 195 : i32
        %swap3A_292 = arith.index_cast %swap3A_291 : i32 to index
        %swap3A_293 = arith.constant 32 : index
        %swap3A_294 = tpu.vector_load %arg10[%swap3A_292, %swap3A_293] {strides = array<i32>} : memref<200x64xf32, #tpu.memory_space<vmem>>, vector<1x16xf32>,
        %swap3A_295 = vector.shape_cast %swap3A_294 : vector<1x16xf32> to vector<16xf32>
        %swap3A_296 = vector.shape_cast %mul3A_290 : vector<16xf32> to vector<1x16xf32>
        tpu.vector_store %arg10[%swap3A_292, %swap3A_293], %swap3A_296 {strides = array<i32>} : memref<200x64xf32, #tpu.memory_space<vmem>>, vector<1x16xf32>,
        %get3A_297 = arith.constant 195 : i32
        %get3A_298 = arith.index_cast %get3A_297 : i32 to index
        %get3A_299 = arith.constant 48 : index
        %get3A_300 = tpu.vector_load %arg10[%get3A_298, %get3A_299] {strides = array<i32>} : memref<200x64xf32, #tpu.memory_space<vmem>>, vector<1x16xf32>,
        %get3A_301 = vector.shape_cast %get3A_300 : vector<1x16xf32> to vector<16xf32>
        %mul3A_302 = vector.broadcast %squeeze3A_257 : f32 to vector<16xf32>
        %mul3A_303 = arith.mulf %get3A_301, %mul3A_302 : vector<16xf32>
        %swap3A_304 = arith.constant 195 : i32
        %swap3A_305 = arith.index_cast %swap3A_304 : i32 to index
        %swap3A_306 = arith.constant 48 : index
        %swap3A_307 = tpu.vector_load %arg10[%swap3A_305, %swap3A_306] {strides = array<i32>} : memref<200x64xf32, #tpu.memory_space<vmem>>, vector<1x16xf32>,
        %swap3A_308 = vector.shape_cast %swap3A_307 : vector<1x16xf32> to vector<16xf32>
        %swap3A_309 = vector.shape_cast %mul3A_303 : vector<16xf32> to vector<1x16xf32>
        tpu.vector_store %arg10[%swap3A_305, %swap3A_306], %swap3A_309 {strides = array<i32>} : memref<200x64xf32, #tpu.memory_space<vmem>>, vector<1x16xf32>,
        %slice3A_310 = vector.extract_strided_slice %get3A_96 {offsets = [4], sizes = [1], strides = [1]} : vector<16xf32> to vector<1xf32>
        %squeeze3A_311 = vector.extract %slice3A_310[0] : f32 from vector<1xf32>
        %get3A_312 = arith.constant 196 : i32
        %get3A_313 = arith.index_cast %get3A_312 : i32 to index
        %get3A_314 = arith.constant 0 : index
        %get3A_315 = tpu.vector_load %arg10[%get3A_313, %get3A_314] {strides = array<i32>} : memref<200x64xf32, #tpu.memory_space<vmem>>, vector<1x16xf32>,
        %get3A_316 = vector.shape_cast %get3A_315 : vector<1x16xf32> to vector<16xf32>
        %mul3A_317 = vector.broadcast %squeeze3A_311 : f32 to vector<16xf32>
        %mul3A_318 = arith.mulf %get3A_316, %mul3A_317 : vector<16xf32>
        %swap3A_319 = arith.constant 196 : i32
        %swap3A_320 = arith.index_cast %swap3A_319 : i32 to index
        %swap3A_321 = arith.constant 0 : index
        %swap3A_322 = tpu.vector_load %arg10[%swap3A_320, %swap3A_321] {strides = array<i32>} : memref<200x64xf32, #tpu.memory_space<vmem>>, vector<1x16xf32>,
        %swap3A_323 = vector.shape_cast %swap3A_322 : vector<1x16xf32> to vector<16xf32>
        %swap3A_324 = vector.shape_cast %mul3A_318 : vector<16xf32> to vector<1x16xf32>
        tpu.vector_store %arg10[%swap3A_320, %swap3A_321], %swap3A_324 {strides = array<i32>} : memref<200x64xf32, #tpu.memory_space<vmem>>, vector<1x16xf32>,
        %get3A_325 = arith.constant 196 : i32
        %get3A_326 = arith.index_cast %get3A_325 : i32 to index
        %get3A_327 = arith.constant 16 : index
        %get3A_328 = tpu.vector_load %arg10[%get3A_326, %get3A_327] {strides = array<i32>} : memref<200x64xf32, #tpu.memory_space<vmem>>, vector<1x16xf32>,
        %get3A_329 = vector.shape_cast %get3A_328 : vector<1x16xf32> to vector<16xf32>
        %mul3A_330 = vector.broadcast %squeeze3A_311 : f32 to vector<16xf32>
        %mul3A_331 = arith.mulf %get3A_329, %mul3A_330 : vector<16xf32>
        %swap3A_332 = arith.constant 196 : i32
        %swap3A_333 = arith.index_cast %swap3A_332 : i32 to index
        %swap3A_334 = arith.constant 16 : index
        %swap3A_335 = tpu.vector_load %arg10[%swap3A_333, %swap3A_334] {strides = array<i32>} : memref<200x64xf32, #tpu.memory_space<vmem>>, vector<1x16xf32>,
        %swap3A_336 = vector.shape_cast %swap3A_335 : vector<1x16xf32> to vector<16xf32>
        %swap3A_337 = vector.shape_cast %mul3A_331 : vector<16xf32> to vector<1x16xf32>
        tpu.vector_store %arg10[%swap3A_333, %swap3A_334], %swap3A_337 {strides = array<i32>} : memref<200x64xf32, #tpu.memory_space<vmem>>, vector<1x16xf32>,
        %get3A_338 = arith.constant 196 : i32
        %get3A_339 = arith.index_cast %get3A_338 : i32 to index
        %get3A_340 = arith.constant 32 : index
        %get3A_341 = tpu.vector_load %arg10[%get3A_339, %get3A_340] {strides = array<i32>} : memref<200x64xf32, #tpu.memory_space<vmem>>, vector<1x16xf32>,
        %get3A_342 = vector.shape_cast %get3A_341 : vector<1x16xf32> to vector<16xf32>
        %mul3A_343 = vector.broadcast %squeeze3A_311 : f32 to vector<16xf32>
        %mul3A_344 = arith.mulf %get3A_342, %mul3A_343 : vector<16xf32>
        %swap3A_345 = arith.constant 196 : i32
        %swap3A_346 = arith.index_cast %swap3A_345 : i32 to index
        %swap3A_347 = arith.constant 32 : index
        %swap3A_348 = tpu.vector_load %arg10[%swap3A_346, %swap3A_347] {strides = array<i32>} : memref<200x64xf32, #tpu.memory_space<vmem>>, vector<1x16xf32>,
        %swap3A_349 = vector.shape_cast %swap3A_348 : vector<1x16xf32> to vector<16xf32>
        %swap3A_350 = vector.shape_cast %mul3A_344 : vector<16xf32> to vector<1x16xf32>
        tpu.vector_store %arg10[%swap3A_346, %swap3A_347], %swap3A_350 {strides = array<i32>} : memref<200x64xf32, #tpu.memory_space<vmem>>, vector<1x16xf32>,
        %get3A_351 = arith.constant 196 : i32
        %get3A_352 = arith.index_cast %get3A_351 : i32 to index
        %get3A_353 = arith.constant 48 : index
        %get3A_354 = tpu.vector_load %arg10[%get3A_352, %get3A_353] {strides = array<i32>} : memref<200x64xf32, #tpu.memory_space<vmem>>, vector<1x16xf32>,
        %get3A_355 = vector.shape_cast %get3A_354 : vector<1x16xf32> to vector<16xf32>
        %mul3A_356 = vector.broadcast %squeeze3A_311 : f32 to vector<16xf32>
        %mul3A_357 = arith.mulf %get3A_355, %mul3A_356 : vector<16xf32>
        %swap3A_358 = arith.constant 196 : i32
        %swap3A_359 = arith.index_cast %swap3A_358 : i32 to index
        %swap3A_360 = arith.constant 48 : index
        %swap3A_361 = tpu.vector_load %arg10[%swap3A_359, %swap3A_360] {strides = array<i32>} : memref<200x64xf32, #tpu.memory_space<vmem>>, vector<1x16xf32>,
        %swap3A_362 = vector.shape_cast %swap3A_361 : vector<1x16xf32> to vector<16xf32>
        %swap3A_363 = vector.shape_cast %mul3A_357 : vector<16xf32> to vector<1x16xf32>
        tpu.vector_store %arg10[%swap3A_359, %swap3A_360], %swap3A_363 {strides = array<i32>} : memref<200x64xf32, #tpu.memory_space<vmem>>, vector<1x16xf32>,
        %slice3A_364 = vector.extract_strided_slice %get3A_96 {offsets = [5], sizes = [1], strides = [1]} : vector<16xf32> to vector<1xf32>
        %squeeze3A_365 = vector.extract %slice3A_364[0] : f32 from vector<1xf32>
        %get3A_366 = arith.constant 197 : i32
        %get3A_367 = arith.index_cast %get3A_366 : i32 to index
        %get3A_368 = arith.constant 0 : index
        %get3A_369 = tpu.vector_load %arg10[%get3A_367, %get3A_368] {strides = array<i32>} : memref<200x64xf32, #tpu.memory_space<vmem>>, vector<1x16xf32>,
        %get3A_370 = vector.shape_cast %get3A_369 : vector<1x16xf32> to vector<16xf32>
        %mul3A_371 = vector.broadcast %squeeze3A_365 : f32 to vector<16xf32>
        %mul3A_372 = arith.mulf %get3A_370, %mul3A_371 : vector<16xf32>
        %swap3A_373 = arith.constant 197 : i32
        %swap3A_374 = arith.index_cast %swap3A_373 : i32 to index
        %swap3A_375 = arith.constant 0 : index
        %swap3A_376 = tpu.vector_load %arg10[%swap3A_374, %swap3A_375] {strides = array<i32>} : memref<200x64xf32, #tpu.memory_space<vmem>>, vector<1x16xf32>,
        %swap3A_377 = vector.shape_cast %swap3A_376 : vector<1x16xf32> to vector<16xf32>
        %swap3A_378 = vector.shape_cast %mul3A_372 : vector<16xf32> to vector<1x16xf32>
        tpu.vector_store %arg10[%swap3A_374, %swap3A_375], %swap3A_378 {strides = array<i32>} : memref<200x64xf32, #tpu.memory_space<vmem>>, vector<1x16xf32>,
        %get3A_379 = arith.constant 197 : i32
        %get3A_380 = arith.index_cast %get3A_379 : i32 to index
        %get3A_381 = arith.constant 16 : index
        %get3A_382 = tpu.vector_load %arg10[%get3A_380, %get3A_381] {strides = array<i32>} : memref<200x64xf32, #tpu.memory_space<vmem>>, vector<1x16xf32>,
        %get3A_383 = vector.shape_cast %get3A_382 : vector<1x16xf32> to vector<16xf32>
        %mul3A_384 = vector.broadcast %squeeze3A_365 : f32 to vector<16xf32>
        %mul3A_385 = arith.mulf %get3A_383, %mul3A_384 : vector<16xf32>
        %swap3A_386 = arith.constant 197 : i32
        %swap3A_387 = arith.index_cast %swap3A_386 : i32 to index
        %swap3A_388 = arith.constant 16 : index
        %swap3A_389 = tpu.vector_load %arg10[%swap3A_387, %swap3A_388] {strides = array<i32>} : memref<200x64xf32, #tpu.memory_space<vmem>>, vector<1x16xf32>,
        %swap3A_390 = vector.shape_cast %swap3A_389 : vector<1x16xf32> to vector<16xf32>
        %swap3A_391 = vector.shape_cast %mul3A_385 : vector<16xf32> to vector<1x16xf32>
        tpu.vector_store %arg10[%swap3A_387, %swap3A_388], %swap3A_391 {strides = array<i32>} : memref<200x64xf32, #tpu.memory_space<vmem>>, vector<1x16xf32>,
        %get3A_392 = arith.constant 197 : i32
        %get3A_393 = arith.index_cast %get3A_392 : i32 to index
        %get3A_394 = arith.constant 32 : index
        %get3A_395 = tpu.vector_load %arg10[%get3A_393, %get3A_394] {strides = array<i32>} : memref<200x64xf32, #tpu.memory_space<vmem>>, vector<1x16xf32>,
        %get3A_396 = vector.shape_cast %get3A_395 : vector<1x16xf32> to vector<16xf32>
        %mul3A_397 = vector.broadcast %squeeze3A_365 : f32 to vector<16xf32>
        %mul3A_398 = arith.mulf %get3A_396, %mul3A_397 : vector<16xf32>
        %swap3A_399 = arith.constant 197 : i32
        %swap3A_400 = arith.index_cast %swap3A_399 : i32 to index
        %swap3A_401 = arith.constant 32 : index
        %swap3A_402 = tpu.vector_load %arg10[%swap3A_400, %swap3A_401] {strides = array<i32>} : memref<200x64xf32, #tpu.memory_space<vmem>>, vector<1x16xf32>,
        %swap3A_403 = vector.shape_cast %swap3A_402 : vector<1x16xf32> to vector<16xf32>
        %swap3A_404 = vector.shape_cast %mul3A_398 : vector<16xf32> to vector<1x16xf32>
        tpu.vector_store %arg10[%swap3A_400, %swap3A_401], %swap3A_404 {strides = array<i32>} : memref<200x64xf32, #tpu.memory_space<vmem>>, vector<1x16xf32>,
        %get3A_405 = arith.constant 197 : i32
        %get3A_406 = arith.index_cast %get3A_405 : i32 to index
        %get3A_407 = arith.constant 48 : index
        %get3A_408 = tpu.vector_load %arg10[%get3A_406, %get3A_407] {strides = array<i32>} : memref<200x64xf32, #tpu.memory_space<vmem>>, vector<1x16xf32>,
        %get3A_409 = vector.shape_cast %get3A_408 : vector<1x16xf32> to vector<16xf32>
        %mul3A_410 = vector.broadcast %squeeze3A_365 : f32 to vector<16xf32>
        %mul3A_411 = arith.mulf %get3A_409, %mul3A_410 : vector<16xf32>
        %swap3A_412 = arith.constant 197 : i32
        %swap3A_413 = arith.index_cast %swap3A_412 : i32 to index
        %swap3A_414 = arith.constant 48 : index
        %swap3A_415 = tpu.vector_load %arg10[%swap3A_413, %swap3A_414] {strides = array<i32>} : memref<200x64xf32, #tpu.memory_space<vmem>>, vector<1x16xf32>,
        %swap3A_416 = vector.shape_cast %swap3A_415 : vector<1x16xf32> to vector<16xf32>
        %swap3A_417 = vector.shape_cast %mul3A_411 : vector<16xf32> to vector<1x16xf32>
        tpu.vector_store %arg10[%swap3A_413, %swap3A_414], %swap3A_417 {strides = array<i32>} : memref<200x64xf32, #tpu.memory_space<vmem>>, vector<1x16xf32>,
        %slice3A_418 = vector.extract_strided_slice %get3A_96 {offsets = [6], sizes = [1], strides = [1]} : vector<16xf32> to vector<1xf32>
        %squeeze3A_419 = vector.extract %slice3A_418[0] : f32 from vector<1xf32>
        %get3A_420 = arith.constant 198 : i32
        %get3A_421 = arith.index_cast %get3A_420 : i32 to index
        %get3A_422 = arith.constant 0 : index
        %get3A_423 = tpu.vector_load %arg10[%get3A_421, %get3A_422] {strides = array<i32>} : memref<200x64xf32, #tpu.memory_space<vmem>>, vector<1x16xf32>,
        %get3A_424 = vector.shape_cast %get3A_423 : vector<1x16xf32> to vector<16xf32>
        %mul3A_425 = vector.broadcast %squeeze3A_419 : f32 to vector<16xf32>
        %mul3A_426 = arith.mulf %get3A_424, %mul3A_425 : vector<16xf32>
        %swap3A_427 = arith.constant 198 : i32
        %swap3A_428 = arith.index_cast %swap3A_427 : i32 to index
        %swap3A_429 = arith.constant 0 : index
        %swap3A_430 = tpu.vector_load %arg10[%swap3A_428, %swap3A_429] {strides = array<i32>} : memref<200x64xf32, #tpu.memory_space<vmem>>, vector<1x16xf32>,
        %swap3A_431 = vector.shape_cast %swap3A_430 : vector<1x16xf32> to vector<16xf32>
        %swap3A_432 = vector.shape_cast %mul3A_426 : vector<16xf32> to vector<1x16xf32>
        tpu.vector_store %arg10[%swap3A_428, %swap3A_429], %swap3A_432 {strides = array<i32>} : memref<200x64xf32, #tpu.memory_space<vmem>>, vector<1x16xf32>,
        %get3A_433 = arith.constant 198 : i32
        %get3A_434 = arith.index_cast %get3A_433 : i32 to index
        %get3A_435 = arith.constant 16 : index
        %get3A_436 = tpu.vector_load %arg10[%get3A_434, %get3A_435] {strides = array<i32>} : memref<200x64xf32, #tpu.memory_space<vmem>>, vector<1x16xf32>,
        %get3A_437 = vector.shape_cast %get3A_436 : vector<1x16xf32> to vector<16xf32>
        %mul3A_438 = vector.broadcast %squeeze3A_419 : f32 to vector<16xf32>
        %mul3A_439 = arith.mulf %get3A_437, %mul3A_438 : vector<16xf32>
        %swap3A_440 = arith.constant 198 : i32
        %swap3A_441 = arith.index_cast %swap3A_440 : i32 to index
        %swap3A_442 = arith.constant 16 : index
        %swap3A_443 = tpu.vector_load %arg10[%swap3A_441, %swap3A_442] {strides = array<i32>} : memref<200x64xf32, #tpu.memory_space<vmem>>, vector<1x16xf32>,
        %swap3A_444 = vector.shape_cast %swap3A_443 : vector<1x16xf32> to vector<16xf32>
        %swap3A_445 = vector.shape_cast %mul3A_439 : vector<16xf32> to vector<1x16xf32>
        tpu.vector_store %arg10[%swap3A_441, %swap3A_442], %swap3A_445 {strides = array<i32>} : memref<200x64xf32, #tpu.memory_space<vmem>>, vector<1x16xf32>,
        %get3A_446 = arith.constant 198 : i32
        %get3A_447 = arith.index_cast %get3A_446 : i32 to index
        %get3A_448 = arith.constant 32 : index
        %get3A_449 = tpu.vector_load %arg10[%get3A_447, %get3A_448] {strides = array<i32>} : memref<200x64xf32, #tpu.memory_space<vmem>>, vector<1x16xf32>,
        %get3A_450 = vector.shape_cast %get3A_449 : vector<1x16xf32> to vector<16xf32>
        %mul3A_451 = vector.broadcast %squeeze3A_419 : f32 to vector<16xf32>
        %mul3A_452 = arith.mulf %get3A_450, %mul3A_451 : vector<16xf32>
        %swap3A_453 = arith.constant 198 : i32
        %swap3A_454 = arith.index_cast %swap3A_453 : i32 to index
        %swap3A_455 = arith.constant 32 : index
        %swap3A_456 = tpu.vector_load %arg10[%swap3A_454, %swap3A_455] {strides = array<i32>} : memref<200x64xf32, #tpu.memory_space<vmem>>, vector<1x16xf32>,
        %swap3A_457 = vector.shape_cast %swap3A_456 : vector<1x16xf32> to vector<16xf32>
        %swap3A_458 = vector.shape_cast %mul3A_452 : vector<16xf32> to vector<1x16xf32>
        tpu.vector_store %arg10[%swap3A_454, %swap3A_455], %swap3A_458 {strides = array<i32>} : memref<200x64xf32, #tpu.memory_space<vmem>>, vector<1x16xf32>,
        %get3A_459 = arith.constant 198 : i32
        %get3A_460 = arith.index_cast %get3A_459 : i32 to index
        %get3A_461 = arith.constant 48 : index
        %get3A_462 = tpu.vector_load %arg10[%get3A_460, %get3A_461] {strides = array<i32>} : memref<200x64xf32, #tpu.memory_space<vmem>>, vector<1x16xf32>,
        %get3A_463 = vector.shape_cast %get3A_462 : vector<1x16xf32> to vector<16xf32>
        %mul3A_464 = vector.broadcast %squeeze3A_419 : f32 to vector<16xf32>
        %mul3A_465 = arith.mulf %get3A_463, %mul3A_464 : vector<16xf32>
        %swap3A_466 = arith.constant 198 : i32
        %swap3A_467 = arith.index_cast %swap3A_466 : i32 to index
        %swap3A_468 = arith.constant 48 : index
        %swap3A_469 = tpu.vector_load %arg10[%swap3A_467, %swap3A_468] {strides = array<i32>} : memref<200x64xf32, #tpu.memory_space<vmem>>, vector<1x16xf32>,
        %swap3A_470 = vector.shape_cast %swap3A_469 : vector<1x16xf32> to vector<16xf32>
        %swap3A_471 = vector.shape_cast %mul3A_465 : vector<16xf32> to vector<1x16xf32>
        tpu.vector_store %arg10[%swap3A_467, %swap3A_468], %swap3A_471 {strides = array<i32>} : memref<200x64xf32, #tpu.memory_space<vmem>>, vector<1x16xf32>,
        %slice3A_472 = vector.extract_strided_slice %get3A_96 {offsets = [7], sizes = [1], strides = [1]} : vector<16xf32> to vector<1xf32>
        %squeeze3A_473 = vector.extract %slice3A_472[0] : f32 from vector<1xf32>
        %get3A_474 = arith.constant 199 : i32
        %get3A_475 = arith.index_cast %get3A_474 : i32 to index
        %get3A_476 = arith.constant 0 : index
        %get3A_477 = tpu.vector_load %arg10[%get3A_475, %get3A_476] {strides = array<i32>} : memref<200x64xf32, #tpu.memory_space<vmem>>, vector<1x16xf32>,
        %get3A_478 = vector.shape_cast %get3A_477 : vector<1x16xf32> to vector<16xf32>
        %mul3A_479 = vector.broadcast %squeeze3A_473 : f32 to vector<16xf32>
        %mul3A_480 = arith.mulf %get3A_478, %mul3A_479 : vector<16xf32>
        %swap3A_481 = arith.constant 199 : i32
        %swap3A_482 = arith.index_cast %swap3A_481 : i32 to index
        %swap3A_483 = arith.constant 0 : index
        %swap3A_484 = tpu.vector_load %arg10[%swap3A_482, %swap3A_483] {strides = array<i32>} : memref<200x64xf32, #tpu.memory_space<vmem>>, vector<1x16xf32>,
        %swap3A_485 = vector.shape_cast %swap3A_484 : vector<1x16xf32> to vector<16xf32>
        %swap3A_486 = vector.shape_cast %mul3A_480 : vector<16xf32> to vector<1x16xf32>
        tpu.vector_store %arg10[%swap3A_482, %swap3A_483], %swap3A_486 {strides = array<i32>} : memref<200x64xf32, #tpu.memory_space<vmem>>, vector<1x16xf32>,
        %get3A_487 = arith.constant 199 : i32
        %get3A_488 = arith.index_cast %get3A_487 : i32 to index
        %get3A_489 = arith.constant 16 : index
        %get3A_490 = tpu.vector_load %arg10[%get3A_488, %get3A_489] {strides = array<i32>} : memref<200x64xf32, #tpu.memory_space<vmem>>, vector<1x16xf32>,
        %get3A_491 = vector.shape_cast %get3A_490 : vector<1x16xf32> to vector<16xf32>
        %mul3A_492 = vector.broadcast %squeeze3A_473 : f32 to vector<16xf32>
        %mul3A_493 = arith.mulf %get3A_491, %mul3A_492 : vector<16xf32>
        %swap3A_494 = arith.constant 199 : i32
        %swap3A_495 = arith.index_cast %swap3A_494 : i32 to index
        %swap3A_496 = arith.constant 16 : index
        %swap3A_497 = tpu.vector_load %arg10[%swap3A_495, %swap3A_496] {strides = array<i32>} : memref<200x64xf32, #tpu.memory_space<vmem>>, vector<1x16xf32>,
        %swap3A_498 = vector.shape_cast %swap3A_497 : vector<1x16xf32> to vector<16xf32>
        %swap3A_499 = vector.shape_cast %mul3A_493 : vector<16xf32> to vector<1x16xf32>
        tpu.vector_store %arg10[%swap3A_495, %swap3A_496], %swap3A_499 {strides = array<i32>} : memref<200x64xf32, #tpu.memory_space<vmem>>, vector<1x16xf32>,
        %get3A_500 = arith.constant 199 : i32
        %get3A_501 = arith.index_cast %get3A_500 : i32 to index
        %get3A_502 = arith.constant 32 : index
        %get3A_503 = tpu.vector_load %arg10[%get3A_501, %get3A_502] {strides = array<i32>} : memref<200x64xf32, #tpu.memory_space<vmem>>, vector<1x16xf32>,
        %get3A_504 = vector.shape_cast %get3A_503 : vector<1x16xf32> to vector<16xf32>
        %mul3A_505 = vector.broadcast %squeeze3A_473 : f32 to vector<16xf32>
        %mul3A_506 = arith.mulf %get3A_504, %mul3A_505 : vector<16xf32>
        %swap3A_507 = arith.constant 199 : i32
        %swap3A_508 = arith.index_cast %swap3A_507 : i32 to index
        %swap3A_509 = arith.constant 32 : index
        %swap3A_510 = tpu.vector_load %arg10[%swap3A_508, %swap3A_509] {strides = array<i32>} : memref<200x64xf32, #tpu.memory_space<vmem>>, vector<1x16xf32>,
        %swap3A_511 = vector.shape_cast %swap3A_510 : vector<1x16xf32> to vector<16xf32>
        %swap3A_512 = vector.shape_cast %mul3A_506 : vector<16xf32> to vector<1x16xf32>
        tpu.vector_store %arg10[%swap3A_508, %swap3A_509], %swap3A_512 {strides = array<i32>} : memref<200x64xf32, #tpu.memory_space<vmem>>, vector<1x16xf32>,
        %get3A_513 = arith.constant 199 : i32
        %get3A_514 = arith.index_cast %get3A_513 : i32 to index
        %get3A_515 = arith.constant 48 : index
        %get3A_516 = tpu.vector_load %arg10[%get3A_514, %get3A_515] {strides = array<i32>} : memref<200x64xf32, #tpu.memory_space<vmem>>, vector<1x16xf32>,
        %get3A_517 = vector.shape_cast %get3A_516 : vector<1x16xf32> to vector<16xf32>
        %mul3A_518 = vector.broadcast %squeeze3A_473 : f32 to vector<16xf32>
        %mul3A_519 = arith.mulf %get3A_517, %mul3A_518 : vector<16xf32>
        %swap3A_520 = arith.constant 199 : i32
        %swap3A_521 = arith.index_cast %swap3A_520 : i32 to index
        %swap3A_522 = arith.constant 48 : index
        %swap3A_523 = tpu.vector_load %arg10[%swap3A_521, %swap3A_522] {strides = array<i32>} : memref<200x64xf32, #tpu.memory_space<vmem>>, vector<1x16xf32>,
        %swap3A_524 = vector.shape_cast %swap3A_523 : vector<1x16xf32> to vector<16xf32>
        %swap3A_525 = vector.shape_cast %mul3A_519 : vector<16xf32> to vector<1x16xf32>
        tpu.vector_store %arg10[%swap3A_521, %swap3A_522], %swap3A_525 {strides = array<i32>} : memref<200x64xf32, #tpu.memory_space<vmem>>, vector<1x16xf32>,
        %mul3A_526 = arith.constant 64 : i32
        %mul3A_527 = arith.muli %arg0, %mul3A_526 : i32
        "tpu.region"() ({
          %run_scoped3A = tpu.sem_alloc : memref<!tpu.dma_semaphore, #tpu.memory_space<semaphore_mem>>
          %dma_start3A_529 = tpu.memref_slice %arg6[%add3A_83, %mul3A_527] : memref<10000x128xf32, #tpu.memory_space<hbm>> -> memref<200x64xf32, #tpu.memory_space<hbm>>
          %dma_start3A_530 = tpu.memref_slice %arg6[%add3A_83, %mul3A_527] : memref<10000x128xf32, #tpu.memory_space<hbm>> -> memref<200x64xf32, #tpu.memory_space<hbm>>
          tpu.enqueue_dma source(%arg10 : memref<200x64xf32, #tpu.memory_space<vmem>>) target(%dma_start3A_530 : memref<200x64xf32, #tpu.memory_space<hbm>>) target_semaphore(%run_scoped3A : memref<!tpu.dma_semaphore, #tpu.memory_space<semaphore_mem>>)
          %dma_wait3A = tpu.memref_slice %arg6[%add3A_83, %mul3A_527] : memref<10000x128xf32, #tpu.memory_space<hbm>> -> memref<200x64xf32, #tpu.memory_space<hbm>>
          %dma_wait3A_531 = tpu.memref_slice %arg6[%add3A_83, %mul3A_527] : memref<10000x128xf32, #tpu.memory_space<hbm>> -> memref<200x64xf32, #tpu.memory_space<hbm>>
          tpu.wait_dma2 semaphore(%run_scoped3A : memref<!tpu.dma_semaphore, #tpu.memory_space<semaphore_mem>>) src(%arg10 : memref<200x64xf32, #tpu.memory_space<vmem>>) dst(%dma_wait3A_531 : memref<200x64xf32, #tpu.memory_space<hbm>>)
          tpu.yield
        }) : () -> ()
        %scan3A_528 = arith.constant 0 : i32
        scf.yield %scan3A_528 : i32
      }
      %scan3A_76 = arith.constant 5 : i32
    } else {
    }
    return
  }
}

#map = affine_map<(d0, d1) -> (0, 0)>
#map1 = affine_map<(d0, d1) -> (0)>
module attributes {stable_mosaic.version = 14 : i64} {
  func.func @_deg_kernel(%arg0: i32, %arg1: i32, %arg2: memref<2560x128xi32, #tpu.memory_space<hbm>>, %arg3: memref<20480xf32, #tpu.memory_space<hbm>>, %arg4: memref<80x128xi32, #tpu.memory_space<vmem>>, %arg5: memref<128xf32, #tpu.memory_space<vmem>>, %arg6: memref<640xf32, #tpu.memory_space<vmem>>, %arg7: memref<10240xf32, #tpu.memory_space<vmem_shared>>) attributes {dimension_semantics = [#tpu.dimension_semantics<core_parallel>, #tpu.dimension_semantics<subcore_parallel>], iteration_bounds = array<i64: 2, 16>, scalar_prefetch = 0 : i64, scratch_operands = 4 : i64, tpu.core_type = #tpu.core_type<sc_vector_subcore>, window_params = [{transform_indices = #map}, {transform_indices = #map1}]} {
    %mul3A = arith.constant 16 : i32
    %mul3A_0 = arith.muli %arg0, %mul3A : i32
    %add3A = arith.addi %mul3A_0, %arg1 : i32
    %mul3A_1 = arith.constant 80 : i32
    %mul3A_2 = arith.muli %add3A, %mul3A_1 : i32
    "tpu.region"() ({
      %run_scoped3A = tpu.sem_alloc : memref<!tpu.dma_semaphore, #tpu.memory_space<semaphore_mem>>
      %dma_start3A = arith.constant 0 : i32
      %dma_start3A_33 = tpu.memref_slice %arg2[%mul3A_2, %dma_start3A] : memref<2560x128xi32, #tpu.memory_space<hbm>> -> memref<80x128xi32, #tpu.memory_space<hbm>>
      %dma_start3A_34 = arith.constant 0 : i32
      %dma_start3A_35 = tpu.memref_slice %arg2[%mul3A_2, %dma_start3A_34] : memref<2560x128xi32, #tpu.memory_space<hbm>> -> memref<80x128xi32, #tpu.memory_space<hbm>>
      tpu.enqueue_dma source(%dma_start3A_35 : memref<80x128xi32, #tpu.memory_space<hbm>>) target(%arg4 : memref<80x128xi32, #tpu.memory_space<vmem>>) target_semaphore(%run_scoped3A : memref<!tpu.dma_semaphore, #tpu.memory_space<semaphore_mem>>)
      %dma_wait3A = arith.constant 0 : i32
      %dma_wait3A_36 = tpu.memref_slice %arg2[%mul3A_2, %dma_wait3A] : memref<2560x128xi32, #tpu.memory_space<hbm>> -> memref<80x128xi32, #tpu.memory_space<hbm>>
      %dma_wait3A_37 = arith.constant 0 : i32
      %dma_wait3A_38 = tpu.memref_slice %arg2[%mul3A_2, %dma_wait3A_37] : memref<2560x128xi32, #tpu.memory_space<hbm>> -> memref<80x128xi32, #tpu.memory_space<hbm>>
      tpu.wait_dma2 semaphore(%run_scoped3A : memref<!tpu.dma_semaphore, #tpu.memory_space<semaphore_mem>>) src(%dma_wait3A_38 : memref<80x128xi32, #tpu.memory_space<hbm>>) dst(%arg4 : memref<80x128xi32, #tpu.memory_space<vmem>>)
      tpu.yield
    }) : () -> ()
    %scan3A = arith.constant 0 : i32
    %scan3A_3 = arith.constant 0 : i32
    %scan3A_4 = arith.constant 8 : i32
    %scan3A_5 = arith.addi %scan3A_3, %scan3A_4 : i32
    %scan3A_6 = arith.constant 1 : i32
    %scan3A_7 = scf.for %scan3A_33 = %scan3A_3 to %scan3A_5 step %scan3A_6 iter_args(%scan3A_34 = %scan3A) -> (i32)  : i32 {
      %broadcast_in_dim3A = arith.constant 1.000000e+00 : f32
      %broadcast_in_dim3A_35 = vector.broadcast %broadcast_in_dim3A : f32 to vector<16xf32>
      %mul3A_36 = arith.constant 16 : i32
      %mul3A_37 = arith.muli %scan3A_33, %mul3A_36 : i32
      %swap3A = arith.index_cast %mul3A_37 : i32 to index
      %swap3A_38 = tpu.vector_load %arg5[%swap3A] {strides = array<i32>} : memref<128xf32, #tpu.memory_space<vmem>>, vector<16xf32>,
      %swap3A_39 = vector.shape_cast %swap3A_38 : vector<16xf32> to vector<16xf32>
      %swap3A_40 = vector.shape_cast %broadcast_in_dim3A_35 : vector<16xf32> to vector<16xf32>
      tpu.vector_store %arg5[%swap3A], %swap3A_40 {strides = array<i32>} : memref<128xf32, #tpu.memory_space<vmem>>, vector<16xf32>,
      %scan3A_41 = arith.constant 0 : i32
      scf.yield %scan3A_41 : i32
    }
    %scan3A_8 = arith.constant 8 : i32
    %scan3A_9 = arith.constant 0 : i32
    %scan3A_10 = arith.constant 0 : i32
    %scan3A_11 = arith.constant 40 : i32
    %scan3A_12 = arith.addi %scan3A_10, %scan3A_11 : i32
    %scan3A_13 = arith.constant 1 : i32
    %scan3A_14 = scf.for %scan3A_33 = %scan3A_10 to %scan3A_12 step %scan3A_13 iter_args(%scan3A_34 = %scan3A_9) -> (i32)  : i32 {
      %broadcast_in_dim3A = arith.constant 0.000000e+00 : f32
      %broadcast_in_dim3A_35 = vector.broadcast %broadcast_in_dim3A : f32 to vector<16xf32>
      %mul3A_36 = arith.constant 16 : i32
      %mul3A_37 = arith.muli %scan3A_33, %mul3A_36 : i32
      %swap3A = arith.index_cast %mul3A_37 : i32 to index
      %swap3A_38 = tpu.vector_load %arg6[%swap3A] {strides = array<i32>} : memref<640xf32, #tpu.memory_space<vmem>>, vector<16xf32>,
      %swap3A_39 = vector.shape_cast %swap3A_38 : vector<16xf32> to vector<16xf32>
      %swap3A_40 = vector.shape_cast %broadcast_in_dim3A_35 : vector<16xf32> to vector<16xf32>
      tpu.vector_store %arg6[%swap3A], %swap3A_40 {strides = array<i32>} : memref<640xf32, #tpu.memory_space<vmem>>, vector<16xf32>,
      %scan3A_41 = arith.constant 0 : i32
      scf.yield %scan3A_41 : i32
    }
    %scan3A_15 = arith.constant 40 : i32
    %mul3A_16 = arith.constant 640 : i32
    %mul3A_17 = arith.muli %arg1, %mul3A_16 : i32
    "tpu.region"() ({
      %run_scoped3A = tpu.sem_alloc : memref<!tpu.dma_semaphore, #tpu.memory_space<semaphore_mem>>
      %dma_start3A = tpu.memref_slice %arg7[%mul3A_17] : memref<10240xf32, #tpu.memory_space<vmem_shared>> -> memref<640xf32, #tpu.memory_space<vmem_shared>>
      %dma_start3A_33 = tpu.memref_slice %arg7[%mul3A_17] : memref<10240xf32, #tpu.memory_space<vmem_shared>> -> memref<640xf32, #tpu.memory_space<vmem_shared>>
      tpu.enqueue_dma source(%arg6 : memref<640xf32, #tpu.memory_space<vmem>>) target(%dma_start3A_33 : memref<640xf32, #tpu.memory_space<vmem_shared>>) target_semaphore(%run_scoped3A : memref<!tpu.dma_semaphore, #tpu.memory_space<semaphore_mem>>)
      %dma_wait3A = tpu.memref_slice %arg7[%mul3A_17] : memref<10240xf32, #tpu.memory_space<vmem_shared>> -> memref<640xf32, #tpu.memory_space<vmem_shared>>
      %dma_wait3A_34 = tpu.memref_slice %arg7[%mul3A_17] : memref<10240xf32, #tpu.memory_space<vmem_shared>> -> memref<640xf32, #tpu.memory_space<vmem_shared>>
      tpu.wait_dma2 semaphore(%run_scoped3A : memref<!tpu.dma_semaphore, #tpu.memory_space<semaphore_mem>>) src(%arg6 : memref<640xf32, #tpu.memory_space<vmem>>) dst(%dma_wait3A_34 : memref<640xf32, #tpu.memory_space<vmem_shared>>)
      tpu.yield
    }) : () -> ()
    %barrier3A = arith.constant 0 : index
    tpu.barrier barrier_id(%barrier3A)
    %scan3A_18 = arith.constant 0 : i32
    %scan3A_19 = arith.constant 0 : i32
    %scan3A_20 = arith.constant 80 : i32
    %scan3A_21 = arith.addi %scan3A_19, %scan3A_20 : i32
    %scan3A_22 = arith.constant 1 : i32
    %scan3A_23 = scf.for %scan3A_33 = %scan3A_19 to %scan3A_21 step %scan3A_22 iter_args(%scan3A_34 = %scan3A_18) -> (i32)  : i32 {
      "tpu.region"() ({
        %run_scoped3A = tpu.sem_alloc : memref<!tpu.dma_semaphore, #tpu.memory_space<semaphore_mem>>
        %dma_start3A = arith.constant 0 : i32
        %dma_start3A_36 = tpu.memref_slice %arg4[%scan3A_33, %dma_start3A] : memref<80x128xi32, #tpu.memory_space<vmem>> -> memref<1x128xi32, #tpu.memory_space<vmem>>
        %dma_start3A_37 = tpu.memref_squeeze %dma_start3A_36 : memref<1x128xi32, #tpu.memory_space<vmem>> -> memref<128xi32, #tpu.memory_space<vmem>>
        %dma_start3A_38 = arith.constant 0 : i32
        %dma_start3A_39 = tpu.memref_slice %arg7[%dma_start3A_38] : memref<10240xf32, #tpu.memory_space<vmem_shared>> -> memref<10240xf32, #tpu.memory_space<vmem_shared>>
        tpu.enqueue_indirect_dma source(%arg5 : memref<128xf32, #tpu.memory_space<vmem>>) target(%dma_start3A_39 : memref<10240xf32, #tpu.memory_space<vmem_shared>>) offsets(%dma_start3A_37 : memref<128xi32, #tpu.memory_space<vmem>>) semaphore(%run_scoped3A : memref<!tpu.dma_semaphore, #tpu.memory_space<semaphore_mem>>) {add = true}
        %dma_wait3A = arith.constant 0 : i32
        %dma_wait3A_40 = tpu.memref_slice %arg4[%scan3A_33, %dma_wait3A] : memref<80x128xi32, #tpu.memory_space<vmem>> -> memref<1x128xi32, #tpu.memory_space<vmem>>
        %dma_wait3A_41 = tpu.memref_squeeze %dma_wait3A_40 : memref<1x128xi32, #tpu.memory_space<vmem>> -> memref<128xi32, #tpu.memory_space<vmem>>
        %dma_wait3A_42 = arith.constant 0 : i32
        %dma_wait3A_43 = tpu.memref_slice %arg7[%dma_wait3A_42] : memref<10240xf32, #tpu.memory_space<vmem_shared>> -> memref<10240xf32, #tpu.memory_space<vmem_shared>>
        tpu.wait_indirect_dma semaphore(%run_scoped3A : memref<!tpu.dma_semaphore, #tpu.memory_space<semaphore_mem>>) src(%arg5 : memref<128xf32, #tpu.memory_space<vmem>>) dst(%dma_wait3A_43 : memref<10240xf32, #tpu.memory_space<vmem_shared>>)
        tpu.yield
      }) : () -> ()
      %scan3A_35 = arith.constant 0 : i32
      scf.yield %scan3A_35 : i32
    }
    %scan3A_24 = arith.constant 80 : i32
    %barrier3A_25 = arith.constant 0 : index
    tpu.barrier barrier_id(%barrier3A_25)
    %mul3A_26 = arith.constant 640 : i32
    %mul3A_27 = arith.muli %arg1, %mul3A_26 : i32
    "tpu.region"() ({
      %run_scoped3A = tpu.sem_alloc : memref<!tpu.dma_semaphore, #tpu.memory_space<semaphore_mem>>
      %dma_start3A = tpu.memref_slice %arg7[%mul3A_27] : memref<10240xf32, #tpu.memory_space<vmem_shared>> -> memref<640xf32, #tpu.memory_space<vmem_shared>>
      %dma_start3A_33 = tpu.memref_slice %arg7[%mul3A_27] : memref<10240xf32, #tpu.memory_space<vmem_shared>> -> memref<640xf32, #tpu.memory_space<vmem_shared>>
      tpu.enqueue_dma source(%dma_start3A_33 : memref<640xf32, #tpu.memory_space<vmem_shared>>) target(%arg6 : memref<640xf32, #tpu.memory_space<vmem>>) target_semaphore(%run_scoped3A : memref<!tpu.dma_semaphore, #tpu.memory_space<semaphore_mem>>)
      %dma_wait3A = tpu.memref_slice %arg7[%mul3A_27] : memref<10240xf32, #tpu.memory_space<vmem_shared>> -> memref<640xf32, #tpu.memory_space<vmem_shared>>
      %dma_wait3A_34 = tpu.memref_slice %arg7[%mul3A_27] : memref<10240xf32, #tpu.memory_space<vmem_shared>> -> memref<640xf32, #tpu.memory_space<vmem_shared>>
      tpu.wait_dma2 semaphore(%run_scoped3A : memref<!tpu.dma_semaphore, #tpu.memory_space<semaphore_mem>>) src(%dma_wait3A_34 : memref<640xf32, #tpu.memory_space<vmem_shared>>) dst(%arg6 : memref<640xf32, #tpu.memory_space<vmem>>)
      tpu.yield
    }) : () -> ()
    %mul3A_28 = arith.constant 10240 : i32
    %mul3A_29 = arith.muli %arg0, %mul3A_28 : i32
    %mul3A_30 = arith.constant 640 : i32
    %mul3A_31 = arith.muli %arg1, %mul3A_30 : i32
    %add3A_32 = arith.addi %mul3A_29, %mul3A_31 : i32
    "tpu.region"() ({
      %run_scoped3A = tpu.sem_alloc : memref<!tpu.dma_semaphore, #tpu.memory_space<semaphore_mem>>
      %dma_start3A = tpu.memref_slice %arg3[%add3A_32] : memref<20480xf32, #tpu.memory_space<hbm>> -> memref<640xf32, #tpu.memory_space<hbm>>
      %dma_start3A_33 = tpu.memref_slice %arg3[%add3A_32] : memref<20480xf32, #tpu.memory_space<hbm>> -> memref<640xf32, #tpu.memory_space<hbm>>
      tpu.enqueue_dma source(%arg6 : memref<640xf32, #tpu.memory_space<vmem>>) target(%dma_start3A_33 : memref<640xf32, #tpu.memory_space<hbm>>) target_semaphore(%run_scoped3A : memref<!tpu.dma_semaphore, #tpu.memory_space<semaphore_mem>>)
      %dma_wait3A = tpu.memref_slice %arg3[%add3A_32] : memref<20480xf32, #tpu.memory_space<hbm>> -> memref<640xf32, #tpu.memory_space<hbm>>
      %dma_wait3A_34 = tpu.memref_slice %arg3[%add3A_32] : memref<20480xf32, #tpu.memory_space<hbm>> -> memref<640xf32, #tpu.memory_space<hbm>>
      tpu.wait_dma2 semaphore(%run_scoped3A : memref<!tpu.dma_semaphore, #tpu.memory_space<semaphore_mem>>) src(%arg6 : memref<640xf32, #tpu.memory_space<vmem>>) dst(%dma_wait3A_34 : memref<640xf32, #tpu.memory_space<hbm>>)
      tpu.yield
    }) : () -> ()
    return
  }
}

#map = affine_map<(d0, d1) -> (0, 0)>
#map1 = affine_map<(d0, d1) -> (0)>
module attributes {stable_mosaic.version = 14 : i64} {
  func.func @_agg(%arg0: i32, %arg1: i32, %arg2: memref<40000x64xf32, #tpu.memory_space<hbm>>, %arg3: memref<2560x128xi32, #tpu.memory_space<hbm>>, %arg4: memref<2560x128xi32, #tpu.memory_space<hbm>>, %arg5: memref<10000xf32, #tpu.memory_space<hbm>>, %arg6: memref<40000x64xf32, #tpu.memory_space<hbm>>, %arg7: memref<160x128xi32, #tpu.memory_space<vmem>>, %arg8: memref<160x128xi32, #tpu.memory_space<vmem>>, %arg9: memref<4x128x64xf32, #tpu.memory_space<vmem>>, %arg10: memref<200x64xf32, #tpu.memory_space<vmem>>, %arg11: memref<1016xf32, #tpu.memory_space<vmem>>, %arg12: memref<10200x64xf32, #tpu.memory_space<vmem_shared>>, %arg13: memref<!tpu.dma_semaphore, #tpu.memory_space<semaphore_mem>>) attributes {dimension_semantics = [#tpu.dimension_semantics<core_parallel>, #tpu.dimension_semantics<subcore_parallel>], iteration_bounds = array<i64: 2, 16>, scalar_prefetch = 0 : i64, scratch_operands = 7 : i64, tpu.core_type = #tpu.core_type<sc_vector_subcore>, window_params = [{transform_indices = #map}, {transform_indices = #map}, {transform_indices = #map}, {transform_indices = #map1}, {transform_indices = #map}]} {
    %mul3A = arith.constant 160 : i32
    %mul3A_0 = arith.muli %arg1, %mul3A : i32
    "tpu.region"() ({
      %run_scoped3A = tpu.sem_alloc : memref<!tpu.dma_semaphore, #tpu.memory_space<semaphore_mem>>
      %dma_start3A_140 = arith.constant 0 : i32
      %dma_start3A_141 = tpu.memref_slice %arg4[%mul3A_0, %dma_start3A_140] : memref<2560x128xi32, #tpu.memory_space<hbm>> -> memref<160x128xi32, #tpu.memory_space<hbm>>
      %dma_start3A_142 = arith.constant 0 : i32
      %dma_start3A_143 = tpu.memref_slice %arg4[%mul3A_0, %dma_start3A_142] : memref<2560x128xi32, #tpu.memory_space<hbm>> -> memref<160x128xi32, #tpu.memory_space<hbm>>
      tpu.enqueue_dma source(%dma_start3A_143 : memref<160x128xi32, #tpu.memory_space<hbm>>) target(%arg8 : memref<160x128xi32, #tpu.memory_space<vmem>>) target_semaphore(%run_scoped3A : memref<!tpu.dma_semaphore, #tpu.memory_space<semaphore_mem>>)
      %dma_wait3A = arith.constant 0 : i32
      %dma_wait3A_144 = tpu.memref_slice %arg4[%mul3A_0, %dma_wait3A] : memref<2560x128xi32, #tpu.memory_space<hbm>> -> memref<160x128xi32, #tpu.memory_space<hbm>>
      %dma_wait3A_145 = arith.constant 0 : i32
      %dma_wait3A_146 = tpu.memref_slice %arg4[%mul3A_0, %dma_wait3A_145] : memref<2560x128xi32, #tpu.memory_space<hbm>> -> memref<160x128xi32, #tpu.memory_space<hbm>>
      tpu.wait_dma2 semaphore(%run_scoped3A : memref<!tpu.dma_semaphore, #tpu.memory_space<semaphore_mem>>) src(%dma_wait3A_146 : memref<160x128xi32, #tpu.memory_space<hbm>>) dst(%arg8 : memref<160x128xi32, #tpu.memory_space<vmem>>)
      tpu.yield
    }) : () -> ()
    %mul3A_1 = arith.constant 160 : i32
    %mul3A_2 = arith.muli %arg1, %mul3A_1 : i32
    "tpu.region"() ({
      %run_scoped3A = tpu.sem_alloc : memref<!tpu.dma_semaphore, #tpu.memory_space<semaphore_mem>>
      %dma_start3A_140 = arith.constant 0 : i32
      %dma_start3A_141 = tpu.memref_slice %arg3[%mul3A_2, %dma_start3A_140] : memref<2560x128xi32, #tpu.memory_space<hbm>> -> memref<160x128xi32, #tpu.memory_space<hbm>>
      %dma_start3A_142 = arith.constant 0 : i32
      %dma_start3A_143 = tpu.memref_slice %arg3[%mul3A_2, %dma_start3A_142] : memref<2560x128xi32, #tpu.memory_space<hbm>> -> memref<160x128xi32, #tpu.memory_space<hbm>>
      tpu.enqueue_dma source(%dma_start3A_143 : memref<160x128xi32, #tpu.memory_space<hbm>>) target(%arg7 : memref<160x128xi32, #tpu.memory_space<vmem>>) target_semaphore(%run_scoped3A : memref<!tpu.dma_semaphore, #tpu.memory_space<semaphore_mem>>)
      %dma_wait3A = arith.constant 0 : i32
      %dma_wait3A_144 = tpu.memref_slice %arg3[%mul3A_2, %dma_wait3A] : memref<2560x128xi32, #tpu.memory_space<hbm>> -> memref<160x128xi32, #tpu.memory_space<hbm>>
      %dma_wait3A_145 = arith.constant 0 : i32
      %dma_wait3A_146 = tpu.memref_slice %arg3[%mul3A_2, %dma_wait3A_145] : memref<2560x128xi32, #tpu.memory_space<hbm>> -> memref<160x128xi32, #tpu.memory_space<hbm>>
      tpu.wait_dma2 semaphore(%run_scoped3A : memref<!tpu.dma_semaphore, #tpu.memory_space<semaphore_mem>>) src(%dma_wait3A_146 : memref<160x128xi32, #tpu.memory_space<hbm>>) dst(%arg7 : memref<160x128xi32, #tpu.memory_space<vmem>>)
      tpu.yield
    }) : () -> ()
    %mul3A_3 = arith.constant 2 : i32
    %mul3A_4 = arith.muli %arg0, %mul3A_3 : i32
    %add3A = arith.constant 0 : i32
    %add3A_5 = arith.addi %mul3A_4, %add3A : i32
    %mul3A_6 = arith.constant 10000 : i32
    %mul3A_7 = arith.muli %add3A_5, %mul3A_6 : i32
    %scan3A = arith.constant 0 : i32
    %scan3A_8 = arith.constant 0 : i32
    %scan3A_9 = arith.constant 160 : i32
    %scan3A_10 = arith.addi %scan3A_8, %scan3A_9 : i32
    %scan3A_11 = arith.constant 1 : i32
    %scan3A_12 = scf.for %scan3A_140 = %scan3A_8 to %scan3A_10 step %scan3A_11 iter_args(%scan3A_141 = %scan3A) -> (i32)  : i32 {
      %get3A = arith.index_cast %scan3A_140 : i32 to index
      %get3A_142 = arith.constant 0 : index
      %get3A_143 = tpu.vector_load %arg7[%get3A, %get3A_142] {strides = array<i32>} : memref<160x128xi32, #tpu.memory_space<vmem>>, vector<1x16xi32>,
      %get3A_144 = vector.shape_cast %get3A_143 : vector<1x16xi32> to vector<16xi32>
      %add3A_145 = vector.broadcast %mul3A_7 : i32 to vector<16xi32>
      %add3A_146 = arith.addi %get3A_144, %add3A_145 : vector<16xi32>
      %swap3A = arith.index_cast %scan3A_140 : i32 to index
      %swap3A_147 = arith.constant 0 : index
      %swap3A_148 = tpu.vector_load %arg7[%swap3A, %swap3A_147] {strides = array<i32>} : memref<160x128xi32, #tpu.memory_space<vmem>>, vector<1x16xi32>,
      %swap3A_149 = vector.shape_cast %swap3A_148 : vector<1x16xi32> to vector<16xi32>
      %swap3A_150 = vector.shape_cast %add3A_146 : vector<16xi32> to vector<1x16xi32>
      tpu.vector_store %arg7[%swap3A, %swap3A_147], %swap3A_150 {strides = array<i32>} : memref<160x128xi32, #tpu.memory_space<vmem>>, vector<1x16xi32>,
      %get3A_151 = arith.index_cast %scan3A_140 : i32 to index
      %get3A_152 = arith.constant 16 : index
      %get3A_153 = tpu.vector_load %arg7[%get3A_151, %get3A_152] {strides = array<i32>} : memref<160x128xi32, #tpu.memory_space<vmem>>, vector<1x16xi32>,
      %get3A_154 = vector.shape_cast %get3A_153 : vector<1x16xi32> to vector<16xi32>
      %add3A_155 = vector.broadcast %mul3A_7 : i32 to vector<16xi32>
      %add3A_156 = arith.addi %get3A_154, %add3A_155 : vector<16xi32>
      %swap3A_157 = arith.index_cast %scan3A_140 : i32 to index
      %swap3A_158 = arith.constant 16 : index
      %swap3A_159 = tpu.vector_load %arg7[%swap3A_157, %swap3A_158] {strides = array<i32>} : memref<160x128xi32, #tpu.memory_space<vmem>>, vector<1x16xi32>,
      %swap3A_160 = vector.shape_cast %swap3A_159 : vector<1x16xi32> to vector<16xi32>
      %swap3A_161 = vector.shape_cast %add3A_156 : vector<16xi32> to vector<1x16xi32>
      tpu.vector_store %arg7[%swap3A_157, %swap3A_158], %swap3A_161 {strides = array<i32>} : memref<160x128xi32, #tpu.memory_space<vmem>>, vector<1x16xi32>,
      %get3A_162 = arith.index_cast %scan3A_140 : i32 to index
      %get3A_163 = arith.constant 32 : index
      %get3A_164 = tpu.vector_load %arg7[%get3A_162, %get3A_163] {strides = array<i32>} : memref<160x128xi32, #tpu.memory_space<vmem>>, vector<1x16xi32>,
      %get3A_165 = vector.shape_cast %get3A_164 : vector<1x16xi32> to vector<16xi32>
      %add3A_166 = vector.broadcast %mul3A_7 : i32 to vector<16xi32>
      %add3A_167 = arith.addi %get3A_165, %add3A_166 : vector<16xi32>
      %swap3A_168 = arith.index_cast %scan3A_140 : i32 to index
      %swap3A_169 = arith.constant 32 : index
      %swap3A_170 = tpu.vector_load %arg7[%swap3A_168, %swap3A_169] {strides = array<i32>} : memref<160x128xi32, #tpu.memory_space<vmem>>, vector<1x16xi32>,
      %swap3A_171 = vector.shape_cast %swap3A_170 : vector<1x16xi32> to vector<16xi32>
      %swap3A_172 = vector.shape_cast %add3A_167 : vector<16xi32> to vector<1x16xi32>
      tpu.vector_store %arg7[%swap3A_168, %swap3A_169], %swap3A_172 {strides = array<i32>} : memref<160x128xi32, #tpu.memory_space<vmem>>, vector<1x16xi32>,
      %get3A_173 = arith.index_cast %scan3A_140 : i32 to index
      %get3A_174 = arith.constant 48 : index
      %get3A_175 = tpu.vector_load %arg7[%get3A_173, %get3A_174] {strides = array<i32>} : memref<160x128xi32, #tpu.memory_space<vmem>>, vector<1x16xi32>,
      %get3A_176 = vector.shape_cast %get3A_175 : vector<1x16xi32> to vector<16xi32>
      %add3A_177 = vector.broadcast %mul3A_7 : i32 to vector<16xi32>
      %add3A_178 = arith.addi %get3A_176, %add3A_177 : vector<16xi32>
      %swap3A_179 = arith.index_cast %scan3A_140 : i32 to index
      %swap3A_180 = arith.constant 48 : index
      %swap3A_181 = tpu.vector_load %arg7[%swap3A_179, %swap3A_180] {strides = array<i32>} : memref<160x128xi32, #tpu.memory_space<vmem>>, vector<1x16xi32>,
      %swap3A_182 = vector.shape_cast %swap3A_181 : vector<1x16xi32> to vector<16xi32>
      %swap3A_183 = vector.shape_cast %add3A_178 : vector<16xi32> to vector<1x16xi32>
      tpu.vector_store %arg7[%swap3A_179, %swap3A_180], %swap3A_183 {strides = array<i32>} : memref<160x128xi32, #tpu.memory_space<vmem>>, vector<1x16xi32>,
      %get3A_184 = arith.index_cast %scan3A_140 : i32 to index
      %get3A_185 = arith.constant 64 : index
      %get3A_186 = tpu.vector_load %arg7[%get3A_184, %get3A_185] {strides = array<i32>} : memref<160x128xi32, #tpu.memory_space<vmem>>, vector<1x16xi32>,
      %get3A_187 = vector.shape_cast %get3A_186 : vector<1x16xi32> to vector<16xi32>
      %add3A_188 = vector.broadcast %mul3A_7 : i32 to vector<16xi32>
      %add3A_189 = arith.addi %get3A_187, %add3A_188 : vector<16xi32>
      %swap3A_190 = arith.index_cast %scan3A_140 : i32 to index
      %swap3A_191 = arith.constant 64 : index
      %swap3A_192 = tpu.vector_load %arg7[%swap3A_190, %swap3A_191] {strides = array<i32>} : memref<160x128xi32, #tpu.memory_space<vmem>>, vector<1x16xi32>,
      %swap3A_193 = vector.shape_cast %swap3A_192 : vector<1x16xi32> to vector<16xi32>
      %swap3A_194 = vector.shape_cast %add3A_189 : vector<16xi32> to vector<1x16xi32>
      tpu.vector_store %arg7[%swap3A_190, %swap3A_191], %swap3A_194 {strides = array<i32>} : memref<160x128xi32, #tpu.memory_space<vmem>>, vector<1x16xi32>,
      %get3A_195 = arith.index_cast %scan3A_140 : i32 to index
      %get3A_196 = arith.constant 80 : index
      %get3A_197 = tpu.vector_load %arg7[%get3A_195, %get3A_196] {strides = array<i32>} : memref<160x128xi32, #tpu.memory_space<vmem>>, vector<1x16xi32>,
      %get3A_198 = vector.shape_cast %get3A_197 : vector<1x16xi32> to vector<16xi32>
      %add3A_199 = vector.broadcast %mul3A_7 : i32 to vector<16xi32>
      %add3A_200 = arith.addi %get3A_198, %add3A_199 : vector<16xi32>
      %swap3A_201 = arith.index_cast %scan3A_140 : i32 to index
      %swap3A_202 = arith.constant 80 : index
      %swap3A_203 = tpu.vector_load %arg7[%swap3A_201, %swap3A_202] {strides = array<i32>} : memref<160x128xi32, #tpu.memory_space<vmem>>, vector<1x16xi32>,
      %swap3A_204 = vector.shape_cast %swap3A_203 : vector<1x16xi32> to vector<16xi32>
      %swap3A_205 = vector.shape_cast %add3A_200 : vector<16xi32> to vector<1x16xi32>
      tpu.vector_store %arg7[%swap3A_201, %swap3A_202], %swap3A_205 {strides = array<i32>} : memref<160x128xi32, #tpu.memory_space<vmem>>, vector<1x16xi32>,
      %get3A_206 = arith.index_cast %scan3A_140 : i32 to index
      %get3A_207 = arith.constant 96 : index
      %get3A_208 = tpu.vector_load %arg7[%get3A_206, %get3A_207] {strides = array<i32>} : memref<160x128xi32, #tpu.memory_space<vmem>>, vector<1x16xi32>,
      %get3A_209 = vector.shape_cast %get3A_208 : vector<1x16xi32> to vector<16xi32>
      %add3A_210 = vector.broadcast %mul3A_7 : i32 to vector<16xi32>
      %add3A_211 = arith.addi %get3A_209, %add3A_210 : vector<16xi32>
      %swap3A_212 = arith.index_cast %scan3A_140 : i32 to index
      %swap3A_213 = arith.constant 96 : index
      %swap3A_214 = tpu.vector_load %arg7[%swap3A_212, %swap3A_213] {strides = array<i32>} : memref<160x128xi32, #tpu.memory_space<vmem>>, vector<1x16xi32>,
      %swap3A_215 = vector.shape_cast %swap3A_214 : vector<1x16xi32> to vector<16xi32>
      %swap3A_216 = vector.shape_cast %add3A_211 : vector<16xi32> to vector<1x16xi32>
      tpu.vector_store %arg7[%swap3A_212, %swap3A_213], %swap3A_216 {strides = array<i32>} : memref<160x128xi32, #tpu.memory_space<vmem>>, vector<1x16xi32>,
      %get3A_217 = arith.index_cast %scan3A_140 : i32 to index
      %get3A_218 = arith.constant 112 : index
      %get3A_219 = tpu.vector_load %arg7[%get3A_217, %get3A_218] {strides = array<i32>} : memref<160x128xi32, #tpu.memory_space<vmem>>, vector<1x16xi32>,
      %get3A_220 = vector.shape_cast %get3A_219 : vector<1x16xi32> to vector<16xi32>
      %add3A_221 = vector.broadcast %mul3A_7 : i32 to vector<16xi32>
      %add3A_222 = arith.addi %get3A_220, %add3A_221 : vector<16xi32>
      %swap3A_223 = arith.index_cast %scan3A_140 : i32 to index
      %swap3A_224 = arith.constant 112 : index
      %swap3A_225 = tpu.vector_load %arg7[%swap3A_223, %swap3A_224] {strides = array<i32>} : memref<160x128xi32, #tpu.memory_space<vmem>>, vector<1x16xi32>,
      %swap3A_226 = vector.shape_cast %swap3A_225 : vector<1x16xi32> to vector<16xi32>
      %swap3A_227 = vector.shape_cast %add3A_222 : vector<16xi32> to vector<1x16xi32>
      tpu.vector_store %arg7[%swap3A_223, %swap3A_224], %swap3A_227 {strides = array<i32>} : memref<160x128xi32, #tpu.memory_space<vmem>>, vector<1x16xi32>,
      %scan3A_228 = arith.constant 0 : i32
      scf.yield %scan3A_228 : i32
    }
    %scan3A_13 = arith.constant 160 : i32
    %lt3A = arith.constant 10 : i32
    %lt3A_14 = arith.cmpi slt, %arg1, %lt3A : i32
    %convert_element_type3A = arith.extui %lt3A_14 : i1 to i32
    %cond3A = arith.constant 0 : i32
    %cond3A_15 = arith.cmpi ne, %convert_element_type3A, %cond3A : i32
    scf.if %cond3A_15 {
      %scan3A_140 = arith.constant 0 : i32
      %scan3A_141 = arith.constant 0 : i32
      %scan3A_142 = arith.constant 800 : i32
      %scan3A_143 = arith.addi %scan3A_141, %scan3A_142 : i32
      %scan3A_144 = arith.constant 1 : i32
      %scan3A_145 = scf.for %scan3A_167 = %scan3A_141 to %scan3A_143 step %scan3A_144 iter_args(%scan3A_168 = %scan3A_140) -> (i32)  : i32 {
        %jit3A = arith.constant 4 : i32
        %div3A = arith.divsi %scan3A_167, %jit3A : i32
        %sign3A = arith.constant 0 : i32
        %sign3A_169 = arith.cmpi sgt, %scan3A_167, %sign3A : i32
        %sign3A_170 = arith.extui %sign3A_169 : i1 to i32
        %sign3A_171 = arith.constant 0 : i32
        %sign3A_172 = arith.cmpi slt, %scan3A_167, %sign3A_171 : i32
        %sign3A_173 = arith.extui %sign3A_172 : i1 to i32
        %sign3A_174 = arith.subi %sign3A_170, %sign3A_173 : i32
        %sign3A_175 = arith.constant 0 : i32
        %sign3A_176 = arith.cmpi sgt, %jit3A, %sign3A_175 : i32
        %sign3A_177 = arith.extui %sign3A_176 : i1 to i32
        %sign3A_178 = arith.constant 0 : i32
        %sign3A_179 = arith.cmpi slt, %jit3A, %sign3A_178 : i32
        %sign3A_180 = arith.extui %sign3A_179 : i1 to i32
        %sign3A_181 = arith.subi %sign3A_177, %sign3A_180 : i32
        %ne3A = arith.cmpi ne, %sign3A_174, %sign3A_181 : i32
        %rem3A = arith.remsi %scan3A_167, %jit3A : i32
        %ne3A_182 = arith.constant 0 : i32
        %ne3A_183 = arith.cmpi ne, %rem3A, %ne3A_182 : i32
        %and3A = arith.andi %ne3A, %ne3A_183 : i1
        %sub3A = arith.constant 1 : i32
        %sub3A_184 = arith.subi %div3A, %sub3A : i32
        %select_n3A = arith.select %and3A, %sub3A_184, %div3A : i32
        %jit3A_185 = arith.constant 4 : i32
        %eq3A_186 = arith.constant 0 : i32
        %eq3A_187 = arith.cmpi eq, %jit3A_185, %eq3A_186 : i32
        %jit3A_188 = arith.constant 1 : i32
        %select_n3A_189 = arith.select %eq3A_187, %jit3A_188, %jit3A_185 : i32
        %rem3A_190 = arith.remsi %scan3A_167, %select_n3A_189 : i32
        %ne3A_191 = arith.constant 0 : i32
        %ne3A_192 = arith.cmpi ne, %rem3A_190, %ne3A_191 : i32
        %lt3A_193 = arith.constant 0 : i32
        %lt3A_194 = arith.cmpi slt, %rem3A_190, %lt3A_193 : i32
        %lt3A_195 = arith.constant 0 : i32
        %lt3A_196 = arith.cmpi slt, %select_n3A_189, %lt3A_195 : i32
        %ne3A_197 = arith.xori %lt3A_194, %lt3A_196 : i1
        %and3A_198 = arith.andi %ne3A_197, %ne3A_192 : i1
        %add3A_199 = arith.addi %rem3A_190, %select_n3A_189 : i32
        %select_n3A_200 = arith.select %and3A_198, %add3A_199, %rem3A_190 : i32
        %broadcast_in_dim3A = arith.constant 0.000000e+00 : f32
        %broadcast_in_dim3A_201 = vector.broadcast %broadcast_in_dim3A : f32 to vector<16xf32>
        %mul3A_202 = arith.constant 16 : i32
        %mul3A_203 = arith.muli %select_n3A_200, %mul3A_202 : i32
        %swap3A = arith.index_cast %select_n3A : i32 to index
        %swap3A_204 = arith.index_cast %mul3A_203 : i32 to index
        %swap3A_205 = tpu.vector_load %arg10[%swap3A, %swap3A_204] {strides = array<i32>} : memref<200x64xf32, #tpu.memory_space<vmem>>, vector<1x16xf32>,
        %swap3A_206 = vector.shape_cast %swap3A_205 : vector<1x16xf32> to vector<16xf32>
        %swap3A_207 = vector.shape_cast %broadcast_in_dim3A_201 : vector<16xf32> to vector<1x16xf32>
        tpu.vector_store %arg10[%swap3A, %swap3A_204], %swap3A_207 {strides = array<i32>} : memref<200x64xf32, #tpu.memory_space<vmem>>, vector<1x16xf32>,
        %scan3A_208 = arith.constant 0 : i32
        scf.yield %scan3A_208 : i32
      }
      %scan3A_146 = arith.constant 800 : i32
      %mul3A_147 = arith.constant 1000 : i32
      %mul3A_148 = arith.muli %arg1, %mul3A_147 : i32
      %add3A_149 = arith.constant 0 : i32
      %add3A_150 = arith.addi %mul3A_148, %add3A_149 : i32
      "tpu.region"() ({
        %run_scoped3A = tpu.sem_alloc : memref<!tpu.dma_semaphore, #tpu.memory_space<semaphore_mem>>
        %dma_start3A_167 = arith.constant 0 : i32
        %dma_start3A_168 = tpu.memref_slice %arg12[%add3A_150, %dma_start3A_167] : memref<10200x64xf32, #tpu.memory_space<vmem_shared>> -> memref<200x64xf32, #tpu.memory_space<vmem_shared>>
        %dma_start3A_169 = arith.constant 0 : i32
        %dma_start3A_170 = tpu.memref_slice %arg12[%add3A_150, %dma_start3A_169] : memref<10200x64xf32, #tpu.memory_space<vmem_shared>> -> memref<200x64xf32, #tpu.memory_space<vmem_shared>>
        tpu.enqueue_dma source(%arg10 : memref<200x64xf32, #tpu.memory_space<vmem>>) target(%dma_start3A_170 : memref<200x64xf32, #tpu.memory_space<vmem_shared>>) target_semaphore(%run_scoped3A : memref<!tpu.dma_semaphore, #tpu.memory_space<semaphore_mem>>)
        %dma_wait3A = arith.constant 0 : i32
        %dma_wait3A_171 = tpu.memref_slice %arg12[%add3A_150, %dma_wait3A] : memref<10200x64xf32, #tpu.memory_space<vmem_shared>> -> memref<200x64xf32, #tpu.memory_space<vmem_shared>>
        %dma_wait3A_172 = arith.constant 0 : i32
        %dma_wait3A_173 = tpu.memref_slice %arg12[%add3A_150, %dma_wait3A_172] : memref<10200x64xf32, #tpu.memory_space<vmem_shared>> -> memref<200x64xf32, #tpu.memory_space<vmem_shared>>
        tpu.wait_dma2 semaphore(%run_scoped3A : memref<!tpu.dma_semaphore, #tpu.memory_space<semaphore_mem>>) src(%arg10 : memref<200x64xf32, #tpu.memory_space<vmem>>) dst(%dma_wait3A_173 : memref<200x64xf32, #tpu.memory_space<vmem_shared>>)
        tpu.yield
      }) : () -> ()
      %mul3A_151 = arith.constant 1000 : i32
      %mul3A_152 = arith.muli %arg1, %mul3A_151 : i32
      %add3A_153 = arith.constant 200 : i32
      %add3A_154 = arith.addi %mul3A_152, %add3A_153 : i32
      "tpu.region"() ({
        %run_scoped3A = tpu.sem_alloc : memref<!tpu.dma_semaphore, #tpu.memory_space<semaphore_mem>>
        %dma_start3A_167 = arith.constant 0 : i32
        %dma_start3A_168 = tpu.memref_slice %arg12[%add3A_154, %dma_start3A_167] : memref<10200x64xf32, #tpu.memory_space<vmem_shared>> -> memref<200x64xf32, #tpu.memory_space<vmem_shared>>
        %dma_start3A_169 = arith.constant 0 : i32
        %dma_start3A_170 = tpu.memref_slice %arg12[%add3A_154, %dma_start3A_169] : memref<10200x64xf32, #tpu.memory_space<vmem_shared>> -> memref<200x64xf32, #tpu.memory_space<vmem_shared>>
        tpu.enqueue_dma source(%arg10 : memref<200x64xf32, #tpu.memory_space<vmem>>) target(%dma_start3A_170 : memref<200x64xf32, #tpu.memory_space<vmem_shared>>) target_semaphore(%run_scoped3A : memref<!tpu.dma_semaphore, #tpu.memory_space<semaphore_mem>>)
        %dma_wait3A = arith.constant 0 : i32
        %dma_wait3A_171 = tpu.memref_slice %arg12[%add3A_154, %dma_wait3A] : memref<10200x64xf32, #tpu.memory_space<vmem_shared>> -> memref<200x64xf32, #tpu.memory_space<vmem_shared>>
        %dma_wait3A_172 = arith.constant 0 : i32
        %dma_wait3A_173 = tpu.memref_slice %arg12[%add3A_154, %dma_wait3A_172] : memref<10200x64xf32, #tpu.memory_space<vmem_shared>> -> memref<200x64xf32, #tpu.memory_space<vmem_shared>>
        tpu.wait_dma2 semaphore(%run_scoped3A : memref<!tpu.dma_semaphore, #tpu.memory_space<semaphore_mem>>) src(%arg10 : memref<200x64xf32, #tpu.memory_space<vmem>>) dst(%dma_wait3A_173 : memref<200x64xf32, #tpu.memory_space<vmem_shared>>)
        tpu.yield
      }) : () -> ()
      %mul3A_155 = arith.constant 1000 : i32
      %mul3A_156 = arith.muli %arg1, %mul3A_155 : i32
      %add3A_157 = arith.constant 400 : i32
      %add3A_158 = arith.addi %mul3A_156, %add3A_157 : i32
      "tpu.region"() ({
        %run_scoped3A = tpu.sem_alloc : memref<!tpu.dma_semaphore, #tpu.memory_space<semaphore_mem>>
        %dma_start3A_167 = arith.constant 0 : i32
        %dma_start3A_168 = tpu.memref_slice %arg12[%add3A_158, %dma_start3A_167] : memref<10200x64xf32, #tpu.memory_space<vmem_shared>> -> memref<200x64xf32, #tpu.memory_space<vmem_shared>>
        %dma_start3A_169 = arith.constant 0 : i32
        %dma_start3A_170 = tpu.memref_slice %arg12[%add3A_158, %dma_start3A_169] : memref<10200x64xf32, #tpu.memory_space<vmem_shared>> -> memref<200x64xf32, #tpu.memory_space<vmem_shared>>
        tpu.enqueue_dma source(%arg10 : memref<200x64xf32, #tpu.memory_space<vmem>>) target(%dma_start3A_170 : memref<200x64xf32, #tpu.memory_space<vmem_shared>>) target_semaphore(%run_scoped3A : memref<!tpu.dma_semaphore, #tpu.memory_space<semaphore_mem>>)
        %dma_wait3A = arith.constant 0 : i32
        %dma_wait3A_171 = tpu.memref_slice %arg12[%add3A_158, %dma_wait3A] : memref<10200x64xf32, #tpu.memory_space<vmem_shared>> -> memref<200x64xf32, #tpu.memory_space<vmem_shared>>
        %dma_wait3A_172 = arith.constant 0 : i32
        %dma_wait3A_173 = tpu.memref_slice %arg12[%add3A_158, %dma_wait3A_172] : memref<10200x64xf32, #tpu.memory_space<vmem_shared>> -> memref<200x64xf32, #tpu.memory_space<vmem_shared>>
        tpu.wait_dma2 semaphore(%run_scoped3A : memref<!tpu.dma_semaphore, #tpu.memory_space<semaphore_mem>>) src(%arg10 : memref<200x64xf32, #tpu.memory_space<vmem>>) dst(%dma_wait3A_173 : memref<200x64xf32, #tpu.memory_space<vmem_shared>>)
        tpu.yield
      }) : () -> ()
      %mul3A_159 = arith.constant 1000 : i32
      %mul3A_160 = arith.muli %arg1, %mul3A_159 : i32
      %add3A_161 = arith.constant 600 : i32
      %add3A_162 = arith.addi %mul3A_160, %add3A_161 : i32
      "tpu.region"() ({
        %run_scoped3A = tpu.sem_alloc : memref<!tpu.dma_semaphore, #tpu.memory_space<semaphore_mem>>
        %dma_start3A_167 = arith.constant 0 : i32
        %dma_start3A_168 = tpu.memref_slice %arg12[%add3A_162, %dma_start3A_167] : memref<10200x64xf32, #tpu.memory_space<vmem_shared>> -> memref<200x64xf32, #tpu.memory_space<vmem_shared>>
        %dma_start3A_169 = arith.constant 0 : i32
        %dma_start3A_170 = tpu.memref_slice %arg12[%add3A_162, %dma_start3A_169] : memref<10200x64xf32, #tpu.memory_space<vmem_shared>> -> memref<200x64xf32, #tpu.memory_space<vmem_shared>>
        tpu.enqueue_dma source(%arg10 : memref<200x64xf32, #tpu.memory_space<vmem>>) target(%dma_start3A_170 : memref<200x64xf32, #tpu.memory_space<vmem_shared>>) target_semaphore(%run_scoped3A : memref<!tpu.dma_semaphore, #tpu.memory_space<semaphore_mem>>)
        %dma_wait3A = arith.constant 0 : i32
        %dma_wait3A_171 = tpu.memref_slice %arg12[%add3A_162, %dma_wait3A] : memref<10200x64xf32, #tpu.memory_space<vmem_shared>> -> memref<200x64xf32, #tpu.memory_space<vmem_shared>>
        %dma_wait3A_172 = arith.constant 0 : i32
        %dma_wait3A_173 = tpu.memref_slice %arg12[%add3A_162, %dma_wait3A_172] : memref<10200x64xf32, #tpu.memory_space<vmem_shared>> -> memref<200x64xf32, #tpu.memory_space<vmem_shared>>
        tpu.wait_dma2 semaphore(%run_scoped3A : memref<!tpu.dma_semaphore, #tpu.memory_space<semaphore_mem>>) src(%arg10 : memref<200x64xf32, #tpu.memory_space<vmem>>) dst(%dma_wait3A_173 : memref<200x64xf32, #tpu.memory_space<vmem_shared>>)
        tpu.yield
      }) : () -> ()
      %mul3A_163 = arith.constant 1000 : i32
      %mul3A_164 = arith.muli %arg1, %mul3A_163 : i32
      %add3A_165 = arith.constant 800 : i32
      %add3A_166 = arith.addi %mul3A_164, %add3A_165 : i32
      "tpu.region"() ({
        %run_scoped3A = tpu.sem_alloc : memref<!tpu.dma_semaphore, #tpu.memory_space<semaphore_mem>>
        %dma_start3A_167 = arith.constant 0 : i32
        %dma_start3A_168 = tpu.memref_slice %arg12[%add3A_166, %dma_start3A_167] : memref<10200x64xf32, #tpu.memory_space<vmem_shared>> -> memref<200x64xf32, #tpu.memory_space<vmem_shared>>
        %dma_start3A_169 = arith.constant 0 : i32
        %dma_start3A_170 = tpu.memref_slice %arg12[%add3A_166, %dma_start3A_169] : memref<10200x64xf32, #tpu.memory_space<vmem_shared>> -> memref<200x64xf32, #tpu.memory_space<vmem_shared>>
        tpu.enqueue_dma source(%arg10 : memref<200x64xf32, #tpu.memory_space<vmem>>) target(%dma_start3A_170 : memref<200x64xf32, #tpu.memory_space<vmem_shared>>) target_semaphore(%run_scoped3A : memref<!tpu.dma_semaphore, #tpu.memory_space<semaphore_mem>>)
        %dma_wait3A = arith.constant 0 : i32
        %dma_wait3A_171 = tpu.memref_slice %arg12[%add3A_166, %dma_wait3A] : memref<10200x64xf32, #tpu.memory_space<vmem_shared>> -> memref<200x64xf32, #tpu.memory_space<vmem_shared>>
        %dma_wait3A_172 = arith.constant 0 : i32
        %dma_wait3A_173 = tpu.memref_slice %arg12[%add3A_166, %dma_wait3A_172] : memref<10200x64xf32, #tpu.memory_space<vmem_shared>> -> memref<200x64xf32, #tpu.memory_space<vmem_shared>>
        tpu.wait_dma2 semaphore(%run_scoped3A : memref<!tpu.dma_semaphore, #tpu.memory_space<semaphore_mem>>) src(%arg10 : memref<200x64xf32, #tpu.memory_space<vmem>>) dst(%dma_wait3A_173 : memref<200x64xf32, #tpu.memory_space<vmem_shared>>)
        tpu.yield
      }) : () -> ()
    } else {
    }
    %eq3A = arith.constant 10 : i32
    %eq3A_16 = arith.cmpi eq, %arg1, %eq3A : i32
    %convert_element_type3A_17 = arith.extui %eq3A_16 : i1 to i32
    %cond3A_18 = arith.constant 0 : i32
    %cond3A_19 = arith.cmpi ne, %convert_element_type3A_17, %cond3A_18 : i32
    scf.if %cond3A_19 {
      %scan3A_140 = arith.constant 0 : i32
      %scan3A_141 = arith.constant 0 : i32
      %scan3A_142 = arith.constant 800 : i32
      %scan3A_143 = arith.addi %scan3A_141, %scan3A_142 : i32
      %scan3A_144 = arith.constant 1 : i32
      %scan3A_145 = scf.for %scan3A_147 = %scan3A_141 to %scan3A_143 step %scan3A_144 iter_args(%scan3A_148 = %scan3A_140) -> (i32)  : i32 {
        %jit3A = arith.constant 4 : i32
        %div3A = arith.divsi %scan3A_147, %jit3A : i32
        %sign3A = arith.constant 0 : i32
        %sign3A_149 = arith.cmpi sgt, %scan3A_147, %sign3A : i32
        %sign3A_150 = arith.extui %sign3A_149 : i1 to i32
        %sign3A_151 = arith.constant 0 : i32
        %sign3A_152 = arith.cmpi slt, %scan3A_147, %sign3A_151 : i32
        %sign3A_153 = arith.extui %sign3A_152 : i1 to i32
        %sign3A_154 = arith.subi %sign3A_150, %sign3A_153 : i32
        %sign3A_155 = arith.constant 0 : i32
        %sign3A_156 = arith.cmpi sgt, %jit3A, %sign3A_155 : i32
        %sign3A_157 = arith.extui %sign3A_156 : i1 to i32
        %sign3A_158 = arith.constant 0 : i32
        %sign3A_159 = arith.cmpi slt, %jit3A, %sign3A_158 : i32
        %sign3A_160 = arith.extui %sign3A_159 : i1 to i32
        %sign3A_161 = arith.subi %sign3A_157, %sign3A_160 : i32
        %ne3A = arith.cmpi ne, %sign3A_154, %sign3A_161 : i32
        %rem3A = arith.remsi %scan3A_147, %jit3A : i32
        %ne3A_162 = arith.constant 0 : i32
        %ne3A_163 = arith.cmpi ne, %rem3A, %ne3A_162 : i32
        %and3A = arith.andi %ne3A, %ne3A_163 : i1
        %sub3A = arith.constant 1 : i32
        %sub3A_164 = arith.subi %div3A, %sub3A : i32
        %select_n3A = arith.select %and3A, %sub3A_164, %div3A : i32
        %jit3A_165 = arith.constant 4 : i32
        %eq3A_166 = arith.constant 0 : i32
        %eq3A_167 = arith.cmpi eq, %jit3A_165, %eq3A_166 : i32
        %jit3A_168 = arith.constant 1 : i32
        %select_n3A_169 = arith.select %eq3A_167, %jit3A_168, %jit3A_165 : i32
        %rem3A_170 = arith.remsi %scan3A_147, %select_n3A_169 : i32
        %ne3A_171 = arith.constant 0 : i32
        %ne3A_172 = arith.cmpi ne, %rem3A_170, %ne3A_171 : i32
        %lt3A_173 = arith.constant 0 : i32
        %lt3A_174 = arith.cmpi slt, %rem3A_170, %lt3A_173 : i32
        %lt3A_175 = arith.constant 0 : i32
        %lt3A_176 = arith.cmpi slt, %select_n3A_169, %lt3A_175 : i32
        %ne3A_177 = arith.xori %lt3A_174, %lt3A_176 : i1
        %and3A_178 = arith.andi %ne3A_177, %ne3A_172 : i1
        %add3A_179 = arith.addi %rem3A_170, %select_n3A_169 : i32
        %select_n3A_180 = arith.select %and3A_178, %add3A_179, %rem3A_170 : i32
        %broadcast_in_dim3A = arith.constant 0.000000e+00 : f32
        %broadcast_in_dim3A_181 = vector.broadcast %broadcast_in_dim3A : f32 to vector<16xf32>
        %mul3A_182 = arith.constant 16 : i32
        %mul3A_183 = arith.muli %select_n3A_180, %mul3A_182 : i32
        %swap3A = arith.index_cast %select_n3A : i32 to index
        %swap3A_184 = arith.index_cast %mul3A_183 : i32 to index
        %swap3A_185 = tpu.vector_load %arg10[%swap3A, %swap3A_184] {strides = array<i32>} : memref<200x64xf32, #tpu.memory_space<vmem>>, vector<1x16xf32>,
        %swap3A_186 = vector.shape_cast %swap3A_185 : vector<1x16xf32> to vector<16xf32>
        %swap3A_187 = vector.shape_cast %broadcast_in_dim3A_181 : vector<16xf32> to vector<1x16xf32>
        tpu.vector_store %arg10[%swap3A, %swap3A_184], %swap3A_187 {strides = array<i32>} : memref<200x64xf32, #tpu.memory_space<vmem>>, vector<1x16xf32>,
        %scan3A_188 = arith.constant 0 : i32
        scf.yield %scan3A_188 : i32
      }
      %scan3A_146 = arith.constant 800 : i32
      "tpu.region"() ({
        %run_scoped3A = tpu.sem_alloc : memref<!tpu.dma_semaphore, #tpu.memory_space<semaphore_mem>>
        %dma_start3A_147 = arith.constant 10000 : i32
        %dma_start3A_148 = arith.constant 0 : i32
        %dma_start3A_149 = tpu.memref_slice %arg12[%dma_start3A_147, %dma_start3A_148] : memref<10200x64xf32, #tpu.memory_space<vmem_shared>> -> memref<200x64xf32, #tpu.memory_space<vmem_shared>>
        %dma_start3A_150 = arith.constant 10000 : i32
        %dma_start3A_151 = arith.constant 0 : i32
        %dma_start3A_152 = tpu.memref_slice %arg12[%dma_start3A_150, %dma_start3A_151] : memref<10200x64xf32, #tpu.memory_space<vmem_shared>> -> memref<200x64xf32, #tpu.memory_space<vmem_shared>>
        tpu.enqueue_dma source(%arg10 : memref<200x64xf32, #tpu.memory_space<vmem>>) target(%dma_start3A_152 : memref<200x64xf32, #tpu.memory_space<vmem_shared>>) target_semaphore(%run_scoped3A : memref<!tpu.dma_semaphore, #tpu.memory_space<semaphore_mem>>)
        %dma_wait3A = arith.constant 10000 : i32
        %dma_wait3A_153 = arith.constant 0 : i32
        %dma_wait3A_154 = tpu.memref_slice %arg12[%dma_wait3A, %dma_wait3A_153] : memref<10200x64xf32, #tpu.memory_space<vmem_shared>> -> memref<200x64xf32, #tpu.memory_space<vmem_shared>>
        %dma_wait3A_155 = arith.constant 10000 : i32
        %dma_wait3A_156 = arith.constant 0 : i32
        %dma_wait3A_157 = tpu.memref_slice %arg12[%dma_wait3A_155, %dma_wait3A_156] : memref<10200x64xf32, #tpu.memory_space<vmem_shared>> -> memref<200x64xf32, #tpu.memory_space<vmem_shared>>
        tpu.wait_dma2 semaphore(%run_scoped3A : memref<!tpu.dma_semaphore, #tpu.memory_space<semaphore_mem>>) src(%arg10 : memref<200x64xf32, #tpu.memory_space<vmem>>) dst(%dma_wait3A_157 : memref<200x64xf32, #tpu.memory_space<vmem_shared>>)
        tpu.yield
      }) : () -> ()
    } else {
    }
    %barrier3A = arith.constant 0 : index
    tpu.barrier barrier_id(%barrier3A)
    %dma_start3A = arith.constant 0 : i32
    %dma_start3A_20 = arith.constant 0 : i32
    %dma_start3A_21 = arith.constant 0 : i32
    %dma_start3A_22 = arith.constant 0 : i32
    %dma_start3A_23 = tpu.memref_slice %arg9[%dma_start3A_20, %dma_start3A_21, %dma_start3A_22] : memref<4x128x64xf32, #tpu.memory_space<vmem>> -> memref<1x128x64xf32, #tpu.memory_space<vmem>>
    %dma_start3A_24 = tpu.memref_squeeze %dma_start3A_23 : memref<1x128x64xf32, #tpu.memory_space<vmem>> -> memref<128x64xf32, #tpu.memory_space<vmem>>
    %dma_start3A_25 = arith.constant 0 : i32
    %dma_start3A_26 = tpu.memref_slice %arg7[%dma_start3A, %dma_start3A_25] : memref<160x128xi32, #tpu.memory_space<vmem>> -> memref<1x128xi32, #tpu.memory_space<vmem>>
    %dma_start3A_27 = tpu.memref_squeeze %dma_start3A_26 : memref<1x128xi32, #tpu.memory_space<vmem>> -> memref<128xi32, #tpu.memory_space<vmem>>
    %dma_start3A_28 = arith.constant 0 : i32
    %dma_start3A_29 = arith.constant 0 : i32
    %dma_start3A_30 = tpu.memref_slice %arg2[%dma_start3A_28, %dma_start3A_29] : memref<40000x64xf32, #tpu.memory_space<hbm>> -> memref<40000x64xf32, #tpu.memory_space<hbm>>
    tpu.enqueue_indirect_dma source(%dma_start3A_30 : memref<40000x64xf32, #tpu.memory_space<hbm>>) target(%dma_start3A_24 : memref<128x64xf32, #tpu.memory_space<vmem>>) offsets(%dma_start3A_27 : memref<128xi32, #tpu.memory_space<vmem>>) semaphore(%arg13 : memref<!tpu.dma_semaphore, #tpu.memory_space<semaphore_mem>>)
    %dma_start3A_31 = arith.constant 1 : i32
    %dma_start3A_32 = arith.constant 1 : i32
    %dma_start3A_33 = arith.constant 0 : i32
    %dma_start3A_34 = arith.constant 0 : i32
    %dma_start3A_35 = tpu.memref_slice %arg9[%dma_start3A_32, %dma_start3A_33, %dma_start3A_34] : memref<4x128x64xf32, #tpu.memory_space<vmem>> -> memref<1x128x64xf32, #tpu.memory_space<vmem>>
    %dma_start3A_36 = tpu.memref_squeeze %dma_start3A_35 : memref<1x128x64xf32, #tpu.memory_space<vmem>> -> memref<128x64xf32, #tpu.memory_space<vmem>>
    %dma_start3A_37 = arith.constant 0 : i32
    %dma_start3A_38 = tpu.memref_slice %arg7[%dma_start3A_31, %dma_start3A_37] : memref<160x128xi32, #tpu.memory_space<vmem>> -> memref<1x128xi32, #tpu.memory_space<vmem>>
    %dma_start3A_39 = tpu.memref_squeeze %dma_start3A_38 : memref<1x128xi32, #tpu.memory_space<vmem>> -> memref<128xi32, #tpu.memory_space<vmem>>
    %dma_start3A_40 = arith.constant 0 : i32
    %dma_start3A_41 = arith.constant 0 : i32
    %dma_start3A_42 = tpu.memref_slice %arg2[%dma_start3A_40, %dma_start3A_41] : memref<40000x64xf32, #tpu.memory_space<hbm>> -> memref<40000x64xf32, #tpu.memory_space<hbm>>
    tpu.enqueue_indirect_dma source(%dma_start3A_42 : memref<40000x64xf32, #tpu.memory_space<hbm>>) target(%dma_start3A_36 : memref<128x64xf32, #tpu.memory_space<vmem>>) offsets(%dma_start3A_39 : memref<128xi32, #tpu.memory_space<vmem>>) semaphore(%arg13 : memref<!tpu.dma_semaphore, #tpu.memory_space<semaphore_mem>>)
    %dma_start3A_43 = arith.constant 2 : i32
    %dma_start3A_44 = arith.constant 2 : i32
    %dma_start3A_45 = arith.constant 0 : i32
    %dma_start3A_46 = arith.constant 0 : i32
    %dma_start3A_47 = tpu.memref_slice %arg9[%dma_start3A_44, %dma_start3A_45, %dma_start3A_46] : memref<4x128x64xf32, #tpu.memory_space<vmem>> -> memref<1x128x64xf32, #tpu.memory_space<vmem>>
    %dma_start3A_48 = tpu.memref_squeeze %dma_start3A_47 : memref<1x128x64xf32, #tpu.memory_space<vmem>> -> memref<128x64xf32, #tpu.memory_space<vmem>>
    %dma_start3A_49 = arith.constant 0 : i32
    %dma_start3A_50 = tpu.memref_slice %arg7[%dma_start3A_43, %dma_start3A_49] : memref<160x128xi32, #tpu.memory_space<vmem>> -> memref<1x128xi32, #tpu.memory_space<vmem>>
    %dma_start3A_51 = tpu.memref_squeeze %dma_start3A_50 : memref<1x128xi32, #tpu.memory_space<vmem>> -> memref<128xi32, #tpu.memory_space<vmem>>
    %dma_start3A_52 = arith.constant 0 : i32
    %dma_start3A_53 = arith.constant 0 : i32
    %dma_start3A_54 = tpu.memref_slice %arg2[%dma_start3A_52, %dma_start3A_53] : memref<40000x64xf32, #tpu.memory_space<hbm>> -> memref<40000x64xf32, #tpu.memory_space<hbm>>
    tpu.enqueue_indirect_dma source(%dma_start3A_54 : memref<40000x64xf32, #tpu.memory_space<hbm>>) target(%dma_start3A_48 : memref<128x64xf32, #tpu.memory_space<vmem>>) offsets(%dma_start3A_51 : memref<128xi32, #tpu.memory_space<vmem>>) semaphore(%arg13 : memref<!tpu.dma_semaphore, #tpu.memory_space<semaphore_mem>>)
    %scan3A_55 = arith.constant 0 : i32
    %scan3A_56 = arith.constant 0 : i32
    %scan3A_57 = arith.constant 40 : i32
    %scan3A_58 = arith.addi %scan3A_56, %scan3A_57 : i32
    %scan3A_59 = arith.constant 1 : i32
    %scan3A_60 = scf.for %scan3A_140 = %scan3A_56 to %scan3A_58 step %scan3A_59 iter_args(%scan3A_141 = %scan3A_55) -> (i32)  : i32 {
      %mul3A_142 = arith.constant 4 : i32
      %mul3A_143 = arith.muli %scan3A_140, %mul3A_142 : i32
      %add3A_144 = arith.constant 0 : i32
      %add3A_145 = arith.addi %mul3A_143, %add3A_144 : i32
      %dma_wait3A = arith.constant 0 : i32
      %dma_wait3A_146 = arith.constant 0 : i32
      %dma_wait3A_147 = arith.constant 0 : i32
      %dma_wait3A_148 = tpu.memref_slice %arg9[%dma_wait3A, %dma_wait3A_146, %dma_wait3A_147] : memref<4x128x64xf32, #tpu.memory_space<vmem>> -> memref<1x128x64xf32, #tpu.memory_space<vmem>>
      %dma_wait3A_149 = tpu.memref_squeeze %dma_wait3A_148 : memref<1x128x64xf32, #tpu.memory_space<vmem>> -> memref<128x64xf32, #tpu.memory_space<vmem>>
      %dma_wait3A_150 = arith.constant 0 : i32
      %dma_wait3A_151 = tpu.memref_slice %arg7[%add3A_145, %dma_wait3A_150] : memref<160x128xi32, #tpu.memory_space<vmem>> -> memref<1x128xi32, #tpu.memory_space<vmem>>
      %dma_wait3A_152 = tpu.memref_squeeze %dma_wait3A_151 : memref<1x128xi32, #tpu.memory_space<vmem>> -> memref<128xi32, #tpu.memory_space<vmem>>
      %dma_wait3A_153 = arith.constant 0 : i32
      %dma_wait3A_154 = arith.constant 0 : i32
      %dma_wait3A_155 = tpu.memref_slice %arg2[%dma_wait3A_153, %dma_wait3A_154] : memref<40000x64xf32, #tpu.memory_space<hbm>> -> memref<40000x64xf32, #tpu.memory_space<hbm>>
      tpu.wait_indirect_dma semaphore(%arg13 : memref<!tpu.dma_semaphore, #tpu.memory_space<semaphore_mem>>) src(%dma_wait3A_155 : memref<40000x64xf32, #tpu.memory_space<hbm>>) dst(%dma_wait3A_149 : memref<128x64xf32, #tpu.memory_space<vmem>>)
      %add3A_156 = arith.constant 4 : i32
      %add3A_157 = arith.addi %add3A_145, %add3A_156 : i32
      %sub3A = arith.constant 1 : i32
      %sub3A_158 = arith.subi %add3A_157, %sub3A : i32
      %min3A = arith.constant 159 : i32
      %min3A_159 = arith.minsi %sub3A_158, %min3A : i32
      %add3A_160 = arith.constant 4 : i32
      %add3A_161 = arith.addi %add3A_145, %add3A_160 : i32
      %sub3A_162 = arith.constant 1 : i32
      %sub3A_163 = arith.subi %add3A_161, %sub3A_162 : i32
      %lt3A_164 = arith.constant 160 : i32
      %lt3A_165 = arith.cmpi slt, %sub3A_163, %lt3A_164 : i32
      %convert_element_type3A_166 = arith.extui %lt3A_165 : i1 to i32
      %cond3A_167 = arith.constant 0 : i32
      %cond3A_168 = arith.cmpi ne, %convert_element_type3A_166, %cond3A_167 : i32
      scf.if %cond3A_168 {
        %dma_start3A_263 = arith.constant 3 : i32
        %dma_start3A_264 = arith.constant 0 : i32
        %dma_start3A_265 = arith.constant 0 : i32
        %dma_start3A_266 = tpu.memref_slice %arg9[%dma_start3A_263, %dma_start3A_264, %dma_start3A_265] : memref<4x128x64xf32, #tpu.memory_space<vmem>> -> memref<1x128x64xf32, #tpu.memory_space<vmem>>
        %dma_start3A_267 = tpu.memref_squeeze %dma_start3A_266 : memref<1x128x64xf32, #tpu.memory_space<vmem>> -> memref<128x64xf32, #tpu.memory_space<vmem>>
        %dma_start3A_268 = arith.constant 0 : i32
        %dma_start3A_269 = tpu.memref_slice %arg7[%min3A_159, %dma_start3A_268] : memref<160x128xi32, #tpu.memory_space<vmem>> -> memref<1x128xi32, #tpu.memory_space<vmem>>
        %dma_start3A_270 = tpu.memref_squeeze %dma_start3A_269 : memref<1x128xi32, #tpu.memory_space<vmem>> -> memref<128xi32, #tpu.memory_space<vmem>>
        %dma_start3A_271 = arith.constant 0 : i32
        %dma_start3A_272 = arith.constant 0 : i32
        %dma_start3A_273 = tpu.memref_slice %arg2[%dma_start3A_271, %dma_start3A_272] : memref<40000x64xf32, #tpu.memory_space<hbm>> -> memref<40000x64xf32, #tpu.memory_space<hbm>>
        tpu.enqueue_indirect_dma source(%dma_start3A_273 : memref<40000x64xf32, #tpu.memory_space<hbm>>) target(%dma_start3A_267 : memref<128x64xf32, #tpu.memory_space<vmem>>) offsets(%dma_start3A_270 : memref<128xi32, #tpu.memory_space<vmem>>) semaphore(%arg13 : memref<!tpu.dma_semaphore, #tpu.memory_space<semaphore_mem>>)
      } else {
      }
      %run_scoped3A = arith.constant 0 : i32
      "tpu.region"() ({
        %run_scoped3A_263 = tpu.sem_alloc : memref<!tpu.dma_semaphore, #tpu.memory_space<semaphore_mem>>
        %dma_start3A_264 = arith.constant 0 : i32
        %dma_start3A_265 = arith.constant 0 : i32
        %dma_start3A_266 = tpu.memref_slice %arg9[%run_scoped3A, %dma_start3A_264, %dma_start3A_265] : memref<4x128x64xf32, #tpu.memory_space<vmem>> -> memref<1x128x64xf32, #tpu.memory_space<vmem>>
        %dma_start3A_267 = tpu.memref_squeeze %dma_start3A_266 : memref<1x128x64xf32, #tpu.memory_space<vmem>> -> memref<128x64xf32, #tpu.memory_space<vmem>>
        %dma_start3A_268 = arith.constant 0 : i32
        %dma_start3A_269 = tpu.memref_slice %arg8[%add3A_145, %dma_start3A_268] : memref<160x128xi32, #tpu.memory_space<vmem>> -> memref<1x128xi32, #tpu.memory_space<vmem>>
        %dma_start3A_270 = tpu.memref_squeeze %dma_start3A_269 : memref<1x128xi32, #tpu.memory_space<vmem>> -> memref<128xi32, #tpu.memory_space<vmem>>
        %dma_start3A_271 = arith.constant 0 : i32
        %dma_start3A_272 = arith.constant 0 : i32
        %dma_start3A_273 = tpu.memref_slice %arg12[%dma_start3A_271, %dma_start3A_272] : memref<10200x64xf32, #tpu.memory_space<vmem_shared>> -> memref<10200x64xf32, #tpu.memory_space<vmem_shared>>
        tpu.enqueue_indirect_dma source(%dma_start3A_267 : memref<128x64xf32, #tpu.memory_space<vmem>>) target(%dma_start3A_273 : memref<10200x64xf32, #tpu.memory_space<vmem_shared>>) offsets(%dma_start3A_270 : memref<128xi32, #tpu.memory_space<vmem>>) semaphore(%run_scoped3A_263 : memref<!tpu.dma_semaphore, #tpu.memory_space<semaphore_mem>>) {add = true}
        %dma_wait3A_274 = arith.constant 0 : i32
        %dma_wait3A_275 = arith.constant 0 : i32
        %dma_wait3A_276 = tpu.memref_slice %arg9[%run_scoped3A, %dma_wait3A_274, %dma_wait3A_275] : memref<4x128x64xf32, #tpu.memory_space<vmem>> -> memref<1x128x64xf32, #tpu.memory_space<vmem>>
        %dma_wait3A_277 = tpu.memref_squeeze %dma_wait3A_276 : memref<1x128x64xf32, #tpu.memory_space<vmem>> -> memref<128x64xf32, #tpu.memory_space<vmem>>
        %dma_wait3A_278 = arith.constant 0 : i32
        %dma_wait3A_279 = tpu.memref_slice %arg8[%add3A_145, %dma_wait3A_278] : memref<160x128xi32, #tpu.memory_space<vmem>> -> memref<1x128xi32, #tpu.memory_space<vmem>>
        %dma_wait3A_280 = tpu.memref_squeeze %dma_wait3A_279 : memref<1x128xi32, #tpu.memory_space<vmem>> -> memref<128xi32, #tpu.memory_space<vmem>>
        %dma_wait3A_281 = arith.constant 0 : i32
        %dma_wait3A_282 = arith.constant 0 : i32
        %dma_wait3A_283 = tpu.memref_slice %arg12[%dma_wait3A_281, %dma_wait3A_282] : memref<10200x64xf32, #tpu.memory_space<vmem_shared>> -> memref<10200x64xf32, #tpu.memory_space<vmem_shared>>
        tpu.wait_indirect_dma semaphore(%run_scoped3A_263 : memref<!tpu.dma_semaphore, #tpu.memory_space<semaphore_mem>>) src(%dma_wait3A_277 : memref<128x64xf32, #tpu.memory_space<vmem>>) dst(%dma_wait3A_283 : memref<10200x64xf32, #tpu.memory_space<vmem_shared>>)
        tpu.yield
      }) : () -> ()
      %mul3A_169 = arith.constant 4 : i32
      %mul3A_170 = arith.muli %scan3A_140, %mul3A_169 : i32
      %add3A_171 = arith.constant 1 : i32
      %add3A_172 = arith.addi %mul3A_170, %add3A_171 : i32
      %dma_wait3A_173 = arith.constant 1 : i32
      %dma_wait3A_174 = arith.constant 0 : i32
      %dma_wait3A_175 = arith.constant 0 : i32
      %dma_wait3A_176 = tpu.memref_slice %arg9[%dma_wait3A_173, %dma_wait3A_174, %dma_wait3A_175] : memref<4x128x64xf32, #tpu.memory_space<vmem>> -> memref<1x128x64xf32, #tpu.memory_space<vmem>>
      %dma_wait3A_177 = tpu.memref_squeeze %dma_wait3A_176 : memref<1x128x64xf32, #tpu.memory_space<vmem>> -> memref<128x64xf32, #tpu.memory_space<vmem>>
      %dma_wait3A_178 = arith.constant 0 : i32
      %dma_wait3A_179 = tpu.memref_slice %arg7[%add3A_172, %dma_wait3A_178] : memref<160x128xi32, #tpu.memory_space<vmem>> -> memref<1x128xi32, #tpu.memory_space<vmem>>
      %dma_wait3A_180 = tpu.memref_squeeze %dma_wait3A_179 : memref<1x128xi32, #tpu.memory_space<vmem>> -> memref<128xi32, #tpu.memory_space<vmem>>
      %dma_wait3A_181 = arith.constant 0 : i32
      %dma_wait3A_182 = arith.constant 0 : i32
      %dma_wait3A_183 = tpu.memref_slice %arg2[%dma_wait3A_181, %dma_wait3A_182] : memref<40000x64xf32, #tpu.memory_space<hbm>> -> memref<40000x64xf32, #tpu.memory_space<hbm>>
      tpu.wait_indirect_dma semaphore(%arg13 : memref<!tpu.dma_semaphore, #tpu.memory_space<semaphore_mem>>) src(%dma_wait3A_183 : memref<40000x64xf32, #tpu.memory_space<hbm>>) dst(%dma_wait3A_177 : memref<128x64xf32, #tpu.memory_space<vmem>>)
      %add3A_184 = arith.constant 4 : i32
      %add3A_185 = arith.addi %add3A_172, %add3A_184 : i32
      %sub3A_186 = arith.constant 1 : i32
      %sub3A_187 = arith.subi %add3A_185, %sub3A_186 : i32
      %min3A_188 = arith.constant 159 : i32
      %min3A_189 = arith.minsi %sub3A_187, %min3A_188 : i32
      %add3A_190 = arith.constant 4 : i32
      %add3A_191 = arith.addi %add3A_172, %add3A_190 : i32
      %sub3A_192 = arith.constant 1 : i32
      %sub3A_193 = arith.subi %add3A_191, %sub3A_192 : i32
      %lt3A_194 = arith.constant 160 : i32
      %lt3A_195 = arith.cmpi slt, %sub3A_193, %lt3A_194 : i32
      %convert_element_type3A_196 = arith.extui %lt3A_195 : i1 to i32
      %cond3A_197 = arith.constant 0 : i32
      %cond3A_198 = arith.cmpi ne, %convert_element_type3A_196, %cond3A_197 : i32
      scf.if %cond3A_198 {
        %dma_start3A_263 = arith.constant 0 : i32
        %dma_start3A_264 = arith.constant 0 : i32
        %dma_start3A_265 = arith.constant 0 : i32
        %dma_start3A_266 = tpu.memref_slice %arg9[%dma_start3A_263, %dma_start3A_264, %dma_start3A_265] : memref<4x128x64xf32, #tpu.memory_space<vmem>> -> memref<1x128x64xf32, #tpu.memory_space<vmem>>
        %dma_start3A_267 = tpu.memref_squeeze %dma_start3A_266 : memref<1x128x64xf32, #tpu.memory_space<vmem>> -> memref<128x64xf32, #tpu.memory_space<vmem>>
        %dma_start3A_268 = arith.constant 0 : i32
        %dma_start3A_269 = tpu.memref_slice %arg7[%min3A_189, %dma_start3A_268] : memref<160x128xi32, #tpu.memory_space<vmem>> -> memref<1x128xi32, #tpu.memory_space<vmem>>
        %dma_start3A_270 = tpu.memref_squeeze %dma_start3A_269 : memref<1x128xi32, #tpu.memory_space<vmem>> -> memref<128xi32, #tpu.memory_space<vmem>>
        %dma_start3A_271 = arith.constant 0 : i32
        %dma_start3A_272 = arith.constant 0 : i32
        %dma_start3A_273 = tpu.memref_slice %arg2[%dma_start3A_271, %dma_start3A_272] : memref<40000x64xf32, #tpu.memory_space<hbm>> -> memref<40000x64xf32, #tpu.memory_space<hbm>>
        tpu.enqueue_indirect_dma source(%dma_start3A_273 : memref<40000x64xf32, #tpu.memory_space<hbm>>) target(%dma_start3A_267 : memref<128x64xf32, #tpu.memory_space<vmem>>) offsets(%dma_start3A_270 : memref<128xi32, #tpu.memory_space<vmem>>) semaphore(%arg13 : memref<!tpu.dma_semaphore, #tpu.memory_space<semaphore_mem>>)
      } else {
      }
      %run_scoped3A_199 = arith.constant 1 : i32
      "tpu.region"() ({
        %run_scoped3A_263 = tpu.sem_alloc : memref<!tpu.dma_semaphore, #tpu.memory_space<semaphore_mem>>
        %dma_start3A_264 = arith.constant 0 : i32
        %dma_start3A_265 = arith.constant 0 : i32
        %dma_start3A_266 = tpu.memref_slice %arg9[%run_scoped3A_199, %dma_start3A_264, %dma_start3A_265] : memref<4x128x64xf32, #tpu.memory_space<vmem>> -> memref<1x128x64xf32, #tpu.memory_space<vmem>>
        %dma_start3A_267 = tpu.memref_squeeze %dma_start3A_266 : memref<1x128x64xf32, #tpu.memory_space<vmem>> -> memref<128x64xf32, #tpu.memory_space<vmem>>
        %dma_start3A_268 = arith.constant 0 : i32
        %dma_start3A_269 = tpu.memref_slice %arg8[%add3A_172, %dma_start3A_268] : memref<160x128xi32, #tpu.memory_space<vmem>> -> memref<1x128xi32, #tpu.memory_space<vmem>>
        %dma_start3A_270 = tpu.memref_squeeze %dma_start3A_269 : memref<1x128xi32, #tpu.memory_space<vmem>> -> memref<128xi32, #tpu.memory_space<vmem>>
        %dma_start3A_271 = arith.constant 0 : i32
        %dma_start3A_272 = arith.constant 0 : i32
        %dma_start3A_273 = tpu.memref_slice %arg12[%dma_start3A_271, %dma_start3A_272] : memref<10200x64xf32, #tpu.memory_space<vmem_shared>> -> memref<10200x64xf32, #tpu.memory_space<vmem_shared>>
        tpu.enqueue_indirect_dma source(%dma_start3A_267 : memref<128x64xf32, #tpu.memory_space<vmem>>) target(%dma_start3A_273 : memref<10200x64xf32, #tpu.memory_space<vmem_shared>>) offsets(%dma_start3A_270 : memref<128xi32, #tpu.memory_space<vmem>>) semaphore(%run_scoped3A_263 : memref<!tpu.dma_semaphore, #tpu.memory_space<semaphore_mem>>) {add = true}
        %dma_wait3A_274 = arith.constant 0 : i32
        %dma_wait3A_275 = arith.constant 0 : i32
        %dma_wait3A_276 = tpu.memref_slice %arg9[%run_scoped3A_199, %dma_wait3A_274, %dma_wait3A_275] : memref<4x128x64xf32, #tpu.memory_space<vmem>> -> memref<1x128x64xf32, #tpu.memory_space<vmem>>
        %dma_wait3A_277 = tpu.memref_squeeze %dma_wait3A_276 : memref<1x128x64xf32, #tpu.memory_space<vmem>> -> memref<128x64xf32, #tpu.memory_space<vmem>>
        %dma_wait3A_278 = arith.constant 0 : i32
        %dma_wait3A_279 = tpu.memref_slice %arg8[%add3A_172, %dma_wait3A_278] : memref<160x128xi32, #tpu.memory_space<vmem>> -> memref<1x128xi32, #tpu.memory_space<vmem>>
        %dma_wait3A_280 = tpu.memref_squeeze %dma_wait3A_279 : memref<1x128xi32, #tpu.memory_space<vmem>> -> memref<128xi32, #tpu.memory_space<vmem>>
        %dma_wait3A_281 = arith.constant 0 : i32
        %dma_wait3A_282 = arith.constant 0 : i32
        %dma_wait3A_283 = tpu.memref_slice %arg12[%dma_wait3A_281, %dma_wait3A_282] : memref<10200x64xf32, #tpu.memory_space<vmem_shared>> -> memref<10200x64xf32, #tpu.memory_space<vmem_shared>>
        tpu.wait_indirect_dma semaphore(%run_scoped3A_263 : memref<!tpu.dma_semaphore, #tpu.memory_space<semaphore_mem>>) src(%dma_wait3A_277 : memref<128x64xf32, #tpu.memory_space<vmem>>) dst(%dma_wait3A_283 : memref<10200x64xf32, #tpu.memory_space<vmem_shared>>)
        tpu.yield
      }) : () -> ()
      %mul3A_200 = arith.constant 4 : i32
      %mul3A_201 = arith.muli %scan3A_140, %mul3A_200 : i32
      %add3A_202 = arith.constant 2 : i32
      %add3A_203 = arith.addi %mul3A_201, %add3A_202 : i32
      %dma_wait3A_204 = arith.constant 2 : i32
      %dma_wait3A_205 = arith.constant 0 : i32
      %dma_wait3A_206 = arith.constant 0 : i32
      %dma_wait3A_207 = tpu.memref_slice %arg9[%dma_wait3A_204, %dma_wait3A_205, %dma_wait3A_206] : memref<4x128x64xf32, #tpu.memory_space<vmem>> -> memref<1x128x64xf32, #tpu.memory_space<vmem>>
      %dma_wait3A_208 = tpu.memref_squeeze %dma_wait3A_207 : memref<1x128x64xf32, #tpu.memory_space<vmem>> -> memref<128x64xf32, #tpu.memory_space<vmem>>
      %dma_wait3A_209 = arith.constant 0 : i32
      %dma_wait3A_210 = tpu.memref_slice %arg7[%add3A_203, %dma_wait3A_209] : memref<160x128xi32, #tpu.memory_space<vmem>> -> memref<1x128xi32, #tpu.memory_space<vmem>>
      %dma_wait3A_211 = tpu.memref_squeeze %dma_wait3A_210 : memref<1x128xi32, #tpu.memory_space<vmem>> -> memref<128xi32, #tpu.memory_space<vmem>>
      %dma_wait3A_212 = arith.constant 0 : i32
      %dma_wait3A_213 = arith.constant 0 : i32
      %dma_wait3A_214 = tpu.memref_slice %arg2[%dma_wait3A_212, %dma_wait3A_213] : memref<40000x64xf32, #tpu.memory_space<hbm>> -> memref<40000x64xf32, #tpu.memory_space<hbm>>
      tpu.wait_indirect_dma semaphore(%arg13 : memref<!tpu.dma_semaphore, #tpu.memory_space<semaphore_mem>>) src(%dma_wait3A_214 : memref<40000x64xf32, #tpu.memory_space<hbm>>) dst(%dma_wait3A_208 : memref<128x64xf32, #tpu.memory_space<vmem>>)
      %add3A_215 = arith.constant 4 : i32
      %add3A_216 = arith.addi %add3A_203, %add3A_215 : i32
      %sub3A_217 = arith.constant 1 : i32
      %sub3A_218 = arith.subi %add3A_216, %sub3A_217 : i32
      %min3A_219 = arith.constant 159 : i32
      %min3A_220 = arith.minsi %sub3A_218, %min3A_219 : i32
      %add3A_221 = arith.constant 4 : i32
      %add3A_222 = arith.addi %add3A_203, %add3A_221 : i32
      %sub3A_223 = arith.constant 1 : i32
      %sub3A_224 = arith.subi %add3A_222, %sub3A_223 : i32
      %lt3A_225 = arith.constant 160 : i32
      %lt3A_226 = arith.cmpi slt, %sub3A_224, %lt3A_225 : i32
      %convert_element_type3A_227 = arith.extui %lt3A_226 : i1 to i32
      %cond3A_228 = arith.constant 0 : i32
      %cond3A_229 = arith.cmpi ne, %convert_element_type3A_227, %cond3A_228 : i32
      scf.if %cond3A_229 {
        %dma_start3A_263 = arith.constant 1 : i32
        %dma_start3A_264 = arith.constant 0 : i32
        %dma_start3A_265 = arith.constant 0 : i32
        %dma_start3A_266 = tpu.memref_slice %arg9[%dma_start3A_263, %dma_start3A_264, %dma_start3A_265] : memref<4x128x64xf32, #tpu.memory_space<vmem>> -> memref<1x128x64xf32, #tpu.memory_space<vmem>>
        %dma_start3A_267 = tpu.memref_squeeze %dma_start3A_266 : memref<1x128x64xf32, #tpu.memory_space<vmem>> -> memref<128x64xf32, #tpu.memory_space<vmem>>
        %dma_start3A_268 = arith.constant 0 : i32
        %dma_start3A_269 = tpu.memref_slice %arg7[%min3A_220, %dma_start3A_268] : memref<160x128xi32, #tpu.memory_space<vmem>> -> memref<1x128xi32, #tpu.memory_space<vmem>>
        %dma_start3A_270 = tpu.memref_squeeze %dma_start3A_269 : memref<1x128xi32, #tpu.memory_space<vmem>> -> memref<128xi32, #tpu.memory_space<vmem>>
        %dma_start3A_271 = arith.constant 0 : i32
        %dma_start3A_272 = arith.constant 0 : i32
        %dma_start3A_273 = tpu.memref_slice %arg2[%dma_start3A_271, %dma_start3A_272] : memref<40000x64xf32, #tpu.memory_space<hbm>> -> memref<40000x64xf32, #tpu.memory_space<hbm>>
        tpu.enqueue_indirect_dma source(%dma_start3A_273 : memref<40000x64xf32, #tpu.memory_space<hbm>>) target(%dma_start3A_267 : memref<128x64xf32, #tpu.memory_space<vmem>>) offsets(%dma_start3A_270 : memref<128xi32, #tpu.memory_space<vmem>>) semaphore(%arg13 : memref<!tpu.dma_semaphore, #tpu.memory_space<semaphore_mem>>)
      } else {
      }
      %run_scoped3A_230 = arith.constant 2 : i32
      "tpu.region"() ({
        %run_scoped3A_263 = tpu.sem_alloc : memref<!tpu.dma_semaphore, #tpu.memory_space<semaphore_mem>>
        %dma_start3A_264 = arith.constant 0 : i32
        %dma_start3A_265 = arith.constant 0 : i32
        %dma_start3A_266 = tpu.memref_slice %arg9[%run_scoped3A_230, %dma_start3A_264, %dma_start3A_265] : memref<4x128x64xf32, #tpu.memory_space<vmem>> -> memref<1x128x64xf32, #tpu.memory_space<vmem>>
        %dma_start3A_267 = tpu.memref_squeeze %dma_start3A_266 : memref<1x128x64xf32, #tpu.memory_space<vmem>> -> memref<128x64xf32, #tpu.memory_space<vmem>>
        %dma_start3A_268 = arith.constant 0 : i32
        %dma_start3A_269 = tpu.memref_slice %arg8[%add3A_203, %dma_start3A_268] : memref<160x128xi32, #tpu.memory_space<vmem>> -> memref<1x128xi32, #tpu.memory_space<vmem>>
        %dma_start3A_270 = tpu.memref_squeeze %dma_start3A_269 : memref<1x128xi32, #tpu.memory_space<vmem>> -> memref<128xi32, #tpu.memory_space<vmem>>
        %dma_start3A_271 = arith.constant 0 : i32
        %dma_start3A_272 = arith.constant 0 : i32
        %dma_start3A_273 = tpu.memref_slice %arg12[%dma_start3A_271, %dma_start3A_272] : memref<10200x64xf32, #tpu.memory_space<vmem_shared>> -> memref<10200x64xf32, #tpu.memory_space<vmem_shared>>
        tpu.enqueue_indirect_dma source(%dma_start3A_267 : memref<128x64xf32, #tpu.memory_space<vmem>>) target(%dma_start3A_273 : memref<10200x64xf32, #tpu.memory_space<vmem_shared>>) offsets(%dma_start3A_270 : memref<128xi32, #tpu.memory_space<vmem>>) semaphore(%run_scoped3A_263 : memref<!tpu.dma_semaphore, #tpu.memory_space<semaphore_mem>>) {add = true}
        %dma_wait3A_274 = arith.constant 0 : i32
        %dma_wait3A_275 = arith.constant 0 : i32
        %dma_wait3A_276 = tpu.memref_slice %arg9[%run_scoped3A_230, %dma_wait3A_274, %dma_wait3A_275] : memref<4x128x64xf32, #tpu.memory_space<vmem>> -> memref<1x128x64xf32, #tpu.memory_space<vmem>>
        %dma_wait3A_277 = tpu.memref_squeeze %dma_wait3A_276 : memref<1x128x64xf32, #tpu.memory_space<vmem>> -> memref<128x64xf32, #tpu.memory_space<vmem>>
        %dma_wait3A_278 = arith.constant 0 : i32
        %dma_wait3A_279 = tpu.memref_slice %arg8[%add3A_203, %dma_wait3A_278] : memref<160x128xi32, #tpu.memory_space<vmem>> -> memref<1x128xi32, #tpu.memory_space<vmem>>
        %dma_wait3A_280 = tpu.memref_squeeze %dma_wait3A_279 : memref<1x128xi32, #tpu.memory_space<vmem>> -> memref<128xi32, #tpu.memory_space<vmem>>
        %dma_wait3A_281 = arith.constant 0 : i32
        %dma_wait3A_282 = arith.constant 0 : i32
        %dma_wait3A_283 = tpu.memref_slice %arg12[%dma_wait3A_281, %dma_wait3A_282] : memref<10200x64xf32, #tpu.memory_space<vmem_shared>> -> memref<10200x64xf32, #tpu.memory_space<vmem_shared>>
        tpu.wait_indirect_dma semaphore(%run_scoped3A_263 : memref<!tpu.dma_semaphore, #tpu.memory_space<semaphore_mem>>) src(%dma_wait3A_277 : memref<128x64xf32, #tpu.memory_space<vmem>>) dst(%dma_wait3A_283 : memref<10200x64xf32, #tpu.memory_space<vmem_shared>>)
        tpu.yield
      }) : () -> ()
      %mul3A_231 = arith.constant 4 : i32
      %mul3A_232 = arith.muli %scan3A_140, %mul3A_231 : i32
      %add3A_233 = arith.constant 3 : i32
      %add3A_234 = arith.addi %mul3A_232, %add3A_233 : i32
      %dma_wait3A_235 = arith.constant 3 : i32
      %dma_wait3A_236 = arith.constant 0 : i32
      %dma_wait3A_237 = arith.constant 0 : i32
      %dma_wait3A_238 = tpu.memref_slice %arg9[%dma_wait3A_235, %dma_wait3A_236, %dma_wait3A_237] : memref<4x128x64xf32, #tpu.memory_space<vmem>> -> memref<1x128x64xf32, #tpu.memory_space<vmem>>
      %dma_wait3A_239 = tpu.memref_squeeze %dma_wait3A_238 : memref<1x128x64xf32, #tpu.memory_space<vmem>> -> memref<128x64xf32, #tpu.memory_space<vmem>>
      %dma_wait3A_240 = arith.constant 0 : i32
      %dma_wait3A_241 = tpu.memref_slice %arg7[%add3A_234, %dma_wait3A_240] : memref<160x128xi32, #tpu.memory_space<vmem>> -> memref<1x128xi32, #tpu.memory_space<vmem>>
      %dma_wait3A_242 = tpu.memref_squeeze %dma_wait3A_241 : memref<1x128xi32, #tpu.memory_space<vmem>> -> memref<128xi32, #tpu.memory_space<vmem>>
      %dma_wait3A_243 = arith.constant 0 : i32
      %dma_wait3A_244 = arith.constant 0 : i32
      %dma_wait3A_245 = tpu.memref_slice %arg2[%dma_wait3A_243, %dma_wait3A_244] : memref<40000x64xf32, #tpu.memory_space<hbm>> -> memref<40000x64xf32, #tpu.memory_space<hbm>>
      tpu.wait_indirect_dma semaphore(%arg13 : memref<!tpu.dma_semaphore, #tpu.memory_space<semaphore_mem>>) src(%dma_wait3A_245 : memref<40000x64xf32, #tpu.memory_space<hbm>>) dst(%dma_wait3A_239 : memref<128x64xf32, #tpu.memory_space<vmem>>)
      %add3A_246 = arith.constant 4 : i32
      %add3A_247 = arith.addi %add3A_234, %add3A_246 : i32
      %sub3A_248 = arith.constant 1 : i32
      %sub3A_249 = arith.subi %add3A_247, %sub3A_248 : i32
      %min3A_250 = arith.constant 159 : i32
      %min3A_251 = arith.minsi %sub3A_249, %min3A_250 : i32
      %add3A_252 = arith.constant 4 : i32
      %add3A_253 = arith.addi %add3A_234, %add3A_252 : i32
      %sub3A_254 = arith.constant 1 : i32
      %sub3A_255 = arith.subi %add3A_253, %sub3A_254 : i32
      %lt3A_256 = arith.constant 160 : i32
      %lt3A_257 = arith.cmpi slt, %sub3A_255, %lt3A_256 : i32
      %convert_element_type3A_258 = arith.extui %lt3A_257 : i1 to i32
      %cond3A_259 = arith.constant 0 : i32
      %cond3A_260 = arith.cmpi ne, %convert_element_type3A_258, %cond3A_259 : i32
      scf.if %cond3A_260 {
        %dma_start3A_263 = arith.constant 2 : i32
        %dma_start3A_264 = arith.constant 0 : i32
        %dma_start3A_265 = arith.constant 0 : i32
        %dma_start3A_266 = tpu.memref_slice %arg9[%dma_start3A_263, %dma_start3A_264, %dma_start3A_265] : memref<4x128x64xf32, #tpu.memory_space<vmem>> -> memref<1x128x64xf32, #tpu.memory_space<vmem>>
        %dma_start3A_267 = tpu.memref_squeeze %dma_start3A_266 : memref<1x128x64xf32, #tpu.memory_space<vmem>> -> memref<128x64xf32, #tpu.memory_space<vmem>>
        %dma_start3A_268 = arith.constant 0 : i32
        %dma_start3A_269 = tpu.memref_slice %arg7[%min3A_251, %dma_start3A_268] : memref<160x128xi32, #tpu.memory_space<vmem>> -> memref<1x128xi32, #tpu.memory_space<vmem>>
        %dma_start3A_270 = tpu.memref_squeeze %dma_start3A_269 : memref<1x128xi32, #tpu.memory_space<vmem>> -> memref<128xi32, #tpu.memory_space<vmem>>
        %dma_start3A_271 = arith.constant 0 : i32
        %dma_start3A_272 = arith.constant 0 : i32
        %dma_start3A_273 = tpu.memref_slice %arg2[%dma_start3A_271, %dma_start3A_272] : memref<40000x64xf32, #tpu.memory_space<hbm>> -> memref<40000x64xf32, #tpu.memory_space<hbm>>
        tpu.enqueue_indirect_dma source(%dma_start3A_273 : memref<40000x64xf32, #tpu.memory_space<hbm>>) target(%dma_start3A_267 : memref<128x64xf32, #tpu.memory_space<vmem>>) offsets(%dma_start3A_270 : memref<128xi32, #tpu.memory_space<vmem>>) semaphore(%arg13 : memref<!tpu.dma_semaphore, #tpu.memory_space<semaphore_mem>>)
      } else {
      }
      %run_scoped3A_261 = arith.constant 3 : i32
      "tpu.region"() ({
        %run_scoped3A_263 = tpu.sem_alloc : memref<!tpu.dma_semaphore, #tpu.memory_space<semaphore_mem>>
        %dma_start3A_264 = arith.constant 0 : i32
        %dma_start3A_265 = arith.constant 0 : i32
        %dma_start3A_266 = tpu.memref_slice %arg9[%run_scoped3A_261, %dma_start3A_264, %dma_start3A_265] : memref<4x128x64xf32, #tpu.memory_space<vmem>> -> memref<1x128x64xf32, #tpu.memory_space<vmem>>
        %dma_start3A_267 = tpu.memref_squeeze %dma_start3A_266 : memref<1x128x64xf32, #tpu.memory_space<vmem>> -> memref<128x64xf32, #tpu.memory_space<vmem>>
        %dma_start3A_268 = arith.constant 0 : i32
        %dma_start3A_269 = tpu.memref_slice %arg8[%add3A_234, %dma_start3A_268] : memref<160x128xi32, #tpu.memory_space<vmem>> -> memref<1x128xi32, #tpu.memory_space<vmem>>
        %dma_start3A_270 = tpu.memref_squeeze %dma_start3A_269 : memref<1x128xi32, #tpu.memory_space<vmem>> -> memref<128xi32, #tpu.memory_space<vmem>>
        %dma_start3A_271 = arith.constant 0 : i32
        %dma_start3A_272 = arith.constant 0 : i32
        %dma_start3A_273 = tpu.memref_slice %arg12[%dma_start3A_271, %dma_start3A_272] : memref<10200x64xf32, #tpu.memory_space<vmem_shared>> -> memref<10200x64xf32, #tpu.memory_space<vmem_shared>>
        tpu.enqueue_indirect_dma source(%dma_start3A_267 : memref<128x64xf32, #tpu.memory_space<vmem>>) target(%dma_start3A_273 : memref<10200x64xf32, #tpu.memory_space<vmem_shared>>) offsets(%dma_start3A_270 : memref<128xi32, #tpu.memory_space<vmem>>) semaphore(%run_scoped3A_263 : memref<!tpu.dma_semaphore, #tpu.memory_space<semaphore_mem>>) {add = true}
        %dma_wait3A_274 = arith.constant 0 : i32
        %dma_wait3A_275 = arith.constant 0 : i32
        %dma_wait3A_276 = tpu.memref_slice %arg9[%run_scoped3A_261, %dma_wait3A_274, %dma_wait3A_275] : memref<4x128x64xf32, #tpu.memory_space<vmem>> -> memref<1x128x64xf32, #tpu.memory_space<vmem>>
        %dma_wait3A_277 = tpu.memref_squeeze %dma_wait3A_276 : memref<1x128x64xf32, #tpu.memory_space<vmem>> -> memref<128x64xf32, #tpu.memory_space<vmem>>
        %dma_wait3A_278 = arith.constant 0 : i32
        %dma_wait3A_279 = tpu.memref_slice %arg8[%add3A_234, %dma_wait3A_278] : memref<160x128xi32, #tpu.memory_space<vmem>> -> memref<1x128xi32, #tpu.memory_space<vmem>>
        %dma_wait3A_280 = tpu.memref_squeeze %dma_wait3A_279 : memref<1x128xi32, #tpu.memory_space<vmem>> -> memref<128xi32, #tpu.memory_space<vmem>>
        %dma_wait3A_281 = arith.constant 0 : i32
        %dma_wait3A_282 = arith.constant 0 : i32
        %dma_wait3A_283 = tpu.memref_slice %arg12[%dma_wait3A_281, %dma_wait3A_282] : memref<10200x64xf32, #tpu.memory_space<vmem_shared>> -> memref<10200x64xf32, #tpu.memory_space<vmem_shared>>
        tpu.wait_indirect_dma semaphore(%run_scoped3A_263 : memref<!tpu.dma_semaphore, #tpu.memory_space<semaphore_mem>>) src(%dma_wait3A_277 : memref<128x64xf32, #tpu.memory_space<vmem>>) dst(%dma_wait3A_283 : memref<10200x64xf32, #tpu.memory_space<vmem_shared>>)
        tpu.yield
      }) : () -> ()
      %scan3A_262 = arith.constant 0 : i32
      scf.yield %scan3A_262 : i32
    }
    %scan3A_61 = arith.constant 40 : i32
    %barrier3A_62 = arith.constant 0 : index
    tpu.barrier barrier_id(%barrier3A_62)
    %lt3A_63 = arith.constant 10 : i32
    %lt3A_64 = arith.cmpi slt, %arg1, %lt3A_63 : i32
    %convert_element_type3A_65 = arith.extui %lt3A_64 : i1 to i32
    %cond3A_66 = arith.constant 0 : i32
    %cond3A_67 = arith.cmpi ne, %convert_element_type3A_65, %cond3A_66 : i32
    scf.if %cond3A_67 {
      %scan3A_140 = arith.constant 0 : i32
      %scan3A_141 = arith.constant 0 : i32
      %scan3A_142 = arith.constant 5 : i32
      %scan3A_143 = arith.addi %scan3A_141, %scan3A_142 : i32
      %scan3A_144 = arith.constant 1 : i32
      %scan3A_145 = scf.for %scan3A_147 = %scan3A_141 to %scan3A_143 step %scan3A_144 iter_args(%scan3A_148 = %scan3A_140) -> (i32)  : i32 {
        %mul3A_149 = arith.constant 1000 : i32
        %mul3A_150 = arith.muli %arg1, %mul3A_149 : i32
        %mul3A_151 = arith.constant 200 : i32
        %mul3A_152 = arith.muli %scan3A_147, %mul3A_151 : i32
        %add3A_153 = arith.addi %mul3A_150, %mul3A_152 : i32
        "tpu.region"() ({
          %run_scoped3A = tpu.sem_alloc : memref<!tpu.dma_semaphore, #tpu.memory_space<semaphore_mem>>
          %dma_start3A_158 = arith.constant 0 : i32
          %dma_start3A_159 = tpu.memref_slice %arg12[%add3A_153, %dma_start3A_158] : memref<10200x64xf32, #tpu.memory_space<vmem_shared>> -> memref<200x64xf32, #tpu.memory_space<vmem_shared>>
          %dma_start3A_160 = arith.constant 0 : i32
          %dma_start3A_161 = tpu.memref_slice %arg12[%add3A_153, %dma_start3A_160] : memref<10200x64xf32, #tpu.memory_space<vmem_shared>> -> memref<200x64xf32, #tpu.memory_space<vmem_shared>>
          tpu.enqueue_dma source(%dma_start3A_161 : memref<200x64xf32, #tpu.memory_space<vmem_shared>>) target(%arg10 : memref<200x64xf32, #tpu.memory_space<vmem>>) target_semaphore(%run_scoped3A : memref<!tpu.dma_semaphore, #tpu.memory_space<semaphore_mem>>)
          %dma_wait3A = arith.constant 0 : i32
          %dma_wait3A_162 = tpu.memref_slice %arg12[%add3A_153, %dma_wait3A] : memref<10200x64xf32, #tpu.memory_space<vmem_shared>> -> memref<200x64xf32, #tpu.memory_space<vmem_shared>>
          %dma_wait3A_163 = arith.constant 0 : i32
          %dma_wait3A_164 = tpu.memref_slice %arg12[%add3A_153, %dma_wait3A_163] : memref<10200x64xf32, #tpu.memory_space<vmem_shared>> -> memref<200x64xf32, #tpu.memory_space<vmem_shared>>
          tpu.wait_dma2 semaphore(%run_scoped3A : memref<!tpu.dma_semaphore, #tpu.memory_space<semaphore_mem>>) src(%dma_wait3A_164 : memref<200x64xf32, #tpu.memory_space<vmem_shared>>) dst(%arg10 : memref<200x64xf32, #tpu.memory_space<vmem>>)
          tpu.yield
        }) : () -> ()
        %mul3A_154 = arith.constant 10000 : i32
        %mul3A_155 = arith.muli %add3A_5, %mul3A_154 : i32
        %add3A_156 = arith.addi %mul3A_155, %add3A_153 : i32
        "tpu.region"() ({
          %run_scoped3A = tpu.sem_alloc : memref<!tpu.dma_semaphore, #tpu.memory_space<semaphore_mem>>
          %dma_start3A_158 = arith.constant 0 : i32
          %dma_start3A_159 = tpu.memref_slice %arg6[%add3A_156, %dma_start3A_158] : memref<40000x64xf32, #tpu.memory_space<hbm>> -> memref<200x64xf32, #tpu.memory_space<hbm>>
          %dma_start3A_160 = arith.constant 0 : i32
          %dma_start3A_161 = tpu.memref_slice %arg6[%add3A_156, %dma_start3A_160] : memref<40000x64xf32, #tpu.memory_space<hbm>> -> memref<200x64xf32, #tpu.memory_space<hbm>>
          tpu.enqueue_dma source(%arg10 : memref<200x64xf32, #tpu.memory_space<vmem>>) target(%dma_start3A_161 : memref<200x64xf32, #tpu.memory_space<hbm>>) target_semaphore(%run_scoped3A : memref<!tpu.dma_semaphore, #tpu.memory_space<semaphore_mem>>)
          %dma_wait3A = arith.constant 0 : i32
          %dma_wait3A_162 = tpu.memref_slice %arg6[%add3A_156, %dma_wait3A] : memref<40000x64xf32, #tpu.memory_space<hbm>> -> memref<200x64xf32, #tpu.memory_space<hbm>>
          %dma_wait3A_163 = arith.constant 0 : i32
          %dma_wait3A_164 = tpu.memref_slice %arg6[%add3A_156, %dma_wait3A_163] : memref<40000x64xf32, #tpu.memory_space<hbm>> -> memref<200x64xf32, #tpu.memory_space<hbm>>
          tpu.wait_dma2 semaphore(%run_scoped3A : memref<!tpu.dma_semaphore, #tpu.memory_space<semaphore_mem>>) src(%arg10 : memref<200x64xf32, #tpu.memory_space<vmem>>) dst(%dma_wait3A_164 : memref<200x64xf32, #tpu.memory_space<hbm>>)
          tpu.yield
        }) : () -> ()
        %scan3A_157 = arith.constant 0 : i32
        scf.yield %scan3A_157 : i32
      }
      %scan3A_146 = arith.constant 5 : i32
    } else {
    }
    %barrier3A_68 = arith.constant 0 : index
    tpu.barrier barrier_id(%barrier3A_68)
    %mul3A_69 = arith.constant 2 : i32
    %mul3A_70 = arith.muli %arg0, %mul3A_69 : i32
    %add3A_71 = arith.constant 1 : i32
    %add3A_72 = arith.addi %mul3A_70, %add3A_71 : i32
    %scan3A_73 = arith.constant 0 : i32
    %scan3A_74 = arith.constant 0 : i32
    %scan3A_75 = arith.constant 160 : i32
    %scan3A_76 = arith.addi %scan3A_74, %scan3A_75 : i32
    %scan3A_77 = arith.constant 1 : i32
    %scan3A_78 = scf.for %scan3A_140 = %scan3A_74 to %scan3A_76 step %scan3A_77 iter_args(%scan3A_141 = %scan3A_73) -> (i32)  : i32 {
      %get3A = arith.index_cast %scan3A_140 : i32 to index
      %get3A_142 = arith.constant 0 : index
      %get3A_143 = tpu.vector_load %arg7[%get3A, %get3A_142] {strides = array<i32>} : memref<160x128xi32, #tpu.memory_space<vmem>>, vector<1x16xi32>,
      %get3A_144 = vector.shape_cast %get3A_143 : vector<1x16xi32> to vector<16xi32>
      %add3A_145 = arith.constant 10000 : i32
      %add3A_146 = vector.broadcast %add3A_145 : i32 to vector<16xi32>
      %add3A_147 = arith.addi %get3A_144, %add3A_146 : vector<16xi32>
      %swap3A = arith.index_cast %scan3A_140 : i32 to index
      %swap3A_148 = arith.constant 0 : index
      %swap3A_149 = tpu.vector_load %arg7[%swap3A, %swap3A_148] {strides = array<i32>} : memref<160x128xi32, #tpu.memory_space<vmem>>, vector<1x16xi32>,
      %swap3A_150 = vector.shape_cast %swap3A_149 : vector<1x16xi32> to vector<16xi32>
      %swap3A_151 = vector.shape_cast %add3A_147 : vector<16xi32> to vector<1x16xi32>
      tpu.vector_store %arg7[%swap3A, %swap3A_148], %swap3A_151 {strides = array<i32>} : memref<160x128xi32, #tpu.memory_space<vmem>>, vector<1x16xi32>,
      %get3A_152 = arith.index_cast %scan3A_140 : i32 to index
      %get3A_153 = arith.constant 16 : index
      %get3A_154 = tpu.vector_load %arg7[%get3A_152, %get3A_153] {strides = array<i32>} : memref<160x128xi32, #tpu.memory_space<vmem>>, vector<1x16xi32>,
      %get3A_155 = vector.shape_cast %get3A_154 : vector<1x16xi32> to vector<16xi32>
      %add3A_156 = arith.constant 10000 : i32
      %add3A_157 = vector.broadcast %add3A_156 : i32 to vector<16xi32>
      %add3A_158 = arith.addi %get3A_155, %add3A_157 : vector<16xi32>
      %swap3A_159 = arith.index_cast %scan3A_140 : i32 to index
      %swap3A_160 = arith.constant 16 : index
      %swap3A_161 = tpu.vector_load %arg7[%swap3A_159, %swap3A_160] {strides = array<i32>} : memref<160x128xi32, #tpu.memory_space<vmem>>, vector<1x16xi32>,
      %swap3A_162 = vector.shape_cast %swap3A_161 : vector<1x16xi32> to vector<16xi32>
      %swap3A_163 = vector.shape_cast %add3A_158 : vector<16xi32> to vector<1x16xi32>
      tpu.vector_store %arg7[%swap3A_159, %swap3A_160], %swap3A_163 {strides = array<i32>} : memref<160x128xi32, #tpu.memory_space<vmem>>, vector<1x16xi32>,
      %get3A_164 = arith.index_cast %scan3A_140 : i32 to index
      %get3A_165 = arith.constant 32 : index
      %get3A_166 = tpu.vector_load %arg7[%get3A_164, %get3A_165] {strides = array<i32>} : memref<160x128xi32, #tpu.memory_space<vmem>>, vector<1x16xi32>,
      %get3A_167 = vector.shape_cast %get3A_166 : vector<1x16xi32> to vector<16xi32>
      %add3A_168 = arith.constant 10000 : i32
      %add3A_169 = vector.broadcast %add3A_168 : i32 to vector<16xi32>
      %add3A_170 = arith.addi %get3A_167, %add3A_169 : vector<16xi32>
      %swap3A_171 = arith.index_cast %scan3A_140 : i32 to index
      %swap3A_172 = arith.constant 32 : index
      %swap3A_173 = tpu.vector_load %arg7[%swap3A_171, %swap3A_172] {strides = array<i32>} : memref<160x128xi32, #tpu.memory_space<vmem>>, vector<1x16xi32>,
      %swap3A_174 = vector.shape_cast %swap3A_173 : vector<1x16xi32> to vector<16xi32>
      %swap3A_175 = vector.shape_cast %add3A_170 : vector<16xi32> to vector<1x16xi32>
      tpu.vector_store %arg7[%swap3A_171, %swap3A_172], %swap3A_175 {strides = array<i32>} : memref<160x128xi32, #tpu.memory_space<vmem>>, vector<1x16xi32>,
      %get3A_176 = arith.index_cast %scan3A_140 : i32 to index
      %get3A_177 = arith.constant 48 : index
      %get3A_178 = tpu.vector_load %arg7[%get3A_176, %get3A_177] {strides = array<i32>} : memref<160x128xi32, #tpu.memory_space<vmem>>, vector<1x16xi32>,
      %get3A_179 = vector.shape_cast %get3A_178 : vector<1x16xi32> to vector<16xi32>
      %add3A_180 = arith.constant 10000 : i32
      %add3A_181 = vector.broadcast %add3A_180 : i32 to vector<16xi32>
      %add3A_182 = arith.addi %get3A_179, %add3A_181 : vector<16xi32>
      %swap3A_183 = arith.index_cast %scan3A_140 : i32 to index
      %swap3A_184 = arith.constant 48 : index
      %swap3A_185 = tpu.vector_load %arg7[%swap3A_183, %swap3A_184] {strides = array<i32>} : memref<160x128xi32, #tpu.memory_space<vmem>>, vector<1x16xi32>,
      %swap3A_186 = vector.shape_cast %swap3A_185 : vector<1x16xi32> to vector<16xi32>
      %swap3A_187 = vector.shape_cast %add3A_182 : vector<16xi32> to vector<1x16xi32>
      tpu.vector_store %arg7[%swap3A_183, %swap3A_184], %swap3A_187 {strides = array<i32>} : memref<160x128xi32, #tpu.memory_space<vmem>>, vector<1x16xi32>,
      %get3A_188 = arith.index_cast %scan3A_140 : i32 to index
      %get3A_189 = arith.constant 64 : index
      %get3A_190 = tpu.vector_load %arg7[%get3A_188, %get3A_189] {strides = array<i32>} : memref<160x128xi32, #tpu.memory_space<vmem>>, vector<1x16xi32>,
      %get3A_191 = vector.shape_cast %get3A_190 : vector<1x16xi32> to vector<16xi32>
      %add3A_192 = arith.constant 10000 : i32
      %add3A_193 = vector.broadcast %add3A_192 : i32 to vector<16xi32>
      %add3A_194 = arith.addi %get3A_191, %add3A_193 : vector<16xi32>
      %swap3A_195 = arith.index_cast %scan3A_140 : i32 to index
      %swap3A_196 = arith.constant 64 : index
      %swap3A_197 = tpu.vector_load %arg7[%swap3A_195, %swap3A_196] {strides = array<i32>} : memref<160x128xi32, #tpu.memory_space<vmem>>, vector<1x16xi32>,
      %swap3A_198 = vector.shape_cast %swap3A_197 : vector<1x16xi32> to vector<16xi32>
      %swap3A_199 = vector.shape_cast %add3A_194 : vector<16xi32> to vector<1x16xi32>
      tpu.vector_store %arg7[%swap3A_195, %swap3A_196], %swap3A_199 {strides = array<i32>} : memref<160x128xi32, #tpu.memory_space<vmem>>, vector<1x16xi32>,
      %get3A_200 = arith.index_cast %scan3A_140 : i32 to index
      %get3A_201 = arith.constant 80 : index
      %get3A_202 = tpu.vector_load %arg7[%get3A_200, %get3A_201] {strides = array<i32>} : memref<160x128xi32, #tpu.memory_space<vmem>>, vector<1x16xi32>,
      %get3A_203 = vector.shape_cast %get3A_202 : vector<1x16xi32> to vector<16xi32>
      %add3A_204 = arith.constant 10000 : i32
      %add3A_205 = vector.broadcast %add3A_204 : i32 to vector<16xi32>
      %add3A_206 = arith.addi %get3A_203, %add3A_205 : vector<16xi32>
      %swap3A_207 = arith.index_cast %scan3A_140 : i32 to index
      %swap3A_208 = arith.constant 80 : index
      %swap3A_209 = tpu.vector_load %arg7[%swap3A_207, %swap3A_208] {strides = array<i32>} : memref<160x128xi32, #tpu.memory_space<vmem>>, vector<1x16xi32>,
      %swap3A_210 = vector.shape_cast %swap3A_209 : vector<1x16xi32> to vector<16xi32>
      %swap3A_211 = vector.shape_cast %add3A_206 : vector<16xi32> to vector<1x16xi32>
      tpu.vector_store %arg7[%swap3A_207, %swap3A_208], %swap3A_211 {strides = array<i32>} : memref<160x128xi32, #tpu.memory_space<vmem>>, vector<1x16xi32>,
      %get3A_212 = arith.index_cast %scan3A_140 : i32 to index
      %get3A_213 = arith.constant 96 : index
      %get3A_214 = tpu.vector_load %arg7[%get3A_212, %get3A_213] {strides = array<i32>} : memref<160x128xi32, #tpu.memory_space<vmem>>, vector<1x16xi32>,
      %get3A_215 = vector.shape_cast %get3A_214 : vector<1x16xi32> to vector<16xi32>
      %add3A_216 = arith.constant 10000 : i32
      %add3A_217 = vector.broadcast %add3A_216 : i32 to vector<16xi32>
      %add3A_218 = arith.addi %get3A_215, %add3A_217 : vector<16xi32>
      %swap3A_219 = arith.index_cast %scan3A_140 : i32 to index
      %swap3A_220 = arith.constant 96 : index
      %swap3A_221 = tpu.vector_load %arg7[%swap3A_219, %swap3A_220] {strides = array<i32>} : memref<160x128xi32, #tpu.memory_space<vmem>>, vector<1x16xi32>,
      %swap3A_222 = vector.shape_cast %swap3A_221 : vector<1x16xi32> to vector<16xi32>
      %swap3A_223 = vector.shape_cast %add3A_218 : vector<16xi32> to vector<1x16xi32>
      tpu.vector_store %arg7[%swap3A_219, %swap3A_220], %swap3A_223 {strides = array<i32>} : memref<160x128xi32, #tpu.memory_space<vmem>>, vector<1x16xi32>,
      %get3A_224 = arith.index_cast %scan3A_140 : i32 to index
      %get3A_225 = arith.constant 112 : index
      %get3A_226 = tpu.vector_load %arg7[%get3A_224, %get3A_225] {strides = array<i32>} : memref<160x128xi32, #tpu.memory_space<vmem>>, vector<1x16xi32>,
      %get3A_227 = vector.shape_cast %get3A_226 : vector<1x16xi32> to vector<16xi32>
      %add3A_228 = arith.constant 10000 : i32
      %add3A_229 = vector.broadcast %add3A_228 : i32 to vector<16xi32>
      %add3A_230 = arith.addi %get3A_227, %add3A_229 : vector<16xi32>
      %swap3A_231 = arith.index_cast %scan3A_140 : i32 to index
      %swap3A_232 = arith.constant 112 : index
      %swap3A_233 = tpu.vector_load %arg7[%swap3A_231, %swap3A_232] {strides = array<i32>} : memref<160x128xi32, #tpu.memory_space<vmem>>, vector<1x16xi32>,
      %swap3A_234 = vector.shape_cast %swap3A_233 : vector<1x16xi32> to vector<16xi32>
      %swap3A_235 = vector.shape_cast %add3A_230 : vector<16xi32> to vector<1x16xi32>
      tpu.vector_store %arg7[%swap3A_231, %swap3A_232], %swap3A_235 {strides = array<i32>} : memref<160x128xi32, #tpu.memory_space<vmem>>, vector<1x16xi32>,
      %scan3A_236 = arith.constant 0 : i32
      scf.yield %scan3A_236 : i32
    }
    %scan3A_79 = arith.constant 160 : i32
    %lt3A_80 = arith.constant 10 : i32
    %lt3A_81 = arith.cmpi slt, %arg1, %lt3A_80 : i32
    %convert_element_type3A_82 = arith.extui %lt3A_81 : i1 to i32
    %cond3A_83 = arith.constant 0 : i32
    %cond3A_84 = arith.cmpi ne, %convert_element_type3A_82, %cond3A_83 : i32
    scf.if %cond3A_84 {
      %scan3A_140 = arith.constant 0 : i32
      %scan3A_141 = arith.constant 0 : i32
      %scan3A_142 = arith.constant 800 : i32
      %scan3A_143 = arith.addi %scan3A_141, %scan3A_142 : i32
      %scan3A_144 = arith.constant 1 : i32
      %scan3A_145 = scf.for %scan3A_167 = %scan3A_141 to %scan3A_143 step %scan3A_144 iter_args(%scan3A_168 = %scan3A_140) -> (i32)  : i32 {
        %jit3A = arith.constant 4 : i32
        %div3A = arith.divsi %scan3A_167, %jit3A : i32
        %sign3A = arith.constant 0 : i32
        %sign3A_169 = arith.cmpi sgt, %scan3A_167, %sign3A : i32
        %sign3A_170 = arith.extui %sign3A_169 : i1 to i32
        %sign3A_171 = arith.constant 0 : i32
        %sign3A_172 = arith.cmpi slt, %scan3A_167, %sign3A_171 : i32
        %sign3A_173 = arith.extui %sign3A_172 : i1 to i32
        %sign3A_174 = arith.subi %sign3A_170, %sign3A_173 : i32
        %sign3A_175 = arith.constant 0 : i32
        %sign3A_176 = arith.cmpi sgt, %jit3A, %sign3A_175 : i32
        %sign3A_177 = arith.extui %sign3A_176 : i1 to i32
        %sign3A_178 = arith.constant 0 : i32
        %sign3A_179 = arith.cmpi slt, %jit3A, %sign3A_178 : i32
        %sign3A_180 = arith.extui %sign3A_179 : i1 to i32
        %sign3A_181 = arith.subi %sign3A_177, %sign3A_180 : i32
        %ne3A = arith.cmpi ne, %sign3A_174, %sign3A_181 : i32
        %rem3A = arith.remsi %scan3A_167, %jit3A : i32
        %ne3A_182 = arith.constant 0 : i32
        %ne3A_183 = arith.cmpi ne, %rem3A, %ne3A_182 : i32
        %and3A = arith.andi %ne3A, %ne3A_183 : i1
        %sub3A = arith.constant 1 : i32
        %sub3A_184 = arith.subi %div3A, %sub3A : i32
        %select_n3A = arith.select %and3A, %sub3A_184, %div3A : i32
        %jit3A_185 = arith.constant 4 : i32
        %eq3A_186 = arith.constant 0 : i32
        %eq3A_187 = arith.cmpi eq, %jit3A_185, %eq3A_186 : i32
        %jit3A_188 = arith.constant 1 : i32
        %select_n3A_189 = arith.select %eq3A_187, %jit3A_188, %jit3A_185 : i32
        %rem3A_190 = arith.remsi %scan3A_167, %select_n3A_189 : i32
        %ne3A_191 = arith.constant 0 : i32
        %ne3A_192 = arith.cmpi ne, %rem3A_190, %ne3A_191 : i32
        %lt3A_193 = arith.constant 0 : i32
        %lt3A_194 = arith.cmpi slt, %rem3A_190, %lt3A_193 : i32
        %lt3A_195 = arith.constant 0 : i32
        %lt3A_196 = arith.cmpi slt, %select_n3A_189, %lt3A_195 : i32
        %ne3A_197 = arith.xori %lt3A_194, %lt3A_196 : i1
        %and3A_198 = arith.andi %ne3A_197, %ne3A_192 : i1
        %add3A_199 = arith.addi %rem3A_190, %select_n3A_189 : i32
        %select_n3A_200 = arith.select %and3A_198, %add3A_199, %rem3A_190 : i32
        %broadcast_in_dim3A = arith.constant 0.000000e+00 : f32
        %broadcast_in_dim3A_201 = vector.broadcast %broadcast_in_dim3A : f32 to vector<16xf32>
        %mul3A_202 = arith.constant 16 : i32
        %mul3A_203 = arith.muli %select_n3A_200, %mul3A_202 : i32
        %swap3A = arith.index_cast %select_n3A : i32 to index
        %swap3A_204 = arith.index_cast %mul3A_203 : i32 to index
        %swap3A_205 = tpu.vector_load %arg10[%swap3A, %swap3A_204] {strides = array<i32>} : memref<200x64xf32, #tpu.memory_space<vmem>>, vector<1x16xf32>,
        %swap3A_206 = vector.shape_cast %swap3A_205 : vector<1x16xf32> to vector<16xf32>
        %swap3A_207 = vector.shape_cast %broadcast_in_dim3A_201 : vector<16xf32> to vector<1x16xf32>
        tpu.vector_store %arg10[%swap3A, %swap3A_204], %swap3A_207 {strides = array<i32>} : memref<200x64xf32, #tpu.memory_space<vmem>>, vector<1x16xf32>,
        %scan3A_208 = arith.constant 0 : i32
        scf.yield %scan3A_208 : i32
      }
      %scan3A_146 = arith.constant 800 : i32
      %mul3A_147 = arith.constant 1000 : i32
      %mul3A_148 = arith.muli %arg1, %mul3A_147 : i32
      %add3A_149 = arith.constant 0 : i32
      %add3A_150 = arith.addi %mul3A_148, %add3A_149 : i32
      "tpu.region"() ({
        %run_scoped3A = tpu.sem_alloc : memref<!tpu.dma_semaphore, #tpu.memory_space<semaphore_mem>>
        %dma_start3A_167 = arith.constant 0 : i32
        %dma_start3A_168 = tpu.memref_slice %arg12[%add3A_150, %dma_start3A_167] : memref<10200x64xf32, #tpu.memory_space<vmem_shared>> -> memref<200x64xf32, #tpu.memory_space<vmem_shared>>
        %dma_start3A_169 = arith.constant 0 : i32
        %dma_start3A_170 = tpu.memref_slice %arg12[%add3A_150, %dma_start3A_169] : memref<10200x64xf32, #tpu.memory_space<vmem_shared>> -> memref<200x64xf32, #tpu.memory_space<vmem_shared>>
        tpu.enqueue_dma source(%arg10 : memref<200x64xf32, #tpu.memory_space<vmem>>) target(%dma_start3A_170 : memref<200x64xf32, #tpu.memory_space<vmem_shared>>) target_semaphore(%run_scoped3A : memref<!tpu.dma_semaphore, #tpu.memory_space<semaphore_mem>>)
        %dma_wait3A = arith.constant 0 : i32
        %dma_wait3A_171 = tpu.memref_slice %arg12[%add3A_150, %dma_wait3A] : memref<10200x64xf32, #tpu.memory_space<vmem_shared>> -> memref<200x64xf32, #tpu.memory_space<vmem_shared>>
        %dma_wait3A_172 = arith.constant 0 : i32
        %dma_wait3A_173 = tpu.memref_slice %arg12[%add3A_150, %dma_wait3A_172] : memref<10200x64xf32, #tpu.memory_space<vmem_shared>> -> memref<200x64xf32, #tpu.memory_space<vmem_shared>>
        tpu.wait_dma2 semaphore(%run_scoped3A : memref<!tpu.dma_semaphore, #tpu.memory_space<semaphore_mem>>) src(%arg10 : memref<200x64xf32, #tpu.memory_space<vmem>>) dst(%dma_wait3A_173 : memref<200x64xf32, #tpu.memory_space<vmem_shared>>)
        tpu.yield
      }) : () -> ()
      %mul3A_151 = arith.constant 1000 : i32
      %mul3A_152 = arith.muli %arg1, %mul3A_151 : i32
      %add3A_153 = arith.constant 200 : i32
      %add3A_154 = arith.addi %mul3A_152, %add3A_153 : i32
      "tpu.region"() ({
        %run_scoped3A = tpu.sem_alloc : memref<!tpu.dma_semaphore, #tpu.memory_space<semaphore_mem>>
        %dma_start3A_167 = arith.constant 0 : i32
        %dma_start3A_168 = tpu.memref_slice %arg12[%add3A_154, %dma_start3A_167] : memref<10200x64xf32, #tpu.memory_space<vmem_shared>> -> memref<200x64xf32, #tpu.memory_space<vmem_shared>>
        %dma_start3A_169 = arith.constant 0 : i32
        %dma_start3A_170 = tpu.memref_slice %arg12[%add3A_154, %dma_start3A_169] : memref<10200x64xf32, #tpu.memory_space<vmem_shared>> -> memref<200x64xf32, #tpu.memory_space<vmem_shared>>
        tpu.enqueue_dma source(%arg10 : memref<200x64xf32, #tpu.memory_space<vmem>>) target(%dma_start3A_170 : memref<200x64xf32, #tpu.memory_space<vmem_shared>>) target_semaphore(%run_scoped3A : memref<!tpu.dma_semaphore, #tpu.memory_space<semaphore_mem>>)
        %dma_wait3A = arith.constant 0 : i32
        %dma_wait3A_171 = tpu.memref_slice %arg12[%add3A_154, %dma_wait3A] : memref<10200x64xf32, #tpu.memory_space<vmem_shared>> -> memref<200x64xf32, #tpu.memory_space<vmem_shared>>
        %dma_wait3A_172 = arith.constant 0 : i32
        %dma_wait3A_173 = tpu.memref_slice %arg12[%add3A_154, %dma_wait3A_172] : memref<10200x64xf32, #tpu.memory_space<vmem_shared>> -> memref<200x64xf32, #tpu.memory_space<vmem_shared>>
        tpu.wait_dma2 semaphore(%run_scoped3A : memref<!tpu.dma_semaphore, #tpu.memory_space<semaphore_mem>>) src(%arg10 : memref<200x64xf32, #tpu.memory_space<vmem>>) dst(%dma_wait3A_173 : memref<200x64xf32, #tpu.memory_space<vmem_shared>>)
        tpu.yield
      }) : () -> ()
      %mul3A_155 = arith.constant 1000 : i32
      %mul3A_156 = arith.muli %arg1, %mul3A_155 : i32
      %add3A_157 = arith.constant 400 : i32
      %add3A_158 = arith.addi %mul3A_156, %add3A_157 : i32
      "tpu.region"() ({
        %run_scoped3A = tpu.sem_alloc : memref<!tpu.dma_semaphore, #tpu.memory_space<semaphore_mem>>
        %dma_start3A_167 = arith.constant 0 : i32
        %dma_start3A_168 = tpu.memref_slice %arg12[%add3A_158, %dma_start3A_167] : memref<10200x64xf32, #tpu.memory_space<vmem_shared>> -> memref<200x64xf32, #tpu.memory_space<vmem_shared>>
        %dma_start3A_169 = arith.constant 0 : i32
        %dma_start3A_170 = tpu.memref_slice %arg12[%add3A_158, %dma_start3A_169] : memref<10200x64xf32, #tpu.memory_space<vmem_shared>> -> memref<200x64xf32, #tpu.memory_space<vmem_shared>>
        tpu.enqueue_dma source(%arg10 : memref<200x64xf32, #tpu.memory_space<vmem>>) target(%dma_start3A_170 : memref<200x64xf32, #tpu.memory_space<vmem_shared>>) target_semaphore(%run_scoped3A : memref<!tpu.dma_semaphore, #tpu.memory_space<semaphore_mem>>)
        %dma_wait3A = arith.constant 0 : i32
        %dma_wait3A_171 = tpu.memref_slice %arg12[%add3A_158, %dma_wait3A] : memref<10200x64xf32, #tpu.memory_space<vmem_shared>> -> memref<200x64xf32, #tpu.memory_space<vmem_shared>>
        %dma_wait3A_172 = arith.constant 0 : i32
        %dma_wait3A_173 = tpu.memref_slice %arg12[%add3A_158, %dma_wait3A_172] : memref<10200x64xf32, #tpu.memory_space<vmem_shared>> -> memref<200x64xf32, #tpu.memory_space<vmem_shared>>
        tpu.wait_dma2 semaphore(%run_scoped3A : memref<!tpu.dma_semaphore, #tpu.memory_space<semaphore_mem>>) src(%arg10 : memref<200x64xf32, #tpu.memory_space<vmem>>) dst(%dma_wait3A_173 : memref<200x64xf32, #tpu.memory_space<vmem_shared>>)
        tpu.yield
      }) : () -> ()
      %mul3A_159 = arith.constant 1000 : i32
      %mul3A_160 = arith.muli %arg1, %mul3A_159 : i32
      %add3A_161 = arith.constant 600 : i32
      %add3A_162 = arith.addi %mul3A_160, %add3A_161 : i32
      "tpu.region"() ({
        %run_scoped3A = tpu.sem_alloc : memref<!tpu.dma_semaphore, #tpu.memory_space<semaphore_mem>>
        %dma_start3A_167 = arith.constant 0 : i32
        %dma_start3A_168 = tpu.memref_slice %arg12[%add3A_162, %dma_start3A_167] : memref<10200x64xf32, #tpu.memory_space<vmem_shared>> -> memref<200x64xf32, #tpu.memory_space<vmem_shared>>
        %dma_start3A_169 = arith.constant 0 : i32
        %dma_start3A_170 = tpu.memref_slice %arg12[%add3A_162, %dma_start3A_169] : memref<10200x64xf32, #tpu.memory_space<vmem_shared>> -> memref<200x64xf32, #tpu.memory_space<vmem_shared>>
        tpu.enqueue_dma source(%arg10 : memref<200x64xf32, #tpu.memory_space<vmem>>) target(%dma_start3A_170 : memref<200x64xf32, #tpu.memory_space<vmem_shared>>) target_semaphore(%run_scoped3A : memref<!tpu.dma_semaphore, #tpu.memory_space<semaphore_mem>>)
        %dma_wait3A = arith.constant 0 : i32
        %dma_wait3A_171 = tpu.memref_slice %arg12[%add3A_162, %dma_wait3A] : memref<10200x64xf32, #tpu.memory_space<vmem_shared>> -> memref<200x64xf32, #tpu.memory_space<vmem_shared>>
        %dma_wait3A_172 = arith.constant 0 : i32
        %dma_wait3A_173 = tpu.memref_slice %arg12[%add3A_162, %dma_wait3A_172] : memref<10200x64xf32, #tpu.memory_space<vmem_shared>> -> memref<200x64xf32, #tpu.memory_space<vmem_shared>>
        tpu.wait_dma2 semaphore(%run_scoped3A : memref<!tpu.dma_semaphore, #tpu.memory_space<semaphore_mem>>) src(%arg10 : memref<200x64xf32, #tpu.memory_space<vmem>>) dst(%dma_wait3A_173 : memref<200x64xf32, #tpu.memory_space<vmem_shared>>)
        tpu.yield
      }) : () -> ()
      %mul3A_163 = arith.constant 1000 : i32
      %mul3A_164 = arith.muli %arg1, %mul3A_163 : i32
      %add3A_165 = arith.constant 800 : i32
      %add3A_166 = arith.addi %mul3A_164, %add3A_165 : i32
      "tpu.region"() ({
        %run_scoped3A = tpu.sem_alloc : memref<!tpu.dma_semaphore, #tpu.memory_space<semaphore_mem>>
        %dma_start3A_167 = arith.constant 0 : i32
        %dma_start3A_168 = tpu.memref_slice %arg12[%add3A_166, %dma_start3A_167] : memref<10200x64xf32, #tpu.memory_space<vmem_shared>> -> memref<200x64xf32, #tpu.memory_space<vmem_shared>>
        %dma_start3A_169 = arith.constant 0 : i32
        %dma_start3A_170 = tpu.memref_slice %arg12[%add3A_166, %dma_start3A_169] : memref<10200x64xf32, #tpu.memory_space<vmem_shared>> -> memref<200x64xf32, #tpu.memory_space<vmem_shared>>
        tpu.enqueue_dma source(%arg10 : memref<200x64xf32, #tpu.memory_space<vmem>>) target(%dma_start3A_170 : memref<200x64xf32, #tpu.memory_space<vmem_shared>>) target_semaphore(%run_scoped3A : memref<!tpu.dma_semaphore, #tpu.memory_space<semaphore_mem>>)
        %dma_wait3A = arith.constant 0 : i32
        %dma_wait3A_171 = tpu.memref_slice %arg12[%add3A_166, %dma_wait3A] : memref<10200x64xf32, #tpu.memory_space<vmem_shared>> -> memref<200x64xf32, #tpu.memory_space<vmem_shared>>
        %dma_wait3A_172 = arith.constant 0 : i32
        %dma_wait3A_173 = tpu.memref_slice %arg12[%add3A_166, %dma_wait3A_172] : memref<10200x64xf32, #tpu.memory_space<vmem_shared>> -> memref<200x64xf32, #tpu.memory_space<vmem_shared>>
        tpu.wait_dma2 semaphore(%run_scoped3A : memref<!tpu.dma_semaphore, #tpu.memory_space<semaphore_mem>>) src(%arg10 : memref<200x64xf32, #tpu.memory_space<vmem>>) dst(%dma_wait3A_173 : memref<200x64xf32, #tpu.memory_space<vmem_shared>>)
        tpu.yield
      }) : () -> ()
    } else {
    }
    %eq3A_85 = arith.constant 10 : i32
    %eq3A_86 = arith.cmpi eq, %arg1, %eq3A_85 : i32
    %convert_element_type3A_87 = arith.extui %eq3A_86 : i1 to i32
    %cond3A_88 = arith.constant 0 : i32
    %cond3A_89 = arith.cmpi ne, %convert_element_type3A_87, %cond3A_88 : i32
    scf.if %cond3A_89 {
      %scan3A_140 = arith.constant 0 : i32
      %scan3A_141 = arith.constant 0 : i32
      %scan3A_142 = arith.constant 800 : i32
      %scan3A_143 = arith.addi %scan3A_141, %scan3A_142 : i32
      %scan3A_144 = arith.constant 1 : i32
      %scan3A_145 = scf.for %scan3A_147 = %scan3A_141 to %scan3A_143 step %scan3A_144 iter_args(%scan3A_148 = %scan3A_140) -> (i32)  : i32 {
        %jit3A = arith.constant 4 : i32
        %div3A = arith.divsi %scan3A_147, %jit3A : i32
        %sign3A = arith.constant 0 : i32
        %sign3A_149 = arith.cmpi sgt, %scan3A_147, %sign3A : i32
        %sign3A_150 = arith.extui %sign3A_149 : i1 to i32
        %sign3A_151 = arith.constant 0 : i32
        %sign3A_152 = arith.cmpi slt, %scan3A_147, %sign3A_151 : i32
        %sign3A_153 = arith.extui %sign3A_152 : i1 to i32
        %sign3A_154 = arith.subi %sign3A_150, %sign3A_153 : i32
        %sign3A_155 = arith.constant 0 : i32
        %sign3A_156 = arith.cmpi sgt, %jit3A, %sign3A_155 : i32
        %sign3A_157 = arith.extui %sign3A_156 : i1 to i32
        %sign3A_158 = arith.constant 0 : i32
        %sign3A_159 = arith.cmpi slt, %jit3A, %sign3A_158 : i32
        %sign3A_160 = arith.extui %sign3A_159 : i1 to i32
        %sign3A_161 = arith.subi %sign3A_157, %sign3A_160 : i32
        %ne3A = arith.cmpi ne, %sign3A_154, %sign3A_161 : i32
        %rem3A = arith.remsi %scan3A_147, %jit3A : i32
        %ne3A_162 = arith.constant 0 : i32
        %ne3A_163 = arith.cmpi ne, %rem3A, %ne3A_162 : i32
        %and3A = arith.andi %ne3A, %ne3A_163 : i1
        %sub3A = arith.constant 1 : i32
        %sub3A_164 = arith.subi %div3A, %sub3A : i32
        %select_n3A = arith.select %and3A, %sub3A_164, %div3A : i32
        %jit3A_165 = arith.constant 4 : i32
        %eq3A_166 = arith.constant 0 : i32
        %eq3A_167 = arith.cmpi eq, %jit3A_165, %eq3A_166 : i32
        %jit3A_168 = arith.constant 1 : i32
        %select_n3A_169 = arith.select %eq3A_167, %jit3A_168, %jit3A_165 : i32
        %rem3A_170 = arith.remsi %scan3A_147, %select_n3A_169 : i32
        %ne3A_171 = arith.constant 0 : i32
        %ne3A_172 = arith.cmpi ne, %rem3A_170, %ne3A_171 : i32
        %lt3A_173 = arith.constant 0 : i32
        %lt3A_174 = arith.cmpi slt, %rem3A_170, %lt3A_173 : i32
        %lt3A_175 = arith.constant 0 : i32
        %lt3A_176 = arith.cmpi slt, %select_n3A_169, %lt3A_175 : i32
        %ne3A_177 = arith.xori %lt3A_174, %lt3A_176 : i1
        %and3A_178 = arith.andi %ne3A_177, %ne3A_172 : i1
        %add3A_179 = arith.addi %rem3A_170, %select_n3A_169 : i32
        %select_n3A_180 = arith.select %and3A_178, %add3A_179, %rem3A_170 : i32
        %broadcast_in_dim3A = arith.constant 0.000000e+00 : f32
        %broadcast_in_dim3A_181 = vector.broadcast %broadcast_in_dim3A : f32 to vector<16xf32>
        %mul3A_182 = arith.constant 16 : i32
        %mul3A_183 = arith.muli %select_n3A_180, %mul3A_182 : i32
        %swap3A = arith.index_cast %select_n3A : i32 to index
        %swap3A_184 = arith.index_cast %mul3A_183 : i32 to index
        %swap3A_185 = tpu.vector_load %arg10[%swap3A, %swap3A_184] {strides = array<i32>} : memref<200x64xf32, #tpu.memory_space<vmem>>, vector<1x16xf32>,
        %swap3A_186 = vector.shape_cast %swap3A_185 : vector<1x16xf32> to vector<16xf32>
        %swap3A_187 = vector.shape_cast %broadcast_in_dim3A_181 : vector<16xf32> to vector<1x16xf32>
        tpu.vector_store %arg10[%swap3A, %swap3A_184], %swap3A_187 {strides = array<i32>} : memref<200x64xf32, #tpu.memory_space<vmem>>, vector<1x16xf32>,
        %scan3A_188 = arith.constant 0 : i32
        scf.yield %scan3A_188 : i32
      }
      %scan3A_146 = arith.constant 800 : i32
      "tpu.region"() ({
        %run_scoped3A = tpu.sem_alloc : memref<!tpu.dma_semaphore, #tpu.memory_space<semaphore_mem>>
        %dma_start3A_147 = arith.constant 10000 : i32
        %dma_start3A_148 = arith.constant 0 : i32
        %dma_start3A_149 = tpu.memref_slice %arg12[%dma_start3A_147, %dma_start3A_148] : memref<10200x64xf32, #tpu.memory_space<vmem_shared>> -> memref<200x64xf32, #tpu.memory_space<vmem_shared>>
        %dma_start3A_150 = arith.constant 10000 : i32
        %dma_start3A_151 = arith.constant 0 : i32
        %dma_start3A_152 = tpu.memref_slice %arg12[%dma_start3A_150, %dma_start3A_151] : memref<10200x64xf32, #tpu.memory_space<vmem_shared>> -> memref<200x64xf32, #tpu.memory_space<vmem_shared>>
        tpu.enqueue_dma source(%arg10 : memref<200x64xf32, #tpu.memory_space<vmem>>) target(%dma_start3A_152 : memref<200x64xf32, #tpu.memory_space<vmem_shared>>) target_semaphore(%run_scoped3A : memref<!tpu.dma_semaphore, #tpu.memory_space<semaphore_mem>>)
        %dma_wait3A = arith.constant 10000 : i32
        %dma_wait3A_153 = arith.constant 0 : i32
        %dma_wait3A_154 = tpu.memref_slice %arg12[%dma_wait3A, %dma_wait3A_153] : memref<10200x64xf32, #tpu.memory_space<vmem_shared>> -> memref<200x64xf32, #tpu.memory_space<vmem_shared>>
        %dma_wait3A_155 = arith.constant 10000 : i32
        %dma_wait3A_156 = arith.constant 0 : i32
        %dma_wait3A_157 = tpu.memref_slice %arg12[%dma_wait3A_155, %dma_wait3A_156] : memref<10200x64xf32, #tpu.memory_space<vmem_shared>> -> memref<200x64xf32, #tpu.memory_space<vmem_shared>>
        tpu.wait_dma2 semaphore(%run_scoped3A : memref<!tpu.dma_semaphore, #tpu.memory_space<semaphore_mem>>) src(%arg10 : memref<200x64xf32, #tpu.memory_space<vmem>>) dst(%dma_wait3A_157 : memref<200x64xf32, #tpu.memory_space<vmem_shared>>)
        tpu.yield
      }) : () -> ()
    } else {
    }
    %barrier3A_90 = arith.constant 0 : index
    tpu.barrier barrier_id(%barrier3A_90)
    %dma_start3A_91 = arith.constant 0 : i32
    %dma_start3A_92 = arith.constant 0 : i32
    %dma_start3A_93 = arith.constant 0 : i32
    %dma_start3A_94 = arith.constant 0 : i32
    %dma_start3A_95 = tpu.memref_slice %arg9[%dma_start3A_92, %dma_start3A_93, %dma_start3A_94] : memref<4x128x64xf32, #tpu.memory_space<vmem>> -> memref<1x128x64xf32, #tpu.memory_space<vmem>>
    %dma_start3A_96 = tpu.memref_squeeze %dma_start3A_95 : memref<1x128x64xf32, #tpu.memory_space<vmem>> -> memref<128x64xf32, #tpu.memory_space<vmem>>
    %dma_start3A_97 = arith.constant 0 : i32
    %dma_start3A_98 = tpu.memref_slice %arg7[%dma_start3A_91, %dma_start3A_97] : memref<160x128xi32, #tpu.memory_space<vmem>> -> memref<1x128xi32, #tpu.memory_space<vmem>>
    %dma_start3A_99 = tpu.memref_squeeze %dma_start3A_98 : memref<1x128xi32, #tpu.memory_space<vmem>> -> memref<128xi32, #tpu.memory_space<vmem>>
    %dma_start3A_100 = arith.constant 0 : i32
    %dma_start3A_101 = arith.constant 0 : i32
    %dma_start3A_102 = tpu.memref_slice %arg2[%dma_start3A_100, %dma_start3A_101] : memref<40000x64xf32, #tpu.memory_space<hbm>> -> memref<40000x64xf32, #tpu.memory_space<hbm>>
    tpu.enqueue_indirect_dma source(%dma_start3A_102 : memref<40000x64xf32, #tpu.memory_space<hbm>>) target(%dma_start3A_96 : memref<128x64xf32, #tpu.memory_space<vmem>>) offsets(%dma_start3A_99 : memref<128xi32, #tpu.memory_space<vmem>>) semaphore(%arg13 : memref<!tpu.dma_semaphore, #tpu.memory_space<semaphore_mem>>)
    %dma_start3A_103 = arith.constant 1 : i32
    %dma_start3A_104 = arith.constant 1 : i32
    %dma_start3A_105 = arith.constant 0 : i32
    %dma_start3A_106 = arith.constant 0 : i32
    %dma_start3A_107 = tpu.memref_slice %arg9[%dma_start3A_104, %dma_start3A_105, %dma_start3A_106] : memref<4x128x64xf32, #tpu.memory_space<vmem>> -> memref<1x128x64xf32, #tpu.memory_space<vmem>>
    %dma_start3A_108 = tpu.memref_squeeze %dma_start3A_107 : memref<1x128x64xf32, #tpu.memory_space<vmem>> -> memref<128x64xf32, #tpu.memory_space<vmem>>
    %dma_start3A_109 = arith.constant 0 : i32
    %dma_start3A_110 = tpu.memref_slice %arg7[%dma_start3A_103, %dma_start3A_109] : memref<160x128xi32, #tpu.memory_space<vmem>> -> memref<1x128xi32, #tpu.memory_space<vmem>>
    %dma_start3A_111 = tpu.memref_squeeze %dma_start3A_110 : memref<1x128xi32, #tpu.memory_space<vmem>> -> memref<128xi32, #tpu.memory_space<vmem>>
    %dma_start3A_112 = arith.constant 0 : i32
    %dma_start3A_113 = arith.constant 0 : i32
    %dma_start3A_114 = tpu.memref_slice %arg2[%dma_start3A_112, %dma_start3A_113] : memref<40000x64xf32, #tpu.memory_space<hbm>> -> memref<40000x64xf32, #tpu.memory_space<hbm>>
    tpu.enqueue_indirect_dma source(%dma_start3A_114 : memref<40000x64xf32, #tpu.memory_space<hbm>>) target(%dma_start3A_108 : memref<128x64xf32, #tpu.memory_space<vmem>>) offsets(%dma_start3A_111 : memref<128xi32, #tpu.memory_space<vmem>>) semaphore(%arg13 : memref<!tpu.dma_semaphore, #tpu.memory_space<semaphore_mem>>)
    %dma_start3A_115 = arith.constant 2 : i32
    %dma_start3A_116 = arith.constant 2 : i32
    %dma_start3A_117 = arith.constant 0 : i32
    %dma_start3A_118 = arith.constant 0 : i32
    %dma_start3A_119 = tpu.memref_slice %arg9[%dma_start3A_116, %dma_start3A_117, %dma_start3A_118] : memref<4x128x64xf32, #tpu.memory_space<vmem>> -> memref<1x128x64xf32, #tpu.memory_space<vmem>>
    %dma_start3A_120 = tpu.memref_squeeze %dma_start3A_119 : memref<1x128x64xf32, #tpu.memory_space<vmem>> -> memref<128x64xf32, #tpu.memory_space<vmem>>
    %dma_start3A_121 = arith.constant 0 : i32
    %dma_start3A_122 = tpu.memref_slice %arg7[%dma_start3A_115, %dma_start3A_121] : memref<160x128xi32, #tpu.memory_space<vmem>> -> memref<1x128xi32, #tpu.memory_space<vmem>>
    %dma_start3A_123 = tpu.memref_squeeze %dma_start3A_122 : memref<1x128xi32, #tpu.memory_space<vmem>> -> memref<128xi32, #tpu.memory_space<vmem>>
    %dma_start3A_124 = arith.constant 0 : i32
    %dma_start3A_125 = arith.constant 0 : i32
    %dma_start3A_126 = tpu.memref_slice %arg2[%dma_start3A_124, %dma_start3A_125] : memref<40000x64xf32, #tpu.memory_space<hbm>> -> memref<40000x64xf32, #tpu.memory_space<hbm>>
    tpu.enqueue_indirect_dma source(%dma_start3A_126 : memref<40000x64xf32, #tpu.memory_space<hbm>>) target(%dma_start3A_120 : memref<128x64xf32, #tpu.memory_space<vmem>>) offsets(%dma_start3A_123 : memref<128xi32, #tpu.memory_space<vmem>>) semaphore(%arg13 : memref<!tpu.dma_semaphore, #tpu.memory_space<semaphore_mem>>)
    %scan3A_127 = arith.constant 0 : i32
    %scan3A_128 = arith.constant 0 : i32
    %scan3A_129 = arith.constant 40 : i32
    %scan3A_130 = arith.addi %scan3A_128, %scan3A_129 : i32
    %scan3A_131 = arith.constant 1 : i32
    %scan3A_132 = scf.for %scan3A_140 = %scan3A_128 to %scan3A_130 step %scan3A_131 iter_args(%scan3A_141 = %scan3A_127) -> (i32)  : i32 {
      %mul3A_142 = arith.constant 4 : i32
      %mul3A_143 = arith.muli %scan3A_140, %mul3A_142 : i32
      %add3A_144 = arith.constant 0 : i32
      %add3A_145 = arith.addi %mul3A_143, %add3A_144 : i32
      %dma_wait3A = arith.constant 0 : i32
      %dma_wait3A_146 = arith.constant 0 : i32
      %dma_wait3A_147 = arith.constant 0 : i32
      %dma_wait3A_148 = tpu.memref_slice %arg9[%dma_wait3A, %dma_wait3A_146, %dma_wait3A_147] : memref<4x128x64xf32, #tpu.memory_space<vmem>> -> memref<1x128x64xf32, #tpu.memory_space<vmem>>
      %dma_wait3A_149 = tpu.memref_squeeze %dma_wait3A_148 : memref<1x128x64xf32, #tpu.memory_space<vmem>> -> memref<128x64xf32, #tpu.memory_space<vmem>>
      %dma_wait3A_150 = arith.constant 0 : i32
      %dma_wait3A_151 = tpu.memref_slice %arg7[%add3A_145, %dma_wait3A_150] : memref<160x128xi32, #tpu.memory_space<vmem>> -> memref<1x128xi32, #tpu.memory_space<vmem>>
      %dma_wait3A_152 = tpu.memref_squeeze %dma_wait3A_151 : memref<1x128xi32, #tpu.memory_space<vmem>> -> memref<128xi32, #tpu.memory_space<vmem>>
      %dma_wait3A_153 = arith.constant 0 : i32
      %dma_wait3A_154 = arith.constant 0 : i32
      %dma_wait3A_155 = tpu.memref_slice %arg2[%dma_wait3A_153, %dma_wait3A_154] : memref<40000x64xf32, #tpu.memory_space<hbm>> -> memref<40000x64xf32, #tpu.memory_space<hbm>>
      tpu.wait_indirect_dma semaphore(%arg13 : memref<!tpu.dma_semaphore, #tpu.memory_space<semaphore_mem>>) src(%dma_wait3A_155 : memref<40000x64xf32, #tpu.memory_space<hbm>>) dst(%dma_wait3A_149 : memref<128x64xf32, #tpu.memory_space<vmem>>)
      %add3A_156 = arith.constant 4 : i32
      %add3A_157 = arith.addi %add3A_145, %add3A_156 : i32
      %sub3A = arith.constant 1 : i32
      %sub3A_158 = arith.subi %add3A_157, %sub3A : i32
      %min3A = arith.constant 159 : i32
      %min3A_159 = arith.minsi %sub3A_158, %min3A : i32
      %add3A_160 = arith.constant 4 : i32
      %add3A_161 = arith.addi %add3A_145, %add3A_160 : i32
      %sub3A_162 = arith.constant 1 : i32
      %sub3A_163 = arith.subi %add3A_161, %sub3A_162 : i32
      %lt3A_164 = arith.constant 160 : i32
      %lt3A_165 = arith.cmpi slt, %sub3A_163, %lt3A_164 : i32
      %convert_element_type3A_166 = arith.extui %lt3A_165 : i1 to i32
      %cond3A_167 = arith.constant 0 : i32
      %cond3A_168 = arith.cmpi ne, %convert_element_type3A_166, %cond3A_167 : i32
      scf.if %cond3A_168 {
        %dma_start3A_263 = arith.constant 3 : i32
        %dma_start3A_264 = arith.constant 0 : i32
        %dma_start3A_265 = arith.constant 0 : i32
        %dma_start3A_266 = tpu.memref_slice %arg9[%dma_start3A_263, %dma_start3A_264, %dma_start3A_265] : memref<4x128x64xf32, #tpu.memory_space<vmem>> -> memref<1x128x64xf32, #tpu.memory_space<vmem>>
        %dma_start3A_267 = tpu.memref_squeeze %dma_start3A_266 : memref<1x128x64xf32, #tpu.memory_space<vmem>> -> memref<128x64xf32, #tpu.memory_space<vmem>>
        %dma_start3A_268 = arith.constant 0 : i32
        %dma_start3A_269 = tpu.memref_slice %arg7[%min3A_159, %dma_start3A_268] : memref<160x128xi32, #tpu.memory_space<vmem>> -> memref<1x128xi32, #tpu.memory_space<vmem>>
        %dma_start3A_270 = tpu.memref_squeeze %dma_start3A_269 : memref<1x128xi32, #tpu.memory_space<vmem>> -> memref<128xi32, #tpu.memory_space<vmem>>
        %dma_start3A_271 = arith.constant 0 : i32
        %dma_start3A_272 = arith.constant 0 : i32
        %dma_start3A_273 = tpu.memref_slice %arg2[%dma_start3A_271, %dma_start3A_272] : memref<40000x64xf32, #tpu.memory_space<hbm>> -> memref<40000x64xf32, #tpu.memory_space<hbm>>
        tpu.enqueue_indirect_dma source(%dma_start3A_273 : memref<40000x64xf32, #tpu.memory_space<hbm>>) target(%dma_start3A_267 : memref<128x64xf32, #tpu.memory_space<vmem>>) offsets(%dma_start3A_270 : memref<128xi32, #tpu.memory_space<vmem>>) semaphore(%arg13 : memref<!tpu.dma_semaphore, #tpu.memory_space<semaphore_mem>>)
      } else {
      }
      %run_scoped3A = arith.constant 0 : i32
      "tpu.region"() ({
        %run_scoped3A_263 = tpu.sem_alloc : memref<!tpu.dma_semaphore, #tpu.memory_space<semaphore_mem>>
        %dma_start3A_264 = arith.constant 0 : i32
        %dma_start3A_265 = arith.constant 0 : i32
        %dma_start3A_266 = tpu.memref_slice %arg9[%run_scoped3A, %dma_start3A_264, %dma_start3A_265] : memref<4x128x64xf32, #tpu.memory_space<vmem>> -> memref<1x128x64xf32, #tpu.memory_space<vmem>>
        %dma_start3A_267 = tpu.memref_squeeze %dma_start3A_266 : memref<1x128x64xf32, #tpu.memory_space<vmem>> -> memref<128x64xf32, #tpu.memory_space<vmem>>
        %dma_start3A_268 = arith.constant 0 : i32
        %dma_start3A_269 = tpu.memref_slice %arg8[%add3A_145, %dma_start3A_268] : memref<160x128xi32, #tpu.memory_space<vmem>> -> memref<1x128xi32, #tpu.memory_space<vmem>>
        %dma_start3A_270 = tpu.memref_squeeze %dma_start3A_269 : memref<1x128xi32, #tpu.memory_space<vmem>> -> memref<128xi32, #tpu.memory_space<vmem>>
        %dma_start3A_271 = arith.constant 0 : i32
        %dma_start3A_272 = arith.constant 0 : i32
        %dma_start3A_273 = tpu.memref_slice %arg12[%dma_start3A_271, %dma_start3A_272] : memref<10200x64xf32, #tpu.memory_space<vmem_shared>> -> memref<10200x64xf32, #tpu.memory_space<vmem_shared>>
        tpu.enqueue_indirect_dma source(%dma_start3A_267 : memref<128x64xf32, #tpu.memory_space<vmem>>) target(%dma_start3A_273 : memref<10200x64xf32, #tpu.memory_space<vmem_shared>>) offsets(%dma_start3A_270 : memref<128xi32, #tpu.memory_space<vmem>>) semaphore(%run_scoped3A_263 : memref<!tpu.dma_semaphore, #tpu.memory_space<semaphore_mem>>) {add = true}
        %dma_wait3A_274 = arith.constant 0 : i32
        %dma_wait3A_275 = arith.constant 0 : i32
        %dma_wait3A_276 = tpu.memref_slice %arg9[%run_scoped3A, %dma_wait3A_274, %dma_wait3A_275] : memref<4x128x64xf32, #tpu.memory_space<vmem>> -> memref<1x128x64xf32, #tpu.memory_space<vmem>>
        %dma_wait3A_277 = tpu.memref_squeeze %dma_wait3A_276 : memref<1x128x64xf32, #tpu.memory_space<vmem>> -> memref<128x64xf32, #tpu.memory_space<vmem>>
        %dma_wait3A_278 = arith.constant 0 : i32
        %dma_wait3A_279 = tpu.memref_slice %arg8[%add3A_145, %dma_wait3A_278] : memref<160x128xi32, #tpu.memory_space<vmem>> -> memref<1x128xi32, #tpu.memory_space<vmem>>
        %dma_wait3A_280 = tpu.memref_squeeze %dma_wait3A_279 : memref<1x128xi32, #tpu.memory_space<vmem>> -> memref<128xi32, #tpu.memory_space<vmem>>
        %dma_wait3A_281 = arith.constant 0 : i32
        %dma_wait3A_282 = arith.constant 0 : i32
        %dma_wait3A_283 = tpu.memref_slice %arg12[%dma_wait3A_281, %dma_wait3A_282] : memref<10200x64xf32, #tpu.memory_space<vmem_shared>> -> memref<10200x64xf32, #tpu.memory_space<vmem_shared>>
        tpu.wait_indirect_dma semaphore(%run_scoped3A_263 : memref<!tpu.dma_semaphore, #tpu.memory_space<semaphore_mem>>) src(%dma_wait3A_277 : memref<128x64xf32, #tpu.memory_space<vmem>>) dst(%dma_wait3A_283 : memref<10200x64xf32, #tpu.memory_space<vmem_shared>>)
        tpu.yield
      }) : () -> ()
      %mul3A_169 = arith.constant 4 : i32
      %mul3A_170 = arith.muli %scan3A_140, %mul3A_169 : i32
      %add3A_171 = arith.constant 1 : i32
      %add3A_172 = arith.addi %mul3A_170, %add3A_171 : i32
      %dma_wait3A_173 = arith.constant 1 : i32
      %dma_wait3A_174 = arith.constant 0 : i32
      %dma_wait3A_175 = arith.constant 0 : i32
      %dma_wait3A_176 = tpu.memref_slice %arg9[%dma_wait3A_173, %dma_wait3A_174, %dma_wait3A_175] : memref<4x128x64xf32, #tpu.memory_space<vmem>> -> memref<1x128x64xf32, #tpu.memory_space<vmem>>
      %dma_wait3A_177 = tpu.memref_squeeze %dma_wait3A_176 : memref<1x128x64xf32, #tpu.memory_space<vmem>> -> memref<128x64xf32, #tpu.memory_space<vmem>>
      %dma_wait3A_178 = arith.constant 0 : i32
      %dma_wait3A_179 = tpu.memref_slice %arg7[%add3A_172, %dma_wait3A_178] : memref<160x128xi32, #tpu.memory_space<vmem>> -> memref<1x128xi32, #tpu.memory_space<vmem>>
      %dma_wait3A_180 = tpu.memref_squeeze %dma_wait3A_179 : memref<1x128xi32, #tpu.memory_space<vmem>> -> memref<128xi32, #tpu.memory_space<vmem>>
      %dma_wait3A_181 = arith.constant 0 : i32
      %dma_wait3A_182 = arith.constant 0 : i32
      %dma_wait3A_183 = tpu.memref_slice %arg2[%dma_wait3A_181, %dma_wait3A_182] : memref<40000x64xf32, #tpu.memory_space<hbm>> -> memref<40000x64xf32, #tpu.memory_space<hbm>>
      tpu.wait_indirect_dma semaphore(%arg13 : memref<!tpu.dma_semaphore, #tpu.memory_space<semaphore_mem>>) src(%dma_wait3A_183 : memref<40000x64xf32, #tpu.memory_space<hbm>>) dst(%dma_wait3A_177 : memref<128x64xf32, #tpu.memory_space<vmem>>)
      %add3A_184 = arith.constant 4 : i32
      %add3A_185 = arith.addi %add3A_172, %add3A_184 : i32
      %sub3A_186 = arith.constant 1 : i32
      %sub3A_187 = arith.subi %add3A_185, %sub3A_186 : i32
      %min3A_188 = arith.constant 159 : i32
      %min3A_189 = arith.minsi %sub3A_187, %min3A_188 : i32
      %add3A_190 = arith.constant 4 : i32
      %add3A_191 = arith.addi %add3A_172, %add3A_190 : i32
      %sub3A_192 = arith.constant 1 : i32
      %sub3A_193 = arith.subi %add3A_191, %sub3A_192 : i32
      %lt3A_194 = arith.constant 160 : i32
      %lt3A_195 = arith.cmpi slt, %sub3A_193, %lt3A_194 : i32
      %convert_element_type3A_196 = arith.extui %lt3A_195 : i1 to i32
      %cond3A_197 = arith.constant 0 : i32
      %cond3A_198 = arith.cmpi ne, %convert_element_type3A_196, %cond3A_197 : i32
      scf.if %cond3A_198 {
        %dma_start3A_263 = arith.constant 0 : i32
        %dma_start3A_264 = arith.constant 0 : i32
        %dma_start3A_265 = arith.constant 0 : i32
        %dma_start3A_266 = tpu.memref_slice %arg9[%dma_start3A_263, %dma_start3A_264, %dma_start3A_265] : memref<4x128x64xf32, #tpu.memory_space<vmem>> -> memref<1x128x64xf32, #tpu.memory_space<vmem>>
        %dma_start3A_267 = tpu.memref_squeeze %dma_start3A_266 : memref<1x128x64xf32, #tpu.memory_space<vmem>> -> memref<128x64xf32, #tpu.memory_space<vmem>>
        %dma_start3A_268 = arith.constant 0 : i32
        %dma_start3A_269 = tpu.memref_slice %arg7[%min3A_189, %dma_start3A_268] : memref<160x128xi32, #tpu.memory_space<vmem>> -> memref<1x128xi32, #tpu.memory_space<vmem>>
        %dma_start3A_270 = tpu.memref_squeeze %dma_start3A_269 : memref<1x128xi32, #tpu.memory_space<vmem>> -> memref<128xi32, #tpu.memory_space<vmem>>
        %dma_start3A_271 = arith.constant 0 : i32
        %dma_start3A_272 = arith.constant 0 : i32
        %dma_start3A_273 = tpu.memref_slice %arg2[%dma_start3A_271, %dma_start3A_272] : memref<40000x64xf32, #tpu.memory_space<hbm>> -> memref<40000x64xf32, #tpu.memory_space<hbm>>
        tpu.enqueue_indirect_dma source(%dma_start3A_273 : memref<40000x64xf32, #tpu.memory_space<hbm>>) target(%dma_start3A_267 : memref<128x64xf32, #tpu.memory_space<vmem>>) offsets(%dma_start3A_270 : memref<128xi32, #tpu.memory_space<vmem>>) semaphore(%arg13 : memref<!tpu.dma_semaphore, #tpu.memory_space<semaphore_mem>>)
      } else {
      }
      %run_scoped3A_199 = arith.constant 1 : i32
      "tpu.region"() ({
        %run_scoped3A_263 = tpu.sem_alloc : memref<!tpu.dma_semaphore, #tpu.memory_space<semaphore_mem>>
        %dma_start3A_264 = arith.constant 0 : i32
        %dma_start3A_265 = arith.constant 0 : i32
        %dma_start3A_266 = tpu.memref_slice %arg9[%run_scoped3A_199, %dma_start3A_264, %dma_start3A_265] : memref<4x128x64xf32, #tpu.memory_space<vmem>> -> memref<1x128x64xf32, #tpu.memory_space<vmem>>
        %dma_start3A_267 = tpu.memref_squeeze %dma_start3A_266 : memref<1x128x64xf32, #tpu.memory_space<vmem>> -> memref<128x64xf32, #tpu.memory_space<vmem>>
        %dma_start3A_268 = arith.constant 0 : i32
        %dma_start3A_269 = tpu.memref_slice %arg8[%add3A_172, %dma_start3A_268] : memref<160x128xi32, #tpu.memory_space<vmem>> -> memref<1x128xi32, #tpu.memory_space<vmem>>
        %dma_start3A_270 = tpu.memref_squeeze %dma_start3A_269 : memref<1x128xi32, #tpu.memory_space<vmem>> -> memref<128xi32, #tpu.memory_space<vmem>>
        %dma_start3A_271 = arith.constant 0 : i32
        %dma_start3A_272 = arith.constant 0 : i32
        %dma_start3A_273 = tpu.memref_slice %arg12[%dma_start3A_271, %dma_start3A_272] : memref<10200x64xf32, #tpu.memory_space<vmem_shared>> -> memref<10200x64xf32, #tpu.memory_space<vmem_shared>>
        tpu.enqueue_indirect_dma source(%dma_start3A_267 : memref<128x64xf32, #tpu.memory_space<vmem>>) target(%dma_start3A_273 : memref<10200x64xf32, #tpu.memory_space<vmem_shared>>) offsets(%dma_start3A_270 : memref<128xi32, #tpu.memory_space<vmem>>) semaphore(%run_scoped3A_263 : memref<!tpu.dma_semaphore, #tpu.memory_space<semaphore_mem>>) {add = true}
        %dma_wait3A_274 = arith.constant 0 : i32
        %dma_wait3A_275 = arith.constant 0 : i32
        %dma_wait3A_276 = tpu.memref_slice %arg9[%run_scoped3A_199, %dma_wait3A_274, %dma_wait3A_275] : memref<4x128x64xf32, #tpu.memory_space<vmem>> -> memref<1x128x64xf32, #tpu.memory_space<vmem>>
        %dma_wait3A_277 = tpu.memref_squeeze %dma_wait3A_276 : memref<1x128x64xf32, #tpu.memory_space<vmem>> -> memref<128x64xf32, #tpu.memory_space<vmem>>
        %dma_wait3A_278 = arith.constant 0 : i32
        %dma_wait3A_279 = tpu.memref_slice %arg8[%add3A_172, %dma_wait3A_278] : memref<160x128xi32, #tpu.memory_space<vmem>> -> memref<1x128xi32, #tpu.memory_space<vmem>>
        %dma_wait3A_280 = tpu.memref_squeeze %dma_wait3A_279 : memref<1x128xi32, #tpu.memory_space<vmem>> -> memref<128xi32, #tpu.memory_space<vmem>>
        %dma_wait3A_281 = arith.constant 0 : i32
        %dma_wait3A_282 = arith.constant 0 : i32
        %dma_wait3A_283 = tpu.memref_slice %arg12[%dma_wait3A_281, %dma_wait3A_282] : memref<10200x64xf32, #tpu.memory_space<vmem_shared>> -> memref<10200x64xf32, #tpu.memory_space<vmem_shared>>
        tpu.wait_indirect_dma semaphore(%run_scoped3A_263 : memref<!tpu.dma_semaphore, #tpu.memory_space<semaphore_mem>>) src(%dma_wait3A_277 : memref<128x64xf32, #tpu.memory_space<vmem>>) dst(%dma_wait3A_283 : memref<10200x64xf32, #tpu.memory_space<vmem_shared>>)
        tpu.yield
      }) : () -> ()
      %mul3A_200 = arith.constant 4 : i32
      %mul3A_201 = arith.muli %scan3A_140, %mul3A_200 : i32
      %add3A_202 = arith.constant 2 : i32
      %add3A_203 = arith.addi %mul3A_201, %add3A_202 : i32
      %dma_wait3A_204 = arith.constant 2 : i32
      %dma_wait3A_205 = arith.constant 0 : i32
      %dma_wait3A_206 = arith.constant 0 : i32
      %dma_wait3A_207 = tpu.memref_slice %arg9[%dma_wait3A_204, %dma_wait3A_205, %dma_wait3A_206] : memref<4x128x64xf32, #tpu.memory_space<vmem>> -> memref<1x128x64xf32, #tpu.memory_space<vmem>>
      %dma_wait3A_208 = tpu.memref_squeeze %dma_wait3A_207 : memref<1x128x64xf32, #tpu.memory_space<vmem>> -> memref<128x64xf32, #tpu.memory_space<vmem>>
      %dma_wait3A_209 = arith.constant 0 : i32
      %dma_wait3A_210 = tpu.memref_slice %arg7[%add3A_203, %dma_wait3A_209] : memref<160x128xi32, #tpu.memory_space<vmem>> -> memref<1x128xi32, #tpu.memory_space<vmem>>
      %dma_wait3A_211 = tpu.memref_squeeze %dma_wait3A_210 : memref<1x128xi32, #tpu.memory_space<vmem>> -> memref<128xi32, #tpu.memory_space<vmem>>
      %dma_wait3A_212 = arith.constant 0 : i32
      %dma_wait3A_213 = arith.constant 0 : i32
      %dma_wait3A_214 = tpu.memref_slice %arg2[%dma_wait3A_212, %dma_wait3A_213] : memref<40000x64xf32, #tpu.memory_space<hbm>> -> memref<40000x64xf32, #tpu.memory_space<hbm>>
      tpu.wait_indirect_dma semaphore(%arg13 : memref<!tpu.dma_semaphore, #tpu.memory_space<semaphore_mem>>) src(%dma_wait3A_214 : memref<40000x64xf32, #tpu.memory_space<hbm>>) dst(%dma_wait3A_208 : memref<128x64xf32, #tpu.memory_space<vmem>>)
      %add3A_215 = arith.constant 4 : i32
      %add3A_216 = arith.addi %add3A_203, %add3A_215 : i32
      %sub3A_217 = arith.constant 1 : i32
      %sub3A_218 = arith.subi %add3A_216, %sub3A_217 : i32
      %min3A_219 = arith.constant 159 : i32
      %min3A_220 = arith.minsi %sub3A_218, %min3A_219 : i32
      %add3A_221 = arith.constant 4 : i32
      %add3A_222 = arith.addi %add3A_203, %add3A_221 : i32
      %sub3A_223 = arith.constant 1 : i32
      %sub3A_224 = arith.subi %add3A_222, %sub3A_223 : i32
      %lt3A_225 = arith.constant 160 : i32
      %lt3A_226 = arith.cmpi slt, %sub3A_224, %lt3A_225 : i32
      %convert_element_type3A_227 = arith.extui %lt3A_226 : i1 to i32
      %cond3A_228 = arith.constant 0 : i32
      %cond3A_229 = arith.cmpi ne, %convert_element_type3A_227, %cond3A_228 : i32
      scf.if %cond3A_229 {
        %dma_start3A_263 = arith.constant 1 : i32
        %dma_start3A_264 = arith.constant 0 : i32
        %dma_start3A_265 = arith.constant 0 : i32
        %dma_start3A_266 = tpu.memref_slice %arg9[%dma_start3A_263, %dma_start3A_264, %dma_start3A_265] : memref<4x128x64xf32, #tpu.memory_space<vmem>> -> memref<1x128x64xf32, #tpu.memory_space<vmem>>
        %dma_start3A_267 = tpu.memref_squeeze %dma_start3A_266 : memref<1x128x64xf32, #tpu.memory_space<vmem>> -> memref<128x64xf32, #tpu.memory_space<vmem>>
        %dma_start3A_268 = arith.constant 0 : i32
        %dma_start3A_269 = tpu.memref_slice %arg7[%min3A_220, %dma_start3A_268] : memref<160x128xi32, #tpu.memory_space<vmem>> -> memref<1x128xi32, #tpu.memory_space<vmem>>
        %dma_start3A_270 = tpu.memref_squeeze %dma_start3A_269 : memref<1x128xi32, #tpu.memory_space<vmem>> -> memref<128xi32, #tpu.memory_space<vmem>>
        %dma_start3A_271 = arith.constant 0 : i32
        %dma_start3A_272 = arith.constant 0 : i32
        %dma_start3A_273 = tpu.memref_slice %arg2[%dma_start3A_271, %dma_start3A_272] : memref<40000x64xf32, #tpu.memory_space<hbm>> -> memref<40000x64xf32, #tpu.memory_space<hbm>>
        tpu.enqueue_indirect_dma source(%dma_start3A_273 : memref<40000x64xf32, #tpu.memory_space<hbm>>) target(%dma_start3A_267 : memref<128x64xf32, #tpu.memory_space<vmem>>) offsets(%dma_start3A_270 : memref<128xi32, #tpu.memory_space<vmem>>) semaphore(%arg13 : memref<!tpu.dma_semaphore, #tpu.memory_space<semaphore_mem>>)
      } else {
      }
      %run_scoped3A_230 = arith.constant 2 : i32
      "tpu.region"() ({
        %run_scoped3A_263 = tpu.sem_alloc : memref<!tpu.dma_semaphore, #tpu.memory_space<semaphore_mem>>
        %dma_start3A_264 = arith.constant 0 : i32
        %dma_start3A_265 = arith.constant 0 : i32
        %dma_start3A_266 = tpu.memref_slice %arg9[%run_scoped3A_230, %dma_start3A_264, %dma_start3A_265] : memref<4x128x64xf32, #tpu.memory_space<vmem>> -> memref<1x128x64xf32, #tpu.memory_space<vmem>>
        %dma_start3A_267 = tpu.memref_squeeze %dma_start3A_266 : memref<1x128x64xf32, #tpu.memory_space<vmem>> -> memref<128x64xf32, #tpu.memory_space<vmem>>
        %dma_start3A_268 = arith.constant 0 : i32
        %dma_start3A_269 = tpu.memref_slice %arg8[%add3A_203, %dma_start3A_268] : memref<160x128xi32, #tpu.memory_space<vmem>> -> memref<1x128xi32, #tpu.memory_space<vmem>>
        %dma_start3A_270 = tpu.memref_squeeze %dma_start3A_269 : memref<1x128xi32, #tpu.memory_space<vmem>> -> memref<128xi32, #tpu.memory_space<vmem>>
        %dma_start3A_271 = arith.constant 0 : i32
        %dma_start3A_272 = arith.constant 0 : i32
        %dma_start3A_273 = tpu.memref_slice %arg12[%dma_start3A_271, %dma_start3A_272] : memref<10200x64xf32, #tpu.memory_space<vmem_shared>> -> memref<10200x64xf32, #tpu.memory_space<vmem_shared>>
        tpu.enqueue_indirect_dma source(%dma_start3A_267 : memref<128x64xf32, #tpu.memory_space<vmem>>) target(%dma_start3A_273 : memref<10200x64xf32, #tpu.memory_space<vmem_shared>>) offsets(%dma_start3A_270 : memref<128xi32, #tpu.memory_space<vmem>>) semaphore(%run_scoped3A_263 : memref<!tpu.dma_semaphore, #tpu.memory_space<semaphore_mem>>) {add = true}
        %dma_wait3A_274 = arith.constant 0 : i32
        %dma_wait3A_275 = arith.constant 0 : i32
        %dma_wait3A_276 = tpu.memref_slice %arg9[%run_scoped3A_230, %dma_wait3A_274, %dma_wait3A_275] : memref<4x128x64xf32, #tpu.memory_space<vmem>> -> memref<1x128x64xf32, #tpu.memory_space<vmem>>
        %dma_wait3A_277 = tpu.memref_squeeze %dma_wait3A_276 : memref<1x128x64xf32, #tpu.memory_space<vmem>> -> memref<128x64xf32, #tpu.memory_space<vmem>>
        %dma_wait3A_278 = arith.constant 0 : i32
        %dma_wait3A_279 = tpu.memref_slice %arg8[%add3A_203, %dma_wait3A_278] : memref<160x128xi32, #tpu.memory_space<vmem>> -> memref<1x128xi32, #tpu.memory_space<vmem>>
        %dma_wait3A_280 = tpu.memref_squeeze %dma_wait3A_279 : memref<1x128xi32, #tpu.memory_space<vmem>> -> memref<128xi32, #tpu.memory_space<vmem>>
        %dma_wait3A_281 = arith.constant 0 : i32
        %dma_wait3A_282 = arith.constant 0 : i32
        %dma_wait3A_283 = tpu.memref_slice %arg12[%dma_wait3A_281, %dma_wait3A_282] : memref<10200x64xf32, #tpu.memory_space<vmem_shared>> -> memref<10200x64xf32, #tpu.memory_space<vmem_shared>>
        tpu.wait_indirect_dma semaphore(%run_scoped3A_263 : memref<!tpu.dma_semaphore, #tpu.memory_space<semaphore_mem>>) src(%dma_wait3A_277 : memref<128x64xf32, #tpu.memory_space<vmem>>) dst(%dma_wait3A_283 : memref<10200x64xf32, #tpu.memory_space<vmem_shared>>)
        tpu.yield
      }) : () -> ()
      %mul3A_231 = arith.constant 4 : i32
      %mul3A_232 = arith.muli %scan3A_140, %mul3A_231 : i32
      %add3A_233 = arith.constant 3 : i32
      %add3A_234 = arith.addi %mul3A_232, %add3A_233 : i32
      %dma_wait3A_235 = arith.constant 3 : i32
      %dma_wait3A_236 = arith.constant 0 : i32
      %dma_wait3A_237 = arith.constant 0 : i32
      %dma_wait3A_238 = tpu.memref_slice %arg9[%dma_wait3A_235, %dma_wait3A_236, %dma_wait3A_237] : memref<4x128x64xf32, #tpu.memory_space<vmem>> -> memref<1x128x64xf32, #tpu.memory_space<vmem>>
      %dma_wait3A_239 = tpu.memref_squeeze %dma_wait3A_238 : memref<1x128x64xf32, #tpu.memory_space<vmem>> -> memref<128x64xf32, #tpu.memory_space<vmem>>
      %dma_wait3A_240 = arith.constant 0 : i32
      %dma_wait3A_241 = tpu.memref_slice %arg7[%add3A_234, %dma_wait3A_240] : memref<160x128xi32, #tpu.memory_space<vmem>> -> memref<1x128xi32, #tpu.memory_space<vmem>>
      %dma_wait3A_242 = tpu.memref_squeeze %dma_wait3A_241 : memref<1x128xi32, #tpu.memory_space<vmem>> -> memref<128xi32, #tpu.memory_space<vmem>>
      %dma_wait3A_243 = arith.constant 0 : i32
      %dma_wait3A_244 = arith.constant 0 : i32
      %dma_wait3A_245 = tpu.memref_slice %arg2[%dma_wait3A_243, %dma_wait3A_244] : memref<40000x64xf32, #tpu.memory_space<hbm>> -> memref<40000x64xf32, #tpu.memory_space<hbm>>
      tpu.wait_indirect_dma semaphore(%arg13 : memref<!tpu.dma_semaphore, #tpu.memory_space<semaphore_mem>>) src(%dma_wait3A_245 : memref<40000x64xf32, #tpu.memory_space<hbm>>) dst(%dma_wait3A_239 : memref<128x64xf32, #tpu.memory_space<vmem>>)
      %add3A_246 = arith.constant 4 : i32
      %add3A_247 = arith.addi %add3A_234, %add3A_246 : i32
      %sub3A_248 = arith.constant 1 : i32
      %sub3A_249 = arith.subi %add3A_247, %sub3A_248 : i32
      %min3A_250 = arith.constant 159 : i32
      %min3A_251 = arith.minsi %sub3A_249, %min3A_250 : i32
      %add3A_252 = arith.constant 4 : i32
      %add3A_253 = arith.addi %add3A_234, %add3A_252 : i32
      %sub3A_254 = arith.constant 1 : i32
      %sub3A_255 = arith.subi %add3A_253, %sub3A_254 : i32
      %lt3A_256 = arith.constant 160 : i32
      %lt3A_257 = arith.cmpi slt, %sub3A_255, %lt3A_256 : i32
      %convert_element_type3A_258 = arith.extui %lt3A_257 : i1 to i32
      %cond3A_259 = arith.constant 0 : i32
      %cond3A_260 = arith.cmpi ne, %convert_element_type3A_258, %cond3A_259 : i32
      scf.if %cond3A_260 {
        %dma_start3A_263 = arith.constant 2 : i32
        %dma_start3A_264 = arith.constant 0 : i32
        %dma_start3A_265 = arith.constant 0 : i32
        %dma_start3A_266 = tpu.memref_slice %arg9[%dma_start3A_263, %dma_start3A_264, %dma_start3A_265] : memref<4x128x64xf32, #tpu.memory_space<vmem>> -> memref<1x128x64xf32, #tpu.memory_space<vmem>>
        %dma_start3A_267 = tpu.memref_squeeze %dma_start3A_266 : memref<1x128x64xf32, #tpu.memory_space<vmem>> -> memref<128x64xf32, #tpu.memory_space<vmem>>
        %dma_start3A_268 = arith.constant 0 : i32
        %dma_start3A_269 = tpu.memref_slice %arg7[%min3A_251, %dma_start3A_268] : memref<160x128xi32, #tpu.memory_space<vmem>> -> memref<1x128xi32, #tpu.memory_space<vmem>>
        %dma_start3A_270 = tpu.memref_squeeze %dma_start3A_269 : memref<1x128xi32, #tpu.memory_space<vmem>> -> memref<128xi32, #tpu.memory_space<vmem>>
        %dma_start3A_271 = arith.constant 0 : i32
        %dma_start3A_272 = arith.constant 0 : i32
        %dma_start3A_273 = tpu.memref_slice %arg2[%dma_start3A_271, %dma_start3A_272] : memref<40000x64xf32, #tpu.memory_space<hbm>> -> memref<40000x64xf32, #tpu.memory_space<hbm>>
        tpu.enqueue_indirect_dma source(%dma_start3A_273 : memref<40000x64xf32, #tpu.memory_space<hbm>>) target(%dma_start3A_267 : memref<128x64xf32, #tpu.memory_space<vmem>>) offsets(%dma_start3A_270 : memref<128xi32, #tpu.memory_space<vmem>>) semaphore(%arg13 : memref<!tpu.dma_semaphore, #tpu.memory_space<semaphore_mem>>)
      } else {
      }
      %run_scoped3A_261 = arith.constant 3 : i32
      "tpu.region"() ({
        %run_scoped3A_263 = tpu.sem_alloc : memref<!tpu.dma_semaphore, #tpu.memory_space<semaphore_mem>>
        %dma_start3A_264 = arith.constant 0 : i32
        %dma_start3A_265 = arith.constant 0 : i32
        %dma_start3A_266 = tpu.memref_slice %arg9[%run_scoped3A_261, %dma_start3A_264, %dma_start3A_265] : memref<4x128x64xf32, #tpu.memory_space<vmem>> -> memref<1x128x64xf32, #tpu.memory_space<vmem>>
        %dma_start3A_267 = tpu.memref_squeeze %dma_start3A_266 : memref<1x128x64xf32, #tpu.memory_space<vmem>> -> memref<128x64xf32, #tpu.memory_space<vmem>>
        %dma_start3A_268 = arith.constant 0 : i32
        %dma_start3A_269 = tpu.memref_slice %arg8[%add3A_234, %dma_start3A_268] : memref<160x128xi32, #tpu.memory_space<vmem>> -> memref<1x128xi32, #tpu.memory_space<vmem>>
        %dma_start3A_270 = tpu.memref_squeeze %dma_start3A_269 : memref<1x128xi32, #tpu.memory_space<vmem>> -> memref<128xi32, #tpu.memory_space<vmem>>
        %dma_start3A_271 = arith.constant 0 : i32
        %dma_start3A_272 = arith.constant 0 : i32
        %dma_start3A_273 = tpu.memref_slice %arg12[%dma_start3A_271, %dma_start3A_272] : memref<10200x64xf32, #tpu.memory_space<vmem_shared>> -> memref<10200x64xf32, #tpu.memory_space<vmem_shared>>
        tpu.enqueue_indirect_dma source(%dma_start3A_267 : memref<128x64xf32, #tpu.memory_space<vmem>>) target(%dma_start3A_273 : memref<10200x64xf32, #tpu.memory_space<vmem_shared>>) offsets(%dma_start3A_270 : memref<128xi32, #tpu.memory_space<vmem>>) semaphore(%run_scoped3A_263 : memref<!tpu.dma_semaphore, #tpu.memory_space<semaphore_mem>>) {add = true}
        %dma_wait3A_274 = arith.constant 0 : i32
        %dma_wait3A_275 = arith.constant 0 : i32
        %dma_wait3A_276 = tpu.memref_slice %arg9[%run_scoped3A_261, %dma_wait3A_274, %dma_wait3A_275] : memref<4x128x64xf32, #tpu.memory_space<vmem>> -> memref<1x128x64xf32, #tpu.memory_space<vmem>>
        %dma_wait3A_277 = tpu.memref_squeeze %dma_wait3A_276 : memref<1x128x64xf32, #tpu.memory_space<vmem>> -> memref<128x64xf32, #tpu.memory_space<vmem>>
        %dma_wait3A_278 = arith.constant 0 : i32
        %dma_wait3A_279 = tpu.memref_slice %arg8[%add3A_234, %dma_wait3A_278] : memref<160x128xi32, #tpu.memory_space<vmem>> -> memref<1x128xi32, #tpu.memory_space<vmem>>
        %dma_wait3A_280 = tpu.memref_squeeze %dma_wait3A_279 : memref<1x128xi32, #tpu.memory_space<vmem>> -> memref<128xi32, #tpu.memory_space<vmem>>
        %dma_wait3A_281 = arith.constant 0 : i32
        %dma_wait3A_282 = arith.constant 0 : i32
        %dma_wait3A_283 = tpu.memref_slice %arg12[%dma_wait3A_281, %dma_wait3A_282] : memref<10200x64xf32, #tpu.memory_space<vmem_shared>> -> memref<10200x64xf32, #tpu.memory_space<vmem_shared>>
        tpu.wait_indirect_dma semaphore(%run_scoped3A_263 : memref<!tpu.dma_semaphore, #tpu.memory_space<semaphore_mem>>) src(%dma_wait3A_277 : memref<128x64xf32, #tpu.memory_space<vmem>>) dst(%dma_wait3A_283 : memref<10200x64xf32, #tpu.memory_space<vmem_shared>>)
        tpu.yield
      }) : () -> ()
      %scan3A_262 = arith.constant 0 : i32
      scf.yield %scan3A_262 : i32
    }
    %scan3A_133 = arith.constant 40 : i32
    %barrier3A_134 = arith.constant 0 : index
    tpu.barrier barrier_id(%barrier3A_134)
    %lt3A_135 = arith.constant 10 : i32
    %lt3A_136 = arith.cmpi slt, %arg1, %lt3A_135 : i32
    %convert_element_type3A_137 = arith.extui %lt3A_136 : i1 to i32
    %cond3A_138 = arith.constant 0 : i32
    %cond3A_139 = arith.cmpi ne, %convert_element_type3A_137, %cond3A_138 : i32
    scf.if %cond3A_139 {
      %scan3A_140 = arith.constant 0 : i32
      %scan3A_141 = arith.constant 0 : i32
      %scan3A_142 = arith.constant 5 : i32
      %scan3A_143 = arith.addi %scan3A_141, %scan3A_142 : i32
      %scan3A_144 = arith.constant 1 : i32
      %scan3A_145 = scf.for %scan3A_147 = %scan3A_141 to %scan3A_143 step %scan3A_144 iter_args(%scan3A_148 = %scan3A_140) -> (i32)  : i32 {
        %mul3A_149 = arith.constant 1000 : i32
        %mul3A_150 = arith.muli %arg1, %mul3A_149 : i32
        %mul3A_151 = arith.constant 200 : i32
        %mul3A_152 = arith.muli %scan3A_147, %mul3A_151 : i32
        %add3A_153 = arith.addi %mul3A_150, %mul3A_152 : i32
        "tpu.region"() ({
          %run_scoped3A = tpu.sem_alloc : memref<!tpu.dma_semaphore, #tpu.memory_space<semaphore_mem>>
          %dma_start3A_158 = arith.constant 0 : i32
          %dma_start3A_159 = tpu.memref_slice %arg12[%add3A_153, %dma_start3A_158] : memref<10200x64xf32, #tpu.memory_space<vmem_shared>> -> memref<200x64xf32, #tpu.memory_space<vmem_shared>>
          %dma_start3A_160 = arith.constant 0 : i32
          %dma_start3A_161 = tpu.memref_slice %arg12[%add3A_153, %dma_start3A_160] : memref<10200x64xf32, #tpu.memory_space<vmem_shared>> -> memref<200x64xf32, #tpu.memory_space<vmem_shared>>
          tpu.enqueue_dma source(%dma_start3A_161 : memref<200x64xf32, #tpu.memory_space<vmem_shared>>) target(%arg10 : memref<200x64xf32, #tpu.memory_space<vmem>>) target_semaphore(%run_scoped3A : memref<!tpu.dma_semaphore, #tpu.memory_space<semaphore_mem>>)
          %dma_wait3A = arith.constant 0 : i32
          %dma_wait3A_162 = tpu.memref_slice %arg12[%add3A_153, %dma_wait3A] : memref<10200x64xf32, #tpu.memory_space<vmem_shared>> -> memref<200x64xf32, #tpu.memory_space<vmem_shared>>
          %dma_wait3A_163 = arith.constant 0 : i32
          %dma_wait3A_164 = tpu.memref_slice %arg12[%add3A_153, %dma_wait3A_163] : memref<10200x64xf32, #tpu.memory_space<vmem_shared>> -> memref<200x64xf32, #tpu.memory_space<vmem_shared>>
          tpu.wait_dma2 semaphore(%run_scoped3A : memref<!tpu.dma_semaphore, #tpu.memory_space<semaphore_mem>>) src(%dma_wait3A_164 : memref<200x64xf32, #tpu.memory_space<vmem_shared>>) dst(%arg10 : memref<200x64xf32, #tpu.memory_space<vmem>>)
          tpu.yield
        }) : () -> ()
        %mul3A_154 = arith.constant 10000 : i32
        %mul3A_155 = arith.muli %add3A_72, %mul3A_154 : i32
        %add3A_156 = arith.addi %mul3A_155, %add3A_153 : i32
        "tpu.region"() ({
          %run_scoped3A = tpu.sem_alloc : memref<!tpu.dma_semaphore, #tpu.memory_space<semaphore_mem>>
          %dma_start3A_158 = arith.constant 0 : i32
          %dma_start3A_159 = tpu.memref_slice %arg6[%add3A_156, %dma_start3A_158] : memref<40000x64xf32, #tpu.memory_space<hbm>> -> memref<200x64xf32, #tpu.memory_space<hbm>>
          %dma_start3A_160 = arith.constant 0 : i32
          %dma_start3A_161 = tpu.memref_slice %arg6[%add3A_156, %dma_start3A_160] : memref<40000x64xf32, #tpu.memory_space<hbm>> -> memref<200x64xf32, #tpu.memory_space<hbm>>
          tpu.enqueue_dma source(%arg10 : memref<200x64xf32, #tpu.memory_space<vmem>>) target(%dma_start3A_161 : memref<200x64xf32, #tpu.memory_space<hbm>>) target_semaphore(%run_scoped3A : memref<!tpu.dma_semaphore, #tpu.memory_space<semaphore_mem>>)
          %dma_wait3A = arith.constant 0 : i32
          %dma_wait3A_162 = tpu.memref_slice %arg6[%add3A_156, %dma_wait3A] : memref<40000x64xf32, #tpu.memory_space<hbm>> -> memref<200x64xf32, #tpu.memory_space<hbm>>
          %dma_wait3A_163 = arith.constant 0 : i32
          %dma_wait3A_164 = tpu.memref_slice %arg6[%add3A_156, %dma_wait3A_163] : memref<40000x64xf32, #tpu.memory_space<hbm>> -> memref<200x64xf32, #tpu.memory_space<hbm>>
          tpu.wait_dma2 semaphore(%run_scoped3A : memref<!tpu.dma_semaphore, #tpu.memory_space<semaphore_mem>>) src(%arg10 : memref<200x64xf32, #tpu.memory_space<vmem>>) dst(%dma_wait3A_164 : memref<200x64xf32, #tpu.memory_space<hbm>>)
          tpu.yield
        }) : () -> ()
        %scan3A_157 = arith.constant 0 : i32
        scf.yield %scan3A_157 : i32
      }
      %scan3A_146 = arith.constant 5 : i32
    } else {
    }
    return
  }
}

module attributes {stable_mosaic.version = 14 : i64} {
  func.func @_mm1_body(%arg0: i32, %arg1: i32, %arg2: memref<1x2x1000xf32, #tpu.memory_space<vmem>>, %arg3: memref<1000x128xf32, #tpu.memory_space<vmem>>, %arg4: memref<1x128x64xf32, #tpu.memory_space<vmem>>, %arg5: memref<1x1x64xf32, #tpu.memory_space<vmem>>, %arg6: memref<1000x64xf32, #tpu.memory_space<vmem>>, %arg7: memref<1x1x1000xf32, #tpu.memory_space<vmem>>) attributes {dimension_semantics = [#tpu.dimension_semantics<arbitrary>, #tpu.dimension_semantics<arbitrary>], iteration_bounds = array<i64: 10, 4>, scalar_prefetch = 0 : i64, scratch_operands = 0 : i64, tpu.core_type = #tpu.core_type<tc>, window_params = [{transform_indices = @transform_0, window_bounds = array<i64: 1, 2, 1000>}, {transform_indices = @transform_1, window_bounds = array<i64: 1000, 128>}, {transform_indices = @transform_2, window_bounds = array<i64: 1, 128, 64>}, {transform_indices = @transform_3, window_bounds = array<i64: 1, 1, 64>}, {transform_indices = @transform_4, window_bounds = array<i64: 1000, 64>}, {transform_indices = @transform_5, window_bounds = array<i64: 1, 1, 1000>}]} {
    %get3A = arith.constant 0 : index
    %get3A_0 = arith.constant 0 : index
    %get3A_1 = arith.constant 0 : index
    %get3A_2 = vector.load %arg2[%get3A, %get3A_0, %get3A_1] : memref<1x2x1000xf32, #tpu.memory_space<vmem>>, vector<1x1x1000xf32>
    %get3A_3 = vector.shape_cast %get3A_2 : vector<1x1x1000xf32> to vector<1000xf32>
    %get3A_4 = arith.constant 0 : index
    %get3A_5 = arith.constant 1 : index
    %get3A_6 = arith.constant 0 : index
    %get3A_7 = vector.load %arg2[%get3A_4, %get3A_5, %get3A_6] : memref<1x2x1000xf32, #tpu.memory_space<vmem>>, vector<1x1x1000xf32>
    %get3A_8 = vector.shape_cast %get3A_7 : vector<1x1x1000xf32> to vector<1000xf32>
    %add3A = arith.addf %get3A_3, %get3A_8 : vector<1000xf32>
    %max3A = arith.constant 1.000000e+00 : f32
    %max3A_9 = vector.broadcast %max3A : f32 to vector<1000xf32>
    %max3A_10 = arith.maximumf %add3A, %max3A_9 : vector<1000xf32>
    %rsqrt3A = math.rsqrt %max3A_10 : vector<1000xf32>
    %swap3A = arith.constant 0 : index
    %swap3A_11 = arith.constant 0 : index
    %swap3A_12 = arith.constant 0 : index
    %swap3A_13 = vector.load %arg7[%swap3A, %swap3A_11, %swap3A_12] : memref<1x1x1000xf32, #tpu.memory_space<vmem>>, vector<1x1x1000xf32>
    %swap3A_14 = vector.shape_cast %swap3A_13 : vector<1x1x1000xf32> to vector<1000xf32>
    %swap3A_15 = vector.shape_cast %rsqrt3A : vector<1000xf32> to vector<1x1x1000xf32>
    tpu.vector_store %arg7[%swap3A, %swap3A_11, %swap3A_12], %swap3A_15 {strides = array<i32>} : memref<1x1x1000xf32, #tpu.memory_space<vmem>>, vector<1x1x1000xf32>,
    %get3A_16 = arith.constant 0 : index
    %get3A_17 = arith.constant 0 : index
    %get3A_18 = vector.load %arg3[%get3A_16, %get3A_17] : memref<1000x128xf32, #tpu.memory_space<vmem>>, vector<1000x128xf32>
    %get3A_19 = arith.constant 0 : index
    %get3A_20 = arith.constant 0 : index
    %get3A_21 = arith.constant 0 : index
    %get3A_22 = vector.load %arg4[%get3A_19, %get3A_20, %get3A_21] : memref<1x128x64xf32, #tpu.memory_space<vmem>>, vector<1x128x64xf32>
    %get3A_23 = vector.shape_cast %get3A_22 : vector<1x128x64xf32> to vector<128x64xf32>
    %dot_general3A = arith.constant dense<0.000000e+00> : vector<1000x64xf32>
    %dot_general3A_24 = tpu.matmul %get3A_18, %get3A_23, %dot_general3A {dimension_numbers = #tpu.dot_dimension_numbers<[1], [0], [0], [1], [0, 0, 1, 1], [], []>, transpose_lhs_hint = false} : vector<1000x128xf32>, vector<128x64xf32>, vector<1000x64xf32> -> vector<1000x64xf32>
    %get3A_25 = arith.constant 0 : index
    %get3A_26 = arith.constant 0 : index
    %get3A_27 = arith.constant 0 : index
    %get3A_28 = vector.load %arg5[%get3A_25, %get3A_26, %get3A_27] : memref<1x1x64xf32, #tpu.memory_space<vmem>>, vector<1x1x64xf32>
    %get3A_29 = vector.shape_cast %get3A_28 : vector<1x1x64xf32> to vector<64xf32>
    %broadcast_in_dim3A = vector.shape_cast %get3A_29 : vector<64xf32> to vector<1x64xf32>
    %add3A_30 = vector.broadcast %broadcast_in_dim3A : vector<1x64xf32> to vector<1000x64xf32>
    %add3A_31 = arith.addf %dot_general3A_24, %add3A_30 : vector<1000x64xf32>
    %broadcast_in_dim3A_32 = vector.shape_cast %rsqrt3A : vector<1000xf32> to vector<1000x1xf32>
    %mul3A = vector.broadcast %broadcast_in_dim3A_32 : vector<1000x1xf32> to vector<1000x64xf32>
    %mul3A_33 = arith.mulf %add3A_31, %mul3A : vector<1000x64xf32>
    %swap3A_34 = arith.constant 0 : index
    %swap3A_35 = arith.constant 0 : index
    %swap3A_36 = vector.load %arg6[%swap3A_34, %swap3A_35] : memref<1000x64xf32, #tpu.memory_space<vmem>>, vector<1000x64xf32>
    tpu.vector_store %arg6[%swap3A_34, %swap3A_35], %mul3A_33 {strides = array<i32>} : memref<1000x64xf32, #tpu.memory_space<vmem>>, vector<1000x64xf32>,
    return
  }
  func.func @transform_0(%arg0: i32, %arg1: i32) -> (i32, i32, i32) {
    %c0_i32 = arith.constant 0 : i32
    %c0_i32_0 = arith.constant 0 : i32
    %c0_i32_1 = arith.constant 0 : i32
    return %arg0, %c0_i32, %c0_i32_0 : i32, i32, i32
  }
  func.func @transform_1(%arg0: i32, %arg1: i32) -> (i32, i32) {
    %c0_i32 = arith.constant 0 : i32
    %c0_i32_0 = arith.constant 0 : i32
    return %arg0, %c0_i32 : i32, i32
  }
  func.func @transform_2(%arg0: i32, %arg1: i32) -> (i32, i32, i32) {
    %c0_i32 = arith.constant 0 : i32
    %c0_i32_0 = arith.constant 0 : i32
    %c0_i32_1 = arith.constant 0 : i32
    return %arg1, %c0_i32, %c0_i32_0 : i32, i32, i32
  }
  func.func @transform_3(%arg0: i32, %arg1: i32) -> (i32, i32, i32) {
    %c0_i32 = arith.constant 0 : i32
    %c0_i32_0 = arith.constant 0 : i32
    %c0_i32_1 = arith.constant 0 : i32
    return %arg1, %c0_i32, %c0_i32_0 : i32, i32, i32
  }
  func.func @transform_4(%arg0: i32, %arg1: i32) -> (i32, i32) {
    %mul3A = arith.constant 10 : i32
    %mul3A_0 = arith.muli %arg1, %mul3A : i32
    %add3A = arith.addi %mul3A_0, %arg0 : i32
    %c0_i32 = arith.constant 0 : i32
    %c0_i32_1 = arith.constant 0 : i32
    return %add3A, %c0_i32 : i32, i32
  }
  func.func @transform_5(%arg0: i32, %arg1: i32) -> (i32, i32, i32) {
    %c0_i32 = arith.constant 0 : i32
    %c0_i32_0 = arith.constant 0 : i32
    %c0_i32_1 = arith.constant 0 : i32
    return %arg0, %c0_i32, %c0_i32_0 : i32, i32, i32
  }
}

module attributes {stable_mosaic.version = 14 : i64} {
  func.func @_mm2_body(%arg0: i32, %arg1: i32, %arg2: memref<1000x64xf32, #tpu.memory_space<vmem>>, %arg3: memref<1000x64xf32, #tpu.memory_space<vmem>>, %arg4: memref<1000x64xf32, #tpu.memory_space<vmem>>, %arg5: memref<1000x64xf32, #tpu.memory_space<vmem>>, %arg6: memref<1x1x1000xf32, #tpu.memory_space<vmem>>, %arg7: memref<4x1x64x64xf32, #tpu.memory_space<vmem>>, %arg8: memref<1x1x64xf32, #tpu.memory_space<vmem>>, %arg9: memref<1000x64xf32, #tpu.memory_space<vmem>>) attributes {dimension_semantics = [#tpu.dimension_semantics<arbitrary>, #tpu.dimension_semantics<arbitrary>], iteration_bounds = array<i64: 10, 2>, scalar_prefetch = 0 : i64, scratch_operands = 0 : i64, tpu.core_type = #tpu.core_type<tc>, window_params = [{transform_indices = @transform_0, window_bounds = array<i64: 1000, 64>}, {transform_indices = @transform_1, window_bounds = array<i64: 1000, 64>}, {transform_indices = @transform_2, window_bounds = array<i64: 1000, 64>}, {transform_indices = @transform_3, window_bounds = array<i64: 1000, 64>}, {transform_indices = @transform_4, window_bounds = array<i64: 1, 1, 1000>}, {transform_indices = @transform_5, window_bounds = array<i64: 4, 1, 64, 64>}, {transform_indices = @transform_6, window_bounds = array<i64: 1, 1, 64>}, {transform_indices = @transform_7, window_bounds = array<i64: 1000, 64>}]} {
    %get3A = arith.constant 0 : index
    %get3A_0 = arith.constant 0 : index
    %get3A_1 = arith.constant 0 : index
    %get3A_2 = vector.load %arg6[%get3A, %get3A_0, %get3A_1] : memref<1x1x1000xf32, #tpu.memory_space<vmem>>, vector<1x1x1000xf32>
    %get3A_3 = vector.shape_cast %get3A_2 : vector<1x1x1000xf32> to vector<1000xf32>
    %get3A_4 = arith.constant 0 : index
    %get3A_5 = arith.constant 0 : index
    %get3A_6 = arith.constant 0 : index
    %get3A_7 = vector.load %arg8[%get3A_4, %get3A_5, %get3A_6] : memref<1x1x64xf32, #tpu.memory_space<vmem>>, vector<1x1x64xf32>
    %get3A_8 = vector.shape_cast %get3A_7 : vector<1x1x64xf32> to vector<64xf32>
    %broadcast_in_dim3A = vector.shape_cast %get3A_8 : vector<64xf32> to vector<1x64xf32>
    %broadcast_in_dim3A_9 = arith.constant 1.000000e+00 : f32
    %broadcast_in_dim3A_10 = vector.broadcast %broadcast_in_dim3A_9 : f32 to vector<1000x1xf32>
    %mul3A = vector.broadcast %broadcast_in_dim3A : vector<1x64xf32> to vector<1000x64xf32>
    %mul3A_11 = vector.broadcast %broadcast_in_dim3A_10 : vector<1000x1xf32> to vector<1000x64xf32>
    %mul3A_12 = arith.mulf %mul3A, %mul3A_11 : vector<1000x64xf32>
    %get3A_13 = arith.constant 0 : index
    %get3A_14 = arith.constant 0 : index
    %get3A_15 = vector.load %arg2[%get3A_13, %get3A_14] : memref<1000x64xf32, #tpu.memory_space<vmem>>, vector<1000x64xf32>
    %broadcast_in_dim3A_16 = vector.shape_cast %get3A_3 : vector<1000xf32> to vector<1000x1xf32>
    %mul3A_17 = vector.broadcast %broadcast_in_dim3A_16 : vector<1000x1xf32> to vector<1000x64xf32>
    %mul3A_18 = arith.mulf %get3A_15, %mul3A_17 : vector<1000x64xf32>
    %max3A = arith.constant 0.000000e+00 : f32
    %max3A_19 = vector.broadcast %max3A : f32 to vector<1000x64xf32>
    %max3A_20 = arith.maximumf %mul3A_18, %max3A_19 : vector<1000x64xf32>
    %get3A_21 = arith.constant 0 : index
    %get3A_22 = arith.constant 0 : index
    %get3A_23 = arith.constant 0 : index
    %get3A_24 = arith.constant 0 : index
    %get3A_25 = vector.load %arg7[%get3A_21, %get3A_22, %get3A_23, %get3A_24] : memref<4x1x64x64xf32, #tpu.memory_space<vmem>>, vector<1x1x64x64xf32>
    %get3A_26 = vector.shape_cast %get3A_25 : vector<1x1x64x64xf32> to vector<64x64xf32>
    %dot_general3A = arith.constant dense<0.000000e+00> : vector<1000x64xf32>
    %dot_general3A_27 = tpu.matmul %max3A_20, %get3A_26, %dot_general3A {dimension_numbers = #tpu.dot_dimension_numbers<[1], [0], [0], [1], [0, 0, 1, 1], [], []>, transpose_lhs_hint = false} : vector<1000x64xf32>, vector<64x64xf32>, vector<1000x64xf32> -> vector<1000x64xf32>
    %add3A = arith.addf %mul3A_12, %dot_general3A_27 : vector<1000x64xf32>
    %get3A_28 = arith.constant 0 : index
    %get3A_29 = arith.constant 0 : index
    %get3A_30 = vector.load %arg3[%get3A_28, %get3A_29] : memref<1000x64xf32, #tpu.memory_space<vmem>>, vector<1000x64xf32>
    %broadcast_in_dim3A_31 = vector.shape_cast %get3A_3 : vector<1000xf32> to vector<1000x1xf32>
    %mul3A_32 = vector.broadcast %broadcast_in_dim3A_31 : vector<1000x1xf32> to vector<1000x64xf32>
    %mul3A_33 = arith.mulf %get3A_30, %mul3A_32 : vector<1000x64xf32>
    %max3A_34 = arith.constant 0.000000e+00 : f32
    %max3A_35 = vector.broadcast %max3A_34 : f32 to vector<1000x64xf32>
    %max3A_36 = arith.maximumf %mul3A_33, %max3A_35 : vector<1000x64xf32>
    %get3A_37 = arith.constant 1 : index
    %get3A_38 = arith.constant 0 : index
    %get3A_39 = arith.constant 0 : index
    %get3A_40 = arith.constant 0 : index
    %get3A_41 = vector.load %arg7[%get3A_37, %get3A_38, %get3A_39, %get3A_40] : memref<4x1x64x64xf32, #tpu.memory_space<vmem>>, vector<1x1x64x64xf32>
    %get3A_42 = vector.shape_cast %get3A_41 : vector<1x1x64x64xf32> to vector<64x64xf32>
    %dot_general3A_43 = arith.constant dense<0.000000e+00> : vector<1000x64xf32>
    %dot_general3A_44 = tpu.matmul %max3A_36, %get3A_42, %dot_general3A_43 {dimension_numbers = #tpu.dot_dimension_numbers<[1], [0], [0], [1], [0, 0, 1, 1], [], []>, transpose_lhs_hint = false} : vector<1000x64xf32>, vector<64x64xf32>, vector<1000x64xf32> -> vector<1000x64xf32>
    %add3A_45 = arith.addf %add3A, %dot_general3A_44 : vector<1000x64xf32>
    %get3A_46 = arith.constant 0 : index
    %get3A_47 = arith.constant 0 : index
    %get3A_48 = vector.load %arg4[%get3A_46, %get3A_47] : memref<1000x64xf32, #tpu.memory_space<vmem>>, vector<1000x64xf32>
    %broadcast_in_dim3A_49 = vector.shape_cast %get3A_3 : vector<1000xf32> to vector<1000x1xf32>
    %mul3A_50 = vector.broadcast %broadcast_in_dim3A_49 : vector<1000x1xf32> to vector<1000x64xf32>
    %mul3A_51 = arith.mulf %get3A_48, %mul3A_50 : vector<1000x64xf32>
    %max3A_52 = arith.constant 0.000000e+00 : f32
    %max3A_53 = vector.broadcast %max3A_52 : f32 to vector<1000x64xf32>
    %max3A_54 = arith.maximumf %mul3A_51, %max3A_53 : vector<1000x64xf32>
    %get3A_55 = arith.constant 2 : index
    %get3A_56 = arith.constant 0 : index
    %get3A_57 = arith.constant 0 : index
    %get3A_58 = arith.constant 0 : index
    %get3A_59 = vector.load %arg7[%get3A_55, %get3A_56, %get3A_57, %get3A_58] : memref<4x1x64x64xf32, #tpu.memory_space<vmem>>, vector<1x1x64x64xf32>
    %get3A_60 = vector.shape_cast %get3A_59 : vector<1x1x64x64xf32> to vector<64x64xf32>
    %dot_general3A_61 = arith.constant dense<0.000000e+00> : vector<1000x64xf32>
    %dot_general3A_62 = tpu.matmul %max3A_54, %get3A_60, %dot_general3A_61 {dimension_numbers = #tpu.dot_dimension_numbers<[1], [0], [0], [1], [0, 0, 1, 1], [], []>, transpose_lhs_hint = false} : vector<1000x64xf32>, vector<64x64xf32>, vector<1000x64xf32> -> vector<1000x64xf32>
    %add3A_63 = arith.addf %add3A_45, %dot_general3A_62 : vector<1000x64xf32>
    %get3A_64 = arith.constant 0 : index
    %get3A_65 = arith.constant 0 : index
    %get3A_66 = vector.load %arg5[%get3A_64, %get3A_65] : memref<1000x64xf32, #tpu.memory_space<vmem>>, vector<1000x64xf32>
    %broadcast_in_dim3A_67 = vector.shape_cast %get3A_3 : vector<1000xf32> to vector<1000x1xf32>
    %mul3A_68 = vector.broadcast %broadcast_in_dim3A_67 : vector<1000x1xf32> to vector<1000x64xf32>
    %mul3A_69 = arith.mulf %get3A_66, %mul3A_68 : vector<1000x64xf32>
    %max3A_70 = arith.constant 0.000000e+00 : f32
    %max3A_71 = vector.broadcast %max3A_70 : f32 to vector<1000x64xf32>
    %max3A_72 = arith.maximumf %mul3A_69, %max3A_71 : vector<1000x64xf32>
    %get3A_73 = arith.constant 3 : index
    %get3A_74 = arith.constant 0 : index
    %get3A_75 = arith.constant 0 : index
    %get3A_76 = arith.constant 0 : index
    %get3A_77 = vector.load %arg7[%get3A_73, %get3A_74, %get3A_75, %get3A_76] : memref<4x1x64x64xf32, #tpu.memory_space<vmem>>, vector<1x1x64x64xf32>
    %get3A_78 = vector.shape_cast %get3A_77 : vector<1x1x64x64xf32> to vector<64x64xf32>
    %dot_general3A_79 = arith.constant dense<0.000000e+00> : vector<1000x64xf32>
    %dot_general3A_80 = tpu.matmul %max3A_72, %get3A_78, %dot_general3A_79 {dimension_numbers = #tpu.dot_dimension_numbers<[1], [0], [0], [1], [0, 0, 1, 1], [], []>, transpose_lhs_hint = false} : vector<1000x64xf32>, vector<64x64xf32>, vector<1000x64xf32> -> vector<1000x64xf32>
    %add3A_81 = arith.addf %add3A_63, %dot_general3A_80 : vector<1000x64xf32>
    %broadcast_in_dim3A_82 = vector.shape_cast %get3A_3 : vector<1000xf32> to vector<1000x1xf32>
    %mul3A_83 = vector.broadcast %broadcast_in_dim3A_82 : vector<1000x1xf32> to vector<1000x64xf32>
    %mul3A_84 = arith.mulf %add3A_81, %mul3A_83 : vector<1000x64xf32>
    %swap3A = arith.constant 0 : index
    %swap3A_85 = arith.constant 0 : index
    %swap3A_86 = vector.load %arg9[%swap3A, %swap3A_85] : memref<1000x64xf32, #tpu.memory_space<vmem>>, vector<1000x64xf32>
    tpu.vector_store %arg9[%swap3A, %swap3A_85], %mul3A_84 {strides = array<i32>} : memref<1000x64xf32, #tpu.memory_space<vmem>>, vector<1000x64xf32>,
    return
  }
  func.func @transform_0(%arg0: i32, %arg1: i32) -> (i32, i32) {
    %add3A = arith.constant 0 : i32
    %add3A_0 = arith.addi %add3A, %arg0 : i32
    %c0_i32 = arith.constant 0 : i32
    %c0_i32_1 = arith.constant 0 : i32
    return %add3A_0, %c0_i32 : i32, i32
  }
  func.func @transform_1(%arg0: i32, %arg1: i32) -> (i32, i32) {
    %add3A = arith.constant 10 : i32
    %add3A_0 = arith.addi %add3A, %arg0 : i32
    %c0_i32 = arith.constant 0 : i32
    %c0_i32_1 = arith.constant 0 : i32
    return %add3A_0, %c0_i32 : i32, i32
  }
  func.func @transform_2(%arg0: i32, %arg1: i32) -> (i32, i32) {
    %add3A = arith.constant 20 : i32
    %add3A_0 = arith.addi %add3A, %arg0 : i32
    %c0_i32 = arith.constant 0 : i32
    %c0_i32_1 = arith.constant 0 : i32
    return %add3A_0, %c0_i32 : i32, i32
  }
  func.func @transform_3(%arg0: i32, %arg1: i32) -> (i32, i32) {
    %add3A = arith.constant 30 : i32
    %add3A_0 = arith.addi %add3A, %arg0 : i32
    %c0_i32 = arith.constant 0 : i32
    %c0_i32_1 = arith.constant 0 : i32
    return %add3A_0, %c0_i32 : i32, i32
  }
  func.func @transform_4(%arg0: i32, %arg1: i32) -> (i32, i32, i32) {
    %c0_i32 = arith.constant 0 : i32
    %c0_i32_0 = arith.constant 0 : i32
    %c0_i32_1 = arith.constant 0 : i32
    return %arg0, %c0_i32, %c0_i32_0 : i32, i32, i32
  }
  func.func @transform_5(%arg0: i32, %arg1: i32) -> (i32, i32, i32, i32) {
    %c0_i32 = arith.constant 0 : i32
    %c0_i32_0 = arith.constant 0 : i32
    %c0_i32_1 = arith.constant 0 : i32
    %c0_i32_2 = arith.constant 0 : i32
    return %c0_i32, %arg1, %c0_i32_0, %c0_i32_1 : i32, i32, i32, i32
  }
  func.func @transform_6(%arg0: i32, %arg1: i32) -> (i32, i32, i32) {
    %c0_i32 = arith.constant 0 : i32
    %c0_i32_0 = arith.constant 0 : i32
    %c0_i32_1 = arith.constant 0 : i32
    return %arg1, %c0_i32, %c0_i32_0 : i32, i32, i32
  }
  func.func @transform_7(%arg0: i32, %arg1: i32) -> (i32, i32) {
    %mul3A = arith.constant 10 : i32
    %mul3A_0 = arith.muli %arg1, %mul3A : i32
    %add3A = arith.addi %mul3A_0, %arg0 : i32
    %c0_i32 = arith.constant 0 : i32
    %c0_i32_1 = arith.constant 0 : i32
    return %add3A, %c0_i32 : i32, i32
  }
}

</mosaic_0001>

<sc_bundles>
// kernel: kernel.10.cloned.1.call-start
scs
__scs_entry_jumppad:
0x0: {  	(pc) =	sbr.rel $0x88, $3  }
0x1: {  	(tag) =	ssettag $0x0;
	lr =	simm.s32 $0x1  }
0x2: {  	[smem:$0x3F9B] =	sst lr;
	_ =	strace $0xD0000000  }
0x3: {  	_ = 	snop  }
0x4: {  	_ = 	snop  }
0x5: {  	_ = 	snop  }
0x6: {  	_ = 	snop  }
0x7: {  	_ = 	snop  }
__scs_overlays_trampoline_lowered:
0x8: {  	[smem:$0x3FAA] =	sst s0  }
0x9: {  	[smem:$0x3FAB] =	sst s1  }
0xa: {  	[smem:$0x3FAC] =	sst s2  }
0xb: {  	[smem:$0x3FAD] =	sst s3  }
0xc: {  	[smem:$0x3FAE] =	sst s4  }
0xd: {  	[smem:$0x3FAF] =	sst s5  }
0xe: {  	[smem:$0x3FB0] =	sst s6  }
0xf: {  	[smem:$0x3FB1] =	sst s7  }
0x10: {  	[smem:$0x3FB2] =	sst s8  }
0x11: {  	[smem:$0x3FB3] =	sst s9;
	s0 =	simm.s32 @!p0 $0x0  }
0x12: {  	s1 =	sld [smem:$0x3F99];
	s0 =	simm.s32 @p0 $0x1  }
0x13: {  	[smem:$0x3FB4] =	sst s0;
	s0 =	simm.s32 @!p1 $0x0  }
0x14: {  	s2 =	sld [smem:$0x3F98];
	s0 =	simm.s32 @p1 $0x1  }
0x15: {  	[smem:$0x3FB5] =	sst s0;
	s0 =	simm.s32 @!p2 $0x0  }
0x16: {  	s3 =	sld [smem:$0x3FDB];
	s0 =	simm.s32 @p2 $0x1  }
0x17: {  	s4 =	simm.s32 $0x1BF5;
	[smem:$0x3FB7] =	sst s0  }
0x18: {  	s0 =	sld [smem:$0x3F9A];
	_ =	swait.ge [sflag:s4], $0x0  }
0x19: {  	s7 =	sld [smem:$0x3F9B]  }
0x1a: {  	s8 =	sadd.s32 $0xFFFFE003, lr  }
0x1b: {  	s9 =	sadd.s32 $0xFFFFFEF7, lr;
	s5 =	simm.s32 $0xFFFFFFFF;
	p2 =	slt.u32 s8, $0xFFFFF086  }
0x1c: {  	p1 =	slt.u32 s9, $0xF7A;
	s5 =	simm.s32 @!p2 $0x0  }
0x1d: {  	s5 =	simm.s32 @p1 $0x1;
	p0 =	seq.s32 s7, s2  }
0x1e: {  	s7 =	smul.u32 @!p0 $0xF7A, s2;
	p2 =	seq.s32 @!p0 s5, $0x0  }
0x1f: {  	s9 =	smul.u32 $0xF7A, s1;
	s8 =	simm.s32 @!p0 $0x1BF5;
	p2 =	por !p2, p0  }
0x20: {  	[sflag:s8] =	ssyncset.s32 @!p0 $0xFFFFF086;
	s6 =	sadd.s32 @!p0 s3, s7;
	s7 =	simm.s32 @!p0 $0x108  }
0x21: {  	s3 =	sadd.s32 s3, s9;
	s6 =	sadd.s32 @!p0 $0x88, s6;
	s7 =	simm.s32 @p2 $0x1082  }
0x22: {  	[simem:s7], [sflag:s8] =	dma.local @!p0 [hbm:s6], $0xF7A  }
0x23: {  	s9 =	sor.u32 $0xD0000000, s2;
	s6 =	simm.s32 $0x108;
	_ =	swait.ge @!p0 [sflag:s8], $0x0  }
0x24: {  	s3 =	sadd.s32 $0x88, s3;
	s6 =	simm.s32 @!p1 $0x1082;
	[sflag:s4] =	ssyncset.s32 $0xFFFFF086  }
0x25: {  	[simem:s6], [sflag:s4] =	dma.local [hbm:s3], $0xF7A  }
0x26: {  	[smem:$0x3F9B] =	sst s1;
	(tag) =	ssettag s2;
	_ =	strace s9  }
0x27: {  	s1 =	sld [smem:$0x3FAB]  }
0x28: {  	s2 =	sld [smem:$0x3FAC]  }
0x29: {  	s4 =	sld [smem:$0x3FAE]  }
0x2a: {  	p0 =	seq.s32 s5, $0x0;
	s5 =	sld [smem:$0x3FAF]  }
0x2b: {  	s6 =	sld [smem:$0x3FB0]  }
0x2c: {  	s7 =	sld [smem:$0x3FB1]  }
0x2d: {  	s3 =	simm.s32 $0x108;
	s8 =	sld [smem:$0x3FB2]  }
0x2e: {  	s3 =	simm.s32 @!p0 $0x1082;
	s9 =	sld [smem:$0x3FB3]  }
0x2f: {  	lr =	sadd.s32 s0, s3;
	s0 =	sld [smem:$0x3FAA]  }
0x30: {  	s3 =	sld [smem:$0x3FAD]  }
0x31: {  	[smem:$0x3FB6] =	sst s10  }
0x32: {  	s10 =	sld [smem:$0x3FB4];
	_ =	sdelay $0x3  }
0x33: {  	p0 =	seq.s32 s10, $0x1;
	s10 =	sld [smem:$0x3FB6];
	_ =	sdelay $0x3  }
0x34: {  	[smem:$0x3FB6] =	sst s10  }
0x35: {  	s10 =	sld [smem:$0x3FB5];
	_ =	sdelay $0x3  }
0x36: {  	p1 =	seq.s32 s10, $0x1;
	s10 =	sld [smem:$0x3FB6];
	_ =	sdelay $0x3  }
0x37: {  	[smem:$0x3FB6] =	sst s10  }
0x38: {  	s10 =	sld [smem:$0x3FB7]  }
0x39: {  	_ = 	snop;
	(pc) =	sbr.ind lr, $3  }
0x3a: {  	_ = 	snop  }
0x3b: {  	_ = 	snop  }
0x3c: {  	p2 =	seq.s32 s10, $0x1;
	s10 =	sld [smem:$0x3FB6]  }
0x3d: {  	_ =	shalt  }
0x3e: {  	_ =	shalt  }
0x3f: {  	_ =	shalt  }
0x40: {  	_ =	shalt  }
0x41: {  	_ =	shalt  }
0x42: {  	_ =	shalt  }
0x43: {  	_ =	shalt  }
0x44: {  	_ =	shalt  }
0x45: {  	_ =	shalt  }
0x46: {  	_ =	shalt  }
0x47: {  	_ =	shalt  }
0x48: {  	_ =	shalt  }
0x49: {  	_ =	shalt  }
0x4a: {  	_ =	shalt  }
0x4b: {  	_ =	shalt  }
0x4c: {  	_ =	shalt  }
0x4d: {  	_ =	shalt  }
0x4e: {  	_ =	shalt  }
0x4f: {  	_ =	shalt  }
0x50: {  	_ =	shalt  }
0x51: {  	_ =	shalt  }
0x52: {  	_ =	shalt  }
0x53: {  	_ =	shalt  }
0x54: {  	_ =	shalt  }
0x55: {  	_ =	shalt  }
0x56: {  	_ =	shalt  }
0x57: {  	_ =	shalt  }
0x58: {  	_ =	shalt  }
0x59: {  	_ =	shalt  }
0x5a: {  	_ =	shalt  }
0x5b: {  	_ =	shalt  }
0x5c: {  	_ =	shalt  }
0x5d: {  	_ =	shalt  }
0x5e: {  	_ =	shalt  }
0x5f: {  	_ =	shalt  }
0x60: {  	_ =	shalt  }
0x61: {  	_ =	shalt  }
0x62: {  	_ =	shalt  }
0x63: {  	_ =	shalt  }
0x64: {  	_ =	shalt  }
0x65: {  	_ =	shalt  }
0x66: {  	_ =	shalt  }
0x67: {  	_ =	shalt  }
0x68: {  	_ =	shalt  }
0x69: {  	_ =	shalt  }
0x6a: {  	_ =	shalt  }
0x6b: {  	_ =	shalt  }
0x6c: {  	_ =	shalt  }
0x6d: {  	_ =	shalt  }
0x6e: {  	_ =	shalt  }
0x6f: {  	_ =	shalt  }
0x70: {  	_ =	shalt  }
0x71: {  	_ =	shalt  }
0x72: {  	_ =	shalt  }
0x73: {  	_ =	shalt  }
0x74: {  	_ =	shalt  }
0x75: {  	_ =	shalt  }
0x76: {  	_ =	shalt  }
0x77: {  	_ =	shalt  }
0x78: {  	_ =	shalt  }
0x79: {  	_ =	shalt  }
0x7a: {  	_ =	shalt  }
0x7b: {  	_ =	shalt  }
0x7c: {  	_ =	shalt  }
0x7d: {  	_ =	shalt  }
0x7e: {  	_ =	shalt  }
0x7f: {  	_ =	shalt  }
0x80: {  	_ =	shalt  }
0x81: {  	_ =	shalt  }
0x82: {  	_ =	shalt  }
0x83: {  	_ =	shalt  }
0x84: {  	_ =	shalt  }
0x85: {  	_ =	shalt  }
0x86: {  	_ =	shalt  }
0x87: {  	_ =	shalt  }
.Lfunc_end0:
.L_simem_size_0:
called_computation.1_lowered:
.L_overlay_start_0:
0x88: {  	s2 =	sld [smem:$0x3FD9]  }
0x89: {  	s3 =	sld [smem:$0x3FFE];
	_ =	sdelay $0x1  }
0x8a: {  	s1 =	srdreg.scid  }
0x8b: {  	s0 =	sand.u32 $0x1, s1  }
0x8c: {  	s16 =	sshll.u32 s0, $0xA;
	s2 =	sadd.s32 s3, s2  }
0x8d: {  	s2 =	sadd.s32 s2, s16  }
0x8e: {  	[smem:$0x3FC2] =	sst s2  }
0x8f: {  	_ = 	snop  }
0x90: {  	(tm) =	ssettm $0x1  }
0x91: {  	s17 =	sld [smem:$0x3FFB];
	_ =	sdelay $0x3  }
0x92: {  	_ =	strace s17  }
0x93: {  	s2 =	sld [smem:$0x3FFC];
	_ =	sdelay $0x3  }
0x94: {  	_ =	strace s2  }
0x95: {  	s2 =	sld [smem:$0x3FFD];
	_ =	sdelay $0x3  }
0x96: {  	_ =	strace s2  }
0x97: {  	_ =	strace $0x8FFFFFFF  }
0x98: {  	s18 =	sld [smem:$0x3FDB];
	_ =	sdelay $0x1  }
0x99: {  	s19 =	simm.s32 $_scs_section_size  }
0x9a: {  	s4 =	simm.s32 $_size__tile_overlayer_lowered;
	s5 =	simm.s32 $_tile_overlayer_lowered  }
0x9b: {  	s22 =	simm.s32 $0x1BFF;
	s21 =	sshll.u32 s5, $0x1;
	s2 =	sadd.s32 s19, s18  }
0x9c: {  	s6 =	simm.s32 $0x0;
	s20 =	sshll.u32 s4, $0x1;
	s4 =	sadd.s32 s21, s2  }
0x9d: {  	[timem:s6], [sflag:s22] =	dma.local [hbm:s4], s20  }
0x9e: {  	_ =	swait.ge [sflag:s22], s20  }
0x9f: {  	s3 =	ssub.s32 $0x0, s20;
	[sflag:s22] =	ssyncset.done $0x0  }
0xa0: {  	[sflag:s22] =	ssyncadd.s32 s3;
	_ =	sdelay $0x1  }
0xa1: {  	s23 =	simm.s32 $0x1B8B  }
0xa2: {  	_ =	swait.ge [sflag:s23], $0x1  }
0xa3: {  	[sflag:s23] =	ssyncset.done $0x0  }
0xa4: {  	s25 =	simm.s32 $0x1B8E;
	s24 =	sld [smem:$0x3FFE];
	[sflag:s23] =	ssyncadd.s32 $0xFFFFFFFF  }
0xa5: {  	s26 =	simm.s32 $execute0_lowered;
	[smem:$0x3FD2] =	sst s25  }
0xa6: {  	s4 =	sshll.u32 s26, $0x1;
	_ =	strace $0x80000049;
	[dreg:$0x1] =	wrdreg $0xFFFFFFFF  }
0xa7: {  	s28 =	simm.s32 $_size_execute0_lowered;
	s2 =	sadd.s32 s2, s4;
	[dreg:$0x0] =	wrdreg $0x0  }
0xa8: {  	s4 =	sshll.u32 s28, $0x1;
	[dreg:$0x2] =	wrdreg s2  }
0xa9: {  	[dreg:$0x3] =	wrdreg s4  }
0xaa: {  	[dreg:$0x4] =	wrdreg $0xC0  }
0xab: {  	_ =	task [dreg:s6], $0x5FFFF  }
0xac: {  	[dreg:$0x1] =	wrdreg $0xFFFFFFFF  }
0xad: {  	[dreg:$0x0] =	wrdreg $0x60  }
0xae: {  	[dreg:$0x2] =	wrdreg s24  }
0xaf: {  	[dreg:$0x3] =	wrdreg $0x152000  }
0xb0: {  	[dreg:$0x4] =	wrdreg $0x9  }
0xb1: {  	_ =	task.clear_ibuf [dreg:s6], $0x5FFFF;
	_ =	strace $0x90000049  }
0xb2: {  	s29 =	simm.s32 $0x9;
	_ =	strace $0x8000004B  }
0xb3: {  	_ =	swait.ge [sflag:s29], $0x1  }
0xb4: {  	[sflag:s29] =	ssyncadd.s32 $0xFFFFFFFF  }
0xb5: {  	_ =	strace $0x9000004B  }
0xb6: {  	_ =	sfence  }
0xb7: {  	s30 =	sld [smem:$0x0];
	_ =	sdelay $0x2  }
0xb8: {  	s31 =	sshll.u32 s1, $0xD;
	s1 =	sshrl.u32 s1, $0x2  }
0xb9: {  	s3 =	sand.u32 $0x4000, s31;
	s1 =	sadd.s32 s1, s30  }
0xba: {  	s0 =	sor.u32 s3, s0;
	s1 =	sshll.u32 s1, $0x11  }
0xbb: {  	s0 =	sor.u32 s1, s0  }
0xbc: {  	s0 =	sadd.s32 $0x8F2B, s0  }
0xbd: {  	[sflag:s0] =	ssyncadd.remote.s32 $0x1  }
0xbe: {  	_ =	sfence.sel $0xFFFF  }
0xbf: {  	[dreg:$0x0] =	wrdreg $0xFFFFFFFF;
	(pc) =	sbr.abs _section_cstart, $3  }
0xc0: {  	[dreg:$0x1] =	wrdreg $0xFFFFFFFF  }
0xc1: {  	_ =	task.clear_ibuf [dreg:s6], $0x2FFFF;
	_ =	strace $0x9FFFFFFF  }
0xc2: {  	(tm) =	ssettm $0x7FFFFFFF  }
0xc3: {  	_ =	shalt  }
tec
execute0_lowered:
.L_overlay_start_1:
0x0: {  	(tag) =	ssettag $0x1  }
0x1: {  	s0 =	rddreg [dreg:$0x0]  }
0x2: {  	s2 =	rddreg [dreg:$0x1]  }
0x3: {  	s3 =	simm.s32 $0x0;
	s15 =	stileid.u32;
	s1 =	srdreg.scid  }
0x4: {  	s30 =	simm.s32 $0x2;
	s31 =	simm.s32 $0x12000;
	s29 =	simm.s32 $0xC000  }
0x5: {  	s28 =	simm.s32 $0x100;
	[smem:$0x7FF] =	sst s3;
	s24 =	smul.u32 $0xA00, s15  }
0x6: {  	s1 =	sand.u32 $0x1, s1;
	s4 =	sadd.s32 $0xB1600, s0;
	s5 =	smul.u32 $0x3E800, s15  }
0x7: {  	s8 =	smul.u32 $0x3E8, s15;
	p0 =	sgt.u32 s15, $0x9;
	p1 =	sne.s32 s15, $0xA  }
0x8: {  	_ =	strace $0x8000004A;
	s11 =	smul.u32 $0x4E20, s1;
	s1 =	ssub.s32 $0x2, s1  }
0x9: {  	s3 =	sadd.s32 s24, s0;
	s0 =	sadd.s32 $0x15800, s0;
	s6 =	sshrl.u32 s1, $0x1  }
0xa: {  	s5 =	sshrl.u32 s5, $0x2;
	s10 =	sadd.s32 $0x190, s8;
	s12 =	sadd.s32 $0x258, s8  }
0xb: {  	s23 =	sadd.s32 $0x320, s8;
	s1 =	ssub.s32 s1, s6;
	s25 =	sadd.s32 $0x1200, s3  }
0xc: {  	s3 =	sadd.s32 $0xB200, s3;
	s7 =	sadd.s32 s5, s2;
	s26 =	sadd.s32 s11, s8  }
0xd: {  	s6 =	sadd.s32 $0xC8, s8;
	s16 =	sadd.s32 $0x2710, s11;
	s13 =	sadd.s32 s11, s10  }
0xe: {  	s14 =	sadd.s32 s11, s12;
	s24 =	sadd.s32 s11, s23;
	[dreg:$0x3] =	wrdreg s25  }
0xf: {  	[dreg:$0x4] =	wrdreg s3;
	s5 =	sadd.s32 $0x3200, s7;
	s3 =	sshll.u32 s26, $0x3  }
0x10: {  	s17 =	sshll.u32 s6, $0x6;
	s9 =	sadd.s32 s11, s6;
	s20 =	sshll.u32 s13, $0x3  }
0x11: {  	s21 =	sshll.u32 s14, $0x3;
	s8 =	sadd.s32 s8, s16;
	s13 =	sshll.u32 s24, $0x3  }
0x12: {  	s25 =	sadd.s32 s10, s16;
	s26 =	sadd.s32 s12, s16;
	s19 =	sadd.s32 $0x6400, s7  }
0x13: {  	v0 =	vmov s11;
	s14 =	sshll.u32 s12, $0x6;
	s11 =	simm.s32 $0x9F00;
	s12 =	simm.s32 $0x9F80  }
0x14: {  	[dreg:$0x5] =	wrdreg s5;
	s3 =	sadd.s32 s0, s3;
	s9 =	sshll.u32 s9, $0x3  }
0x15: {  	s22 =	sadd.s32 s0, s21;
	s5 =	sadd.s32 s6, s16;
	s8 =	sshll.u32 s8, $0x3  }
0x16: {  	s13 =	sadd.s32 s0, s13;
	s6 =	sadd.s32 s23, s16;
	s21 =	sadd.s32 s17, s2  }
0x17: {  	s16 =	sshll.u32 s23, $0x6;
	s23 =	sadd.s32 s14, s2;
	[dreg:$0x6] =	wrdreg s3  }
0x18: {  	s17 =	sadd.s32 $0x9C400, s2;
	s9 =	sadd.s32 s0, s9;
	[dreg:$0x9] =	wrdreg s22  }
0x19: {  	s5 =	sshll.u32 s5, $0x3;
	[dreg:$0xa] =	wrdreg s13;
	s8 =	sadd.s32 s0, s8  }
0x1a: {  	s6 =	sshll.u32 s6, $0x3;
	s13 =	sshll.u32 s10, $0x6;
	[dreg:$0xf] =	wrdreg s17  }
0x1b: {  	s24 =	sadd.s32 s16, s2;
	s3 =	simm.s32 $0xE000;
	[dreg:$0x7] =	wrdreg s9  }
0x1c: {  	s10 =	simm.s32 $0x9E80;
	s9 =	sadd.s32 s0, s20;
	[dreg:$0xb] =	wrdreg s8  }
0x1d: {  	s5 =	sadd.s32 s0, s5;
	s8 =	sshll.u32 s26, $0x3;
	s18 =	sadd.s32 s0, s6  }
0x1e: {  	s20 =	smax.u32 s1, $0x1;
	s22 =	sadd.s32 s13, s2;
	s26 =	sadd.s32 $0xC800, s7  }
0x1f: {  	s1 =	simm.s32 $0xA000;
	s6 =	simm.s32 $0x10000;
	[dreg:$0x8] =	wrdreg s9  }
0x20: {  	s13 =	simm.s32 $0x0;
	[dreg:$0xc] =	wrdreg s5;
	s5 =	sshll.u32 s25, $0x3  }
0x21: {  	s8 =	sadd.s32 s0, s8;
	s25 =	sadd.s32 $0x9600, s7;
	s9 =	simm.s32 $0x9E00  }
0x22: {  	s5 =	sadd.s32 s0, s5;
	[dreg:$0xe] =	wrdreg s8;
	s0 =	simm.s32 $0x80  }
0x23: {  	v1 =	vimm.f32 $0.0e+00;
	s8 =	simm.s32 $0x4F80;
	[dreg:$0xd] =	wrdreg s5;
	s5 =	simm.s32 $0x1  }
.LBB2_1:
0x24: {  	s14 =	simm.s32 $0x0;
	s15 =	rddreg [dreg:$0x3];
	s16 =	simm.s32 $0x5000  }
0x25: {  	[tilespmem:s16], [sflag:$0x2] =	stream.linear.gather [hbm4b:s15+s14], $0x5000, $0x38;
	[tilespmem:$0x1F160] =	vst v63  }
0x26: {  	_ =	swait.ge [sflag:s30], $0x5000  }
0x27: {  	[sflag:s30] =	ssyncset.done $0x0  }
0x28: {  	s17 =	rddreg [dreg:$0x4];
	[sflag:s30] =	ssyncadd.s32 $0xFFFFB000  }
0x29: {  	[tilespmem:s14], [sflag:$0x2] =	stream.linear.gather [hbm4b:s17+s14], $0x5000, $0x38;
	[tilespmem:$0x1F160] =	vst v63  }
0x2a: {  	_ =	swait.ge [sflag:s30], $0x5000  }
0x2b: {  	[sflag:s30] =	ssyncset.done $0x0  }
0x2c: {  	s14 =	simm.s32 $0x0;
	[sflag:s30] =	ssyncadd.s32 $0xFFFFB000  }
0x2d: {  	v4 =	vld [tilespmem:s14+$0x0]  }
0x2e: {  	v6 =	vld [tilespmem:s14+$0x10]  }
0x2f: {  	v5 =	vld [tilespmem:s14+$0x20]  }
0x30: {  	v3 =	vld [tilespmem:s14+$0x30]  }
0x31: {  	v2 =	vld [tilespmem:s14+$0x40]  }
0x32: {  	v7 =	vadd.s32 v0, v4;
	v4 =	vld [tilespmem:s14+$0x50]  }
0x33: {  	s15 =	simm.s32 $0x200;
	[tilespmem:s14+$0x0] =	vst v7;
	v7 =	vadd.s32 v0, v6;
	v6 =	vld [tilespmem:s14+$0x60]  }
.LBB2_2:
0x34: {  	s16 =	sshra.s32 s15, $0x2;
	p2 =	sne.s32 s15, $0x13E00;
	[tilespmem:s14+$0x10] =	vst v7;
	v5 =	vadd.s32 v0, v5;
	v7 =	vld [tilespmem:s14+$0x70]  }
0x35: {  	v8 =	vld [tilespmem:s16+$0x0];
	[tilespmem:s14+$0x20] =	vst v5;
	v3 =	vadd.s32 v0, v3  }
0x36: {  	v9 =	vld [tilespmem:s16+$0x10];
	[tilespmem:s14+$0x30] =	vst v3;
	v2 =	vadd.s32 v0, v2  }
.Ltmp0:
0x37: {  	v5 =	vld [tilespmem:s16+$0x20];
	[tilespmem:s14+$0x40] =	vst v2;
	v2 =	vadd.s32 v0, v4;
	(pc) =	sbr.rel @p2 .LBB2_2-.Ltmp0, $4  }
0x38: {  	v3 =	vld [tilespmem:s16+$0x30];
	[tilespmem:s14+$0x50] =	vst v2;
	v4 =	vadd.s32 v0, v6  }
0x39: {  	v2 =	vld [tilespmem:s16+$0x40];
	[tilespmem:s14+$0x60] =	vst v4;
	v6 =	vadd.s32 v0, v7  }
0x3a: {  	v7 =	vadd.s32 v0, v8;
	v4 =	vld [tilespmem:s16+$0x50];
	[tilespmem:s14+$0x70] =	vst v6;
	s14 =	smov.u32 s16  }
0x3b: {  	s15 =	sadd.s32 $0x200, s15;
	[tilespmem:s14+$0x0] =	vst v7;
	v7 =	vadd.s32 v0, v9;
	v6 =	vld [tilespmem:s14+$0x60]  }
0x3c: {  	[tilespmem:s14+$0x10] =	vst v7;
	v5 =	vadd.s32 v0, v5;
	v63 =	vld [tilespmem:s14+$0x70]  }
0x3d: {  	[tilespmem:s14+$0x20] =	vst v5;
	v3 =	vadd.s32 v0, v3  }
.Ltmp1:
0x3e: {  	[tilespmem:s14+$0x30] =	vst v3;
	v2 =	vadd.s32 v0, v2;
	(pc) =	sbr.rel @p0 .LBB2_7-.Ltmp1, $4  }
0x3f: {  	[tilespmem:s14+$0x40] =	vst v2;
	v2 =	vadd.s32 v0, v4  }
0x40: {  	[tilespmem:s14+$0x50] =	vst v2;
	v2 =	vadd.s32 v0, v6  }
0x41: {  	[tilespmem:s14+$0x60] =	vst v2;
	v2 =	vadd.s32 v0, v63  }
0x42: {  	[tilespmem:s14+$0x70] =	vst v2;
	s14 =	simm.s32 $0x0  }
0x43: {  	s15 =	sand.u32 $0xFF00, s14  }
0x44: {  	s16 =	sand.u32 $0x30, s14;
	s17 =	sshrl.u32 s15, $0x2  }
0x45: {  	s15 =	simm.s32 $0x40;
	s16 =	sor.u32 s16, s17  }
.LBB2_5:
0x46: {  	p2 =	sne.s32 s15, $0xC7C0  }
0x47: {  	[tilespmem:s16+$0x12000] =	vst v1;
	s14 =	sadd.s32 $0x10, s14;
	s16 =	smov.u32 s15;
	s15 =	sadd.s32 $0x40, s15  }
.Ltmp2:
0x48: {  	(pc) =	sbr.rel @p2 .LBB2_5-.Ltmp2, $4  }
0x49: {  	_ = 	snop  }
0x4a: {  	s16 =	sand.u32 $0xFF00, s16  }
0x4b: {  	s17 =	sand.u32 $0x30, s14;
	s16 =	sshrl.u32 s16, $0x2  }
0x4c: {  	s16 =	sor.u32 s17, s16  }
0x4d: {  	[tilespmem:s16+$0x12000] =	vst v1  }
0x4e: {  	[spmem:s7] =	stream.linear.scatter [tilespmem:s31], [sflag:$0x2], $0x3200, $0x38;
	[tilespmem:$0x1F160] =	vst v63  }
0x4f: {  	_ =	swait.ge [sflag:s30], $0x3200  }
0x50: {  	[sflag:s30] =	ssyncset.done $0x0  }
0x51: {  	s14 =	rddreg [dreg:$0x5];
	[sflag:s30] =	ssyncadd.s32 $0xFFFFCE00  }
0x52: {  	[spmem:s14] =	stream.linear.scatter [tilespmem:s31], [sflag:$0x2], $0x3200, $0x38;
	[tilespmem:$0x1F160] =	vst v63  }
0x53: {  	_ =	swait.ge [sflag:s30], $0x3200  }
0x54: {  	[sflag:s30] =	ssyncset.done $0x0  }
0x55: {  	[sflag:s30] =	ssyncadd.s32 $0xFFFFCE00  }
0x56: {  	[spmem:s19] =	stream.linear.scatter [tilespmem:s31], [sflag:$0x2], $0x3200, $0x38;
	[tilespmem:$0x1F160] =	vst v63  }
0x57: {  	_ =	swait.ge [sflag:s30], $0x3200  }
0x58: {  	[sflag:s30] =	ssyncset.done $0x0  }
.Ltmp3:
0x59: {  	[sflag:s30] =	ssyncadd.s32 $0xFFFFCE00;
	(pc) =	sbr.rel .LBB2_11-.Ltmp3, $4  }
0x5a: {  	[spmem:s25] =	stream.linear.scatter [tilespmem:s31], [sflag:$0x2], $0x3200, $0x38;
	[tilespmem:$0x1F160] =	vst v63  }
0x5b: {  	_ =	swait.ge [sflag:s30], $0x3200  }
0x5c: {  	[sflag:s30] =	ssyncset.done $0x0  }
0x5d: {  	s14 =	smov.u32 s26;
	[sflag:s30] =	ssyncadd.s32 $0xFFFFCE00  }
.LBB2_7:
.Ltmp4:
0x5e: {  	(pc) =	sbr.rel @p1 .LBB2_12-.Ltmp4, $2  }
0x5f: {  	_ =	sdelay $0x2  }
0x60: {  	s14 =	simm.s32 $0x0  }
0x61: {  	s15 =	sand.u32 $0xFF00, s14  }
0x62: {  	s16 =	sand.u32 $0x30, s14;
	s17 =	sshrl.u32 s15, $0x2  }
0x63: {  	s15 =	simm.s32 $0x40;
	s16 =	sor.u32 s16, s17  }
.LBB2_9:
0x64: {  	p2 =	sne.s32 s15, $0xC7C0  }
0x65: {  	[tilespmem:s16+$0x12000] =	vst v1;
	s14 =	sadd.s32 $0x10, s14;
	s16 =	smov.u32 s15;
	s15 =	sadd.s32 $0x40, s15  }
.Ltmp5:
0x66: {  	(pc) =	sbr.rel @p2 .LBB2_9-.Ltmp5, $4  }
0x67: {  	_ = 	snop  }
0x68: {  	s16 =	sand.u32 $0xFF00, s16  }
0x69: {  	s17 =	sand.u32 $0x30, s14;
	s16 =	sshrl.u32 s16, $0x2  }
0x6a: {  	s16 =	sor.u32 s17, s16  }
0x6b: {  	[tilespmem:s16+$0x12000] =	vst v1;
	s14 =	rddreg [dreg:$0xf]  }
.LBB2_11:
0x6c: {  	[spmem:s14] =	stream.linear.scatter [tilespmem:s31], [sflag:$0x2], $0x3200, $0x38;
	[tilespmem:$0x1F160] =	vst v63  }
0x6d: {  	_ =	swait.ge [sflag:s30], $0x3200  }
0x6e: {  	[sflag:s30] =	ssyncset.done $0x0  }
0x6f: {  	[sflag:s30] =	ssyncadd.s32 $0xFFFFCE00  }
.LBB2_12:
0x70: {  	[bflag:$0x0] =	sbarrier.arrive $0xFFFF;
	s14 =	simm.s32 $0x0  }
0x71: {  	[tilespmem:s1], [sflag:$0x1] =	stream.indirect.gather [hbm4b:s4+s0], $0x40, s14, s0, $0xb8;
	[tilespmem:$0x1F160] =	vst v63  }
0x72: {  	_ = 	snop  }
0x73: {  	[tilespmem:s29], [sflag:$0x1] =	stream.indirect.gather [hbm4b:s4+s0], $0x40, s0, s0, $0xb8;
	[tilespmem:$0x1F160] =	vst v63  }
0x74: {  	_ = 	snop  }
0x75: {  	[tilespmem:s3], [sflag:$0x1] =	stream.indirect.gather [hbm4b:s4+s0], $0x40, s28, s0, $0xb8;
	[tilespmem:$0x1F160] =	vst v63  }
0x76: {  	_ =	swait.ge [sflag:s5], $0x2000  }
0x77: {  	[sflag:s5] =	ssyncset.done $0x0  }
0x78: {  	s16 =	simm.s32 $0x180;
	[sflag:s5] =	ssyncadd.s32 $0xFFFFE000  }
0x79: {  	[tilespmem:s6], [sflag:$0x1] =	stream.indirect.gather [hbm4b:s4+s0], $0x40, s16, s0, $0xb8;
	[tilespmem:$0x1F160] =	vst v63  }
0x7a: {  	s17 =	simm.s32 $0x5000  }
0x7b: {  	[spmem:s2] =	stream.indirect.scatter.add.f32 [tilespmem:s1], [sflag:$0x2], $0x40, s17, s0, $0xb8;
	[tilespmem:$0x1F160] =	vst v63  }
0x7c: {  	_ =	swait.ge [sflag:s30], $0x2000  }
0x7d: {  	[sflag:s30] =	ssyncset.done $0x0  }
0x7e: {  	[sflag:s30] =	ssyncadd.s32 $0xFFFFE000  }
0x7f: {  	_ =	swait.ge [sflag:s5], $0x2000  }
0x80: {  	[sflag:s5] =	ssyncset.done $0x0  }
0x81: {  	s15 =	simm.s32 $0x200;
	[sflag:s5] =	ssyncadd.s32 $0xFFFFE000  }
0x82: {  	[tilespmem:s1], [sflag:$0x1] =	stream.indirect.gather [hbm4b:s4+s0], $0x40, s15, s0, $0xb8;
	[tilespmem:$0x1F160] =	vst v63  }
0x83: {  	s16 =	simm.s32 $0x5080  }
0x84: {  	[spmem:s2] =	stream.indirect.scatter.add.f32 [tilespmem:s29], [sflag:$0x2], $0x40, s16, s0, $0xb8;
	[tilespmem:$0x1F160] =	vst v63  }
0x85: {  	_ =	swait.ge [sflag:s30], $0x2000  }
0x86: {  	[sflag:s30] =	ssyncset.done $0x0  }
0x87: {  	[sflag:s30] =	ssyncadd.s32 $0xFFFFE000  }
0x88: {  	_ =	swait.ge [sflag:s5], $0x2000  }
0x89: {  	[sflag:s5] =	ssyncset.done $0x0  }
0x8a: {  	s17 =	simm.s32 $0x280;
	[sflag:s5] =	ssyncadd.s32 $0xFFFFE000  }
0x8b: {  	[tilespmem:s29], [sflag:$0x1] =	stream.indirect.gather [hbm4b:s4+s0], $0x40, s17, s0, $0xb8;
	[tilespmem:$0x1F160] =	vst v63  }
0x8c: {  	s15 =	simm.s32 $0x5100  }
0x8d: {  	[spmem:s2] =	stream.indirect.scatter.add.f32 [tilespmem:s3], [sflag:$0x2], $0x40, s15, s0, $0xb8;
	[tilespmem:$0x1F160] =	vst v63  }
0x8e: {  	_ =	swait.ge [sflag:s30], $0x2000  }
0x8f: {  	[sflag:s30] =	ssyncset.done $0x0  }
0x90: {  	[sflag:s30] =	ssyncadd.s32 $0xFFFFE000  }
0x91: {  	_ =	swait.ge [sflag:s5], $0x2000  }
0x92: {  	[sflag:s5] =	ssyncset.done $0x0  }
0x93: {  	s16 =	simm.s32 $0x300;
	[sflag:s5] =	ssyncadd.s32 $0xFFFFE000  }
0x94: {  	[tilespmem:s3], [sflag:$0x1] =	stream.indirect.gather [hbm4b:s4+s0], $0x40, s16, s0, $0xb8;
	[tilespmem:$0x1F160] =	vst v63  }
0x95: {  	s17 =	simm.s32 $0x5180  }
0x96: {  	[spmem:s2] =	stream.indirect.scatter.add.f32 [tilespmem:s6], [sflag:$0x2], $0x40, s17, s0, $0xb8;
	[tilespmem:$0x1F160] =	vst v63  }
0x97: {  	_ =	swait.ge [sflag:s30], $0x2000  }
0x98: {  	s14 =	simm.s32 $0x800;
	[sflag:s30] =	ssyncset.done $0x0  }
.LBB2_13:
0x99: {  	p2 =	sne.s32 s14, $0x13000  }
0x9a: {  	[sflag:s30] =	ssyncadd.s32 $0xFFFFE000;
	s15 =	smov.u32 s14;
	s14 =	sadd.s32 $0x800, s14  }
0x9b: {  	_ = 	snop  }
0x9c: {  	_ =	swait.ge [sflag:s5], $0x2000  }
0x9d: {  	s15 =	sshra.s32 s15, $0x2;
	[sflag:s5] =	ssyncset.done $0x0  }
0x9e: {  	s16 =	sadd.s32 $0x180, s15;
	[sflag:s5] =	ssyncadd.s32 $0xFFFFE000  }
0x9f: {  	[tilespmem:s6], [sflag:$0x1] =	stream.indirect.gather [hbm4b:s4+s0], $0x40, s16, s0, $0xb8;
	[tilespmem:$0x1F160] =	vst v63  }
0xa0: {  	s16 =	sadd.s32 $0x5000, s15  }
0xa1: {  	[spmem:s2] =	stream.indirect.scatter.add.f32 [tilespmem:s1], [sflag:$0x2], $0x40, s16, s0, $0xb8;
	[tilespmem:$0x1F160] =	vst v63  }
0xa2: {  	_ =	swait.ge [sflag:s30], $0x2000  }
0xa3: {  	[sflag:s30] =	ssyncset.done $0x0  }
0xa4: {  	[sflag:s30] =	ssyncadd.s32 $0xFFFFE000  }
0xa5: {  	_ =	swait.ge [sflag:s5], $0x2000  }
0xa6: {  	[sflag:s5] =	ssyncset.done $0x0  }
0xa7: {  	s16 =	sadd.s32 $0x200, s15;
	[sflag:s5] =	ssyncadd.s32 $0xFFFFE000  }
0xa8: {  	[tilespmem:s1], [sflag:$0x1] =	stream.indirect.gather [hbm4b:s4+s0], $0x40, s16, s0, $0xb8;
	[tilespmem:$0x1F160] =	vst v63  }
0xa9: {  	s16 =	sadd.s32 $0x5080, s15  }
0xaa: {  	[spmem:s2] =	stream.indirect.scatter.add.f32 [tilespmem:s29], [sflag:$0x2], $0x40, s16, s0, $0xb8;
	[tilespmem:$0x1F160] =	vst v63  }
0xab: {  	_ =	swait.ge [sflag:s30], $0x2000  }
0xac: {  	[sflag:s30] =	ssyncset.done $0x0  }
0xad: {  	[sflag:s30] =	ssyncadd.s32 $0xFFFFE000  }
0xae: {  	_ =	swait.ge [sflag:s5], $0x2000  }
0xaf: {  	[sflag:s5] =	ssyncset.done $0x0  }
0xb0: {  	s16 =	sadd.s32 $0x280, s15;
	[sflag:s5] =	ssyncadd.s32 $0xFFFFE000  }
0xb1: {  	[tilespmem:s29], [sflag:$0x1] =	stream.indirect.gather [hbm4b:s4+s0], $0x40, s16, s0, $0xb8;
	[tilespmem:$0x1F160] =	vst v63  }
0xb2: {  	s16 =	sadd.s32 $0x5100, s15  }
0xb3: {  	[spmem:s2] =	stream.indirect.scatter.add.f32 [tilespmem:s3], [sflag:$0x2], $0x40, s16, s0, $0xb8;
	[tilespmem:$0x1F160] =	vst v63  }
0xb4: {  	_ =	swait.ge [sflag:s30], $0x2000  }
0xb5: {  	[sflag:s30] =	ssyncset.done $0x0  }
0xb6: {  	[sflag:s30] =	ssyncadd.s32 $0xFFFFE000  }
0xb7: {  	_ =	swait.ge [sflag:s5], $0x2000  }
0xb8: {  	[sflag:s5] =	ssyncset.done $0x0  }
0xb9: {  	s16 =	sadd.s32 $0x300, s15;
	[sflag:s5] =	ssyncadd.s32 $0xFFFFE000  }
0xba: {  	[tilespmem:s3], [sflag:$0x1] =	stream.indirect.gather [hbm4b:s4+s0], $0x40, s16, s0, $0xb8;
	[tilespmem:$0x1F160] =	vst v63  }
.Ltmp6:
0xbb: {  	_ = 	snop;
	(pc) =	sbr.rel @p2 .LBB2_13-.Ltmp6, $4  }
0xbc: {  	s15 =	sadd.s32 $0x5180, s15  }
0xbd: {  	[spmem:s2] =	stream.indirect.scatter.add.f32 [tilespmem:s6], [sflag:$0x2], $0x40, s15, s0, $0xb8;
	[tilespmem:$0x1F160] =	vst v63  }
0xbe: {  	_ =	swait.ge [sflag:s30], $0x2000  }
0xbf: {  	[sflag:s30] =	ssyncset.done $0x0  }
0xc0: {  	[sflag:s30] =	ssyncadd.s32 $0xFFFFE000  }
0xc1: {  	_ =	swait.ge [sflag:s5], $0x2000  }
0xc2: {  	[sflag:s5] =	ssyncset.done $0x0  }
0xc3: {  	[sflag:s5] =	ssyncadd.s32 $0xFFFFE000  }
0xc4: {  	[tilespmem:s6], [sflag:$0x1] =	stream.indirect.gather [hbm4b:s4+s0], $0x40, s8, s0, $0xb8;
	[tilespmem:$0x1F160] =	vst v63  }
0xc5: {  	_ = 	snop  }
0xc6: {  	[spmem:s2] =	stream.indirect.scatter.add.f32 [tilespmem:s1], [sflag:$0x2], $0x40, s9, s0, $0xb8;
	[tilespmem:$0x1F160] =	vst v63  }
0xc7: {  	_ =	swait.ge [sflag:s30], $0x2000  }
0xc8: {  	[sflag:s30] =	ssyncset.done $0x0  }
0xc9: {  	[sflag:s30] =	ssyncadd.s32 $0xFFFFE000  }
0xca: {  	_ =	swait.ge [sflag:s5], $0x2000  }
0xcb: {  	[sflag:s5] =	ssyncset.done $0x0  }
0xcc: {  	[sflag:s5] =	ssyncadd.s32 $0xFFFFE000  }
0xcd: {  	[spmem:s2] =	stream.indirect.scatter.add.f32 [tilespmem:s29], [sflag:$0x2], $0x40, s10, s0, $0xb8;
	[tilespmem:$0x1F160] =	vst v63  }
0xce: {  	_ =	swait.ge [sflag:s30], $0x2000  }
0xcf: {  	[sflag:s30] =	ssyncset.done $0x0  }
0xd0: {  	[sflag:s30] =	ssyncadd.s32 $0xFFFFE000  }
0xd1: {  	_ =	swait.ge [sflag:s5], $0x2000  }
0xd2: {  	[sflag:s5] =	ssyncset.done $0x0  }
0xd3: {  	[sflag:s5] =	ssyncadd.s32 $0xFFFFE000  }
0xd4: {  	[spmem:s2] =	stream.indirect.scatter.add.f32 [tilespmem:s3], [sflag:$0x2], $0x40, s11, s0, $0xb8;
	[tilespmem:$0x1F160] =	vst v63  }
0xd5: {  	_ =	swait.ge [sflag:s30], $0x2000  }
0xd6: {  	[sflag:s30] =	ssyncset.done $0x0  }
0xd7: {  	[sflag:s30] =	ssyncadd.s32 $0xFFFFE000  }
0xd8: {  	_ =	swait.ge [sflag:s5], $0x2000  }
0xd9: {  	[sflag:s5] =	ssyncset.done $0x0  }
0xda: {  	[sflag:s5] =	ssyncadd.s32 $0xFFFFE000  }
0xdb: {  	[spmem:s2] =	stream.indirect.scatter.add.f32 [tilespmem:s6], [sflag:$0x2], $0x40, s12, s0, $0xb8;
	[tilespmem:$0x1F160] =	vst v63  }
0xdc: {  	_ =	swait.ge [sflag:s30], $0x2000  }
0xdd: {  	[sflag:s30] =	ssyncset.done $0x0  }
0xde: {  	[sflag:s30] =	ssyncadd.s32 $0xFFFFE000  }
0xdf: {  	s14 =	simm.s32 @!p0 $0x12000;
	s15 =	simm.s32 @!p0 $0x2;
	[bflag:$0x0] =	sbarrier.arrive $0xFFFF  }
0xe0: {  	[tilespmem:s14], [sflag:$0x2] =	stream.linear.gather @!p0 [spmem:s7], $0x3200, $0x38;
	[tilespmem:$0x1F160] =	vst v63  }
0xe1: {  	_ =	swait.ge @!p0 [sflag:s15], $0x3200  }
0xe2: {  	[sflag:s15] =	ssyncset.done @!p0 $0x0  }
0xe3: {  	s16 =	simm.s32 @!p0 $0x0;
	s17 =	rddreg [dreg:$0x6];
	[sflag:s15] =	ssyncadd.s32 @!p0 $0xFFFFCE00  }
0xe4: {  	[hbm4b:s17+s16] =	stream.linear.scatter @!p0 [tilespmem:s14], [sflag:$0x2], $0x3200, $0x38;
	[tilespmem:$0x1F160] =	vst v63  }
0xe5: {  	_ =	swait.ge @!p0 [sflag:s15], $0x3200  }
0xe6: {  	[sflag:s15] =	ssyncset.done @!p0 $0x0  }
0xe7: {  	[sflag:s15] =	ssyncadd.s32 @!p0 $0xFFFFCE00  }
0xe8: {  	[tilespmem:s14], [sflag:$0x2] =	stream.linear.gather @!p0 [spmem:s21], $0x3200, $0x38;
	[tilespmem:$0x1F160] =	vst v63  }
0xe9: {  	_ =	swait.ge @!p0 [sflag:s15], $0x3200  }
0xea: {  	[sflag:s15] =	ssyncset.done @!p0 $0x0  }
0xeb: {  	s17 =	rddreg [dreg:$0x7];
	[sflag:s15] =	ssyncadd.s32 @!p0 $0xFFFFCE00  }
0xec: {  	[hbm4b:s17+s16] =	stream.linear.scatter @!p0 [tilespmem:s14], [sflag:$0x2], $0x3200, $0x38;
	[tilespmem:$0x1F160] =	vst v63  }
0xed: {  	_ =	swait.ge @!p0 [sflag:s15], $0x3200  }
0xee: {  	[sflag:s15] =	ssyncset.done @!p0 $0x0  }
0xef: {  	[sflag:s15] =	ssyncadd.s32 @!p0 $0xFFFFCE00  }
0xf0: {  	[tilespmem:s14], [sflag:$0x2] =	stream.linear.gather @!p0 [spmem:s22], $0x3200, $0x38;
	[tilespmem:$0x1F160] =	vst v63  }
0xf1: {  	_ =	swait.ge @!p0 [sflag:s15], $0x3200  }
0xf2: {  	[sflag:s15] =	ssyncset.done @!p0 $0x0  }
0xf3: {  	s17 =	rddreg [dreg:$0x8];
	[sflag:s15] =	ssyncadd.s32 @!p0 $0xFFFFCE00  }
0xf4: {  	[hbm4b:s17+s16] =	stream.linear.scatter @!p0 [tilespmem:s14], [sflag:$0x2], $0x3200, $0x38;
	[tilespmem:$0x1F160] =	vst v63  }
0xf5: {  	_ =	swait.ge @!p0 [sflag:s15], $0x3200  }
0xf6: {  	[sflag:s15] =	ssyncset.done @!p0 $0x0  }
0xf7: {  	[sflag:s15] =	ssyncadd.s32 @!p0 $0xFFFFCE00  }
0xf8: {  	[tilespmem:s14], [sflag:$0x2] =	stream.linear.gather @!p0 [spmem:s23], $0x3200, $0x38;
	[tilespmem:$0x1F160] =	vst v63  }
0xf9: {  	_ =	swait.ge @!p0 [sflag:s15], $0x3200  }
0xfa: {  	[sflag:s15] =	ssyncset.done @!p0 $0x0  }
0xfb: {  	s17 =	rddreg [dreg:$0x9];
	[sflag:s15] =	ssyncadd.s32 @!p0 $0xFFFFCE00  }
0xfc: {  	[hbm4b:s17+s16] =	stream.linear.scatter @!p0 [tilespmem:s14], [sflag:$0x2], $0x3200, $0x38;
	[tilespmem:$0x1F160] =	vst v63  }
0xfd: {  	_ =	swait.ge @!p0 [sflag:s15], $0x3200  }
0xfe: {  	[sflag:s15] =	ssyncset.done @!p0 $0x0  }
0xff: {  	[sflag:s15] =	ssyncadd.s32 @!p0 $0xFFFFCE00  }
0x100: {  	[tilespmem:s14], [sflag:$0x2] =	stream.linear.gather @!p0 [spmem:s24], $0x3200, $0x38;
	[tilespmem:$0x1F160] =	vst v63  }
0x101: {  	_ =	swait.ge @!p0 [sflag:s15], $0x3200  }
0x102: {  	[sflag:s15] =	ssyncset.done @!p0 $0x0  }
0x103: {  	s17 =	rddreg [dreg:$0xa];
	[sflag:s15] =	ssyncadd.s32 @!p0 $0xFFFFCE00  }
0x104: {  	[hbm4b:s17+s16] =	stream.linear.scatter @!p0 [tilespmem:s14], [sflag:$0x2], $0x3200, $0x38;
	[tilespmem:$0x1F160] =	vst v63  }
0x105: {  	_ =	swait.ge @!p0 [sflag:s15], $0x3200  }
0x106: {  	[sflag:s15] =	ssyncset.done @!p0 $0x0  }
0x107: {  	[sflag:s15] =	ssyncadd.s32 @!p0 $0xFFFFCE00  }
0x108: {  	s14 =	simm.s32 $0x0;
	[bflag:$0x0] =	sbarrier.arrive $0xFFFF  }
0x109: {  	v4 =	vld [tilespmem:s14+$0x0]  }
0x10a: {  	v6 =	vld [tilespmem:s14+$0x10]  }
0x10b: {  	v5 =	vld [tilespmem:s14+$0x20]  }
0x10c: {  	v3 =	vld [tilespmem:s14+$0x30]  }
0x10d: {  	v2 =	vld [tilespmem:s14+$0x40]  }
0x10e: {  	v7 =	vadd.s32 $0x2710, v4;
	v4 =	vld [tilespmem:s14+$0x50]  }
0x10f: {  	s15 =	simm.s32 $0x200;
	[tilespmem:s14+$0x0] =	vst v7;
	v7 =	vadd.s32 $0x2710, v6;
	v6 =	vld [tilespmem:s14+$0x60]  }
.LBB2_15:
0x110: {  	s16 =	sshra.s32 s15, $0x2;
	p2 =	sne.s32 s15, $0x13E00;
	[tilespmem:s14+$0x10] =	vst v7;
	v5 =	vadd.s32 $0x2710, v5;
	v7 =	vld [tilespmem:s14+$0x70]  }
0x111: {  	v8 =	vld [tilespmem:s16+$0x0];
	[tilespmem:s14+$0x20] =	vst v5;
	v3 =	vadd.s32 $0x2710, v3  }
0x112: {  	v9 =	vld [tilespmem:s16+$0x10];
	[tilespmem:s14+$0x30] =	vst v3;
	v2 =	vadd.s32 $0x2710, v2  }
.Ltmp7:
0x113: {  	v5 =	vld [tilespmem:s16+$0x20];
	[tilespmem:s14+$0x40] =	vst v2;
	v2 =	vadd.s32 $0x2710, v4;
	(pc) =	sbr.rel @p2 .LBB2_15-.Ltmp7, $4  }
0x114: {  	v3 =	vld [tilespmem:s16+$0x30];
	[tilespmem:s14+$0x50] =	vst v2;
	v4 =	vadd.s32 $0x2710, v6  }
0x115: {  	v2 =	vld [tilespmem:s16+$0x40];
	[tilespmem:s14+$0x60] =	vst v4;
	v6 =	vadd.s32 $0x2710, v7  }
0x116: {  	v7 =	vadd.s32 $0x2710, v8;
	v4 =	vld [tilespmem:s16+$0x50];
	[tilespmem:s14+$0x70] =	vst v6;
	s14 =	smov.u32 s16  }
0x117: {  	s15 =	sadd.s32 $0x200, s15;
	[tilespmem:s14+$0x0] =	vst v7;
	v7 =	vadd.s32 $0x2710, v9;
	v6 =	vld [tilespmem:s14+$0x60]  }
0x118: {  	[tilespmem:s14+$0x10] =	vst v7;
	v5 =	vadd.s32 $0x2710, v5;
	v63 =	vld [tilespmem:s14+$0x70]  }
0x119: {  	[tilespmem:s14+$0x20] =	vst v5;
	v3 =	vadd.s32 $0x2710, v3  }
.Ltmp8:
0x11a: {  	[tilespmem:s14+$0x30] =	vst v3;
	v2 =	vadd.s32 $0x2710, v2;
	(pc) =	sbr.rel @p0 .LBB2_20-.Ltmp8, $4  }
0x11b: {  	[tilespmem:s14+$0x40] =	vst v2;
	v2 =	vadd.s32 $0x2710, v4  }
0x11c: {  	[tilespmem:s14+$0x50] =	vst v2;
	v2 =	vadd.s32 $0x2710, v6  }
0x11d: {  	[tilespmem:s14+$0x60] =	vst v2;
	v2 =	vadd.s32 $0x2710, v63  }
0x11e: {  	[tilespmem:s14+$0x70] =	vst v2;
	s14 =	simm.s32 $0x0  }
0x11f: {  	s15 =	sand.u32 $0xFF00, s14  }
0x120: {  	s16 =	sand.u32 $0x30, s14;
	s17 =	sshrl.u32 s15, $0x2  }
0x121: {  	s15 =	simm.s32 $0x40;
	s16 =	sor.u32 s16, s17  }
.LBB2_18:
0x122: {  	p2 =	sne.s32 s15, $0xC7C0  }
0x123: {  	[tilespmem:s16+$0x12000] =	vst v1;
	s14 =	sadd.s32 $0x10, s14;
	s16 =	smov.u32 s15;
	s15 =	sadd.s32 $0x40, s15  }
.Ltmp9:
0x124: {  	(pc) =	sbr.rel @p2 .LBB2_18-.Ltmp9, $4  }
0x125: {  	_ = 	snop  }
0x126: {  	s16 =	sand.u32 $0xFF00, s16  }
0x127: {  	s17 =	sand.u32 $0x30, s14;
	s16 =	sshrl.u32 s16, $0x2  }
0x128: {  	s16 =	sor.u32 s17, s16  }
0x129: {  	[tilespmem:s16+$0x12000] =	vst v1  }
0x12a: {  	[spmem:s7] =	stream.linear.scatter [tilespmem:s31], [sflag:$0x2], $0x3200, $0x38;
	[tilespmem:$0x1F160] =	vst v63  }
0x12b: {  	_ =	swait.ge [sflag:s30], $0x3200  }
0x12c: {  	[sflag:s30] =	ssyncset.done $0x0  }
0x12d: {  	s14 =	rddreg [dreg:$0x5];
	[sflag:s30] =	ssyncadd.s32 $0xFFFFCE00  }
0x12e: {  	[spmem:s14] =	stream.linear.scatter [tilespmem:s31], [sflag:$0x2], $0x3200, $0x38;
	[tilespmem:$0x1F160] =	vst v63  }
0x12f: {  	_ =	swait.ge [sflag:s30], $0x3200  }
0x130: {  	[sflag:s30] =	ssyncset.done $0x0  }
0x131: {  	[sflag:s30] =	ssyncadd.s32 $0xFFFFCE00  }
0x132: {  	[spmem:s19] =	stream.linear.scatter [tilespmem:s31], [sflag:$0x2], $0x3200, $0x38;
	[tilespmem:$0x1F160] =	vst v63  }
0x133: {  	_ =	swait.ge [sflag:s30], $0x3200  }
0x134: {  	[sflag:s30] =	ssyncset.done $0x0  }
.Ltmp10:
0x135: {  	[sflag:s30] =	ssyncadd.s32 $0xFFFFCE00;
	(pc) =	sbr.rel .LBB2_24-.Ltmp10, $4  }
0x136: {  	[spmem:s25] =	stream.linear.scatter [tilespmem:s31], [sflag:$0x2], $0x3200, $0x38;
	[tilespmem:$0x1F160] =	vst v63  }
0x137: {  	_ =	swait.ge [sflag:s30], $0x3200  }
0x138: {  	[sflag:s30] =	ssyncset.done $0x0  }
0x139: {  	s14 =	smov.u32 s26;
	[sflag:s30] =	ssyncadd.s32 $0xFFFFCE00  }
.LBB2_20:
.Ltmp11:
0x13a: {  	(pc) =	sbr.rel @p1 .LBB2_25-.Ltmp11, $2  }
0x13b: {  	_ =	sdelay $0x2  }
0x13c: {  	s14 =	simm.s32 $0x0  }
0x13d: {  	s15 =	sand.u32 $0xFF00, s14  }
0x13e: {  	s16 =	sand.u32 $0x30, s14;
	s17 =	sshrl.u32 s15, $0x2  }
0x13f: {  	s15 =	simm.s32 $0x40;
	s16 =	sor.u32 s16, s17  }
.LBB2_22:
0x140: {  	p2 =	sne.s32 s15, $0xC7C0  }
0x141: {  	[tilespmem:s16+$0x12000] =	vst v1;
	s14 =	sadd.s32 $0x10, s14;
	s16 =	smov.u32 s15;
	s15 =	sadd.s32 $0x40, s15  }
.Ltmp12:
0x142: {  	(pc) =	sbr.rel @p2 .LBB2_22-.Ltmp12, $4  }
0x143: {  	_ = 	snop  }
0x144: {  	s16 =	sand.u32 $0xFF00, s16  }
0x145: {  	s17 =	sand.u32 $0x30, s14;
	s16 =	sshrl.u32 s16, $0x2  }
0x146: {  	s16 =	sor.u32 s17, s16  }
0x147: {  	[tilespmem:s16+$0x12000] =	vst v1;
	s14 =	rddreg [dreg:$0xf]  }
.LBB2_24:
0x148: {  	[spmem:s14] =	stream.linear.scatter [tilespmem:s31], [sflag:$0x2], $0x3200, $0x38;
	[tilespmem:$0x1F160] =	vst v63  }
0x149: {  	_ =	swait.ge [sflag:s30], $0x3200  }
0x14a: {  	[sflag:s30] =	ssyncset.done $0x0  }
0x14b: {  	[sflag:s30] =	ssyncadd.s32 $0xFFFFCE00  }
.LBB2_25:
0x14c: {  	[bflag:$0x0] =	sbarrier.arrive $0xFFFF;
	s14 =	simm.s32 $0x0  }
0x14d: {  	[tilespmem:s1], [sflag:$0x1] =	stream.indirect.gather [hbm4b:s4+s0], $0x40, s14, s0, $0xb8;
	[tilespmem:$0x1F160] =	vst v63  }
0x14e: {  	_ = 	snop  }
0x14f: {  	[tilespmem:s29], [sflag:$0x1] =	stream.indirect.gather [hbm4b:s4+s0], $0x40, s0, s0, $0xb8;
	[tilespmem:$0x1F160] =	vst v63  }
0x150: {  	_ = 	snop  }
0x151: {  	[tilespmem:s3], [sflag:$0x1] =	stream.indirect.gather [hbm4b:s4+s0], $0x40, s28, s0, $0xb8;
	[tilespmem:$0x1F160] =	vst v63  }
0x152: {  	_ =	swait.ge [sflag:s5], $0x2000  }
0x153: {  	[sflag:s5] =	ssyncset.done $0x0  }
0x154: {  	s16 =	simm.s32 $0x180;
	[sflag:s5] =	ssyncadd.s32 $0xFFFFE000  }
0x155: {  	[tilespmem:s6], [sflag:$0x1] =	stream.indirect.gather [hbm4b:s4+s0], $0x40, s16, s0, $0xb8;
	[tilespmem:$0x1F160] =	vst v63  }
0x156: {  	s17 =	simm.s32 $0x5000  }
0x157: {  	[spmem:s2] =	stream.indirect.scatter.add.f32 [tilespmem:s1], [sflag:$0x2], $0x40, s17, s0, $0xb8;
	[tilespmem:$0x1F160] =	vst v63  }
0x158: {  	_ =	swait.ge [sflag:s30], $0x2000  }
0x159: {  	[sflag:s30] =	ssyncset.done $0x0  }
0x15a: {  	[sflag:s30] =	ssyncadd.s32 $0xFFFFE000  }
0x15b: {  	_ =	swait.ge [sflag:s5], $0x2000  }
0x15c: {  	[sflag:s5] =	ssyncset.done $0x0  }
0x15d: {  	s15 =	simm.s32 $0x200;
	[sflag:s5] =	ssyncadd.s32 $0xFFFFE000  }
0x15e: {  	[tilespmem:s1], [sflag:$0x1] =	stream.indirect.gather [hbm4b:s4+s0], $0x40, s15, s0, $0xb8;
	[tilespmem:$0x1F160] =	vst v63  }
0x15f: {  	s16 =	simm.s32 $0x5080  }
0x160: {  	[spmem:s2] =	stream.indirect.scatter.add.f32 [tilespmem:s29], [sflag:$0x2], $0x40, s16, s0, $0xb8;
	[tilespmem:$0x1F160] =	vst v63  }
0x161: {  	_ =	swait.ge [sflag:s30], $0x2000  }
0x162: {  	[sflag:s30] =	ssyncset.done $0x0  }
0x163: {  	[sflag:s30] =	ssyncadd.s32 $0xFFFFE000  }
0x164: {  	_ =	swait.ge [sflag:s5], $0x2000  }
0x165: {  	[sflag:s5] =	ssyncset.done $0x0  }
0x166: {  	s17 =	simm.s32 $0x280;
	[sflag:s5] =	ssyncadd.s32 $0xFFFFE000  }
0x167: {  	[tilespmem:s29], [sflag:$0x1] =	stream.indirect.gather [hbm4b:s4+s0], $0x40, s17, s0, $0xb8;
	[tilespmem:$0x1F160] =	vst v63  }
0x168: {  	s15 =	simm.s32 $0x5100  }
0x169: {  	[spmem:s2] =	stream.indirect.scatter.add.f32 [tilespmem:s3], [sflag:$0x2], $0x40, s15, s0, $0xb8;
	[tilespmem:$0x1F160] =	vst v63  }
0x16a: {  	_ =	swait.ge [sflag:s30], $0x2000  }
0x16b: {  	[sflag:s30] =	ssyncset.done $0x0  }
0x16c: {  	[sflag:s30] =	ssyncadd.s32 $0xFFFFE000  }
0x16d: {  	_ =	swait.ge [sflag:s5], $0x2000  }
0x16e: {  	[sflag:s5] =	ssyncset.done $0x0  }
0x16f: {  	s16 =	simm.s32 $0x300;
	[sflag:s5] =	ssyncadd.s32 $0xFFFFE000  }
0x170: {  	[tilespmem:s3], [sflag:$0x1] =	stream.indirect.gather [hbm4b:s4+s0], $0x40, s16, s0, $0xb8;
	[tilespmem:$0x1F160] =	vst v63  }
0x171: {  	s17 =	simm.s32 $0x5180  }
0x172: {  	[spmem:s2] =	stream.indirect.scatter.add.f32 [tilespmem:s6], [sflag:$0x2], $0x40, s17, s0, $0xb8;
	[tilespmem:$0x1F160] =	vst v63  }
0x173: {  	_ =	swait.ge [sflag:s30], $0x2000  }
0x174: {  	s14 =	simm.s32 $0x800;
	[sflag:s30] =	ssyncset.done $0x0  }
.LBB2_26:
0x175: {  	p2 =	sne.s32 s14, $0x13000  }
0x176: {  	[sflag:s30] =	ssyncadd.s32 $0xFFFFE000;
	s15 =	smov.u32 s14;
	s14 =	sadd.s32 $0x800, s14  }
0x177: {  	_ = 	snop  }
0x178: {  	_ =	swait.ge [sflag:s5], $0x2000  }
0x179: {  	s15 =	sshra.s32 s15, $0x2;
	[sflag:s5] =	ssyncset.done $0x0  }
0x17a: {  	s16 =	sadd.s32 $0x180, s15;
	[sflag:s5] =	ssyncadd.s32 $0xFFFFE000  }
0x17b: {  	[tilespmem:s6], [sflag:$0x1] =	stream.indirect.gather [hbm4b:s4+s0], $0x40, s16, s0, $0xb8;
	[tilespmem:$0x1F160] =	vst v63  }
0x17c: {  	s16 =	sadd.s32 $0x5000, s15  }
0x17d: {  	[spmem:s2] =	stream.indirect.scatter.add.f32 [tilespmem:s1], [sflag:$0x2], $0x40, s16, s0, $0xb8;
	[tilespmem:$0x1F160] =	vst v63  }
0x17e: {  	_ =	swait.ge [sflag:s30], $0x2000  }
0x17f: {  	[sflag:s30] =	ssyncset.done $0x0  }
0x180: {  	[sflag:s30] =	ssyncadd.s32 $0xFFFFE000  }
0x181: {  	_ =	swait.ge [sflag:s5], $0x2000  }
0x182: {  	[sflag:s5] =	ssyncset.done $0x0  }
0x183: {  	s16 =	sadd.s32 $0x200, s15;
	[sflag:s5] =	ssyncadd.s32 $0xFFFFE000  }
0x184: {  	[tilespmem:s1], [sflag:$0x1] =	stream.indirect.gather [hbm4b:s4+s0], $0x40, s16, s0, $0xb8;
	[tilespmem:$0x1F160] =	vst v63  }
0x185: {  	s16 =	sadd.s32 $0x5080, s15  }
0x186: {  	[spmem:s2] =	stream.indirect.scatter.add.f32 [tilespmem:s29], [sflag:$0x2], $0x40, s16, s0, $0xb8;
	[tilespmem:$0x1F160] =	vst v63  }
0x187: {  	_ =	swait.ge [sflag:s30], $0x2000  }
0x188: {  	[sflag:s30] =	ssyncset.done $0x0  }
0x189: {  	[sflag:s30] =	ssyncadd.s32 $0xFFFFE000  }
0x18a: {  	_ =	swait.ge [sflag:s5], $0x2000  }
0x18b: {  	[sflag:s5] =	ssyncset.done $0x0  }
0x18c: {  	s16 =	sadd.s32 $0x280, s15;
	[sflag:s5] =	ssyncadd.s32 $0xFFFFE000  }
0x18d: {  	[tilespmem:s29], [sflag:$0x1] =	stream.indirect.gather [hbm4b:s4+s0], $0x40, s16, s0, $0xb8;
	[tilespmem:$0x1F160] =	vst v63  }
0x18e: {  	s16 =	sadd.s32 $0x5100, s15  }
0x18f: {  	[spmem:s2] =	stream.indirect.scatter.add.f32 [tilespmem:s3], [sflag:$0x2], $0x40, s16, s0, $0xb8;
	[tilespmem:$0x1F160] =	vst v63  }
0x190: {  	_ =	swait.ge [sflag:s30], $0x2000  }
0x191: {  	[sflag:s30] =	ssyncset.done $0x0  }
0x192: {  	[sflag:s30] =	ssyncadd.s32 $0xFFFFE000  }
0x193: {  	_ =	swait.ge [sflag:s5], $0x2000  }
0x194: {  	[sflag:s5] =	ssyncset.done $0x0  }
0x195: {  	s16 =	sadd.s32 $0x300, s15;
	[sflag:s5] =	ssyncadd.s32 $0xFFFFE000  }
0x196: {  	[tilespmem:s3], [sflag:$0x1] =	stream.indirect.gather [hbm4b:s4+s0], $0x40, s16, s0, $0xb8;
	[tilespmem:$0x1F160] =	vst v63  }
.Ltmp13:
0x197: {  	_ = 	snop;
	(pc) =	sbr.rel @p2 .LBB2_26-.Ltmp13, $4  }
0x198: {  	s15 =	sadd.s32 $0x5180, s15  }
0x199: {  	[spmem:s2] =	stream.indirect.scatter.add.f32 [tilespmem:s6], [sflag:$0x2], $0x40, s15, s0, $0xb8;
	[tilespmem:$0x1F160] =	vst v63  }
0x19a: {  	_ =	swait.ge [sflag:s30], $0x2000  }
0x19b: {  	[sflag:s30] =	ssyncset.done $0x0  }
0x19c: {  	[sflag:s30] =	ssyncadd.s32 $0xFFFFE000  }
0x19d: {  	_ =	swait.ge [sflag:s5], $0x2000  }
0x19e: {  	[sflag:s5] =	ssyncset.done $0x0  }
0x19f: {  	[sflag:s5] =	ssyncadd.s32 $0xFFFFE000  }
0x1a0: {  	[tilespmem:s6], [sflag:$0x1] =	stream.indirect.gather [hbm4b:s4+s0], $0x40, s8, s0, $0xb8;
	[tilespmem:$0x1F160] =	vst v63  }
0x1a1: {  	_ = 	snop  }
0x1a2: {  	[spmem:s2] =	stream.indirect.scatter.add.f32 [tilespmem:s1], [sflag:$0x2], $0x40, s9, s0, $0xb8;
	[tilespmem:$0x1F160] =	vst v63  }
0x1a3: {  	_ =	swait.ge [sflag:s30], $0x2000  }
0x1a4: {  	[sflag:s30] =	ssyncset.done $0x0  }
0x1a5: {  	[sflag:s30] =	ssyncadd.s32 $0xFFFFE000  }
0x1a6: {  	_ =	swait.ge [sflag:s5], $0x2000  }
0x1a7: {  	[sflag:s5] =	ssyncset.done $0x0  }
0x1a8: {  	[sflag:s5] =	ssyncadd.s32 $0xFFFFE000  }
0x1a9: {  	[spmem:s2] =	stream.indirect.scatter.add.f32 [tilespmem:s29], [sflag:$0x2], $0x40, s10, s0, $0xb8;
	[tilespmem:$0x1F160] =	vst v63  }
0x1aa: {  	_ =	swait.ge [sflag:s30], $0x2000  }
0x1ab: {  	[sflag:s30] =	ssyncset.done $0x0  }
0x1ac: {  	[sflag:s30] =	ssyncadd.s32 $0xFFFFE000  }
0x1ad: {  	_ =	swait.ge [sflag:s5], $0x2000  }
0x1ae: {  	[sflag:s5] =	ssyncset.done $0x0  }
0x1af: {  	[sflag:s5] =	ssyncadd.s32 $0xFFFFE000  }
0x1b0: {  	[spmem:s2] =	stream.indirect.scatter.add.f32 [tilespmem:s3], [sflag:$0x2], $0x40, s11, s0, $0xb8;
	[tilespmem:$0x1F160] =	vst v63  }
0x1b1: {  	_ =	swait.ge [sflag:s30], $0x2000  }
0x1b2: {  	[sflag:s30] =	ssyncset.done $0x0  }
0x1b3: {  	[sflag:s30] =	ssyncadd.s32 $0xFFFFE000  }
0x1b4: {  	_ =	swait.ge [sflag:s5], $0x2000  }
0x1b5: {  	[sflag:s5] =	ssyncset.done $0x0  }
0x1b6: {  	[sflag:s5] =	ssyncadd.s32 $0xFFFFE000  }
0x1b7: {  	[spmem:s2] =	stream.indirect.scatter.add.f32 [tilespmem:s6], [sflag:$0x2], $0x40, s12, s0, $0xb8;
	[tilespmem:$0x1F160] =	vst v63  }
0x1b8: {  	_ =	swait.ge [sflag:s30], $0x2000  }
0x1b9: {  	[sflag:s30] =	ssyncset.done $0x0  }
0x1ba: {  	[sflag:s30] =	ssyncadd.s32 $0xFFFFE000  }
0x1bb: {  	s14 =	simm.s32 @!p0 $0x12000;
	s15 =	simm.s32 @!p0 $0x2;
	[bflag:$0x0] =	sbarrier.arrive $0xFFFF  }
0x1bc: {  	[tilespmem:s14], [sflag:$0x2] =	stream.linear.gather @!p0 [spmem:s7], $0x3200, $0x38;
	[tilespmem:$0x1F160] =	vst v63  }
0x1bd: {  	_ =	swait.ge @!p0 [sflag:s15], $0x3200  }
0x1be: {  	[sflag:s15] =	ssyncset.done @!p0 $0x0  }
0x1bf: {  	s16 =	simm.s32 @!p0 $0x0;
	s17 =	rddreg [dreg:$0xb];
	[sflag:s15] =	ssyncadd.s32 @!p0 $0xFFFFCE00  }
0x1c0: {  	[hbm4b:s17+s16] =	stream.linear.scatter @!p0 [tilespmem:s14], [sflag:$0x2], $0x3200, $0x38;
	[tilespmem:$0x1F160] =	vst v63  }
0x1c1: {  	_ =	swait.ge @!p0 [sflag:s15], $0x3200  }
0x1c2: {  	[sflag:s15] =	ssyncset.done @!p0 $0x0  }
0x1c3: {  	[sflag:s15] =	ssyncadd.s32 @!p0 $0xFFFFCE00  }
0x1c4: {  	[tilespmem:s14], [sflag:$0x2] =	stream.linear.gather @!p0 [spmem:s21], $0x3200, $0x38;
	[tilespmem:$0x1F160] =	vst v63  }
0x1c5: {  	_ =	swait.ge @!p0 [sflag:s15], $0x3200  }
0x1c6: {  	[sflag:s15] =	ssyncset.done @!p0 $0x0  }
0x1c7: {  	s17 =	rddreg [dreg:$0xc];
	[sflag:s15] =	ssyncadd.s32 @!p0 $0xFFFFCE00  }
0x1c8: {  	[hbm4b:s17+s16] =	stream.linear.scatter @!p0 [tilespmem:s14], [sflag:$0x2], $0x3200, $0x38;
	[tilespmem:$0x1F160] =	vst v63  }
0x1c9: {  	_ =	swait.ge @!p0 [sflag:s15], $0x3200  }
0x1ca: {  	[sflag:s15] =	ssyncset.done @!p0 $0x0  }
0x1cb: {  	[sflag:s15] =	ssyncadd.s32 @!p0 $0xFFFFCE00  }
0x1cc: {  	[tilespmem:s14], [sflag:$0x2] =	stream.linear.gather @!p0 [spmem:s22], $0x3200, $0x38;
	[tilespmem:$0x1F160] =	vst v63  }
0x1cd: {  	_ =	swait.ge @!p0 [sflag:s15], $0x3200  }
0x1ce: {  	[sflag:s15] =	ssyncset.done @!p0 $0x0  }
0x1cf: {  	s17 =	rddreg [dreg:$0xd];
	[sflag:s15] =	ssyncadd.s32 @!p0 $0xFFFFCE00  }
0x1d0: {  	[hbm4b:s17+s16] =	stream.linear.scatter @!p0 [tilespmem:s14], [sflag:$0x2], $0x3200, $0x38;
	[tilespmem:$0x1F160] =	vst v63  }
0x1d1: {  	_ =	swait.ge @!p0 [sflag:s15], $0x3200  }
0x1d2: {  	[sflag:s15] =	ssyncset.done @!p0 $0x0  }
0x1d3: {  	[sflag:s15] =	ssyncadd.s32 @!p0 $0xFFFFCE00  }
0x1d4: {  	[tilespmem:s14], [sflag:$0x2] =	stream.linear.gather @!p0 [spmem:s23], $0x3200, $0x38;
	[tilespmem:$0x1F160] =	vst v63  }
0x1d5: {  	_ =	swait.ge @!p0 [sflag:s15], $0x3200  }
0x1d6: {  	[sflag:s15] =	ssyncset.done @!p0 $0x0  }
0x1d7: {  	s17 =	rddreg [dreg:$0xe];
	[sflag:s15] =	ssyncadd.s32 @!p0 $0xFFFFCE00  }
0x1d8: {  	[hbm4b:s17+s16] =	stream.linear.scatter @!p0 [tilespmem:s14], [sflag:$0x2], $0x3200, $0x38;
	[tilespmem:$0x1F160] =	vst v63  }
0x1d9: {  	_ =	swait.ge @!p0 [sflag:s15], $0x3200  }
0x1da: {  	[sflag:s15] =	ssyncset.done @!p0 $0x0  }
0x1db: {  	[sflag:s15] =	ssyncadd.s32 @!p0 $0xFFFFCE00  }
0x1dc: {  	[tilespmem:s14], [sflag:$0x2] =	stream.linear.gather @!p0 [spmem:s24], $0x3200, $0x38;
	[tilespmem:$0x1F160] =	vst v63  }
0x1dd: {  	s13 =	sadd.s32 $0x1, s13;
	_ =	swait.ge @!p0 [sflag:s15], $0x3200  }
0x1de: {  	p2 =	sne.s32 s13, s20;
	[sflag:s15] =	ssyncset.done @!p0 $0x0  }
.Ltmp14:
0x1df: {  	[sflag:s15] =	ssyncadd.s32 @!p0 $0xFFFFCE00;
	(pc) =	sbr.rel @p2 .LBB2_1-.Ltmp14, $4  }
0x1e0: {  	[hbm4b:s18+s16] =	stream.linear.scatter @!p0 [tilespmem:s14], [sflag:$0x2], $0x3200, $0x38;
	[tilespmem:$0x1F160] =	vst v63  }
0x1e1: {  	_ =	swait.ge @!p0 [sflag:s15], $0x3200  }
0x1e2: {  	[sflag:s15] =	ssyncset.done @!p0 $0x0  }
0x1e3: {  	[sflag:s15] =	ssyncadd.s32 @!p0 $0xFFFFCE00  }
0x1e4: {  	_ =	sfence.sel $0x180000  }
0x1e5: {  	[bflag:$0x0] =	sbarrier.arrive $0xFFFF  }
0x1e6: {  	_ =	strace $0x9000004A  }
0x1e7: {  	s0 =	stileid.u32;
	[bflag:$0x2] =	sbarrier.arrive $0xFFFF  }
0x1e8: {  	p0 =	sne.s32 s0, $0x0;
	s0 =	rddreg [dreg:$0x2]  }
0x1e9: {  	s0 =	sadd.s32 @!p0 $0x100000, s0  }
0x1ea: {  	[sflag:s0] =	ssyncadd.tile.s32 @!p0 $0x1;
	_ =	shalt  }
.Lfunc_end2:
_tile_overlayer_lowered:
.L_overlay_start_2:
0x1eb: {  	(tag) =	ssettag $0x2  }
0x1ec: {  	s0 =	rddreg [dreg:$0x0];
	s2 =	stileid.u32  }
0x1ed: {  	s1 =	rddreg [dreg:$0x1];
	p0 =	sne.s32 s2, $0x0  }
0x1ee: {  	s3 =	rddreg [dreg:$0x2];
	[bflag:$0x3] =	sbarrier.arrive $0xFFFF;
	s2 =	simm.s32 @!p0 $0x1C02  }
0x1ef: {  	[timem:s3], [sflag:s2] =	dma.local @!p0 [hbm:s0], s1  }
0x1f0: {  	s0 =	simm.s32 @!p0 $0x2  }
0x1f1: {  	_ =	swait.ge @!p0 [sflag:s0], s1  }
0x1f2: {  	s1 =	ssub.s32 @!p0 $0x0, s1;
	[sflag:s0] =	ssyncset.done @!p0 $0x0  }
0x1f3: {  	[sflag:s0] =	ssyncadd.s32 @!p0 s1  }
0x1f4: {  	[bflag:$0x3] =	sbarrier.arrive $0xFFFF  }
0x1f5: {  	_ =	shalt  }

// kernel: kernel.13.cloned.1.call-start
scs
__scs_entry_jumppad:
0x0: {  	(pc) =	sbr.rel $0x88, $3  }
0x1: {  	(tag) =	ssettag $0x0;
	lr =	simm.s32 $0x1  }
0x2: {  	[smem:$0x3F9B] =	sst lr;
	_ =	strace $0xD0000000  }
0x3: {  	_ = 	snop  }
0x4: {  	_ = 	snop  }
0x5: {  	_ = 	snop  }
0x6: {  	_ = 	snop  }
0x7: {  	_ = 	snop  }
__scs_overlays_trampoline_lowered:
0x8: {  	[smem:$0x3FAA] =	sst s0  }
0x9: {  	[smem:$0x3FAB] =	sst s1  }
0xa: {  	[smem:$0x3FAC] =	sst s2  }
0xb: {  	[smem:$0x3FAD] =	sst s3  }
0xc: {  	[smem:$0x3FAE] =	sst s4  }
0xd: {  	[smem:$0x3FAF] =	sst s5  }
0xe: {  	[smem:$0x3FB0] =	sst s6  }
0xf: {  	[smem:$0x3FB1] =	sst s7  }
0x10: {  	[smem:$0x3FB2] =	sst s8  }
0x11: {  	[smem:$0x3FB3] =	sst s9;
	s0 =	simm.s32 @!p0 $0x0  }
0x12: {  	s1 =	sld [smem:$0x3F99];
	s0 =	simm.s32 @p0 $0x1  }
0x13: {  	[smem:$0x3FB4] =	sst s0;
	s0 =	simm.s32 @!p1 $0x0  }
0x14: {  	s2 =	sld [smem:$0x3F98];
	s0 =	simm.s32 @p1 $0x1  }
0x15: {  	[smem:$0x3FB5] =	sst s0;
	s0 =	simm.s32 @!p2 $0x0  }
0x16: {  	s3 =	sld [smem:$0x3FDB];
	s0 =	simm.s32 @p2 $0x1  }
0x17: {  	s4 =	simm.s32 $0x1BF5;
	[smem:$0x3FB7] =	sst s0  }
0x18: {  	s0 =	sld [smem:$0x3F9A];
	_ =	swait.ge [sflag:s4], $0x0  }
0x19: {  	s7 =	sld [smem:$0x3F9B]  }
0x1a: {  	s8 =	sadd.s32 $0xFFFFE003, lr  }
0x1b: {  	s9 =	sadd.s32 $0xFFFFFEF7, lr;
	s5 =	simm.s32 $0xFFFFFFFF;
	p2 =	slt.u32 s8, $0xFFFFF086  }
0x1c: {  	p1 =	slt.u32 s9, $0xF7A;
	s5 =	simm.s32 @!p2 $0x0  }
0x1d: {  	s5 =	simm.s32 @p1 $0x1;
	p0 =	seq.s32 s7, s2  }
0x1e: {  	s7 =	smul.u32 @!p0 $0xF7A, s2;
	p2 =	seq.s32 @!p0 s5, $0x0  }
0x1f: {  	s9 =	smul.u32 $0xF7A, s1;
	s8 =	simm.s32 @!p0 $0x1BF5;
	p2 =	por !p2, p0  }
0x20: {  	[sflag:s8] =	ssyncset.s32 @!p0 $0xFFFFF086;
	s6 =	sadd.s32 @!p0 s3, s7;
	s7 =	simm.s32 @!p0 $0x108  }
0x21: {  	s3 =	sadd.s32 s3, s9;
	s6 =	sadd.s32 @!p0 $0x88, s6;
	s7 =	simm.s32 @p2 $0x1082  }
0x22: {  	[simem:s7], [sflag:s8] =	dma.local @!p0 [hbm:s6], $0xF7A  }
0x23: {  	s9 =	sor.u32 $0xD0000000, s2;
	s6 =	simm.s32 $0x108;
	_ =	swait.ge @!p0 [sflag:s8], $0x0  }
0x24: {  	s3 =	sadd.s32 $0x88, s3;
	s6 =	simm.s32 @!p1 $0x1082;
	[sflag:s4] =	ssyncset.s32 $0xFFFFF086  }
0x25: {  	[simem:s6], [sflag:s4] =	dma.local [hbm:s3], $0xF7A  }
0x26: {  	[smem:$0x3F9B] =	sst s1;
	(tag) =	ssettag s2;
	_ =	strace s9  }
0x27: {  	s1 =	sld [smem:$0x3FAB]  }
0x28: {  	s2 =	sld [smem:$0x3FAC]  }
0x29: {  	s4 =	sld [smem:$0x3FAE]  }
0x2a: {  	p0 =	seq.s32 s5, $0x0;
	s5 =	sld [smem:$0x3FAF]  }
0x2b: {  	s6 =	sld [smem:$0x3FB0]  }
0x2c: {  	s7 =	sld [smem:$0x3FB1]  }
0x2d: {  	s3 =	simm.s32 $0x108;
	s8 =	sld [smem:$0x3FB2]  }
0x2e: {  	s3 =	simm.s32 @!p0 $0x1082;
	s9 =	sld [smem:$0x3FB3]  }
0x2f: {  	lr =	sadd.s32 s0, s3;
	s0 =	sld [smem:$0x3FAA]  }
0x30: {  	s3 =	sld [smem:$0x3FAD]  }
0x31: {  	[smem:$0x3FB6] =	sst s10  }
0x32: {  	s10 =	sld [smem:$0x3FB4];
	_ =	sdelay $0x3  }
0x33: {  	p0 =	seq.s32 s10, $0x1;
	s10 =	sld [smem:$0x3FB6];
	_ =	sdelay $0x3  }
0x34: {  	[smem:$0x3FB6] =	sst s10  }
0x35: {  	s10 =	sld [smem:$0x3FB5];
	_ =	sdelay $0x3  }
0x36: {  	p1 =	seq.s32 s10, $0x1;
	s10 =	sld [smem:$0x3FB6];
	_ =	sdelay $0x3  }
0x37: {  	[smem:$0x3FB6] =	sst s10  }
0x38: {  	s10 =	sld [smem:$0x3FB7]  }
0x39: {  	_ = 	snop;
	(pc) =	sbr.ind lr, $3  }
0x3a: {  	_ = 	snop  }
0x3b: {  	_ = 	snop  }
0x3c: {  	p2 =	seq.s32 s10, $0x1;
	s10 =	sld [smem:$0x3FB6]  }
0x3d: {  	_ =	shalt  }
0x3e: {  	_ =	shalt  }
0x3f: {  	_ =	shalt  }
0x40: {  	_ =	shalt  }
0x41: {  	_ =	shalt  }
0x42: {  	_ =	shalt  }
0x43: {  	_ =	shalt  }
0x44: {  	_ =	shalt  }
0x45: {  	_ =	shalt  }
0x46: {  	_ =	shalt  }
0x47: {  	_ =	shalt  }
0x48: {  	_ =	shalt  }
0x49: {  	_ =	shalt  }
0x4a: {  	_ =	shalt  }
0x4b: {  	_ =	shalt  }
0x4c: {  	_ =	shalt  }
0x4d: {  	_ =	shalt  }
0x4e: {  	_ =	shalt  }
0x4f: {  	_ =	shalt  }
0x50: {  	_ =	shalt  }
0x51: {  	_ =	shalt  }
0x52: {  	_ =	shalt  }
0x53: {  	_ =	shalt  }
0x54: {  	_ =	shalt  }
0x55: {  	_ =	shalt  }
0x56: {  	_ =	shalt  }
0x57: {  	_ =	shalt  }
0x58: {  	_ =	shalt  }
0x59: {  	_ =	shalt  }
0x5a: {  	_ =	shalt  }
0x5b: {  	_ =	shalt  }
0x5c: {  	_ =	shalt  }
0x5d: {  	_ =	shalt  }
0x5e: {  	_ =	shalt  }
0x5f: {  	_ =	shalt  }
0x60: {  	_ =	shalt  }
0x61: {  	_ =	shalt  }
0x62: {  	_ =	shalt  }
0x63: {  	_ =	shalt  }
0x64: {  	_ =	shalt  }
0x65: {  	_ =	shalt  }
0x66: {  	_ =	shalt  }
0x67: {  	_ =	shalt  }
0x68: {  	_ =	shalt  }
0x69: {  	_ =	shalt  }
0x6a: {  	_ =	shalt  }
0x6b: {  	_ =	shalt  }
0x6c: {  	_ =	shalt  }
0x6d: {  	_ =	shalt  }
0x6e: {  	_ =	shalt  }
0x6f: {  	_ =	shalt  }
0x70: {  	_ =	shalt  }
0x71: {  	_ =	shalt  }
0x72: {  	_ =	shalt  }
0x73: {  	_ =	shalt  }
0x74: {  	_ =	shalt  }
0x75: {  	_ =	shalt  }
0x76: {  	_ =	shalt  }
0x77: {  	_ =	shalt  }
0x78: {  	_ =	shalt  }
0x79: {  	_ =	shalt  }
0x7a: {  	_ =	shalt  }
0x7b: {  	_ =	shalt  }
0x7c: {  	_ =	shalt  }
0x7d: {  	_ =	shalt  }
0x7e: {  	_ =	shalt  }
0x7f: {  	_ =	shalt  }
0x80: {  	_ =	shalt  }
0x81: {  	_ =	shalt  }
0x82: {  	_ =	shalt  }
0x83: {  	_ =	shalt  }
0x84: {  	_ =	shalt  }
0x85: {  	_ =	shalt  }
0x86: {  	_ =	shalt  }
0x87: {  	_ =	shalt  }
.Lfunc_end0:
.L_simem_size_0:
called_computation.2_lowered:
.L_overlay_start_0:
0x88: {  	s2 =	sld [smem:$0x3FD9]  }
0x89: {  	s3 =	sld [smem:$0x3FFE];
	_ =	sdelay $0x1  }
0x8a: {  	s1 =	srdreg.scid  }
0x8b: {  	s0 =	sand.u32 $0x1, s1  }
0x8c: {  	s17 =	sshll.u32 s0, $0xA;
	s2 =	sadd.s32 s3, s2  }
0x8d: {  	s2 =	sadd.s32 s2, s17  }
0x8e: {  	[smem:$0x3FC2] =	sst s2  }
0x8f: {  	_ = 	snop  }
0x90: {  	s2 =	sld [smem:$0x3FD0];
	(tm) =	ssettm $0x1  }
0x91: {  	s18 =	sld [smem:$0x3FFB];
	_ =	sdelay $0x3  }
0x92: {  	_ =	strace s18  }
0x93: {  	s3 =	sld [smem:$0x3FFC];
	_ =	sdelay $0x3  }
0x94: {  	_ =	strace s3  }
0x95: {  	s3 =	sld [smem:$0x3FFD];
	_ =	sdelay $0x3  }
0x96: {  	_ =	strace s3  }
0x97: {  	_ =	strace $0x8FFFFFFF  }
0x98: {  	s19 =	sld [smem:$0x3FDB];
	_ =	sdelay $0x1  }
0x99: {  	s4 =	simm.s32 $_scs_section_size  }
0x9a: {  	s5 =	simm.s32 $_size__tile_overlayer_lowered;
	s6 =	simm.s32 $_tile_overlayer_lowered  }
0x9b: {  	s22 =	simm.s32 $0x1BFF;
	s21 =	sshll.u32 s6, $0x1;
	s3 =	sadd.s32 s4, s19  }
0x9c: {  	s7 =	simm.s32 $0x0;
	s20 =	sshll.u32 s5, $0x1;
	s5 =	sadd.s32 s21, s3  }
0x9d: {  	[timem:s7], [sflag:s22] =	dma.local [hbm:s5], s20  }
0x9e: {  	_ =	swait.ge [sflag:s22], s20  }
0x9f: {  	s4 =	ssub.s32 $0x0, s20;
	[sflag:s22] =	ssyncset.done $0x0  }
0xa0: {  	[sflag:s22] =	ssyncadd.s32 s4;
	_ =	sdelay $0x1  }
0xa1: {  	s23 =	simm.s32 $0x1B8B  }
0xa2: {  	_ =	swait.ge [sflag:s23], $0x1  }
0xa3: {  	[sflag:s23] =	ssyncset.done $0x0  }
0xa4: {  	s25 =	simm.s32 $0x1B8E;
	s24 =	sld [smem:$0x3FFE];
	[sflag:s23] =	ssyncadd.s32 $0xFFFFFFFF  }
0xa5: {  	s26 =	simm.s32 $execute0_lowered;
	[smem:$0x3FD2] =	sst s25  }
0xa6: {  	s5 =	sshll.u32 s26, $0x1;
	_ =	strace $0x8000004C;
	[dreg:$0x1] =	wrdreg $0xFFFFFFFF  }
0xa7: {  	s28 =	simm.s32 $_size_execute0_lowered;
	s3 =	sadd.s32 s3, s5;
	[dreg:$0x0] =	wrdreg $0x0  }
0xa8: {  	s5 =	sshll.u32 s28, $0x1;
	[dreg:$0x2] =	wrdreg s3  }
0xa9: {  	[dreg:$0x3] =	wrdreg s5  }
0xaa: {  	[dreg:$0x4] =	wrdreg $0xC0  }
0xab: {  	_ =	task [dreg:s7], $0x5FFFF  }
0xac: {  	[dreg:$0x1] =	wrdreg $0xFFFFFFFF  }
0xad: {  	[dreg:$0x0] =	wrdreg $0x60  }
0xae: {  	[dreg:$0x2] =	wrdreg s24  }
0xaf: {  	[dreg:$0x3] =	wrdreg s2  }
0xb0: {  	[dreg:$0x4] =	wrdreg $0x155F80  }
0xb1: {  	[dreg:$0x5] =	wrdreg $0x9  }
0xb2: {  	_ =	task.clear_ibuf [dreg:s7], $0x6FFFF;
	_ =	strace $0x9000004C  }
0xb3: {  	s29 =	simm.s32 $0x9;
	_ =	strace $0x8000004E  }
0xb4: {  	_ =	swait.ge [sflag:s29], $0x1  }
0xb5: {  	[sflag:s29] =	ssyncadd.s32 $0xFFFFFFFF  }
0xb6: {  	_ =	strace $0x9000004E  }
0xb7: {  	_ =	sfence  }
0xb8: {  	s30 =	sld [smem:$0x0];
	_ =	sdelay $0x2  }
0xb9: {  	s31 =	sshll.u32 s1, $0xD;
	s1 =	sshrl.u32 s1, $0x2  }
0xba: {  	s3 =	sand.u32 $0x4000, s31;
	s1 =	sadd.s32 s1, s30  }
0xbb: {  	s0 =	sor.u32 s3, s0;
	s1 =	sshll.u32 s1, $0x11  }
0xbc: {  	s0 =	sor.u32 s1, s0  }
0xbd: {  	s0 =	sadd.s32 $0x8F2B, s0  }
0xbe: {  	[sflag:s0] =	ssyncadd.remote.s32 $0x1  }
0xbf: {  	_ =	sfence.sel $0xFFFF  }
0xc0: {  	[dreg:$0x0] =	wrdreg $0xFFFFFFFF;
	(pc) =	sbr.abs _section_cstart, $3  }
0xc1: {  	[dreg:$0x1] =	wrdreg $0xFFFFFFFF  }
0xc2: {  	_ =	task.clear_ibuf [dreg:s7], $0x2FFFF;
	_ =	strace $0x9FFFFFFF  }
0xc3: {  	(tm) =	ssettm $0x7FFFFFFF  }
tec
execute0_lowered:
.L_overlay_start_1:
0x0: {  	(tag) =	ssettag $0x1  }
0x1: {  	s0 =	rddreg [dreg:$0x0]  }
0x2: {  	s1 =	rddreg [dreg:$0x1]  }
0x3: {  	s2 =	rddreg [dreg:$0x2]  }
0x4: {  	s3 =	simm.s32 $0x0;
	s17 =	stileid.u32;
	s7 =	srdreg.scid  }
0x5: {  	s18 =	simm.s32 $0x2;
	s19 =	simm.s32 $0x12000;
	s20 =	simm.s32 $0x80  }
0x6: {  	s21 =	simm.s32 $0xA000;
	s22 =	simm.s32 $0xC000;
	s24 =	simm.s32 $0xE000  }
0x7: {  	s31 =	simm.s32 $0x9F00;
	[smem:$0x7FF] =	sst s3;
	s6 =	smul.u32 $0xA00, s17  }
0x8: {  	s4 =	smul.u32 $0x3E8, s17;
	s5 =	sadd.s32 $0x15800, s0;
	s9 =	sand.u32 $0x1, s7  }
0x9: {  	s25 =	smul.u32 $0x3E800, s17;
	s14 =	sadd.s32 $0x9C400, s2;
	p0 =	sgt.u32 s17, $0x9  }
0xa: {  	p1 =	sne.s32 s17, $0xA;
	_ =	strace $0x8000004D;
	s10 =	ssub.s32 $0x2, s9  }
0xb: {  	s13 =	smul.u32 $0x2710, s9;
	[dreg:$0x6] =	wrdreg s14;
	s30 =	sshll.u32 s9, $0x3  }
0xc: {  	s8 =	sadd.s32 s6, s0;
	s26 =	sshrl.u32 s4, $0x3;
	s28 =	sshrl.u32 s10, $0x1  }
0xd: {  	s7 =	sshrl.u32 s25, $0x2;
	s15 =	sadd.s32 s1, s30;
	s25 =	simm.s32 $0x1  }
0xe: {  	s1 =	simm.s32 $0x40;
	s0 =	sadd.s32 s26, s0;
	s10 =	ssub.s32 s10, s28  }
.Ltmp0:
0xf: {  	s6 =	sadd.s32 $0x1200, s8;
	s7 =	sadd.s32 s7, s2;
	(pc) =	sbr.rel .LBB2_1-.Ltmp0, $4  }
0x10: {  	s8 =	sadd.s32 $0xB200, s8;
	s26 =	simm.s32 $0x10000;
	v0 =	vmov s13;
	s13 =	simm.s32 $0x0  }
0x11: {  	s11 =	sadd.s32 $0x3200, s7;
	s29 =	sadd.s32 $0x6400, s7;
	s12 =	sadd.s32 $0xC800, s7  }
0x12: {  	s14 =	sadd.s32 $0x15200, s0;
	s16 =	smax.u32 s10, $0x1;
	[dreg:$0x4] =	wrdreg s11  }
0x13: {  	v1 =	vimm.f32 $0.0e+00;
	s0 =	simm.s32 $0x9F80;
	[dreg:$0x5] =	wrdreg s29;
	s11 =	sadd.s32 $0x9600, s7  }
.LBB2_19:
0x14: {  	s13 =	sadd.s32 $0x1, s13  }
0x15: {  	p2 =	sne.s32 s13, s16  }
.Ltmp1:
0x16: {  	_ = 	snop;
	(pc) =	sbr.rel @!p2 .LBB2_20-.Ltmp1, $1  }
0x17: {  	_ =	sdelay $0x3  }
.LBB2_1:
0x18: {  	s9 =	simm.s32 $0x5000  }
0x19: {  	[tilespmem:s9], [sflag:$0x2] =	stream.linear.gather [hbm4b:s6+s3], $0x5000, $0x38;
	[tilespmem:$0x1F558] =	vst v63  }
0x1a: {  	_ =	swait.ge [sflag:s18], $0x5000  }
0x1b: {  	[sflag:s18] =	ssyncset.done $0x0  }
0x1c: {  	[sflag:s18] =	ssyncadd.s32 $0xFFFFB000  }
0x1d: {  	[tilespmem:s3], [sflag:$0x2] =	stream.linear.gather [hbm4b:s8+s3], $0x5000, $0x38;
	[tilespmem:$0x1F558] =	vst v63  }
0x1e: {  	_ =	swait.ge [sflag:s18], $0x5000  }
0x1f: {  	[sflag:s18] =	ssyncset.done $0x0  }
0x20: {  	s9 =	simm.s32 $0x0;
	[sflag:s18] =	ssyncadd.s32 $0xFFFFB000  }
0x21: {  	v4 =	vld [tilespmem:s9+$0x0]  }
0x22: {  	v6 =	vld [tilespmem:s9+$0x10]  }
0x23: {  	v5 =	vld [tilespmem:s9+$0x20]  }
0x24: {  	v3 =	vld [tilespmem:s9+$0x30]  }
0x25: {  	v2 =	vld [tilespmem:s9+$0x40]  }
0x26: {  	v7 =	vadd.s32 v0, v4;
	v4 =	vld [tilespmem:s9+$0x50]  }
0x27: {  	s10 =	simm.s32 $0x200;
	[tilespmem:s9+$0x0] =	vst v7;
	v7 =	vadd.s32 v0, v6;
	v6 =	vld [tilespmem:s9+$0x60]  }
.LBB2_2:
0x28: {  	s17 =	sshra.s32 s10, $0x2;
	p2 =	sne.s32 s10, $0x13E00;
	[tilespmem:s9+$0x10] =	vst v7;
	v5 =	vadd.s32 v0, v5;
	v7 =	vld [tilespmem:s9+$0x70]  }
0x29: {  	v8 =	vld [tilespmem:s17+$0x0];
	[tilespmem:s9+$0x20] =	vst v5;
	v3 =	vadd.s32 v0, v3  }
0x2a: {  	v9 =	vld [tilespmem:s17+$0x10];
	[tilespmem:s9+$0x30] =	vst v3;
	v2 =	vadd.s32 v0, v2  }
.Ltmp2:
0x2b: {  	v5 =	vld [tilespmem:s17+$0x20];
	[tilespmem:s9+$0x40] =	vst v2;
	v2 =	vadd.s32 v0, v4;
	(pc) =	sbr.rel @p2 .LBB2_2-.Ltmp2, $4  }
0x2c: {  	v3 =	vld [tilespmem:s17+$0x30];
	[tilespmem:s9+$0x50] =	vst v2;
	v4 =	vadd.s32 v0, v6  }
0x2d: {  	v2 =	vld [tilespmem:s17+$0x40];
	[tilespmem:s9+$0x60] =	vst v4;
	v6 =	vadd.s32 v0, v7  }
0x2e: {  	v7 =	vadd.s32 v0, v8;
	v4 =	vld [tilespmem:s17+$0x50];
	[tilespmem:s9+$0x70] =	vst v6;
	s9 =	smov.u32 s17  }
0x2f: {  	s10 =	sadd.s32 $0x200, s10;
	[tilespmem:s9+$0x0] =	vst v7;
	v7 =	vadd.s32 v0, v9;
	v6 =	vld [tilespmem:s9+$0x60]  }
0x30: {  	[tilespmem:s9+$0x10] =	vst v7;
	v5 =	vadd.s32 v0, v5;
	v63 =	vld [tilespmem:s9+$0x70]  }
0x31: {  	[tilespmem:s9+$0x20] =	vst v5;
	v3 =	vadd.s32 v0, v3  }
.Ltmp3:
0x32: {  	[tilespmem:s9+$0x30] =	vst v3;
	v2 =	vadd.s32 v0, v2;
	(pc) =	sbr.rel @p0 .LBB2_7-.Ltmp3, $4  }
0x33: {  	[tilespmem:s9+$0x40] =	vst v2;
	v2 =	vadd.s32 v0, v4  }
0x34: {  	[tilespmem:s9+$0x50] =	vst v2;
	v2 =	vadd.s32 v0, v6  }
0x35: {  	[tilespmem:s9+$0x60] =	vst v2;
	v2 =	vadd.s32 v0, v63  }
0x36: {  	[tilespmem:s9+$0x70] =	vst v2;
	s9 =	simm.s32 $0x0  }
0x37: {  	s10 =	sand.u32 $0xFF00, s9  }
0x38: {  	s17 =	sand.u32 $0x30, s9;
	s23 =	sshrl.u32 s10, $0x2  }
0x39: {  	s10 =	simm.s32 $0x40;
	s17 =	sor.u32 s17, s23  }
.LBB2_5:
0x3a: {  	p2 =	sne.s32 s10, $0xC7C0  }
0x3b: {  	[tilespmem:s17+$0x12000] =	vst v1;
	s9 =	sadd.s32 $0x10, s9;
	s17 =	smov.u32 s10;
	s10 =	sadd.s32 $0x40, s10  }
.Ltmp4:
0x3c: {  	(pc) =	sbr.rel @p2 .LBB2_5-.Ltmp4, $4  }
0x3d: {  	_ = 	snop  }
0x3e: {  	s17 =	sand.u32 $0xFF00, s17  }
0x3f: {  	s23 =	sand.u32 $0x30, s9;
	s17 =	sshrl.u32 s17, $0x2  }
0x40: {  	s17 =	sor.u32 s23, s17  }
0x41: {  	[tilespmem:s17+$0x12000] =	vst v1  }
0x42: {  	[spmem:s7] =	stream.linear.scatter [tilespmem:s19], [sflag:$0x2], $0x3200, $0x38;
	[tilespmem:$0x1F558] =	vst v63  }
0x43: {  	_ =	swait.ge [sflag:s18], $0x3200  }
0x44: {  	[sflag:s18] =	ssyncset.done $0x0  }
0x45: {  	s9 =	rddreg [dreg:$0x4];
	[sflag:s18] =	ssyncadd.s32 $0xFFFFCE00  }
0x46: {  	[spmem:s9] =	stream.linear.scatter [tilespmem:s19], [sflag:$0x2], $0x3200, $0x38;
	[tilespmem:$0x1F558] =	vst v63  }
0x47: {  	_ =	swait.ge [sflag:s18], $0x3200  }
0x48: {  	[sflag:s18] =	ssyncset.done $0x0  }
0x49: {  	s30 =	rddreg [dreg:$0x5];
	[sflag:s18] =	ssyncadd.s32 $0xFFFFCE00  }
0x4a: {  	[spmem:s30] =	stream.linear.scatter [tilespmem:s19], [sflag:$0x2], $0x3200, $0x38;
	[tilespmem:$0x1F558] =	vst v63  }
0x4b: {  	_ =	swait.ge [sflag:s18], $0x3200  }
0x4c: {  	[sflag:s18] =	ssyncset.done $0x0  }
.Ltmp5:
0x4d: {  	[sflag:s18] =	ssyncadd.s32 $0xFFFFCE00;
	(pc) =	sbr.rel .LBB2_11-.Ltmp5, $4  }
0x4e: {  	[spmem:s11] =	stream.linear.scatter [tilespmem:s19], [sflag:$0x2], $0x3200, $0x38;
	[tilespmem:$0x1F558] =	vst v63  }
0x4f: {  	_ =	swait.ge [sflag:s18], $0x3200  }
0x50: {  	[sflag:s18] =	ssyncset.done $0x0  }
0x51: {  	s9 =	smov.u32 s12;
	[sflag:s18] =	ssyncadd.s32 $0xFFFFCE00  }
.LBB2_7:
.Ltmp6:
0x52: {  	(pc) =	sbr.rel @p1 .LBB2_12-.Ltmp6, $2  }
0x53: {  	_ =	sdelay $0x2  }
0x54: {  	s9 =	simm.s32 $0x0  }
0x55: {  	s10 =	sand.u32 $0xFF00, s9  }
0x56: {  	s17 =	sand.u32 $0x30, s9;
	s23 =	sshrl.u32 s10, $0x2  }
0x57: {  	s10 =	simm.s32 $0x40;
	s17 =	sor.u32 s17, s23  }
.LBB2_9:
0x58: {  	p2 =	sne.s32 s10, $0xC7C0  }
0x59: {  	[tilespmem:s17+$0x12000] =	vst v1;
	s9 =	sadd.s32 $0x10, s9;
	s17 =	smov.u32 s10;
	s10 =	sadd.s32 $0x40, s10  }
.Ltmp7:
0x5a: {  	(pc) =	sbr.rel @p2 .LBB2_9-.Ltmp7, $4  }
0x5b: {  	_ = 	snop  }
0x5c: {  	s17 =	sand.u32 $0xFF00, s17  }
0x5d: {  	s23 =	sand.u32 $0x30, s9;
	s17 =	sshrl.u32 s17, $0x2  }
0x5e: {  	s17 =	sor.u32 s23, s17  }
0x5f: {  	[tilespmem:s17+$0x12000] =	vst v1;
	s9 =	rddreg [dreg:$0x6]  }
.LBB2_11:
0x60: {  	[spmem:s9] =	stream.linear.scatter [tilespmem:s19], [sflag:$0x2], $0x3200, $0x38;
	[tilespmem:$0x1F558] =	vst v63  }
0x61: {  	_ =	swait.ge [sflag:s18], $0x3200  }
0x62: {  	[sflag:s18] =	ssyncset.done $0x0  }
0x63: {  	[sflag:s18] =	ssyncadd.s32 $0xFFFFCE00  }
.LBB2_12:
0x64: {  	[bflag:$0x0] =	sbarrier.arrive $0xFFFF;
	s9 =	simm.s32 $0x0  }
0x65: {  	[tilespmem:s21], [sflag:$0x1] =	stream.indirect.gather [hbm4b:s5+s20], $0x40, s9, s20, $0xb8;
	[tilespmem:$0x1F558] =	vst v63  }
0x66: {  	_ = 	snop  }
0x67: {  	[tilespmem:s22], [sflag:$0x1] =	stream.indirect.gather [hbm4b:s5+s20], $0x40, s20, s20, $0xb8;
	[tilespmem:$0x1F558] =	vst v63  }
0x68: {  	s28 =	simm.s32 $0x100  }
0x69: {  	[tilespmem:s24], [sflag:$0x1] =	stream.indirect.gather [hbm4b:s5+s20], $0x40, s28, s20, $0xb8;
	[tilespmem:$0x1F558] =	vst v63  }
0x6a: {  	_ =	swait.ge [sflag:s25], $0x2000  }
0x6b: {  	[sflag:s25] =	ssyncset.done $0x0  }
0x6c: {  	s29 =	simm.s32 $0x180;
	[sflag:s25] =	ssyncadd.s32 $0xFFFFE000  }
0x6d: {  	[tilespmem:s26], [sflag:$0x1] =	stream.indirect.gather [hbm4b:s5+s20], $0x40, s29, s20, $0xb8;
	[tilespmem:$0x1F558] =	vst v63  }
0x6e: {  	s30 =	simm.s32 $0x5000  }
0x6f: {  	[spmem:s2] =	stream.indirect.scatter.add.f32 [tilespmem:s21], [sflag:$0x2], $0x40, s30, s20, $0xb8;
	[tilespmem:$0x1F558] =	vst v63  }
0x70: {  	_ =	swait.ge [sflag:s18], $0x2000  }
0x71: {  	[sflag:s18] =	ssyncset.done $0x0  }
0x72: {  	[sflag:s18] =	ssyncadd.s32 $0xFFFFE000  }
0x73: {  	_ =	swait.ge [sflag:s25], $0x2000  }
0x74: {  	[sflag:s25] =	ssyncset.done $0x0  }
0x75: {  	s10 =	simm.s32 $0x200;
	[sflag:s25] =	ssyncadd.s32 $0xFFFFE000  }
0x76: {  	[tilespmem:s21], [sflag:$0x1] =	stream.indirect.gather [hbm4b:s5+s20], $0x40, s10, s20, $0xb8;
	[tilespmem:$0x1F558] =	vst v63  }
0x77: {  	s17 =	simm.s32 $0x5080  }
0x78: {  	[spmem:s2] =	stream.indirect.scatter.add.f32 [tilespmem:s22], [sflag:$0x2], $0x40, s17, s20, $0xb8;
	[tilespmem:$0x1F558] =	vst v63  }
0x79: {  	_ =	swait.ge [sflag:s18], $0x2000  }
0x7a: {  	[sflag:s18] =	ssyncset.done $0x0  }
0x7b: {  	[sflag:s18] =	ssyncadd.s32 $0xFFFFE000  }
0x7c: {  	_ =	swait.ge [sflag:s25], $0x2000  }
0x7d: {  	[sflag:s25] =	ssyncset.done $0x0  }
0x7e: {  	s23 =	simm.s32 $0x280;
	[sflag:s25] =	ssyncadd.s32 $0xFFFFE000  }
0x7f: {  	[tilespmem:s22], [sflag:$0x1] =	stream.indirect.gather [hbm4b:s5+s20], $0x40, s23, s20, $0xb8;
	[tilespmem:$0x1F558] =	vst v63  }
0x80: {  	s28 =	simm.s32 $0x5100  }
0x81: {  	[spmem:s2] =	stream.indirect.scatter.add.f32 [tilespmem:s24], [sflag:$0x2], $0x40, s28, s20, $0xb8;
	[tilespmem:$0x1F558] =	vst v63  }
0x82: {  	_ =	swait.ge [sflag:s18], $0x2000  }
0x83: {  	[sflag:s18] =	ssyncset.done $0x0  }
0x84: {  	[sflag:s18] =	ssyncadd.s32 $0xFFFFE000  }
0x85: {  	_ =	swait.ge [sflag:s25], $0x2000  }
0x86: {  	[sflag:s25] =	ssyncset.done $0x0  }
0x87: {  	s29 =	simm.s32 $0x300;
	[sflag:s25] =	ssyncadd.s32 $0xFFFFE000  }
0x88: {  	[tilespmem:s24], [sflag:$0x1] =	stream.indirect.gather [hbm4b:s5+s20], $0x40, s29, s20, $0xb8;
	[tilespmem:$0x1F558] =	vst v63  }
0x89: {  	s30 =	simm.s32 $0x5180  }
0x8a: {  	[spmem:s2] =	stream.indirect.scatter.add.f32 [tilespmem:s26], [sflag:$0x2], $0x40, s30, s20, $0xb8;
	[tilespmem:$0x1F558] =	vst v63  }
0x8b: {  	_ =	swait.ge [sflag:s18], $0x2000  }
0x8c: {  	s9 =	simm.s32 $0x800;
	[sflag:s18] =	ssyncset.done $0x0  }
.LBB2_13:
0x8d: {  	p2 =	sne.s32 s9, $0x13000  }
0x8e: {  	[sflag:s18] =	ssyncadd.s32 $0xFFFFE000;
	s10 =	smov.u32 s9;
	s9 =	sadd.s32 $0x800, s9  }
0x8f: {  	_ = 	snop  }
0x90: {  	_ =	swait.ge [sflag:s25], $0x2000  }
0x91: {  	s10 =	sshra.s32 s10, $0x2;
	[sflag:s25] =	ssyncset.done $0x0  }
0x92: {  	s17 =	sadd.s32 $0x180, s10;
	[sflag:s25] =	ssyncadd.s32 $0xFFFFE000  }
0x93: {  	[tilespmem:s26], [sflag:$0x1] =	stream.indirect.gather [hbm4b:s5+s20], $0x40, s17, s20, $0xb8;
	[tilespmem:$0x1F558] =	vst v63  }
0x94: {  	s17 =	sadd.s32 $0x5000, s10  }
0x95: {  	[spmem:s2] =	stream.indirect.scatter.add.f32 [tilespmem:s21], [sflag:$0x2], $0x40, s17, s20, $0xb8;
	[tilespmem:$0x1F558] =	vst v63  }
0x96: {  	_ =	swait.ge [sflag:s18], $0x2000  }
0x97: {  	[sflag:s18] =	ssyncset.done $0x0  }
0x98: {  	[sflag:s18] =	ssyncadd.s32 $0xFFFFE000  }
0x99: {  	_ =	swait.ge [sflag:s25], $0x2000  }
0x9a: {  	[sflag:s25] =	ssyncset.done $0x0  }
0x9b: {  	s17 =	sadd.s32 $0x200, s10;
	[sflag:s25] =	ssyncadd.s32 $0xFFFFE000  }
0x9c: {  	[tilespmem:s21], [sflag:$0x1] =	stream.indirect.gather [hbm4b:s5+s20], $0x40, s17, s20, $0xb8;
	[tilespmem:$0x1F558] =	vst v63  }
0x9d: {  	s17 =	sadd.s32 $0x5080, s10  }
0x9e: {  	[spmem:s2] =	stream.indirect.scatter.add.f32 [tilespmem:s22], [sflag:$0x2], $0x40, s17, s20, $0xb8;
	[tilespmem:$0x1F558] =	vst v63  }
0x9f: {  	_ =	swait.ge [sflag:s18], $0x2000  }
0xa0: {  	[sflag:s18] =	ssyncset.done $0x0  }
0xa1: {  	[sflag:s18] =	ssyncadd.s32 $0xFFFFE000  }
0xa2: {  	_ =	swait.ge [sflag:s25], $0x2000  }
0xa3: {  	[sflag:s25] =	ssyncset.done $0x0  }
0xa4: {  	s17 =	sadd.s32 $0x280, s10;
	[sflag:s25] =	ssyncadd.s32 $0xFFFFE000  }
0xa5: {  	[tilespmem:s22], [sflag:$0x1] =	stream.indirect.gather [hbm4b:s5+s20], $0x40, s17, s20, $0xb8;
	[tilespmem:$0x1F558] =	vst v63  }
0xa6: {  	s17 =	sadd.s32 $0x5100, s10  }
0xa7: {  	[spmem:s2] =	stream.indirect.scatter.add.f32 [tilespmem:s24], [sflag:$0x2], $0x40, s17, s20, $0xb8;
	[tilespmem:$0x1F558] =	vst v63  }
0xa8: {  	_ =	swait.ge [sflag:s18], $0x2000  }
0xa9: {  	[sflag:s18] =	ssyncset.done $0x0  }
0xaa: {  	[sflag:s18] =	ssyncadd.s32 $0xFFFFE000  }
0xab: {  	_ =	swait.ge [sflag:s25], $0x2000  }
0xac: {  	[sflag:s25] =	ssyncset.done $0x0  }
0xad: {  	s17 =	sadd.s32 $0x300, s10;
	[sflag:s25] =	ssyncadd.s32 $0xFFFFE000  }
0xae: {  	[tilespmem:s24], [sflag:$0x1] =	stream.indirect.gather [hbm4b:s5+s20], $0x40, s17, s20, $0xb8;
	[tilespmem:$0x1F558] =	vst v63  }
.Ltmp8:
0xaf: {  	_ = 	snop;
	(pc) =	sbr.rel @p2 .LBB2_13-.Ltmp8, $4  }
0xb0: {  	s10 =	sadd.s32 $0x5180, s10  }
0xb1: {  	[spmem:s2] =	stream.indirect.scatter.add.f32 [tilespmem:s26], [sflag:$0x2], $0x40, s10, s20, $0xb8;
	[tilespmem:$0x1F558] =	vst v63  }
0xb2: {  	_ =	swait.ge [sflag:s18], $0x2000  }
0xb3: {  	[sflag:s18] =	ssyncset.done $0x0  }
0xb4: {  	[sflag:s18] =	ssyncadd.s32 $0xFFFFE000  }
0xb5: {  	_ =	swait.ge [sflag:s25], $0x2000  }
0xb6: {  	[sflag:s25] =	ssyncset.done $0x0  }
0xb7: {  	s9 =	simm.s32 $0x4F80;
	[sflag:s25] =	ssyncadd.s32 $0xFFFFE000  }
0xb8: {  	[tilespmem:s26], [sflag:$0x1] =	stream.indirect.gather [hbm4b:s5+s20], $0x40, s9, s20, $0xb8;
	[tilespmem:$0x1F558] =	vst v63  }
0xb9: {  	s29 =	simm.s32 $0x9E00  }
0xba: {  	[spmem:s2] =	stream.indirect.scatter.add.f32 [tilespmem:s21], [sflag:$0x2], $0x40, s29, s20, $0xb8;
	[tilespmem:$0x1F558] =	vst v63  }
0xbb: {  	_ =	swait.ge [sflag:s18], $0x2000  }
0xbc: {  	[sflag:s18] =	ssyncset.done $0x0  }
0xbd: {  	[sflag:s18] =	ssyncadd.s32 $0xFFFFE000  }
0xbe: {  	_ =	swait.ge [sflag:s25], $0x2000  }
0xbf: {  	[sflag:s25] =	ssyncset.done $0x0  }
0xc0: {  	s30 =	simm.s32 $0x9E80;
	[sflag:s25] =	ssyncadd.s32 $0xFFFFE000  }
0xc1: {  	[spmem:s2] =	stream.indirect.scatter.add.f32 [tilespmem:s22], [sflag:$0x2], $0x40, s30, s20, $0xb8;
	[tilespmem:$0x1F558] =	vst v63  }
0xc2: {  	_ =	swait.ge [sflag:s18], $0x2000  }
0xc3: {  	[sflag:s18] =	ssyncset.done $0x0  }
0xc4: {  	[sflag:s18] =	ssyncadd.s32 $0xFFFFE000  }
0xc5: {  	_ =	swait.ge [sflag:s25], $0x2000  }
0xc6: {  	[sflag:s25] =	ssyncset.done $0x0  }
0xc7: {  	[sflag:s25] =	ssyncadd.s32 $0xFFFFE000  }
0xc8: {  	[spmem:s2] =	stream.indirect.scatter.add.f32 [tilespmem:s24], [sflag:$0x2], $0x40, s31, s20, $0xb8;
	[tilespmem:$0x1F558] =	vst v63  }
0xc9: {  	_ =	swait.ge [sflag:s18], $0x2000  }
0xca: {  	[sflag:s18] =	ssyncset.done $0x0  }
0xcb: {  	[sflag:s18] =	ssyncadd.s32 $0xFFFFE000  }
0xcc: {  	_ =	swait.ge [sflag:s25], $0x2000  }
0xcd: {  	[sflag:s25] =	ssyncset.done $0x0  }
0xce: {  	[sflag:s25] =	ssyncadd.s32 $0xFFFFE000  }
0xcf: {  	[spmem:s2] =	stream.indirect.scatter.add.f32 [tilespmem:s26], [sflag:$0x2], $0x40, s0, s20, $0xb8;
	[tilespmem:$0x1F558] =	vst v63  }
.Ltmp9:
0xd0: {  	_ =	swait.ge [sflag:s18], $0x2000;
	(pc) =	sbr.rel @p0 .LBB2_19-.Ltmp9, $3  }
0xd1: {  	[sflag:s18] =	ssyncset.done $0x0  }
0xd2: {  	[sflag:s18] =	ssyncadd.s32 $0xFFFFE000  }
0xd3: {  	[bflag:$0x0] =	sbarrier.arrive $0xFFFF;
	_ =	sdelay $0x1  }
0xd4: {  	s17 =	simm.s32 $0x0;
	s23 =	simm.s32 $0x15200  }
0xd5: {  	[tilespmem:s23], [sflag:$0x2] =	stream.linear.gather [hbm4b:s14+s17], $0x3E8, $0x38;
	[tilespmem:$0x1F558] =	vst v63  }
0xd6: {  	_ =	swait.ge [sflag:s18], $0x3E8  }
0xd7: {  	[sflag:s18] =	ssyncset.done $0x0  }
0xd8: {  	[sflag:s18] =	ssyncadd.s32 $0xFFFFFC18  }
.LBB2_16:
0xd9: {  	s9 =	smul.u32 $0xC8, s17;
	_ =	sdelay $0x1  }
0xda: {  	s28 =	sadd.s32 s4, s9  }
0xdb: {  	s10 =	sshll.u32 s28, $0x6  }
0xdc: {  	s10 =	sand.u32 $0x3FFFFFC0, s10  }
0xdd: {  	s10 =	sadd.s32 s10, s2  }
0xde: {  	v2 =	vmov s23;
	[tilespmem:s19], [sflag:$0x2] =	stream.linear.gather [spmem:s10], $0x3200, $0x38;
	[tilespmem:$0x1F558] =	vst v63  }
0xdf: {  	_ =	swait.ge [sflag:s18], $0x3200  }
0xe0: {  	[sflag:s18] =	ssyncset.done $0x0  }
0xe1: {  	s29 =	simm.s32 $0x12200;
	s10 =	simm.s32 $0x0;
	[sflag:s18] =	ssyncadd.s32 $0xFFFFCE00  }
.LBB2_17:
0xe2: {  	s30 =	sshra.s32 s10, $0x2  }
0xe3: {  	v3 =	vld.idx.msk [tilespmem:v2+s30+$0x0 ss:$0x1], $0xffff;
	_ =	sdelay $0x1  }
0xe4: {  	v4 =	vld [tilespmem:s29+$0xFFFFFE00];
	_ =	sdelay $0x1  }
0xe5: {  	v43 =	vld [tilespmem:s29+$0xFFFFFE10]  }
0xe6: {  	v5 =	vbroadcast v3, $0x0  }
0xe7: {  	v44 =	vld [tilespmem:s29+$0xFFFFFE20]  }
0xe8: {  	v4 =	vmul.f32 v5, v4  }
0xe9: {  	v45 =	vld [tilespmem:s29+$0xFFFFFE30]  }
0xea: {  	[tilespmem:s29+$0xFFFFFE00] =	vst v4;
	v4 =	vmul.f32 v43, v5  }
0xeb: {  	v46 =	vld [tilespmem:s29+$0xFFFFFE40]  }
0xec: {  	[tilespmem:s29+$0xFFFFFE10] =	vst v4;
	v4 =	vmul.f32 v44, v5  }
0xed: {  	v48 =	vld [tilespmem:s29+$0xFFFFFE50]  }
0xee: {  	v47 =	vbroadcast v3, $0x1;
	[tilespmem:s29+$0xFFFFFE20] =	vst v4;
	v4 =	vmul.f32 v45, v5  }
0xef: {  	v49 =	vld [tilespmem:s29+$0xFFFFFE60]  }
0xf0: {  	[tilespmem:s29+$0xFFFFFE30] =	vst v4;
	v4 =	vmul.f32 v46, v47  }
0xf1: {  	v50 =	vld [tilespmem:s29+$0xFFFFFE70]  }
0xf2: {  	[tilespmem:s29+$0xFFFFFE40] =	vst v4;
	v4 =	vmul.f32 v48, v47  }
0xf3: {  	v51 =	vld [tilespmem:s29+$0xFFFFFE80]  }
0xf4: {  	[tilespmem:s29+$0xFFFFFE50] =	vst v4;
	v4 =	vmul.f32 v49, v47  }
0xf5: {  	v53 =	vld [tilespmem:s29+$0xFFFFFE90]  }
0xf6: {  	v52 =	vbroadcast v3, $0x2;
	[tilespmem:s29+$0xFFFFFE60] =	vst v4;
	v4 =	vmul.f32 v50, v47  }
0xf7: {  	v54 =	vld [tilespmem:s29+$0xFFFFFEA0]  }
0xf8: {  	[tilespmem:s29+$0xFFFFFE70] =	vst v4;
	v4 =	vmul.f32 v51, v52  }
0xf9: {  	v55 =	vld [tilespmem:s29+$0xFFFFFEB0]  }
0xfa: {  	[tilespmem:s29+$0xFFFFFE80] =	vst v4;
	v4 =	vmul.f32 v53, v52  }
0xfb: {  	v56 =	vld [tilespmem:s29+$0xFFFFFEC0]  }
0xfc: {  	[tilespmem:s29+$0xFFFFFE90] =	vst v4;
	v4 =	vmul.f32 v54, v52  }
0xfd: {  	v58 =	vld [tilespmem:s29+$0xFFFFFED0]  }
0xfe: {  	v57 =	vbroadcast v3, $0x3;
	[tilespmem:s29+$0xFFFFFEA0] =	vst v4;
	v4 =	vmul.f32 v55, v52  }
0xff: {  	v59 =	vld [tilespmem:s29+$0xFFFFFEE0]  }
0x100: {  	[tilespmem:s29+$0xFFFFFEB0] =	vst v4;
	v4 =	vmul.f32 v56, v57  }
0x101: {  	v60 =	vld [tilespmem:s29+$0xFFFFFEF0]  }
0x102: {  	[tilespmem:s29+$0xFFFFFEC0] =	vst v4;
	v4 =	vmul.f32 v58, v57  }
0x103: {  	v61 =	vld [tilespmem:s29+$0xFFFFFF00]  }
0x104: {  	[tilespmem:s29+$0xFFFFFED0] =	vst v4;
	v4 =	vmul.f32 v59, v57  }
0x105: {  	v63 =	vld [tilespmem:s29+$0xFFFFFF10]  }
0x106: {  	v62 =	vbroadcast v3, $0x4;
	[tilespmem:s29+$0xFFFFFEE0] =	vst v4;
	v4 =	vmul.f32 v60, v57  }
0x107: {  	v8 =	vld [tilespmem:s29+$0xFFFFFF20]  }
0x108: {  	[tilespmem:s29+$0xFFFFFEF0] =	vst v4;
	v4 =	vmul.f32 v61, v62  }
0x109: {  	v9 =	vld [tilespmem:s29+$0xFFFFFF30]  }
0x10a: {  	[tilespmem:s29+$0xFFFFFF00] =	vst v4;
	v4 =	vmul.f32 v63, v62  }
0x10b: {  	v10 =	vld [tilespmem:s29+$0xFFFFFF40]  }
0x10c: {  	[tilespmem:s29+$0xFFFFFF10] =	vst v4;
	v4 =	vmul.f32 v8, v62  }
0x10d: {  	v12 =	vld [tilespmem:s29+$0xFFFFFF50]  }
0x10e: {  	v11 =	vbroadcast v3, $0x5;
	[tilespmem:s29+$0xFFFFFF20] =	vst v4;
	v4 =	vmul.f32 v9, v62  }
0x10f: {  	v13 =	vld [tilespmem:s29+$0xFFFFFF60]  }
0x110: {  	[tilespmem:s29+$0xFFFFFF30] =	vst v4;
	v4 =	vmul.f32 v10, v11  }
0x111: {  	v14 =	vld [tilespmem:s29+$0xFFFFFF70]  }
0x112: {  	[tilespmem:s29+$0xFFFFFF40] =	vst v4;
	v4 =	vmul.f32 v12, v11  }
0x113: {  	v15 =	vld [tilespmem:s29+$0xFFFFFF80]  }
0x114: {  	[tilespmem:s29+$0xFFFFFF50] =	vst v4;
	v4 =	vmul.f32 v13, v11  }
0x115: {  	v17 =	vld [tilespmem:s29+$0xFFFFFF90]  }
0x116: {  	v16 =	vbroadcast v3, $0x6;
	[tilespmem:s29+$0xFFFFFF60] =	vst v4;
	v4 =	vmul.f32 v14, v11  }
0x117: {  	v18 =	vld [tilespmem:s29+$0xFFFFFFA0]  }
0x118: {  	[tilespmem:s29+$0xFFFFFF70] =	vst v4;
	v4 =	vmul.f32 v15, v16  }
0x119: {  	v19 =	vld [tilespmem:s29+$0xFFFFFFB0]  }
0x11a: {  	[tilespmem:s29+$0xFFFFFF80] =	vst v4;
	v4 =	vmul.f32 v17, v16  }
0x11b: {  	v20 =	vld [tilespmem:s29+$0xFFFFFFC0]  }
0x11c: {  	[tilespmem:s29+$0xFFFFFF90] =	vst v4;
	v4 =	vmul.f32 v18, v16  }
0x11d: {  	v22 =	vld [tilespmem:s29+$0xFFFFFFD0]  }
0x11e: {  	v21 =	vbroadcast v3, $0x7;
	[tilespmem:s29+$0xFFFFFFA0] =	vst v4;
	v4 =	vmul.f32 v19, v16  }
0x11f: {  	v23 =	vld [tilespmem:s29+$0xFFFFFFE0]  }
0x120: {  	[tilespmem:s29+$0xFFFFFFB0] =	vst v4;
	v4 =	vmul.f32 v20, v21  }
0x121: {  	v24 =	vld [tilespmem:s29+$0xFFFFFFF0]  }
0x122: {  	[tilespmem:s29+$0xFFFFFFC0] =	vst v4;
	v4 =	vmul.f32 v22, v21  }
0x123: {  	v25 =	vld [tilespmem:s29+$0x0]  }
0x124: {  	[tilespmem:s29+$0xFFFFFFD0] =	vst v4;
	v4 =	vmul.f32 v23, v21  }
0x125: {  	v27 =	vld [tilespmem:s29+$0x10]  }
0x126: {  	v26 =	vbroadcast v3, $0x8;
	[tilespmem:s29+$0xFFFFFFE0] =	vst v4;
	v4 =	vmul.f32 v24, v21  }
0x127: {  	v28 =	vld [tilespmem:s29+$0x20]  }
0x128: {  	[tilespmem:s29+$0xFFFFFFF0] =	vst v4;
	v4 =	vmul.f32 v25, v26  }
0x129: {  	v29 =	vld [tilespmem:s29+$0x30]  }
0x12a: {  	[tilespmem:s29+$0x0] =	vst v4;
	v4 =	vmul.f32 v27, v26  }
0x12b: {  	v30 =	vld [tilespmem:s29+$0x40]  }
0x12c: {  	[tilespmem:s29+$0x10] =	vst v4;
	v4 =	vmul.f32 v28, v26  }
0x12d: {  	v32 =	vld [tilespmem:s29+$0x50]  }
0x12e: {  	v31 =	vbroadcast v3, $0x9;
	[tilespmem:s29+$0x20] =	vst v4;
	v4 =	vmul.f32 v29, v26  }
0x12f: {  	v33 =	vld [tilespmem:s29+$0x60]  }
0x130: {  	[tilespmem:s29+$0x30] =	vst v4;
	v4 =	vmul.f32 v30, v31  }
0x131: {  	v34 =	vld [tilespmem:s29+$0x70]  }
0x132: {  	[tilespmem:s29+$0x40] =	vst v4;
	v4 =	vmul.f32 v32, v31  }
0x133: {  	v35 =	vld [tilespmem:s29+$0x80]  }
0x134: {  	[tilespmem:s29+$0x50] =	vst v4;
	v4 =	vmul.f32 v33, v31  }
0x135: {  	v37 =	vld [tilespmem:s29+$0x90]  }
0x136: {  	v36 =	vbroadcast v3, $0xA;
	[tilespmem:s29+$0x60] =	vst v4;
	v4 =	vmul.f32 v34, v31  }
0x137: {  	v38 =	vld [tilespmem:s29+$0xA0]  }
0x138: {  	[tilespmem:s29+$0x70] =	vst v4;
	v4 =	vmul.f32 v35, v36  }
0x139: {  	v39 =	vld [tilespmem:s29+$0xB0]  }
0x13a: {  	[tilespmem:s29+$0x80] =	vst v4;
	v4 =	vmul.f32 v37, v36  }
0x13b: {  	v40 =	vld [tilespmem:s29+$0xC0]  }
0x13c: {  	[tilespmem:s29+$0x90] =	vst v4;
	v4 =	vmul.f32 v38, v36  }
0x13d: {  	v42 =	vld [tilespmem:s29+$0xD0]  }
0x13e: {  	v41 =	vbroadcast v3, $0xB;
	[tilespmem:s29+$0xA0] =	vst v4;
	v4 =	vmul.f32 v39, v36  }
0x13f: {  	v43 =	vld [tilespmem:s29+$0xE0]  }
0x140: {  	[tilespmem:s29+$0xB0] =	vst v4;
	v4 =	vmul.f32 v40, v41  }
0x141: {  	v44 =	vld [tilespmem:s29+$0xF0]  }
0x142: {  	[tilespmem:s29+$0xC0] =	vst v4;
	v4 =	vmul.f32 v42, v41  }
0x143: {  	v45 =	vld [tilespmem:s29+$0x100]  }
0x144: {  	[tilespmem:s29+$0xD0] =	vst v4;
	v4 =	vmul.f32 v43, v41  }
0x145: {  	v47 =	vld [tilespmem:s29+$0x110]  }
0x146: {  	v46 =	vbroadcast v3, $0xC;
	[tilespmem:s29+$0xE0] =	vst v4;
	v4 =	vmul.f32 v44, v41  }
0x147: {  	v48 =	vld [tilespmem:s29+$0x120]  }
0x148: {  	[tilespmem:s29+$0xF0] =	vst v4;
	v4 =	vmul.f32 v45, v46  }
0x149: {  	v49 =	vld [tilespmem:s29+$0x130]  }
0x14a: {  	[tilespmem:s29+$0x100] =	vst v4;
	v4 =	vmul.f32 v47, v46  }
0x14b: {  	v50 =	vld [tilespmem:s29+$0x140]  }
0x14c: {  	[tilespmem:s29+$0x110] =	vst v4;
	v4 =	vmul.f32 v48, v46  }
0x14d: {  	v52 =	vld [tilespmem:s29+$0x150]  }
0x14e: {  	v51 =	vbroadcast v3, $0xD;
	[tilespmem:s29+$0x120] =	vst v4;
	v4 =	vmul.f32 v49, v46  }
0x14f: {  	v53 =	vld [tilespmem:s29+$0x160]  }
0x150: {  	[tilespmem:s29+$0x130] =	vst v4;
	v4 =	vmul.f32 v50, v51  }
0x151: {  	v54 =	vld [tilespmem:s29+$0x170]  }
0x152: {  	[tilespmem:s29+$0x140] =	vst v4;
	v4 =	vmul.f32 v52, v51  }
0x153: {  	v55 =	vld [tilespmem:s29+$0x180]  }
0x154: {  	[tilespmem:s29+$0x150] =	vst v4;
	v4 =	vmul.f32 v53, v51  }
0x155: {  	v57 =	vld [tilespmem:s29+$0x190]  }
0x156: {  	v56 =	vbroadcast v3, $0xE;
	[tilespmem:s29+$0x160] =	vst v4;
	v4 =	vmul.f32 v54, v51  }
0x157: {  	v58 =	vld [tilespmem:s29+$0x1A0]  }
0x158: {  	[tilespmem:s29+$0x170] =	vst v4;
	v4 =	vmul.f32 v55, v56  }
0x159: {  	v59 =	vld [tilespmem:s29+$0x1B0]  }
0x15a: {  	[tilespmem:s29+$0x180] =	vst v4;
	v4 =	vmul.f32 v57, v56  }
0x15b: {  	v60 =	vld [tilespmem:s29+$0x1C0]  }
0x15c: {  	[tilespmem:s29+$0x190] =	vst v4;
	v4 =	vmul.f32 v58, v56  }
0x15d: {  	v61 =	vld [tilespmem:s29+$0x1D0]  }
0x15e: {  	v3 =	vbroadcast v3, $0xF;
	[tilespmem:s29+$0x1A0] =	vst v4;
	v4 =	vmul.f32 v59, v56  }
0x15f: {  	v62 =	vld [tilespmem:s29+$0x1E0]  }
0x160: {  	v63 =	vld [tilespmem:s29+$0x1F0];
	[tilespmem:s29+$0x1B0] =	vst v4;
	v4 =	vmul.f32 v60, v3;
	_ =	sdelay $0x1  }
0x161: {  	p2 =	sne.s32 s10, $0x2C0;
	[tilespmem:s29+$0x1C0] =	vst v4;
	v4 =	vmul.f32 v61, v3  }
.Ltmp10:
0x162: {  	_ = 	snop;
	(pc) =	sbr.rel @p2 .LBB2_17-.Ltmp10, $4  }
0x163: {  	[tilespmem:s29+$0x1D0] =	vst v4;
	v4 =	vmul.f32 v62, v3  }
0x164: {  	v3 =	vmul.f32 v63, v3  }
0x165: {  	[tilespmem:s29+$0x1E0] =	vst v4  }
0x166: {  	s10 =	sadd.s32 $0x40, s10;
	[tilespmem:s29+$0x1F0] =	vst v3;
	s29 =	sadd.s32 $0x400, s29  }
0x167: {  	v2 =	vld [tilespmem:s9+$0x152C0];
	_ =	sdelay $0x1  }
0x168: {  	v3 =	vld [tilespmem:$0x15000]  }
0x169: {  	v4 =	vld [tilespmem:$0x15010]  }
0x16a: {  	v5 =	vld [tilespmem:$0x15020]  }
0x16b: {  	v7 =	vld [tilespmem:$0x15030];
	v6 =	vbroadcast v2, $0x0  }
0x16c: {  	v8 =	vld [tilespmem:$0x15040]  }
0x16d: {  	v9 =	vld [tilespmem:$0x15050];
	v3 =	vmul.f32 v6, v3  }
0x16e: {  	v10 =	vld [tilespmem:$0x15060];
	v4 =	vmul.f32 v4, v6  }
0x16f: {  	v11 =	vld [tilespmem:$0x15070];
	v20 =	vbroadcast v2, $0x1;
	[tilespmem:$0x15000] =	vst v3;
	v3 =	vmul.f32 v5, v6  }
0x170: {  	v22 =	vld [tilespmem:$0x15080];
	v21 =	vmul.f32 v7, v6;
	[tilespmem:$0x15010] =	vst v4  }
0x171: {  	v23 =	vld [tilespmem:$0x15090];
	[tilespmem:$0x15020] =	vst v3;
	v3 =	vmul.f32 v8, v20  }
0x172: {  	v25 =	vld [tilespmem:$0x150A0];
	v24 =	vmul.f32 v9, v20;
	[tilespmem:$0x15030] =	vst v21  }
0x173: {  	v27 =	vld [tilespmem:$0x150B0];
	v26 =	vbroadcast v2, $0x2;
	[tilespmem:$0x15040] =	vst v3;
	v3 =	vmul.f32 v10, v20  }
0x174: {  	v29 =	vld [tilespmem:$0x150C0];
	v28 =	vmul.f32 v11, v20;
	[tilespmem:$0x15050] =	vst v24  }
0x175: {  	v30 =	vld [tilespmem:$0x150D0];
	[tilespmem:$0x15060] =	vst v3;
	v3 =	vmul.f32 v22, v26  }
0x176: {  	v32 =	vld [tilespmem:$0x150E0];
	v31 =	vmul.f32 v23, v26;
	[tilespmem:$0x15070] =	vst v28  }
0x177: {  	v34 =	vld [tilespmem:$0x150F0];
	v33 =	vbroadcast v2, $0x3;
	[tilespmem:$0x15080] =	vst v3;
	v3 =	vmul.f32 v25, v26  }
0x178: {  	v36 =	vld [tilespmem:$0x15100];
	v35 =	vmul.f32 v27, v26;
	[tilespmem:$0x15090] =	vst v31  }
0x179: {  	v37 =	vld [tilespmem:$0x15110];
	[tilespmem:$0x150A0] =	vst v3;
	v3 =	vmul.f32 v29, v33  }
0x17a: {  	v39 =	vld [tilespmem:$0x15120];
	v38 =	vmul.f32 v30, v33;
	[tilespmem:$0x150B0] =	vst v35  }
0x17b: {  	v41 =	vld [tilespmem:$0x15130];
	v40 =	vbroadcast v2, $0x4;
	[tilespmem:$0x150C0] =	vst v3;
	v3 =	vmul.f32 v32, v33  }
0x17c: {  	v43 =	vld [tilespmem:$0x15140];
	v42 =	vmul.f32 v34, v33;
	[tilespmem:$0x150D0] =	vst v38  }
0x17d: {  	v44 =	vld [tilespmem:$0x15150];
	[tilespmem:$0x150E0] =	vst v3;
	v3 =	vmul.f32 v36, v40  }
0x17e: {  	v46 =	vld [tilespmem:$0x15160];
	v45 =	vmul.f32 v37, v40;
	[tilespmem:$0x150F0] =	vst v42  }
0x17f: {  	v48 =	vld [tilespmem:$0x15170];
	v47 =	vbroadcast v2, $0x5;
	[tilespmem:$0x15100] =	vst v3;
	v3 =	vmul.f32 v39, v40  }
0x180: {  	v50 =	vld [tilespmem:$0x15180];
	v49 =	vmul.f32 v41, v40;
	[tilespmem:$0x15110] =	vst v45  }
0x181: {  	v51 =	vld [tilespmem:$0x15190];
	[tilespmem:$0x15120] =	vst v3;
	v3 =	vmul.f32 v43, v47  }
0x182: {  	v53 =	vld [tilespmem:$0x151A0];
	v52 =	vmul.f32 v44, v47;
	[tilespmem:$0x15130] =	vst v49  }
0x183: {  	v55 =	vld [tilespmem:$0x151B0];
	v54 =	vbroadcast v2, $0x6;
	[tilespmem:$0x15140] =	vst v3;
	v3 =	vmul.f32 v46, v47  }
0x184: {  	v57 =	vld [tilespmem:$0x151C0];
	v56 =	vmul.f32 v48, v47;
	[tilespmem:$0x15150] =	vst v52  }
0x185: {  	v58 =	vld [tilespmem:$0x151D0];
	[tilespmem:$0x15160] =	vst v3;
	v3 =	vmul.f32 v50, v54  }
0x186: {  	v60 =	vld [tilespmem:$0x151E0];
	v59 =	vmul.f32 v51, v54;
	[tilespmem:$0x15170] =	vst v56  }
0x187: {  	v61 =	vld [tilespmem:$0x151F0];
	v2 =	vbroadcast v2, $0x7;
	[tilespmem:$0x15180] =	vst v3;
	v3 =	vmul.f32 v53, v54  }
0x188: {  	v62 =	vmul.f32 v55, v54;
	[tilespmem:$0x15190] =	vst v59  }
0x189: {  	[tilespmem:$0x151A0] =	vst v3;
	v3 =	vmul.f32 v57, v2  }
0x18a: {  	v63 =	vmul.f32 v58, v2;
	[tilespmem:$0x151B0] =	vst v62  }
0x18b: {  	[tilespmem:$0x151C0] =	vst v3;
	v3 =	vmul.f32 v60, v2  }
0x18c: {  	[tilespmem:$0x151D0] =	vst v63;
	v2 =	vmul.f32 v61, v2  }
0x18d: {  	s30 =	sshll.u32 s28, $0x4;
	s17 =	sadd.s32 $0x1, s17;
	[tilespmem:$0x151E0] =	vst v3  }
0x18e: {  	s9 =	sadd.s32 s30, s15;
	p2 =	sne.s32 s17, $0x5;
	[tilespmem:$0x151F0] =	vst v2  }
0x18f: {  	[hbm4b:s9+s1] =	stream.strided.scatter [tilespmem:s19], [sflag:$0x2], $0x3200, s20, s1, $0x38;
	[tilespmem:$0x1F558] =	vst v63  }
.Ltmp11:
0x190: {  	_ = 	snop;
	(pc) =	sbr.rel @p2 .LBB2_16-.Ltmp11, $4  }
.Ltmp12:
0x191: {  	_ = 	snop;
	(pc) =	sbr.rel @!p2 .LBB2_19-.Ltmp12, $4  }
0x192: {  	_ =	swait.ge [sflag:s18], $0x3200  }
0x193: {  	[sflag:s18] =	ssyncset.done $0x0  }
0x194: {  	s23 =	sadd.s32 $0xC8, s23;
	[sflag:s18] =	ssyncadd.s32 $0xFFFFCE00  }
0x195: {  	_ = 	snop  }
.LBB2_20:
0x196: {  	_ =	sfence.sel $0x180000  }
0x197: {  	[bflag:$0x0] =	sbarrier.arrive $0xFFFF  }
0x198: {  	_ =	strace $0x9000004D  }
0x199: {  	s0 =	stileid.u32;
	[bflag:$0x2] =	sbarrier.arrive $0xFFFF  }
0x19a: {  	p0 =	sne.s32 s0, $0x0;
	s0 =	rddreg [dreg:$0x3]  }
0x19b: {  	s0 =	sadd.s32 @!p0 $0x100000, s0  }
0x19c: {  	[sflag:s0] =	ssyncadd.tile.s32 @!p0 $0x1;
	_ =	shalt  }
.Lfunc_end2:
_tile_overlayer_lowered:
.L_overlay_start_2:
0x19d: {  	(tag) =	ssettag $0x2  }
0x19e: {  	s0 =	rddreg [dreg:$0x0];
	s2 =	stileid.u32  }
0x19f: {  	s1 =	rddreg [dreg:$0x1];
	p0 =	sne.s32 s2, $0x0  }
0x1a0: {  	s3 =	rddreg [dreg:$0x2];
	[bflag:$0x3] =	sbarrier.arrive $0xFFFF;
	s2 =	simm.s32 @!p0 $0x1C02  }
0x1a1: {  	[timem:s3], [sflag:s2] =	dma.local @!p0 [hbm:s0], s1  }
0x1a2: {  	s0 =	simm.s32 @!p0 $0x2  }
0x1a3: {  	_ =	swait.ge @!p0 [sflag:s0], s1  }
0x1a4: {  	s1 =	ssub.s32 @!p0 $0x0, s1;
	[sflag:s0] =	ssyncset.done @!p0 $0x0  }
0x1a5: {  	[sflag:s0] =	ssyncadd.s32 @!p0 s1  }
0x1a6: {  	[bflag:$0x3] =	sbarrier.arrive $0xFFFF  }
0x1a7: {  	_ =	shalt  }

// kernel: kernel.7.cloned.1.call-start
scs
__scs_entry_jumppad:
0x0: {  	(pc) =	sbr.rel $0x88, $3  }
0x1: {  	(tag) =	ssettag $0x0;
	lr =	simm.s32 $0x1  }
0x2: {  	[smem:$0x3F9B] =	sst lr;
	_ =	strace $0xD0000000  }
0x3: {  	_ = 	snop  }
0x4: {  	_ = 	snop  }
0x5: {  	_ = 	snop  }
0x6: {  	_ = 	snop  }
0x7: {  	_ = 	snop  }
__scs_overlays_trampoline_lowered:
0x8: {  	[smem:$0x3FAA] =	sst s0  }
0x9: {  	[smem:$0x3FAB] =	sst s1  }
0xa: {  	[smem:$0x3FAC] =	sst s2  }
0xb: {  	[smem:$0x3FAD] =	sst s3  }
0xc: {  	[smem:$0x3FAE] =	sst s4  }
0xd: {  	[smem:$0x3FAF] =	sst s5  }
0xe: {  	[smem:$0x3FB0] =	sst s6  }
0xf: {  	[smem:$0x3FB1] =	sst s7  }
0x10: {  	[smem:$0x3FB2] =	sst s8  }
0x11: {  	[smem:$0x3FB3] =	sst s9;
	s0 =	simm.s32 @!p0 $0x0  }
0x12: {  	s1 =	sld [smem:$0x3F99];
	s0 =	simm.s32 @p0 $0x1  }
0x13: {  	[smem:$0x3FB4] =	sst s0;
	s0 =	simm.s32 @!p1 $0x0  }
0x14: {  	s2 =	sld [smem:$0x3F98];
	s0 =	simm.s32 @p1 $0x1  }
0x15: {  	[smem:$0x3FB5] =	sst s0;
	s0 =	simm.s32 @!p2 $0x0  }
0x16: {  	s3 =	sld [smem:$0x3FDB];
	s0 =	simm.s32 @p2 $0x1  }
0x17: {  	s4 =	simm.s32 $0x1BF5;
	[smem:$0x3FB7] =	sst s0  }
0x18: {  	s0 =	sld [smem:$0x3F9A];
	_ =	swait.ge [sflag:s4], $0x0  }
0x19: {  	s7 =	sld [smem:$0x3F9B]  }
0x1a: {  	s8 =	sadd.s32 $0xFFFFE003, lr  }
0x1b: {  	s9 =	sadd.s32 $0xFFFFFEF7, lr;
	s5 =	simm.s32 $0xFFFFFFFF;
	p2 =	slt.u32 s8, $0xFFFFF086  }
0x1c: {  	p1 =	slt.u32 s9, $0xF7A;
	s5 =	simm.s32 @!p2 $0x0  }
0x1d: {  	s5 =	simm.s32 @p1 $0x1;
	p0 =	seq.s32 s7, s2  }
0x1e: {  	s7 =	smul.u32 @!p0 $0xF7A, s2;
	p2 =	seq.s32 @!p0 s5, $0x0  }
0x1f: {  	s9 =	smul.u32 $0xF7A, s1;
	s8 =	simm.s32 @!p0 $0x1BF5;
	p2 =	por !p2, p0  }
0x20: {  	[sflag:s8] =	ssyncset.s32 @!p0 $0xFFFFF086;
	s6 =	sadd.s32 @!p0 s3, s7;
	s7 =	simm.s32 @!p0 $0x108  }
0x21: {  	s3 =	sadd.s32 s3, s9;
	s6 =	sadd.s32 @!p0 $0x88, s6;
	s7 =	simm.s32 @p2 $0x1082  }
0x22: {  	[simem:s7], [sflag:s8] =	dma.local @!p0 [hbm:s6], $0xF7A  }
0x23: {  	s9 =	sor.u32 $0xD0000000, s2;
	s6 =	simm.s32 $0x108;
	_ =	swait.ge @!p0 [sflag:s8], $0x0  }
0x24: {  	s3 =	sadd.s32 $0x88, s3;
	s6 =	simm.s32 @!p1 $0x1082;
	[sflag:s4] =	ssyncset.s32 $0xFFFFF086  }
0x25: {  	[simem:s6], [sflag:s4] =	dma.local [hbm:s3], $0xF7A  }
0x26: {  	[smem:$0x3F9B] =	sst s1;
	(tag) =	ssettag s2;
	_ =	strace s9  }
0x27: {  	s1 =	sld [smem:$0x3FAB]  }
0x28: {  	s2 =	sld [smem:$0x3FAC]  }
0x29: {  	s4 =	sld [smem:$0x3FAE]  }
0x2a: {  	p0 =	seq.s32 s5, $0x0;
	s5 =	sld [smem:$0x3FAF]  }
0x2b: {  	s6 =	sld [smem:$0x3FB0]  }
0x2c: {  	s7 =	sld [smem:$0x3FB1]  }
0x2d: {  	s3 =	simm.s32 $0x108;
	s8 =	sld [smem:$0x3FB2]  }
0x2e: {  	s3 =	simm.s32 @!p0 $0x1082;
	s9 =	sld [smem:$0x3FB3]  }
0x2f: {  	lr =	sadd.s32 s0, s3;
	s0 =	sld [smem:$0x3FAA]  }
0x30: {  	s3 =	sld [smem:$0x3FAD]  }
0x31: {  	[smem:$0x3FB6] =	sst s10  }
0x32: {  	s10 =	sld [smem:$0x3FB4];
	_ =	sdelay $0x3  }
0x33: {  	p0 =	seq.s32 s10, $0x1;
	s10 =	sld [smem:$0x3FB6];
	_ =	sdelay $0x3  }
0x34: {  	[smem:$0x3FB6] =	sst s10  }
0x35: {  	s10 =	sld [smem:$0x3FB5];
	_ =	sdelay $0x3  }
0x36: {  	p1 =	seq.s32 s10, $0x1;
	s10 =	sld [smem:$0x3FB6];
	_ =	sdelay $0x3  }
0x37: {  	[smem:$0x3FB6] =	sst s10  }
0x38: {  	s10 =	sld [smem:$0x3FB7]  }
0x39: {  	_ = 	snop;
	(pc) =	sbr.ind lr, $3  }
0x3a: {  	_ = 	snop  }
0x3b: {  	_ = 	snop  }
0x3c: {  	p2 =	seq.s32 s10, $0x1;
	s10 =	sld [smem:$0x3FB6]  }
0x3d: {  	_ =	shalt  }
0x3e: {  	_ =	shalt  }
0x3f: {  	_ =	shalt  }
0x40: {  	_ =	shalt  }
0x41: {  	_ =	shalt  }
0x42: {  	_ =	shalt  }
0x43: {  	_ =	shalt  }
0x44: {  	_ =	shalt  }
0x45: {  	_ =	shalt  }
0x46: {  	_ =	shalt  }
0x47: {  	_ =	shalt  }
0x48: {  	_ =	shalt  }
0x49: {  	_ =	shalt  }
0x4a: {  	_ =	shalt  }
0x4b: {  	_ =	shalt  }
0x4c: {  	_ =	shalt  }
0x4d: {  	_ =	shalt  }
0x4e: {  	_ =	shalt  }
0x4f: {  	_ =	shalt  }
0x50: {  	_ =	shalt  }
0x51: {  	_ =	shalt  }
0x52: {  	_ =	shalt  }
0x53: {  	_ =	shalt  }
0x54: {  	_ =	shalt  }
0x55: {  	_ =	shalt  }
0x56: {  	_ =	shalt  }
0x57: {  	_ =	shalt  }
0x58: {  	_ =	shalt  }
0x59: {  	_ =	shalt  }
0x5a: {  	_ =	shalt  }
0x5b: {  	_ =	shalt  }
0x5c: {  	_ =	shalt  }
0x5d: {  	_ =	shalt  }
0x5e: {  	_ =	shalt  }
0x5f: {  	_ =	shalt  }
0x60: {  	_ =	shalt  }
0x61: {  	_ =	shalt  }
0x62: {  	_ =	shalt  }
0x63: {  	_ =	shalt  }
0x64: {  	_ =	shalt  }
0x65: {  	_ =	shalt  }
0x66: {  	_ =	shalt  }
0x67: {  	_ =	shalt  }
0x68: {  	_ =	shalt  }
0x69: {  	_ =	shalt  }
0x6a: {  	_ =	shalt  }
0x6b: {  	_ =	shalt  }
0x6c: {  	_ =	shalt  }
0x6d: {  	_ =	shalt  }
0x6e: {  	_ =	shalt  }
0x6f: {  	_ =	shalt  }
0x70: {  	_ =	shalt  }
0x71: {  	_ =	shalt  }
0x72: {  	_ =	shalt  }
0x73: {  	_ =	shalt  }
0x74: {  	_ =	shalt  }
0x75: {  	_ =	shalt  }
0x76: {  	_ =	shalt  }
0x77: {  	_ =	shalt  }
0x78: {  	_ =	shalt  }
0x79: {  	_ =	shalt  }
0x7a: {  	_ =	shalt  }
0x7b: {  	_ =	shalt  }
0x7c: {  	_ =	shalt  }
0x7d: {  	_ =	shalt  }
0x7e: {  	_ =	shalt  }
0x7f: {  	_ =	shalt  }
0x80: {  	_ =	shalt  }
0x81: {  	_ =	shalt  }
0x82: {  	_ =	shalt  }
0x83: {  	_ =	shalt  }
0x84: {  	_ =	shalt  }
0x85: {  	_ =	shalt  }
0x86: {  	_ =	shalt  }
0x87: {  	_ =	shalt  }
.Lfunc_end0:
.L_simem_size_0:
called_computation_lowered:
.L_overlay_start_0:
0x88: {  	s2 =	sld [smem:$0x3FD9]  }
0x89: {  	s3 =	sld [smem:$0x3FFE];
	_ =	sdelay $0x1  }
0x8a: {  	s1 =	srdreg.scid  }
0x8b: {  	s0 =	sand.u32 $0x1, s1  }
0x8c: {  	s17 =	sshll.u32 s0, $0xA;
	s2 =	sadd.s32 s3, s2  }
0x8d: {  	s2 =	sadd.s32 s2, s17  }
0x8e: {  	[smem:$0x3FC2] =	sst s2  }
0x8f: {  	_ = 	snop  }
0x90: {  	s2 =	sld [smem:$0x3FD0];
	(tm) =	ssettm $0x1  }
0x91: {  	s18 =	sld [smem:$0x3FFB];
	_ =	sdelay $0x3  }
0x92: {  	_ =	strace s18  }
0x93: {  	s3 =	sld [smem:$0x3FFC];
	_ =	sdelay $0x3  }
0x94: {  	_ =	strace s3  }
0x95: {  	s3 =	sld [smem:$0x3FFD];
	_ =	sdelay $0x3  }
0x96: {  	_ =	strace s3  }
0x97: {  	_ =	strace $0x8FFFFFFF  }
0x98: {  	s19 =	sld [smem:$0x3FDB];
	_ =	sdelay $0x1  }
0x99: {  	s4 =	simm.s32 $_scs_section_size  }
0x9a: {  	s5 =	simm.s32 $_size__tile_overlayer_lowered;
	s6 =	simm.s32 $_tile_overlayer_lowered  }
0x9b: {  	s22 =	simm.s32 $0x1BFF;
	s21 =	sshll.u32 s6, $0x1;
	s3 =	sadd.s32 s4, s19  }
0x9c: {  	s7 =	simm.s32 $0x0;
	s20 =	sshll.u32 s5, $0x1;
	s5 =	sadd.s32 s21, s3  }
0x9d: {  	[timem:s7], [sflag:s22] =	dma.local [hbm:s5], s20  }
0x9e: {  	_ =	swait.ge [sflag:s22], s20  }
0x9f: {  	s4 =	ssub.s32 $0x0, s20;
	[sflag:s22] =	ssyncset.done $0x0  }
0xa0: {  	[sflag:s22] =	ssyncadd.s32 s4;
	_ =	sdelay $0x1  }
0xa1: {  	s23 =	simm.s32 $0x1B8B  }
0xa2: {  	_ =	swait.ge [sflag:s23], $0x1  }
0xa3: {  	[sflag:s23] =	ssyncset.done $0x0  }
0xa4: {  	s25 =	simm.s32 $0x1B8E;
	s24 =	sld [smem:$0x3FFE];
	[sflag:s23] =	ssyncadd.s32 $0xFFFFFFFF  }
0xa5: {  	s26 =	simm.s32 $execute0_lowered;
	[smem:$0x3FD2] =	sst s25  }
0xa6: {  	s5 =	sshll.u32 s26, $0x1;
	_ =	strace $0x80000046;
	[dreg:$0x1] =	wrdreg $0xFFFFFFFF  }
0xa7: {  	s28 =	simm.s32 $_size_execute0_lowered;
	s3 =	sadd.s32 s3, s5;
	[dreg:$0x0] =	wrdreg $0x0  }
0xa8: {  	s5 =	sshll.u32 s28, $0x1;
	[dreg:$0x2] =	wrdreg s3  }
0xa9: {  	[dreg:$0x3] =	wrdreg s5  }
0xaa: {  	[dreg:$0x4] =	wrdreg $0xC0  }
0xab: {  	_ =	task [dreg:s7], $0x5FFFF  }
0xac: {  	[dreg:$0x1] =	wrdreg $0xFFFFFFFF  }
0xad: {  	[dreg:$0x0] =	wrdreg $0x60  }
0xae: {  	[dreg:$0x2] =	wrdreg s24  }
0xaf: {  	[dreg:$0x3] =	wrdreg s2  }
0xb0: {  	[dreg:$0x4] =	wrdreg $0x2B000  }
0xb1: {  	[dreg:$0x5] =	wrdreg $0x9  }
0xb2: {  	_ =	task.clear_ibuf [dreg:s7], $0x6FFFF;
	_ =	strace $0x90000046  }
0xb3: {  	s29 =	simm.s32 $0x9;
	_ =	strace $0x80000048  }
0xb4: {  	_ =	swait.ge [sflag:s29], $0x1  }
0xb5: {  	[sflag:s29] =	ssyncadd.s32 $0xFFFFFFFF  }
0xb6: {  	_ =	strace $0x90000048  }
0xb7: {  	_ =	sfence  }
0xb8: {  	s30 =	sld [smem:$0x0];
	_ =	sdelay $0x2  }
0xb9: {  	s31 =	sshll.u32 s1, $0xD;
	s1 =	sshrl.u32 s1, $0x2  }
0xba: {  	s3 =	sand.u32 $0x4000, s31;
	s1 =	sadd.s32 s1, s30  }
0xbb: {  	s0 =	sor.u32 s3, s0;
	s1 =	sshll.u32 s1, $0x11  }
0xbc: {  	s0 =	sor.u32 s1, s0  }
0xbd: {  	s0 =	sadd.s32 $0x8F2B, s0  }
0xbe: {  	[sflag:s0] =	ssyncadd.remote.s32 $0x1  }
0xbf: {  	_ =	sfence.sel $0xFFFF  }
0xc0: {  	[dreg:$0x0] =	wrdreg $0xFFFFFFFF;
	(pc) =	sbr.abs _section_cstart, $3  }
0xc1: {  	[dreg:$0x1] =	wrdreg $0xFFFFFFFF  }
0xc2: {  	_ =	task.clear_ibuf [dreg:s7], $0x2FFFF;
	_ =	strace $0x9FFFFFFF  }
0xc3: {  	(tm) =	ssettm $0x7FFFFFFF  }
tec
execute0_lowered:
.L_overlay_start_1:
0x0: {  	(tag) =	ssettag $0x1  }
0x1: {  	s4 =	rddreg [dreg:$0x0]  }
0x2: {  	s6 =	rddreg [dreg:$0x1];
	s0 =	srdreg.scid  }
0x3: {  	s2 =	rddreg [dreg:$0x2];
	s1 =	stileid.u32;
	s3 =	simm.s32 $0x0  }
0x4: {  	s11 =	simm.s32 $0x2800;
	s5 =	sand.u32 $0x1, s0;
	s0 =	rddreg [dreg:$0x3]  }
0x5: {  	s12 =	simm.s32 $0x0;
	s8 =	smul.u32 $0x280, s1;
	[smem:$0x7FF] =	sst s3  }
0x6: {  	s7 =	sshll.u32 s5, $0x4;
	s9 =	smul.u32 $0x2800, s5;
	s5 =	ssub.s32 $0x2, s5  }
0x7: {  	_ =	strace $0x80000047;
	s7 =	sor.u32 s1, s7;
	s10 =	sshrl.u32 s5, $0x1  }
0x8: {  	s7 =	smul.u32 $0x500, s7;
	s9 =	sadd.s32 s8, s9;
	s31 =	ssub.s32 s5, s10  }
0x9: {  	s5 =	sadd.s32 s8, s2;
	s8 =	simm.s32 $0x1;
	s9 =	sshrl.u32 s9, $0x3  }
0xa: {  	s10 =	simm.s32 $0x80;
	s4 =	sadd.s32 s7, s4;
	s6 =	sadd.s32 s6, s9  }
0xb: {  	v0 =	vimm.f32 $1.000000000e+00;
	v1 =	vimm.f32 $0.0e+00;
	s7 =	smax.u32 s31, $0x1;
	s9 =	simm.s32 $0x2880;
	s4 =	sadd.s32 $0x1200, s4  }
.LBB2_1:
0xc: {  	[tilespmem:s3], [sflag:$0x1] =	stream.linear.gather [hbm4b:s4+s3], $0x2800, $0x38;
	[tilespmem:$0x2D80] =	vst v63  }
0xd: {  	_ =	swait.ge [sflag:s8], $0x2800  }
0xe: {  	[sflag:s8] =	ssyncset.done $0x0  }
0xf: {  	[sflag:s8] =	ssyncadd.s32 $0xFFFFD800  }
0x10: {  	[tilespmem:$0x2800] =	vst v0  }
0x11: {  	[tilespmem:$0x2810] =	vst v0  }
0x12: {  	[tilespmem:$0x2820] =	vst v0  }
0x13: {  	[tilespmem:$0x2830] =	vst v0  }
0x14: {  	[tilespmem:$0x2840] =	vst v0  }
0x15: {  	[tilespmem:$0x2850] =	vst v0  }
0x16: {  	[tilespmem:$0x2860] =	vst v0  }
0x17: {  	[tilespmem:$0x2870] =	vst v0  }
0x18: {  	[tilespmem:$0x2880] =	vst v1  }
0x19: {  	[tilespmem:$0x2890] =	vst v1  }
0x1a: {  	[tilespmem:$0x28A0] =	vst v1  }
0x1b: {  	[tilespmem:$0x28B0] =	vst v1  }
0x1c: {  	[tilespmem:$0x28C0] =	vst v1  }
0x1d: {  	[tilespmem:$0x28D0] =	vst v1  }
0x1e: {  	[tilespmem:$0x28E0] =	vst v1  }
0x1f: {  	[tilespmem:$0x28F0] =	vst v1  }
0x20: {  	[tilespmem:$0x2900] =	vst v1  }
0x21: {  	[tilespmem:$0x2910] =	vst v1  }
0x22: {  	[tilespmem:$0x2920] =	vst v1  }
0x23: {  	[tilespmem:$0x2930] =	vst v1  }
0x24: {  	[tilespmem:$0x2940] =	vst v1  }
0x25: {  	[tilespmem:$0x2950] =	vst v1  }
0x26: {  	[tilespmem:$0x2960] =	vst v1  }
0x27: {  	[tilespmem:$0x2970] =	vst v1  }
0x28: {  	[tilespmem:$0x2980] =	vst v1  }
0x29: {  	[tilespmem:$0x2990] =	vst v1  }
0x2a: {  	[tilespmem:$0x29A0] =	vst v1  }
0x2b: {  	[tilespmem:$0x29B0] =	vst v1  }
0x2c: {  	[tilespmem:$0x29C0] =	vst v1  }
0x2d: {  	[tilespmem:$0x29D0] =	vst v1  }
0x2e: {  	[tilespmem:$0x29E0] =	vst v1  }
0x2f: {  	[tilespmem:$0x29F0] =	vst v1  }
0x30: {  	[tilespmem:$0x2A00] =	vst v1  }
0x31: {  	[tilespmem:$0x2A10] =	vst v1  }
0x32: {  	[tilespmem:$0x2A20] =	vst v1  }
0x33: {  	[tilespmem:$0x2A30] =	vst v1  }
0x34: {  	[tilespmem:$0x2A40] =	vst v1  }
0x35: {  	[tilespmem:$0x2A50] =	vst v1  }
0x36: {  	[tilespmem:$0x2A60] =	vst v1  }
0x37: {  	[tilespmem:$0x2A70] =	vst v1  }
0x38: {  	[tilespmem:$0x2A80] =	vst v1  }
0x39: {  	[tilespmem:$0x2A90] =	vst v1  }
0x3a: {  	[tilespmem:$0x2AA0] =	vst v1  }
0x3b: {  	[tilespmem:$0x2AB0] =	vst v1  }
0x3c: {  	[tilespmem:$0x2AC0] =	vst v1  }
0x3d: {  	[tilespmem:$0x2AD0] =	vst v1  }
0x3e: {  	[tilespmem:$0x2AE0] =	vst v1  }
0x3f: {  	[tilespmem:$0x2AF0] =	vst v1  }
0x40: {  	[spmem:s5] =	stream.linear.scatter [tilespmem:s9], [sflag:$0x1], $0x280, $0x38;
	[tilespmem:$0x2D80] =	vst v63  }
0x41: {  	_ =	swait.ge [sflag:s8], $0x280  }
0x42: {  	[sflag:s8] =	ssyncset.done $0x0  }
0x43: {  	[sflag:s8] =	ssyncadd.s32 $0xFFFFFD80  }
0x44: {  	s13 =	simm.s32 $0x0;
	[bflag:$0x0] =	sbarrier.arrive $0xFFFF  }
0x45: {  	[spmem:s2] =	stream.indirect.scatter.add.f32 [tilespmem:s11], [sflag:$0x1], $0x1, s13, s10, $0xb8;
	[tilespmem:$0x2D80] =	vst v63  }
0x46: {  	_ =	swait.ge [sflag:s8], $0x80  }
0x47: {  	s13 =	simm.s32 $0x200;
	[sflag:s8] =	ssyncset.done $0x0  }
.LBB2_2:
0x48: {  	s14 =	sshra.s32 s13, $0x2;
	[sflag:s8] =	ssyncadd.s32 $0xFFFFFF80;
	p0 =	sne.s32 s13, $0x9E00  }
0x49: {  	[spmem:s2] =	stream.indirect.scatter.add.f32 [tilespmem:s11], [sflag:$0x1], $0x1, s14, s10, $0xb8;
	[tilespmem:$0x2D80] =	vst v63  }
.Ltmp0:
0x4a: {  	_ = 	snop;
	(pc) =	sbr.rel @p0 .LBB2_2-.Ltmp0, $4  }
0x4b: {  	_ = 	snop  }
0x4c: {  	s13 =	sadd.s32 $0x200, s13  }
0x4d: {  	_ =	swait.ge [sflag:s8], $0x80  }
0x4e: {  	[sflag:s8] =	ssyncset.done $0x0  }
0x4f: {  	[sflag:s8] =	ssyncadd.s32 $0xFFFFFF80  }
0x50: {  	[bflag:$0x0] =	sbarrier.arrive $0xFFFF  }
0x51: {  	[tilespmem:s9], [sflag:$0x1] =	stream.linear.gather [spmem:s5], $0x280, $0x38;
	[tilespmem:$0x2D80] =	vst v63  }
0x52: {  	s12 =	sadd.s32 $0x1, s12;
	_ =	swait.ge [sflag:s8], $0x280  }
0x53: {  	p0 =	sne.s32 s12, s7;
	[sflag:s8] =	ssyncset.done $0x0  }
.Ltmp1:
0x54: {  	[sflag:s8] =	ssyncadd.s32 $0xFFFFFD80;
	(pc) =	sbr.rel @p0 .LBB2_1-.Ltmp1, $4  }
0x55: {  	[hbm4b:s6+s3] =	stream.linear.scatter [tilespmem:s9], [sflag:$0x1], $0x280, $0x38;
	[tilespmem:$0x2D80] =	vst v63  }
0x56: {  	_ =	swait.ge [sflag:s8], $0x280  }
0x57: {  	[sflag:s8] =	ssyncset.done $0x0  }
0x58: {  	[sflag:s8] =	ssyncadd.s32 $0xFFFFFD80  }
0x59: {  	_ =	sfence.sel $0x180000  }
0x5a: {  	[bflag:$0x0] =	sbarrier.arrive $0xFFFF  }
0x5b: {  	p0 =	sne.s32 s1, $0x0;
	_ =	strace $0x90000047  }
0x5c: {  	s0 =	sadd.s32 @!p0 $0x100000, s0;
	[bflag:$0x2] =	sbarrier.arrive $0xFFFF  }
0x5d: {  	[sflag:s0] =	ssyncadd.tile.s32 @!p0 $0x1;
	_ =	shalt  }
.Lfunc_end2:
_tile_overlayer_lowered:
.L_overlay_start_2:
0x5e: {  	(tag) =	ssettag $0x2  }
0x5f: {  	s0 =	rddreg [dreg:$0x0];
	s2 =	stileid.u32  }
0x60: {  	s1 =	rddreg [dreg:$0x1];
	p0 =	sne.s32 s2, $0x0  }
0x61: {  	s3 =	rddreg [dreg:$0x2];
	[bflag:$0x3] =	sbarrier.arrive $0xFFFF;
	s2 =	simm.s32 @!p0 $0x1C01  }
0x62: {  	[timem:s3], [sflag:s2] =	dma.local @!p0 [hbm:s0], s1  }
0x63: {  	s0 =	simm.s32 @!p0 $0x1  }
0x64: {  	_ =	swait.ge @!p0 [sflag:s0], s1  }
0x65: {  	s1 =	ssub.s32 @!p0 $0x0, s1;
	[sflag:s0] =	ssyncset.done @!p0 $0x0  }
0x66: {  	[sflag:s0] =	ssyncadd.s32 @!p0 s1  }
0x67: {  	[bflag:$0x3] =	sbarrier.arrive $0xFFFF  }
0x68: {  	_ =	shalt  }

</sc_bundles>
